<compile_context>
chip_gen: v7x
topology: tpu7x:2x2x1
jax: 0.10.2.dev20260603
libtpu: 0.0.44.dev20260713+nightly
codegen_flags: <defaults>
</compile_context>

<pallas_src>
import functools

import jax
import jax.numpy as jnp
from jax import lax
from jax.experimental import pallas as pl
from jax.experimental.pallas import tpu as pltpu
from jax.experimental.pallas import tpu_sc as plsc

_NC = 2
_NS = 16
_CH = 125
_NB = 4


def _agg_build(N, H, E):
    HH = H // 2
    assert E % (_NS * _CH) == 0, (N, H, E)
    NCH = E // (_NS * _CH)
    assert NCH % _NB == 0
    rows_pt = (N // _NS) // 8 * 8
    tail = N - rows_pt * _NS
    assert tail % 8 == 0
    mesh = plsc.VectorSubcoreMesh(
        core_axis_name="c", subcore_axis_name="s",
        num_cores=_NC, num_subcores=_NS)

    @functools.partial(
        pl.kernel,
        out_type=jax.ShapeDtypeStruct((_NC, N, HH), jnp.float32),
        mesh=mesh,
        compiler_params=pltpu.CompilerParams(use_tc_tiling_on_sc=False),
        scratch_types=[
            pltpu.VMEM((NCH, _CH), jnp.int32),
            pltpu.VMEM((NCH, _CH), jnp.int32),
            pltpu.VMEM((_NB, _CH, HH), jnp.float32),
            pltpu.VMEM_SHARED((N, HH), jnp.float32),
            [pltpu.SemaphoreType.DMA] * _NB,
            [pltpu.SemaphoreType.DMA] * _NB,
        ],
    )
    def agg(xs_hbm, src_hbm, dst_hbm, out_hbm,
            srcv, dstv, gbuf, accum, gsems, ssems):
        cid = lax.axis_index("c")
        sid = lax.axis_index("s")
        xh = xs_hbm.at[cid]
        pltpu.sync_copy(src_hbm.at[sid], srcv)
        pltpu.sync_copy(dst_hbm.at[sid], dstv)
        r0 = sid * rows_pt
        pltpu.sync_copy(xh.at[pl.ds(r0, rows_pt)],
                        accum.at[pl.ds(r0, rows_pt)])
        if tail:
            @pl.when(sid == 0)
            def _tail_init():
                pltpu.sync_copy(xh.at[pl.ds(N - tail, tail)],
                                accum.at[pl.ds(N - tail, tail)])

        plsc.subcore_barrier()

        NR = NCH // _NB
        for b in range(_NB):
            pltpu.async_copy(xh.at[srcv.at[b]], gbuf.at[b], gsems[b])

        def rnd(r, carry):
            c0 = r * _NB
            for b in range(_NB):
                pltpu.make_async_copy(
                    xh.at[srcv.at[c0 + b]], gbuf.at[b], gsems[b]).wait()
                pltpu.async_copy(
                    gbuf.at[b], accum.at[dstv.at[c0 + b]], ssems[b],
                    add=True)

            @pl.when(r + 1 < NR)
            def _refill():
                for b in range(_NB):
                    pltpu.make_async_copy(
                        gbuf.at[b], accum.at[dstv.at[c0 + b]],
                        ssems[b]).wait()
                    pltpu.async_copy(
                        xh.at[srcv.at[c0 + _NB + b]], gbuf.at[b], gsems[b])

            return carry

        lax.fori_loop(0, NR, rnd, 0)
        for b in range(_NB):
            pltpu.make_async_copy(
                gbuf.at[b], accum.at[dstv.at[(NR - 1) * _NB + b]],
                ssems[b]).wait()
        plsc.subcore_barrier()
        pltpu.sync_copy(accum.at[pl.ds(r0, rows_pt)],
                        out_hbm.at[cid, pl.ds(r0, rows_pt)])
        if tail:
            @pl.when(sid == 0)
            def _tail_out():
                pltpu.sync_copy(accum.at[pl.ds(N - tail, tail)],
                                out_hbm.at[cid, pl.ds(N - tail, tail)])

    return agg


_BR = 2000


def _mlp_fused(aggs, w1a, w1b, b1, gamma, beta, w2, b2, split):
    _, N, HH = aggs.shape
    H = w1a.shape[1]
    NB = N // _BR
    inv_n = 1.0 / N

    def body(a_ref, w1a_ref, w1b_ref, b1_ref, g_ref, be_ref, w2_ref,
             b2_ref, o_ref, h_scr, st_scr):
        i = pl.program_id(0)
        j = pl.program_id(1)

        @pl.when(i == 0)
        def _phase0():
            h = jnp.dot(a_ref[0], w1a_ref[...],
                        preferred_element_type=jnp.float32)
            h += jnp.dot(a_ref[1], w1b_ref[...],
                         preferred_element_type=jnp.float32)
            h = h + b1_ref[...]
            h_scr[pl.ds(j * _BR, _BR), :] = h

            @pl.when(j == 0)
            def _init():
                st_scr[...] = jnp.zeros_like(st_scr)

            st_scr[0:1, :] += jnp.sum(h, axis=0, keepdims=True)
            st_scr[1:2, :] += jnp.sum(h * h, axis=0, keepdims=True)

        @pl.when(i == 1)
        def _phase1():
            st = st_scr[...]
            mu = st[0:1, :] * inv_n
            var = st[1:2, :] * inv_n - mu * mu
            hn = (h_scr[pl.ds(j * _BR, _BR), :] - mu) * lax.rsqrt(var + 1e-5)
            hn = hn * g_ref[...] + be_ref[...]
            hn = jnp.maximum(hn, 0.0)
            y = jnp.dot(hn, w2_ref[...], preferred_element_type=jnp.float32)
            y = y + b2_ref[...]
            y = jnp.where(y > 0, y, 0.1 * (jnp.exp(y) - 1.0))
            if split:
                o_ref[0] = y[:, :HH]
                o_ref[1] = y[:, HH:]
            else:
                o_ref[...] = y

    if split:
        out_spec = pl.BlockSpec(
            (2, _BR, HH), lambda i, j: (0, jnp.where(i == 1, j, 0), 0))
        out_shape = jax.ShapeDtypeStruct((2, N, HH), jnp.float32)
    else:
        out_spec = pl.BlockSpec(
            (_BR, H), lambda i, j: (jnp.where(i == 1, j, 0), 0))
        out_shape = jax.ShapeDtypeStruct((N, H), jnp.float32)

    return pl.pallas_call(
        body,
        grid=(2, NB),
        in_specs=[
            pl.BlockSpec((2, _BR, HH),
                         lambda i, j: (0, jnp.where(i == 0, j, NB - 1), 0)),
            pl.BlockSpec((HH, H), lambda i, j: (0, 0)),
            pl.BlockSpec((HH, H), lambda i, j: (0, 0)),
            pl.BlockSpec((1, H), lambda i, j: (0, 0)),
            pl.BlockSpec((1, H), lambda i, j: (0, 0)),
            pl.BlockSpec((1, H), lambda i, j: (0, 0)),
            pl.BlockSpec((H, H), lambda i, j: (0, 0)),
            pl.BlockSpec((1, H), lambda i, j: (0, 0)),
        ],
        out_specs=out_spec,
        out_shape=out_shape,
        scratch_shapes=[
            pltpu.VMEM((N, H), jnp.float32),
            pltpu.VMEM((8, H), jnp.float32),
        ],
    )(aggs, w1a, w1b, b1.reshape(1, H), gamma.reshape(1, H),
      beta.reshape(1, H), w2, b2.reshape(1, H))


def _mlp_pool_clf(aggs, w1a, w1b, b1, gamma, beta, w2, b2,
                  batch, g0, c1a, c1b, c1c, cb1, cw2, cb2):
    _, N, HH = aggs.shape
    H = w1a.shape[1]
    G, NGF = g0.shape
    NCLS = cw2.shape[1]
    NB = N // _BR
    inv_n = 1.0 / N
    b_col = batch.reshape(NB, _BR, 1)
    b_row = batch.reshape(NB, 1, _BR)

    def body(a_ref, w1a_ref, w1b_ref, b1_ref, g_ref, be_ref, w2_ref,
             b2_ref, bc_ref, br_ref, g0_ref, c1a_ref, c1b_ref, c1c_ref,
             cb1_ref, cw2_ref, cb2_ref, o_ref, h_scr, st_scr, sum_scr,
             max_scr, cnt_scr):
        i = pl.program_id(0)
        j = pl.program_id(1)

        @pl.when(i == 0)
        def _phase0():
            h = jnp.dot(a_ref[0], w1a_ref[...],
                        preferred_element_type=jnp.float32)
            h += jnp.dot(a_ref[1], w1b_ref[...],
                         preferred_element_type=jnp.float32)
            h = h + b1_ref[...]
            h_scr[pl.ds(j * _BR, _BR), :] = h

            @pl.when(j == 0)
            def _init():
                st_scr[...] = jnp.zeros_like(st_scr)
                sum_scr[...] = jnp.zeros_like(sum_scr)
                cnt_scr[...] = jnp.zeros_like(cnt_scr)
                max_scr[...] = jnp.full_like(max_scr, -1e30)

            st_scr[0:1, :] += jnp.sum(h, axis=0, keepdims=True)
            st_scr[1:2, :] += jnp.sum(h * h, axis=0, keepdims=True)

        @pl.when(i == 1)
        def _phase1():
            st = st_scr[...]
            mu = st[0:1, :] * inv_n
            var = st[1:2, :] * inv_n - mu * mu
            hn = (h_scr[pl.ds(j * _BR, _BR), :] - mu) * lax.rsqrt(var + 1e-5)
            hn = hn * g_ref[...] + be_ref[...]
            hn = jnp.maximum(hn, 0.0)
            y = jnp.dot(hn, w2_ref[...], preferred_element_type=jnp.float32)
            y = y + b2_ref[...]
            y = jnp.where(y > 0, y, 0.1 * (jnp.exp(y) - 1.0))
            bc = bc_ref[0]
            br = br_ref[0]
            ohT = (lax.broadcasted_iota(jnp.int32, (G, 1), 0) == br
                   ).astype(jnp.float32)
            sum_scr[...] += jnp.dot(ohT, y,
                                    preferred_element_type=jnp.float32)
            cnt_scr[...] += jnp.sum(ohT, axis=1, keepdims=True)
            for g in range(G):
                mg = jnp.where(bc == g, y, -1e30)
                max_scr[g:g + 1, :] = jnp.maximum(
                    max_scr[g:g + 1, :], jnp.max(mg, axis=0, keepdims=True))

            @pl.when(j == NB - 1)
            def _final():
                cnt = cnt_scr[...]
                x1 = sum_scr[...] / jnp.maximum(cnt, 1.0)
                x2 = jnp.where(cnt > 0.0, max_scr[...], 0.0)
                z = (jnp.dot(x1, c1a_ref[...],
                             preferred_element_type=jnp.float32)
                     + jnp.dot(x2, c1b_ref[...],
                               preferred_element_type=jnp.float32)
                     + jnp.dot(g0_ref[...], c1c_ref[...],
                               preferred_element_type=jnp.float32)
                     + cb1_ref[...])
                z = jnp.where(z > 0, z, 0.1 * (jnp.exp(z) - 1.0))
                lg = jnp.dot(z, cw2_ref[...],
                             preferred_element_type=jnp.float32)
                lg = lg + cb2_ref[...]
                m = jnp.max(lg, axis=1, keepdims=True)
                e = jnp.exp(lg - m)
                o_ref[...] = e / jnp.sum(e, axis=1, keepdims=True)

    return pl.pallas_call(
        body,
        grid=(2, NB),
        in_specs=[
            pl.BlockSpec((2, _BR, HH),
                         lambda i, j: (0, jnp.where(i == 0, j, NB - 1), 0)),
            pl.BlockSpec((HH, H), lambda i, j: (0, 0)),
            pl.BlockSpec((HH, H), lambda i, j: (0, 0)),
            pl.BlockSpec((1, H), lambda i, j: (0, 0)),
            pl.BlockSpec((1, H), lambda i, j: (0, 0)),
            pl.BlockSpec((1, H), lambda i, j: (0, 0)),
            pl.BlockSpec((H, H), lambda i, j: (0, 0)),
            pl.BlockSpec((1, H), lambda i, j: (0, 0)),
            pl.BlockSpec((1, _BR, 1),
                         lambda i, j: (jnp.where(i == 1, j, 0), 0, 0)),
            pl.BlockSpec((1, 1, _BR),
                         lambda i, j: (jnp.where(i == 1, j, 0), 0, 0)),
            pl.BlockSpec((G, NGF), lambda i, j: (0, 0)),
            pl.BlockSpec((H, H), lambda i, j: (0, 0)),
            pl.BlockSpec((H, H), lambda i, j: (0, 0)),
            pl.BlockSpec((NGF, H), lambda i, j: (0, 0)),
            pl.BlockSpec((1, H), lambda i, j: (0, 0)),
            pl.BlockSpec((H, NCLS), lambda i, j: (0, 0)),
            pl.BlockSpec((1, NCLS), lambda i, j: (0, 0)),
        ],
        out_specs=pl.BlockSpec((G, NCLS), lambda i, j: (0, 0)),
        out_shape=jax.ShapeDtypeStruct((G, NCLS), jnp.float32),
        scratch_shapes=[
            pltpu.VMEM((N, H), jnp.float32),
            pltpu.VMEM((8, H), jnp.float32),
            pltpu.VMEM((G, H), jnp.float32),
            pltpu.VMEM((G, H), jnp.float32),
            pltpu.VMEM((G, 1), jnp.float32),
        ],
    )(aggs, w1a, w1b, b1.reshape(1, H), gamma.reshape(1, H),
      beta.reshape(1, H), w2, b2.reshape(1, H), b_col, b_row, g0,
      c1a, c1b, c1c, cb1.reshape(1, H), cw2, cb2.reshape(1, NCLS))


def kernel(h0, coord0, g0, edge_index, batch,
           gin0_W1, gin0_b1, gin0_gamma, gin0_beta, gin0_W2, gin0_b2,
           gin1_W1, gin1_b1, gin1_gamma, gin1_beta, gin1_W2, gin1_b2,
           gin2_W1, gin2_b1, gin2_gamma, gin2_beta, gin2_W2, gin2_b2,
           clf_W1, clf_b1, clf_W2, clf_b2):
    x = jnp.concatenate([h0, coord0], axis=1)
    N, H = x.shape
    HH = H // 2
    E = edge_index.shape[1]
    src3 = edge_index[0].reshape(_NS, E // (_NS * _CH), _CH)
    dst3 = edge_index[1].reshape(_NS, E // (_NS * _CH), _CH)
    xs = jnp.stack([x[:, :HH], x[:, HH:]])
    agg_fn = _agg_build(N, H, E)
    params = [
        (gin0_W1, gin0_b1, gin0_gamma, gin0_beta, gin0_W2, gin0_b2),
        (gin1_W1, gin1_b1, gin1_gamma, gin1_beta, gin1_W2, gin1_b2),
        (gin2_W1, gin2_b1, gin2_gamma, gin2_beta, gin2_W2, gin2_b2),
    ]
    w1a = clf_W1[:H]
    w1b = clf_W1[H:2 * H]
    w1c = clf_W1[2 * H:]
    for li, (w1, b1, gamma, beta, w2, b2) in enumerate(params):
        aggs = agg_fn(xs, src3, dst3)
        if li < len(params) - 1:
            xs = _mlp_fused(aggs, w1[:HH], w1[HH:], b1, gamma, beta, w2, b2,
                            split=True)
        else:
            return _mlp_pool_clf(aggs, w1[:HH], w1[HH:], b1, gamma, beta,
                                 w2, b2, batch, g0, w1a, w1b, w1c, clf_b1,
                                 clf_W2, clf_b2)

# --- scband reference (transcript-rebuilt; emitter-appended) ---
"""Pipeline reference for scband-gin-gnn-75677323755666 (READ-ONLY COPY).

The authoritative reference and input builder live on the scoring server;
editing this copy changes nothing except your own understanding.
"""

import jax, jax.numpy as jnp
import numpy as np

N = 10000
E = 320000
G = 16
NF = 125
H = 128
NGF = 8
NC = 4

def _lin(key, fi, fo):
    return (jax.random.normal(key, (fi, fo), dtype=jnp.float32) / np.sqrt(fi)).astype(jnp.float32)

def setup_inputs(seed: int = 0):
    key = jax.random.key(seed)
    ks = jax.random.split(key, 32)
    inp = {}
    inp["h0"] = jax.random.normal(ks[0], (N, NF), dtype=jnp.float32)
    inp["coord0"] = jax.random.normal(ks[1], (N, 3), dtype=jnp.float32)
    inp["g0"] = jax.random.normal(ks[2], (G, NGF), dtype=jnp.float32)
    inp["edge_index"] = jax.random.randint(ks[3], (2, E), 0, N, dtype=jnp.int32)
    inp["batch"] = jnp.sort(jax.random.randint(ks[4], (N,), 0, G, dtype=jnp.int32))
    in_dims = [NF + 3, H, H]
    for i in range(3):
        inp["gin%d_W1" % i] = _lin(ks[5 + 4 * i], in_dims[i], H)
        inp["gin%d_b1" % i] = jax.random.normal(ks[6 + 4 * i], (H,), dtype=jnp.float32) * 0.01
        inp["gin%d_gamma" % i] = jnp.ones((H,), dtype=jnp.float32)
        inp["gin%d_beta" % i] = jnp.zeros((H,), dtype=jnp.float32)
        inp["gin%d_W2" % i] = _lin(ks[7 + 4 * i], H, H)
        inp["gin%d_b2" % i] = jax.random.normal(ks[8 + 4 * i], (H,), dtype=jnp.float32) * 0.01
    inp["clf_W1"] = _lin(ks[20], 2 * H + NGF, H)
    inp["clf_b1"] = jnp.zeros((H,), dtype=jnp.float32)
    inp["clf_W2"] = _lin(ks[21], H, NC)
    inp["clf_b2"] = jnp.zeros((NC,), dtype=jnp.float32)
    return inp

def _gin(x, edge_index, W1, b1, gamma, beta, W2, b2):
    src = edge_index[0]
    dst = edge_index[1]
    agg = jnp.zeros_like(x).at[dst].add(x[src])
    h = x + agg  # (1 + eps) * x + sum_j x_j, eps = 0
    h = h @ W1 + b1
    mu = jnp.mean(h, axis=0)
    var = jnp.var(h, axis=0)
    h = (h - mu) / jnp.sqrt(var + 1e-5) * gamma + beta
    h = jnp.maximum(h, 0.0)
    h = h @ W2 + b2
    return jax.nn.elu(h, alpha=0.1)

def _forward(h0, coord0, g0, edge_index, batch, params, clf):
    x = jnp.concatenate([h0, coord0], axis=1)
    for p in params:
        x = _gin(x, edge_index, *p)
    ones = jnp.ones((x.shape[0], 1), dtype=x.dtype)
    sums = jax.ops.segment_sum(x, batch, num_segments=G)
    cnts = jax.ops.segment_sum(ones, batch, num_segments=G)
    x1 = sums / jnp.maximum(cnts, 1.0)  # global_mean_pool
    x2 = jax.ops.segment_max(x, batch, num_segments=G)  # global_max_pool
    x2 = jnp.where(jnp.isfinite(x2), x2, 0.0)
    z = jnp.concatenate([x1, x2, g0], axis=1)
    W1, b1, W2, b2 = clf
    z = jax.nn.elu(z @ W1 + b1, alpha=0.1)
    # Dropout(p=0.5) is identity at inference
    z = z @ W2 + b2
    return jax.nn.softmax(z, axis=1)

def reference(h0, coord0, g0, edge_index, batch, gin0_W1, gin0_b1, gin0_gamma, gin0_beta, gin0_W2, gin0_b2, gin1_W1, gin1_b1, gin1_gamma, gin1_beta, gin1_W2, gin1_b2, gin2_W1, gin2_b1, gin2_gamma, gin2_beta, gin2_W2, gin2_b2, clf_W1, clf_b1, clf_W2, clf_b2):
    params = [
        (gin0_W1, gin0_b1, gin0_gamma, gin0_beta, gin0_W2, gin0_b2),
        (gin1_W1, gin1_b1, gin1_gamma, gin1_beta, gin1_W2, gin1_b2),
        (gin2_W1, gin2_b1, gin2_gamma, gin2_beta, gin2_W2, gin2_b2),
    ]
    return _forward(h0, coord0, g0, edge_index, batch, params, (clf_W1, clf_b1, clf_W2, clf_b2))

if __name__ == "__main__":
    import jax
    _d = setup_inputs()
    print(jax.jit(kernel)(*tuple(_d.values())))

</pallas_src>

<mosaic_0001>
#map = affine_map<(d0, d1) -> (0, 0, 0)>
module attributes {stable_mosaic.version = 14 : i64} {
  func.func @agg(%arg0: i32, %arg1: i32, %arg2: memref<2x10000x64xf32, #tpu.memory_space<hbm>>, %arg3: memref<16x160x125xi32, #tpu.memory_space<hbm>>, %arg4: memref<16x160x125xi32, #tpu.memory_space<hbm>>, %arg5: memref<2x10000x64xf32, #tpu.memory_space<hbm>>, %arg6: memref<160x125xi32, #tpu.memory_space<vmem>>, %arg7: memref<160x125xi32, #tpu.memory_space<vmem>>, %arg8: memref<4x125x64xf32, #tpu.memory_space<vmem>>, %arg9: memref<10000x64xf32, #tpu.memory_space<vmem_shared>>, %arg10: memref<!tpu.dma_semaphore, #tpu.memory_space<semaphore_mem>>, %arg11: memref<!tpu.dma_semaphore, #tpu.memory_space<semaphore_mem>>, %arg12: memref<!tpu.dma_semaphore, #tpu.memory_space<semaphore_mem>>, %arg13: memref<!tpu.dma_semaphore, #tpu.memory_space<semaphore_mem>>, %arg14: memref<!tpu.dma_semaphore, #tpu.memory_space<semaphore_mem>>, %arg15: memref<!tpu.dma_semaphore, #tpu.memory_space<semaphore_mem>>, %arg16: memref<!tpu.dma_semaphore, #tpu.memory_space<semaphore_mem>>, %arg17: memref<!tpu.dma_semaphore, #tpu.memory_space<semaphore_mem>>) attributes {dimension_semantics = [#tpu.dimension_semantics<core_parallel>, #tpu.dimension_semantics<subcore_parallel>], iteration_bounds = array<i64: 2, 16>, scalar_prefetch = 0 : i64, scratch_operands = 12 : i64, tpu.core_type = #tpu.core_type<sc_vector_subcore>, window_params = [{transform_indices = #map}, {transform_indices = #map}, {transform_indices = #map}, {transform_indices = #map}]} {
    "tpu.region"() ({
      %run_scoped3A = tpu.sem_alloc : memref<!tpu.dma_semaphore, #tpu.memory_space<semaphore_mem>>
      %dma_start3A_124 = arith.constant 0 : i32
      %dma_start3A_125 = arith.constant 0 : i32
      %dma_start3A_126 = tpu.memref_slice %arg3[%arg1, %dma_start3A_124, %dma_start3A_125] : memref<16x160x125xi32, #tpu.memory_space<hbm>> -> memref<1x160x125xi32, #tpu.memory_space<hbm>>
      %dma_start3A_127 = tpu.memref_squeeze %dma_start3A_126 : memref<1x160x125xi32, #tpu.memory_space<hbm>> -> memref<160x125xi32, #tpu.memory_space<hbm>>
      %dma_start3A_128 = arith.constant 0 : i32
      %dma_start3A_129 = arith.constant 0 : i32
      %dma_start3A_130 = tpu.memref_slice %arg3[%arg1, %dma_start3A_128, %dma_start3A_129] : memref<16x160x125xi32, #tpu.memory_space<hbm>> -> memref<1x160x125xi32, #tpu.memory_space<hbm>>
      %dma_start3A_131 = tpu.memref_squeeze %dma_start3A_130 : memref<1x160x125xi32, #tpu.memory_space<hbm>> -> memref<160x125xi32, #tpu.memory_space<hbm>>
      tpu.enqueue_dma source(%dma_start3A_131 : memref<160x125xi32, #tpu.memory_space<hbm>>) target(%arg6 : memref<160x125xi32, #tpu.memory_space<vmem>>) target_semaphore(%run_scoped3A : memref<!tpu.dma_semaphore, #tpu.memory_space<semaphore_mem>>)
      %dma_wait3A_132 = arith.constant 0 : i32
      %dma_wait3A_133 = arith.constant 0 : i32
      %dma_wait3A_134 = tpu.memref_slice %arg3[%arg1, %dma_wait3A_132, %dma_wait3A_133] : memref<16x160x125xi32, #tpu.memory_space<hbm>> -> memref<1x160x125xi32, #tpu.memory_space<hbm>>
      %dma_wait3A_135 = tpu.memref_squeeze %dma_wait3A_134 : memref<1x160x125xi32, #tpu.memory_space<hbm>> -> memref<160x125xi32, #tpu.memory_space<hbm>>
      %dma_wait3A_136 = arith.constant 0 : i32
      %dma_wait3A_137 = arith.constant 0 : i32
      %dma_wait3A_138 = tpu.memref_slice %arg3[%arg1, %dma_wait3A_136, %dma_wait3A_137] : memref<16x160x125xi32, #tpu.memory_space<hbm>> -> memref<1x160x125xi32, #tpu.memory_space<hbm>>
      %dma_wait3A_139 = tpu.memref_squeeze %dma_wait3A_138 : memref<1x160x125xi32, #tpu.memory_space<hbm>> -> memref<160x125xi32, #tpu.memory_space<hbm>>
      tpu.wait_dma2 semaphore(%run_scoped3A : memref<!tpu.dma_semaphore, #tpu.memory_space<semaphore_mem>>) src(%dma_wait3A_139 : memref<160x125xi32, #tpu.memory_space<hbm>>) dst(%arg6 : memref<160x125xi32, #tpu.memory_space<vmem>>)
      tpu.yield
    }) : () -> ()
    "tpu.region"() ({
      %run_scoped3A = tpu.sem_alloc : memref<!tpu.dma_semaphore, #tpu.memory_space<semaphore_mem>>
      %dma_start3A_124 = arith.constant 0 : i32
      %dma_start3A_125 = arith.constant 0 : i32
      %dma_start3A_126 = tpu.memref_slice %arg4[%arg1, %dma_start3A_124, %dma_start3A_125] : memref<16x160x125xi32, #tpu.memory_space<hbm>> -> memref<1x160x125xi32, #tpu.memory_space<hbm>>
      %dma_start3A_127 = tpu.memref_squeeze %dma_start3A_126 : memref<1x160x125xi32, #tpu.memory_space<hbm>> -> memref<160x125xi32, #tpu.memory_space<hbm>>
      %dma_start3A_128 = arith.constant 0 : i32
      %dma_start3A_129 = arith.constant 0 : i32
      %dma_start3A_130 = tpu.memref_slice %arg4[%arg1, %dma_start3A_128, %dma_start3A_129] : memref<16x160x125xi32, #tpu.memory_space<hbm>> -> memref<1x160x125xi32, #tpu.memory_space<hbm>>
      %dma_start3A_131 = tpu.memref_squeeze %dma_start3A_130 : memref<1x160x125xi32, #tpu.memory_space<hbm>> -> memref<160x125xi32, #tpu.memory_space<hbm>>
      tpu.enqueue_dma source(%dma_start3A_131 : memref<160x125xi32, #tpu.memory_space<hbm>>) target(%arg7 : memref<160x125xi32, #tpu.memory_space<vmem>>) target_semaphore(%run_scoped3A : memref<!tpu.dma_semaphore, #tpu.memory_space<semaphore_mem>>)
      %dma_wait3A_132 = arith.constant 0 : i32
      %dma_wait3A_133 = arith.constant 0 : i32
      %dma_wait3A_134 = tpu.memref_slice %arg4[%arg1, %dma_wait3A_132, %dma_wait3A_133] : memref<16x160x125xi32, #tpu.memory_space<hbm>> -> memref<1x160x125xi32, #tpu.memory_space<hbm>>
      %dma_wait3A_135 = tpu.memref_squeeze %dma_wait3A_134 : memref<1x160x125xi32, #tpu.memory_space<hbm>> -> memref<160x125xi32, #tpu.memory_space<hbm>>
      %dma_wait3A_136 = arith.constant 0 : i32
      %dma_wait3A_137 = arith.constant 0 : i32
      %dma_wait3A_138 = tpu.memref_slice %arg4[%arg1, %dma_wait3A_136, %dma_wait3A_137] : memref<16x160x125xi32, #tpu.memory_space<hbm>> -> memref<1x160x125xi32, #tpu.memory_space<hbm>>
      %dma_wait3A_139 = tpu.memref_squeeze %dma_wait3A_138 : memref<1x160x125xi32, #tpu.memory_space<hbm>> -> memref<160x125xi32, #tpu.memory_space<hbm>>
      tpu.wait_dma2 semaphore(%run_scoped3A : memref<!tpu.dma_semaphore, #tpu.memory_space<semaphore_mem>>) src(%dma_wait3A_139 : memref<160x125xi32, #tpu.memory_space<hbm>>) dst(%arg7 : memref<160x125xi32, #tpu.memory_space<vmem>>)
      tpu.yield
    }) : () -> ()
    %mul3A = arith.constant 624 : i32
    %mul3A_0 = arith.muli %arg1, %mul3A : i32
    "tpu.region"() ({
      %run_scoped3A = tpu.sem_alloc : memref<!tpu.dma_semaphore, #tpu.memory_space<semaphore_mem>>
      %dma_start3A_124 = arith.constant 0 : i32
      %dma_start3A_125 = tpu.memref_slice %arg9[%mul3A_0, %dma_start3A_124] : memref<10000x64xf32, #tpu.memory_space<vmem_shared>> -> memref<624x64xf32, #tpu.memory_space<vmem_shared>>
      %dma_start3A_126 = arith.constant 0 : i32
      %dma_start3A_127 = arith.constant 0 : i32
      %dma_start3A_128 = tpu.memref_slice %arg2[%arg0, %dma_start3A_126, %dma_start3A_127] : memref<2x10000x64xf32, #tpu.memory_space<hbm>> -> memref<1x10000x64xf32, #tpu.memory_space<hbm>>
      %dma_start3A_129 = tpu.memref_squeeze %dma_start3A_128 : memref<1x10000x64xf32, #tpu.memory_space<hbm>> -> memref<10000x64xf32, #tpu.memory_space<hbm>>
      %dma_start3A_130 = arith.constant 0 : i32
      %dma_start3A_131 = tpu.memref_slice %dma_start3A_129[%mul3A_0, %dma_start3A_130] : memref<10000x64xf32, #tpu.memory_space<hbm>> -> memref<624x64xf32, #tpu.memory_space<hbm>>
      tpu.enqueue_dma source(%dma_start3A_131 : memref<624x64xf32, #tpu.memory_space<hbm>>) target(%dma_start3A_125 : memref<624x64xf32, #tpu.memory_space<vmem_shared>>) target_semaphore(%run_scoped3A : memref<!tpu.dma_semaphore, #tpu.memory_space<semaphore_mem>>)
      %dma_wait3A_132 = arith.constant 0 : i32
      %dma_wait3A_133 = tpu.memref_slice %arg9[%mul3A_0, %dma_wait3A_132] : memref<10000x64xf32, #tpu.memory_space<vmem_shared>> -> memref<624x64xf32, #tpu.memory_space<vmem_shared>>
      %dma_wait3A_134 = arith.constant 0 : i32
      %dma_wait3A_135 = arith.constant 0 : i32
      %dma_wait3A_136 = tpu.memref_slice %arg2[%arg0, %dma_wait3A_134, %dma_wait3A_135] : memref<2x10000x64xf32, #tpu.memory_space<hbm>> -> memref<1x10000x64xf32, #tpu.memory_space<hbm>>
      %dma_wait3A_137 = tpu.memref_squeeze %dma_wait3A_136 : memref<1x10000x64xf32, #tpu.memory_space<hbm>> -> memref<10000x64xf32, #tpu.memory_space<hbm>>
      %dma_wait3A_138 = arith.constant 0 : i32
      %dma_wait3A_139 = tpu.memref_slice %dma_wait3A_137[%mul3A_0, %dma_wait3A_138] : memref<10000x64xf32, #tpu.memory_space<hbm>> -> memref<624x64xf32, #tpu.memory_space<hbm>>
      tpu.wait_dma2 semaphore(%run_scoped3A : memref<!tpu.dma_semaphore, #tpu.memory_space<semaphore_mem>>) src(%dma_wait3A_139 : memref<624x64xf32, #tpu.memory_space<hbm>>) dst(%dma_wait3A_133 : memref<624x64xf32, #tpu.memory_space<vmem_shared>>)
      tpu.yield
    }) : () -> ()
    %eq3A = arith.constant 0 : i32
    %eq3A_1 = arith.cmpi eq, %arg1, %eq3A : i32
    %convert_element_type3A = arith.extui %eq3A_1 : i1 to i32
    %cond3A = arith.constant 0 : i32
    %cond3A_2 = arith.cmpi ne, %convert_element_type3A, %cond3A : i32
    scf.if %cond3A_2 {
      "tpu.region"() ({
        %run_scoped3A = tpu.sem_alloc : memref<!tpu.dma_semaphore, #tpu.memory_space<semaphore_mem>>
        %dma_start3A_124 = arith.constant 9984 : i32
        %dma_start3A_125 = arith.constant 0 : i32
        %dma_start3A_126 = tpu.memref_slice %arg9[%dma_start3A_124, %dma_start3A_125] : memref<10000x64xf32, #tpu.memory_space<vmem_shared>> -> memref<16x64xf32, #tpu.memory_space<vmem_shared>>
        %dma_start3A_127 = arith.constant 0 : i32
        %dma_start3A_128 = arith.constant 0 : i32
        %dma_start3A_129 = tpu.memref_slice %arg2[%arg0, %dma_start3A_127, %dma_start3A_128] : memref<2x10000x64xf32, #tpu.memory_space<hbm>> -> memref<1x10000x64xf32, #tpu.memory_space<hbm>>
        %dma_start3A_130 = tpu.memref_squeeze %dma_start3A_129 : memref<1x10000x64xf32, #tpu.memory_space<hbm>> -> memref<10000x64xf32, #tpu.memory_space<hbm>>
        %dma_start3A_131 = arith.constant 9984 : i32
        %dma_start3A_132 = arith.constant 0 : i32
        %dma_start3A_133 = tpu.memref_slice %dma_start3A_130[%dma_start3A_131, %dma_start3A_132] : memref<10000x64xf32, #tpu.memory_space<hbm>> -> memref<16x64xf32, #tpu.memory_space<hbm>>
        tpu.enqueue_dma source(%dma_start3A_133 : memref<16x64xf32, #tpu.memory_space<hbm>>) target(%dma_start3A_126 : memref<16x64xf32, #tpu.memory_space<vmem_shared>>) target_semaphore(%run_scoped3A : memref<!tpu.dma_semaphore, #tpu.memory_space<semaphore_mem>>)
        %dma_wait3A_134 = arith.constant 9984 : i32
        %dma_wait3A_135 = arith.constant 0 : i32
        %dma_wait3A_136 = tpu.memref_slice %arg9[%dma_wait3A_134, %dma_wait3A_135] : memref<10000x64xf32, #tpu.memory_space<vmem_shared>> -> memref<16x64xf32, #tpu.memory_space<vmem_shared>>
        %dma_wait3A_137 = arith.constant 0 : i32
        %dma_wait3A_138 = arith.constant 0 : i32
        %dma_wait3A_139 = tpu.memref_slice %arg2[%arg0, %dma_wait3A_137, %dma_wait3A_138] : memref<2x10000x64xf32, #tpu.memory_space<hbm>> -> memref<1x10000x64xf32, #tpu.memory_space<hbm>>
        %dma_wait3A_140 = tpu.memref_squeeze %dma_wait3A_139 : memref<1x10000x64xf32, #tpu.memory_space<hbm>> -> memref<10000x64xf32, #tpu.memory_space<hbm>>
        %dma_wait3A_141 = arith.constant 9984 : i32
        %dma_wait3A_142 = arith.constant 0 : i32
        %dma_wait3A_143 = tpu.memref_slice %dma_wait3A_140[%dma_wait3A_141, %dma_wait3A_142] : memref<10000x64xf32, #tpu.memory_space<hbm>> -> memref<16x64xf32, #tpu.memory_space<hbm>>
        tpu.wait_dma2 semaphore(%run_scoped3A : memref<!tpu.dma_semaphore, #tpu.memory_space<semaphore_mem>>) src(%dma_wait3A_143 : memref<16x64xf32, #tpu.memory_space<hbm>>) dst(%dma_wait3A_136 : memref<16x64xf32, #tpu.memory_space<vmem_shared>>)
        tpu.yield
      }) : () -> ()
    } else {
    }
    %barrier3A = arith.constant 0 : index
    tpu.barrier barrier_id(%barrier3A)
    %dma_start3A = arith.constant 0 : i32
    %dma_start3A_3 = arith.constant 0 : i32
    %dma_start3A_4 = arith.constant 0 : i32
    %dma_start3A_5 = arith.constant 0 : i32
    %dma_start3A_6 = tpu.memref_slice %arg8[%dma_start3A_3, %dma_start3A_4, %dma_start3A_5] : memref<4x125x64xf32, #tpu.memory_space<vmem>> -> memref<1x125x64xf32, #tpu.memory_space<vmem>>
    %dma_start3A_7 = tpu.memref_squeeze %dma_start3A_6 : memref<1x125x64xf32, #tpu.memory_space<vmem>> -> memref<125x64xf32, #tpu.memory_space<vmem>>
    %dma_start3A_8 = arith.constant 0 : i32
    %dma_start3A_9 = tpu.memref_slice %arg6[%dma_start3A, %dma_start3A_8] : memref<160x125xi32, #tpu.memory_space<vmem>> -> memref<1x125xi32, #tpu.memory_space<vmem>>
    %dma_start3A_10 = tpu.memref_squeeze %dma_start3A_9 : memref<1x125xi32, #tpu.memory_space<vmem>> -> memref<125xi32, #tpu.memory_space<vmem>>
    %dma_start3A_11 = arith.constant 0 : i32
    %dma_start3A_12 = arith.constant 0 : i32
    %dma_start3A_13 = tpu.memref_slice %arg2[%arg0, %dma_start3A_11, %dma_start3A_12] : memref<2x10000x64xf32, #tpu.memory_space<hbm>> -> memref<1x10000x64xf32, #tpu.memory_space<hbm>>
    %dma_start3A_14 = tpu.memref_squeeze %dma_start3A_13 : memref<1x10000x64xf32, #tpu.memory_space<hbm>> -> memref<10000x64xf32, #tpu.memory_space<hbm>>
    %dma_start3A_15 = arith.constant 0 : i32
    %dma_start3A_16 = arith.constant 0 : i32
    %dma_start3A_17 = tpu.memref_slice %dma_start3A_14[%dma_start3A_15, %dma_start3A_16] : memref<10000x64xf32, #tpu.memory_space<hbm>> -> memref<10000x64xf32, #tpu.memory_space<hbm>>
    tpu.enqueue_indirect_dma source(%dma_start3A_17 : memref<10000x64xf32, #tpu.memory_space<hbm>>) target(%dma_start3A_7 : memref<125x64xf32, #tpu.memory_space<vmem>>) offsets(%dma_start3A_10 : memref<125xi32, #tpu.memory_space<vmem>>) semaphore(%arg10 : memref<!tpu.dma_semaphore, #tpu.memory_space<semaphore_mem>>)
    %dma_start3A_18 = arith.constant 1 : i32
    %dma_start3A_19 = arith.constant 1 : i32
    %dma_start3A_20 = arith.constant 0 : i32
    %dma_start3A_21 = arith.constant 0 : i32
    %dma_start3A_22 = tpu.memref_slice %arg8[%dma_start3A_19, %dma_start3A_20, %dma_start3A_21] : memref<4x125x64xf32, #tpu.memory_space<vmem>> -> memref<1x125x64xf32, #tpu.memory_space<vmem>>
    %dma_start3A_23 = tpu.memref_squeeze %dma_start3A_22 : memref<1x125x64xf32, #tpu.memory_space<vmem>> -> memref<125x64xf32, #tpu.memory_space<vmem>>
    %dma_start3A_24 = arith.constant 0 : i32
    %dma_start3A_25 = tpu.memref_slice %arg6[%dma_start3A_18, %dma_start3A_24] : memref<160x125xi32, #tpu.memory_space<vmem>> -> memref<1x125xi32, #tpu.memory_space<vmem>>
    %dma_start3A_26 = tpu.memref_squeeze %dma_start3A_25 : memref<1x125xi32, #tpu.memory_space<vmem>> -> memref<125xi32, #tpu.memory_space<vmem>>
    %dma_start3A_27 = arith.constant 0 : i32
    %dma_start3A_28 = arith.constant 0 : i32
    %dma_start3A_29 = tpu.memref_slice %arg2[%arg0, %dma_start3A_27, %dma_start3A_28] : memref<2x10000x64xf32, #tpu.memory_space<hbm>> -> memref<1x10000x64xf32, #tpu.memory_space<hbm>>
    %dma_start3A_30 = tpu.memref_squeeze %dma_start3A_29 : memref<1x10000x64xf32, #tpu.memory_space<hbm>> -> memref<10000x64xf32, #tpu.memory_space<hbm>>
    %dma_start3A_31 = arith.constant 0 : i32
    %dma_start3A_32 = arith.constant 0 : i32
    %dma_start3A_33 = tpu.memref_slice %dma_start3A_30[%dma_start3A_31, %dma_start3A_32] : memref<10000x64xf32, #tpu.memory_space<hbm>> -> memref<10000x64xf32, #tpu.memory_space<hbm>>
    tpu.enqueue_indirect_dma source(%dma_start3A_33 : memref<10000x64xf32, #tpu.memory_space<hbm>>) target(%dma_start3A_23 : memref<125x64xf32, #tpu.memory_space<vmem>>) offsets(%dma_start3A_26 : memref<125xi32, #tpu.memory_space<vmem>>) semaphore(%arg11 : memref<!tpu.dma_semaphore, #tpu.memory_space<semaphore_mem>>)
    %dma_start3A_34 = arith.constant 2 : i32
    %dma_start3A_35 = arith.constant 2 : i32
    %dma_start3A_36 = arith.constant 0 : i32
    %dma_start3A_37 = arith.constant 0 : i32
    %dma_start3A_38 = tpu.memref_slice %arg8[%dma_start3A_35, %dma_start3A_36, %dma_start3A_37] : memref<4x125x64xf32, #tpu.memory_space<vmem>> -> memref<1x125x64xf32, #tpu.memory_space<vmem>>
    %dma_start3A_39 = tpu.memref_squeeze %dma_start3A_38 : memref<1x125x64xf32, #tpu.memory_space<vmem>> -> memref<125x64xf32, #tpu.memory_space<vmem>>
    %dma_start3A_40 = arith.constant 0 : i32
    %dma_start3A_41 = tpu.memref_slice %arg6[%dma_start3A_34, %dma_start3A_40] : memref<160x125xi32, #tpu.memory_space<vmem>> -> memref<1x125xi32, #tpu.memory_space<vmem>>
    %dma_start3A_42 = tpu.memref_squeeze %dma_start3A_41 : memref<1x125xi32, #tpu.memory_space<vmem>> -> memref<125xi32, #tpu.memory_space<vmem>>
    %dma_start3A_43 = arith.constant 0 : i32
    %dma_start3A_44 = arith.constant 0 : i32
    %dma_start3A_45 = tpu.memref_slice %arg2[%arg0, %dma_start3A_43, %dma_start3A_44] : memref<2x10000x64xf32, #tpu.memory_space<hbm>> -> memref<1x10000x64xf32, #tpu.memory_space<hbm>>
    %dma_start3A_46 = tpu.memref_squeeze %dma_start3A_45 : memref<1x10000x64xf32, #tpu.memory_space<hbm>> -> memref<10000x64xf32, #tpu.memory_space<hbm>>
    %dma_start3A_47 = arith.constant 0 : i32
    %dma_start3A_48 = arith.constant 0 : i32
    %dma_start3A_49 = tpu.memref_slice %dma_start3A_46[%dma_start3A_47, %dma_start3A_48] : memref<10000x64xf32, #tpu.memory_space<hbm>> -> memref<10000x64xf32, #tpu.memory_space<hbm>>
    tpu.enqueue_indirect_dma source(%dma_start3A_49 : memref<10000x64xf32, #tpu.memory_space<hbm>>) target(%dma_start3A_39 : memref<125x64xf32, #tpu.memory_space<vmem>>) offsets(%dma_start3A_42 : memref<125xi32, #tpu.memory_space<vmem>>) semaphore(%arg12 : memref<!tpu.dma_semaphore, #tpu.memory_space<semaphore_mem>>)
    %dma_start3A_50 = arith.constant 3 : i32
    %dma_start3A_51 = arith.constant 3 : i32
    %dma_start3A_52 = arith.constant 0 : i32
    %dma_start3A_53 = arith.constant 0 : i32
    %dma_start3A_54 = tpu.memref_slice %arg8[%dma_start3A_51, %dma_start3A_52, %dma_start3A_53] : memref<4x125x64xf32, #tpu.memory_space<vmem>> -> memref<1x125x64xf32, #tpu.memory_space<vmem>>
    %dma_start3A_55 = tpu.memref_squeeze %dma_start3A_54 : memref<1x125x64xf32, #tpu.memory_space<vmem>> -> memref<125x64xf32, #tpu.memory_space<vmem>>
    %dma_start3A_56 = arith.constant 0 : i32
    %dma_start3A_57 = tpu.memref_slice %arg6[%dma_start3A_50, %dma_start3A_56] : memref<160x125xi32, #tpu.memory_space<vmem>> -> memref<1x125xi32, #tpu.memory_space<vmem>>
    %dma_start3A_58 = tpu.memref_squeeze %dma_start3A_57 : memref<1x125xi32, #tpu.memory_space<vmem>> -> memref<125xi32, #tpu.memory_space<vmem>>
    %dma_start3A_59 = arith.constant 0 : i32
    %dma_start3A_60 = arith.constant 0 : i32
    %dma_start3A_61 = tpu.memref_slice %arg2[%arg0, %dma_start3A_59, %dma_start3A_60] : memref<2x10000x64xf32, #tpu.memory_space<hbm>> -> memref<1x10000x64xf32, #tpu.memory_space<hbm>>
    %dma_start3A_62 = tpu.memref_squeeze %dma_start3A_61 : memref<1x10000x64xf32, #tpu.memory_space<hbm>> -> memref<10000x64xf32, #tpu.memory_space<hbm>>
    %dma_start3A_63 = arith.constant 0 : i32
    %dma_start3A_64 = arith.constant 0 : i32
    %dma_start3A_65 = tpu.memref_slice %dma_start3A_62[%dma_start3A_63, %dma_start3A_64] : memref<10000x64xf32, #tpu.memory_space<hbm>> -> memref<10000x64xf32, #tpu.memory_space<hbm>>
    tpu.enqueue_indirect_dma source(%dma_start3A_65 : memref<10000x64xf32, #tpu.memory_space<hbm>>) target(%dma_start3A_55 : memref<125x64xf32, #tpu.memory_space<vmem>>) offsets(%dma_start3A_58 : memref<125xi32, #tpu.memory_space<vmem>>) semaphore(%arg13 : memref<!tpu.dma_semaphore, #tpu.memory_space<semaphore_mem>>)
    %scan3A = arith.constant 0 : i32
    %scan3A_66 = arith.constant 0 : i32
    %scan3A_67 = arith.constant 40 : i32
    %scan3A_68 = arith.addi %scan3A_66, %scan3A_67 : i32
    %scan3A_69 = arith.constant 1 : i32
    scf.for %scan3A_124 = %scan3A_66 to %scan3A_68 step %scan3A_69  : i32 {
      %mul3A_125 = arith.constant 4 : i32
      %mul3A_126 = arith.muli %scan3A_124, %mul3A_125 : i32
      %add3A = arith.constant 0 : i32
      %add3A_127 = arith.addi %mul3A_126, %add3A : i32
      %dma_wait3A_128 = arith.constant 0 : i32
      %dma_wait3A_129 = arith.constant 0 : i32
      %dma_wait3A_130 = arith.constant 0 : i32
      %dma_wait3A_131 = tpu.memref_slice %arg8[%dma_wait3A_128, %dma_wait3A_129, %dma_wait3A_130] : memref<4x125x64xf32, #tpu.memory_space<vmem>> -> memref<1x125x64xf32, #tpu.memory_space<vmem>>
      %dma_wait3A_132 = tpu.memref_squeeze %dma_wait3A_131 : memref<1x125x64xf32, #tpu.memory_space<vmem>> -> memref<125x64xf32, #tpu.memory_space<vmem>>
      %dma_wait3A_133 = arith.constant 0 : i32
      %dma_wait3A_134 = tpu.memref_slice %arg6[%add3A_127, %dma_wait3A_133] : memref<160x125xi32, #tpu.memory_space<vmem>> -> memref<1x125xi32, #tpu.memory_space<vmem>>
      %dma_wait3A_135 = tpu.memref_squeeze %dma_wait3A_134 : memref<1x125xi32, #tpu.memory_space<vmem>> -> memref<125xi32, #tpu.memory_space<vmem>>
      %dma_wait3A_136 = arith.constant 0 : i32
      %dma_wait3A_137 = arith.constant 0 : i32
      %dma_wait3A_138 = tpu.memref_slice %arg2[%arg0, %dma_wait3A_136, %dma_wait3A_137] : memref<2x10000x64xf32, #tpu.memory_space<hbm>> -> memref<1x10000x64xf32, #tpu.memory_space<hbm>>
      %dma_wait3A_139 = tpu.memref_squeeze %dma_wait3A_138 : memref<1x10000x64xf32, #tpu.memory_space<hbm>> -> memref<10000x64xf32, #tpu.memory_space<hbm>>
      %dma_wait3A_140 = arith.constant 0 : i32
      %dma_wait3A_141 = arith.constant 0 : i32
      %dma_wait3A_142 = tpu.memref_slice %dma_wait3A_139[%dma_wait3A_140, %dma_wait3A_141] : memref<10000x64xf32, #tpu.memory_space<hbm>> -> memref<10000x64xf32, #tpu.memory_space<hbm>>
      tpu.wait_indirect_dma semaphore(%arg10 : memref<!tpu.dma_semaphore, #tpu.memory_space<semaphore_mem>>) src(%dma_wait3A_142 : memref<10000x64xf32, #tpu.memory_space<hbm>>) dst(%dma_wait3A_132 : memref<125x64xf32, #tpu.memory_space<vmem>>)
      %add3A_143 = arith.constant 0 : i32
      %add3A_144 = arith.addi %mul3A_126, %add3A_143 : i32
      %dma_start3A_145 = arith.constant 0 : i32
      %dma_start3A_146 = arith.constant 0 : i32
      %dma_start3A_147 = arith.constant 0 : i32
      %dma_start3A_148 = tpu.memref_slice %arg8[%dma_start3A_145, %dma_start3A_146, %dma_start3A_147] : memref<4x125x64xf32, #tpu.memory_space<vmem>> -> memref<1x125x64xf32, #tpu.memory_space<vmem>>
      %dma_start3A_149 = tpu.memref_squeeze %dma_start3A_148 : memref<1x125x64xf32, #tpu.memory_space<vmem>> -> memref<125x64xf32, #tpu.memory_space<vmem>>
      %dma_start3A_150 = arith.constant 0 : i32
      %dma_start3A_151 = tpu.memref_slice %arg7[%add3A_144, %dma_start3A_150] : memref<160x125xi32, #tpu.memory_space<vmem>> -> memref<1x125xi32, #tpu.memory_space<vmem>>
      %dma_start3A_152 = tpu.memref_squeeze %dma_start3A_151 : memref<1x125xi32, #tpu.memory_space<vmem>> -> memref<125xi32, #tpu.memory_space<vmem>>
      %dma_start3A_153 = arith.constant 0 : i32
      %dma_start3A_154 = arith.constant 0 : i32
      %dma_start3A_155 = tpu.memref_slice %arg9[%dma_start3A_153, %dma_start3A_154] : memref<10000x64xf32, #tpu.memory_space<vmem_shared>> -> memref<10000x64xf32, #tpu.memory_space<vmem_shared>>
      tpu.enqueue_indirect_dma source(%dma_start3A_149 : memref<125x64xf32, #tpu.memory_space<vmem>>) target(%dma_start3A_155 : memref<10000x64xf32, #tpu.memory_space<vmem_shared>>) offsets(%dma_start3A_152 : memref<125xi32, #tpu.memory_space<vmem>>) semaphore(%arg14 : memref<!tpu.dma_semaphore, #tpu.memory_space<semaphore_mem>>) {add = true}
      %add3A_156 = arith.constant 1 : i32
      %add3A_157 = arith.addi %mul3A_126, %add3A_156 : i32
      %dma_wait3A_158 = arith.constant 1 : i32
      %dma_wait3A_159 = arith.constant 0 : i32
      %dma_wait3A_160 = arith.constant 0 : i32
      %dma_wait3A_161 = tpu.memref_slice %arg8[%dma_wait3A_158, %dma_wait3A_159, %dma_wait3A_160] : memref<4x125x64xf32, #tpu.memory_space<vmem>> -> memref<1x125x64xf32, #tpu.memory_space<vmem>>
      %dma_wait3A_162 = tpu.memref_squeeze %dma_wait3A_161 : memref<1x125x64xf32, #tpu.memory_space<vmem>> -> memref<125x64xf32, #tpu.memory_space<vmem>>
      %dma_wait3A_163 = arith.constant 0 : i32
      %dma_wait3A_164 = tpu.memref_slice %arg6[%add3A_157, %dma_wait3A_163] : memref<160x125xi32, #tpu.memory_space<vmem>> -> memref<1x125xi32, #tpu.memory_space<vmem>>
      %dma_wait3A_165 = tpu.memref_squeeze %dma_wait3A_164 : memref<1x125xi32, #tpu.memory_space<vmem>> -> memref<125xi32, #tpu.memory_space<vmem>>
      %dma_wait3A_166 = arith.constant 0 : i32
      %dma_wait3A_167 = arith.constant 0 : i32
      %dma_wait3A_168 = tpu.memref_slice %arg2[%arg0, %dma_wait3A_166, %dma_wait3A_167] : memref<2x10000x64xf32, #tpu.memory_space<hbm>> -> memref<1x10000x64xf32, #tpu.memory_space<hbm>>
      %dma_wait3A_169 = tpu.memref_squeeze %dma_wait3A_168 : memref<1x10000x64xf32, #tpu.memory_space<hbm>> -> memref<10000x64xf32, #tpu.memory_space<hbm>>
      %dma_wait3A_170 = arith.constant 0 : i32
      %dma_wait3A_171 = arith.constant 0 : i32
      %dma_wait3A_172 = tpu.memref_slice %dma_wait3A_169[%dma_wait3A_170, %dma_wait3A_171] : memref<10000x64xf32, #tpu.memory_space<hbm>> -> memref<10000x64xf32, #tpu.memory_space<hbm>>
      tpu.wait_indirect_dma semaphore(%arg11 : memref<!tpu.dma_semaphore, #tpu.memory_space<semaphore_mem>>) src(%dma_wait3A_172 : memref<10000x64xf32, #tpu.memory_space<hbm>>) dst(%dma_wait3A_162 : memref<125x64xf32, #tpu.memory_space<vmem>>)
      %add3A_173 = arith.constant 1 : i32
      %add3A_174 = arith.addi %mul3A_126, %add3A_173 : i32
      %dma_start3A_175 = arith.constant 1 : i32
      %dma_start3A_176 = arith.constant 0 : i32
      %dma_start3A_177 = arith.constant 0 : i32
      %dma_start3A_178 = tpu.memref_slice %arg8[%dma_start3A_175, %dma_start3A_176, %dma_start3A_177] : memref<4x125x64xf32, #tpu.memory_space<vmem>> -> memref<1x125x64xf32, #tpu.memory_space<vmem>>
      %dma_start3A_179 = tpu.memref_squeeze %dma_start3A_178 : memref<1x125x64xf32, #tpu.memory_space<vmem>> -> memref<125x64xf32, #tpu.memory_space<vmem>>
      %dma_start3A_180 = arith.constant 0 : i32
      %dma_start3A_181 = tpu.memref_slice %arg7[%add3A_174, %dma_start3A_180] : memref<160x125xi32, #tpu.memory_space<vmem>> -> memref<1x125xi32, #tpu.memory_space<vmem>>
      %dma_start3A_182 = tpu.memref_squeeze %dma_start3A_181 : memref<1x125xi32, #tpu.memory_space<vmem>> -> memref<125xi32, #tpu.memory_space<vmem>>
      %dma_start3A_183 = arith.constant 0 : i32
      %dma_start3A_184 = arith.constant 0 : i32
      %dma_start3A_185 = tpu.memref_slice %arg9[%dma_start3A_183, %dma_start3A_184] : memref<10000x64xf32, #tpu.memory_space<vmem_shared>> -> memref<10000x64xf32, #tpu.memory_space<vmem_shared>>
      tpu.enqueue_indirect_dma source(%dma_start3A_179 : memref<125x64xf32, #tpu.memory_space<vmem>>) target(%dma_start3A_185 : memref<10000x64xf32, #tpu.memory_space<vmem_shared>>) offsets(%dma_start3A_182 : memref<125xi32, #tpu.memory_space<vmem>>) semaphore(%arg15 : memref<!tpu.dma_semaphore, #tpu.memory_space<semaphore_mem>>) {add = true}
      %add3A_186 = arith.constant 2 : i32
      %add3A_187 = arith.addi %mul3A_126, %add3A_186 : i32
      %dma_wait3A_188 = arith.constant 2 : i32
      %dma_wait3A_189 = arith.constant 0 : i32
      %dma_wait3A_190 = arith.constant 0 : i32
      %dma_wait3A_191 = tpu.memref_slice %arg8[%dma_wait3A_188, %dma_wait3A_189, %dma_wait3A_190] : memref<4x125x64xf32, #tpu.memory_space<vmem>> -> memref<1x125x64xf32, #tpu.memory_space<vmem>>
      %dma_wait3A_192 = tpu.memref_squeeze %dma_wait3A_191 : memref<1x125x64xf32, #tpu.memory_space<vmem>> -> memref<125x64xf32, #tpu.memory_space<vmem>>
      %dma_wait3A_193 = arith.constant 0 : i32
      %dma_wait3A_194 = tpu.memref_slice %arg6[%add3A_187, %dma_wait3A_193] : memref<160x125xi32, #tpu.memory_space<vmem>> -> memref<1x125xi32, #tpu.memory_space<vmem>>
      %dma_wait3A_195 = tpu.memref_squeeze %dma_wait3A_194 : memref<1x125xi32, #tpu.memory_space<vmem>> -> memref<125xi32, #tpu.memory_space<vmem>>
      %dma_wait3A_196 = arith.constant 0 : i32
      %dma_wait3A_197 = arith.constant 0 : i32
      %dma_wait3A_198 = tpu.memref_slice %arg2[%arg0, %dma_wait3A_196, %dma_wait3A_197] : memref<2x10000x64xf32, #tpu.memory_space<hbm>> -> memref<1x10000x64xf32, #tpu.memory_space<hbm>>
      %dma_wait3A_199 = tpu.memref_squeeze %dma_wait3A_198 : memref<1x10000x64xf32, #tpu.memory_space<hbm>> -> memref<10000x64xf32, #tpu.memory_space<hbm>>
      %dma_wait3A_200 = arith.constant 0 : i32
      %dma_wait3A_201 = arith.constant 0 : i32
      %dma_wait3A_202 = tpu.memref_slice %dma_wait3A_199[%dma_wait3A_200, %dma_wait3A_201] : memref<10000x64xf32, #tpu.memory_space<hbm>> -> memref<10000x64xf32, #tpu.memory_space<hbm>>
      tpu.wait_indirect_dma semaphore(%arg12 : memref<!tpu.dma_semaphore, #tpu.memory_space<semaphore_mem>>) src(%dma_wait3A_202 : memref<10000x64xf32, #tpu.memory_space<hbm>>) dst(%dma_wait3A_192 : memref<125x64xf32, #tpu.memory_space<vmem>>)
      %add3A_203 = arith.constant 2 : i32
      %add3A_204 = arith.addi %mul3A_126, %add3A_203 : i32
      %dma_start3A_205 = arith.constant 2 : i32
      %dma_start3A_206 = arith.constant 0 : i32
      %dma_start3A_207 = arith.constant 0 : i32
      %dma_start3A_208 = tpu.memref_slice %arg8[%dma_start3A_205, %dma_start3A_206, %dma_start3A_207] : memref<4x125x64xf32, #tpu.memory_space<vmem>> -> memref<1x125x64xf32, #tpu.memory_space<vmem>>
      %dma_start3A_209 = tpu.memref_squeeze %dma_start3A_208 : memref<1x125x64xf32, #tpu.memory_space<vmem>> -> memref<125x64xf32, #tpu.memory_space<vmem>>
      %dma_start3A_210 = arith.constant 0 : i32
      %dma_start3A_211 = tpu.memref_slice %arg7[%add3A_204, %dma_start3A_210] : memref<160x125xi32, #tpu.memory_space<vmem>> -> memref<1x125xi32, #tpu.memory_space<vmem>>
      %dma_start3A_212 = tpu.memref_squeeze %dma_start3A_211 : memref<1x125xi32, #tpu.memory_space<vmem>> -> memref<125xi32, #tpu.memory_space<vmem>>
      %dma_start3A_213 = arith.constant 0 : i32
      %dma_start3A_214 = arith.constant 0 : i32
      %dma_start3A_215 = tpu.memref_slice %arg9[%dma_start3A_213, %dma_start3A_214] : memref<10000x64xf32, #tpu.memory_space<vmem_shared>> -> memref<10000x64xf32, #tpu.memory_space<vmem_shared>>
      tpu.enqueue_indirect_dma source(%dma_start3A_209 : memref<125x64xf32, #tpu.memory_space<vmem>>) target(%dma_start3A_215 : memref<10000x64xf32, #tpu.memory_space<vmem_shared>>) offsets(%dma_start3A_212 : memref<125xi32, #tpu.memory_space<vmem>>) semaphore(%arg16 : memref<!tpu.dma_semaphore, #tpu.memory_space<semaphore_mem>>) {add = true}
      %add3A_216 = arith.constant 3 : i32
      %add3A_217 = arith.addi %mul3A_126, %add3A_216 : i32
      %dma_wait3A_218 = arith.constant 3 : i32
      %dma_wait3A_219 = arith.constant 0 : i32
      %dma_wait3A_220 = arith.constant 0 : i32
      %dma_wait3A_221 = tpu.memref_slice %arg8[%dma_wait3A_218, %dma_wait3A_219, %dma_wait3A_220] : memref<4x125x64xf32, #tpu.memory_space<vmem>> -> memref<1x125x64xf32, #tpu.memory_space<vmem>>
      %dma_wait3A_222 = tpu.memref_squeeze %dma_wait3A_221 : memref<1x125x64xf32, #tpu.memory_space<vmem>> -> memref<125x64xf32, #tpu.memory_space<vmem>>
      %dma_wait3A_223 = arith.constant 0 : i32
      %dma_wait3A_224 = tpu.memref_slice %arg6[%add3A_217, %dma_wait3A_223] : memref<160x125xi32, #tpu.memory_space<vmem>> -> memref<1x125xi32, #tpu.memory_space<vmem>>
      %dma_wait3A_225 = tpu.memref_squeeze %dma_wait3A_224 : memref<1x125xi32, #tpu.memory_space<vmem>> -> memref<125xi32, #tpu.memory_space<vmem>>
      %dma_wait3A_226 = arith.constant 0 : i32
      %dma_wait3A_227 = arith.constant 0 : i32
      %dma_wait3A_228 = tpu.memref_slice %arg2[%arg0, %dma_wait3A_226, %dma_wait3A_227] : memref<2x10000x64xf32, #tpu.memory_space<hbm>> -> memref<1x10000x64xf32, #tpu.memory_space<hbm>>
      %dma_wait3A_229 = tpu.memref_squeeze %dma_wait3A_228 : memref<1x10000x64xf32, #tpu.memory_space<hbm>> -> memref<10000x64xf32, #tpu.memory_space<hbm>>
      %dma_wait3A_230 = arith.constant 0 : i32
      %dma_wait3A_231 = arith.constant 0 : i32
      %dma_wait3A_232 = tpu.memref_slice %dma_wait3A_229[%dma_wait3A_230, %dma_wait3A_231] : memref<10000x64xf32, #tpu.memory_space<hbm>> -> memref<10000x64xf32, #tpu.memory_space<hbm>>
      tpu.wait_indirect_dma semaphore(%arg13 : memref<!tpu.dma_semaphore, #tpu.memory_space<semaphore_mem>>) src(%dma_wait3A_232 : memref<10000x64xf32, #tpu.memory_space<hbm>>) dst(%dma_wait3A_222 : memref<125x64xf32, #tpu.memory_space<vmem>>)
      %add3A_233 = arith.constant 3 : i32
      %add3A_234 = arith.addi %mul3A_126, %add3A_233 : i32
      %dma_start3A_235 = arith.constant 3 : i32
      %dma_start3A_236 = arith.constant 0 : i32
      %dma_start3A_237 = arith.constant 0 : i32
      %dma_start3A_238 = tpu.memref_slice %arg8[%dma_start3A_235, %dma_start3A_236, %dma_start3A_237] : memref<4x125x64xf32, #tpu.memory_space<vmem>> -> memref<1x125x64xf32, #tpu.memory_space<vmem>>
      %dma_start3A_239 = tpu.memref_squeeze %dma_start3A_238 : memref<1x125x64xf32, #tpu.memory_space<vmem>> -> memref<125x64xf32, #tpu.memory_space<vmem>>
      %dma_start3A_240 = arith.constant 0 : i32
      %dma_start3A_241 = tpu.memref_slice %arg7[%add3A_234, %dma_start3A_240] : memref<160x125xi32, #tpu.memory_space<vmem>> -> memref<1x125xi32, #tpu.memory_space<vmem>>
      %dma_start3A_242 = tpu.memref_squeeze %dma_start3A_241 : memref<1x125xi32, #tpu.memory_space<vmem>> -> memref<125xi32, #tpu.memory_space<vmem>>
      %dma_start3A_243 = arith.constant 0 : i32
      %dma_start3A_244 = arith.constant 0 : i32
      %dma_start3A_245 = tpu.memref_slice %arg9[%dma_start3A_243, %dma_start3A_244] : memref<10000x64xf32, #tpu.memory_space<vmem_shared>> -> memref<10000x64xf32, #tpu.memory_space<vmem_shared>>
      tpu.enqueue_indirect_dma source(%dma_start3A_239 : memref<125x64xf32, #tpu.memory_space<vmem>>) target(%dma_start3A_245 : memref<10000x64xf32, #tpu.memory_space<vmem_shared>>) offsets(%dma_start3A_242 : memref<125xi32, #tpu.memory_space<vmem>>) semaphore(%arg17 : memref<!tpu.dma_semaphore, #tpu.memory_space<semaphore_mem>>) {add = true}
      %add3A_246 = arith.constant 1 : i32
      %add3A_247 = arith.addi %scan3A_124, %add3A_246 : i32
      %lt3A = arith.constant 40 : i32
      %lt3A_248 = arith.cmpi slt, %add3A_247, %lt3A : i32
      %convert_element_type3A_249 = arith.extui %lt3A_248 : i1 to i32
      %cond3A_250 = arith.constant 0 : i32
      %cond3A_251 = arith.cmpi ne, %convert_element_type3A_249, %cond3A_250 : i32
      scf.if %cond3A_251 {
        %add3A_252 = arith.constant 0 : i32
        %add3A_253 = arith.addi %mul3A_126, %add3A_252 : i32
        %dma_wait3A_254 = arith.constant 0 : i32
        %dma_wait3A_255 = arith.constant 0 : i32
        %dma_wait3A_256 = arith.constant 0 : i32
        %dma_wait3A_257 = tpu.memref_slice %arg8[%dma_wait3A_254, %dma_wait3A_255, %dma_wait3A_256] : memref<4x125x64xf32, #tpu.memory_space<vmem>> -> memref<1x125x64xf32, #tpu.memory_space<vmem>>
        %dma_wait3A_258 = tpu.memref_squeeze %dma_wait3A_257 : memref<1x125x64xf32, #tpu.memory_space<vmem>> -> memref<125x64xf32, #tpu.memory_space<vmem>>
        %dma_wait3A_259 = arith.constant 0 : i32
        %dma_wait3A_260 = tpu.memref_slice %arg7[%add3A_253, %dma_wait3A_259] : memref<160x125xi32, #tpu.memory_space<vmem>> -> memref<1x125xi32, #tpu.memory_space<vmem>>
        %dma_wait3A_261 = tpu.memref_squeeze %dma_wait3A_260 : memref<1x125xi32, #tpu.memory_space<vmem>> -> memref<125xi32, #tpu.memory_space<vmem>>
        %dma_wait3A_262 = arith.constant 0 : i32
        %dma_wait3A_263 = arith.constant 0 : i32
        %dma_wait3A_264 = tpu.memref_slice %arg9[%dma_wait3A_262, %dma_wait3A_263] : memref<10000x64xf32, #tpu.memory_space<vmem_shared>> -> memref<10000x64xf32, #tpu.memory_space<vmem_shared>>
        tpu.wait_indirect_dma semaphore(%arg14 : memref<!tpu.dma_semaphore, #tpu.memory_space<semaphore_mem>>) src(%dma_wait3A_258 : memref<125x64xf32, #tpu.memory_space<vmem>>) dst(%dma_wait3A_264 : memref<10000x64xf32, #tpu.memory_space<vmem_shared>>)
        %add3A_265 = arith.constant 4 : i32
        %add3A_266 = arith.addi %mul3A_126, %add3A_265 : i32
        %add3A_267 = arith.constant 0 : i32
        %add3A_268 = arith.addi %add3A_266, %add3A_267 : i32
        %dma_start3A_269 = arith.constant 0 : i32
        %dma_start3A_270 = arith.constant 0 : i32
        %dma_start3A_271 = arith.constant 0 : i32
        %dma_start3A_272 = tpu.memref_slice %arg8[%dma_start3A_269, %dma_start3A_270, %dma_start3A_271] : memref<4x125x64xf32, #tpu.memory_space<vmem>> -> memref<1x125x64xf32, #tpu.memory_space<vmem>>
        %dma_start3A_273 = tpu.memref_squeeze %dma_start3A_272 : memref<1x125x64xf32, #tpu.memory_space<vmem>> -> memref<125x64xf32, #tpu.memory_space<vmem>>
        %dma_start3A_274 = arith.constant 0 : i32
        %dma_start3A_275 = tpu.memref_slice %arg6[%add3A_268, %dma_start3A_274] : memref<160x125xi32, #tpu.memory_space<vmem>> -> memref<1x125xi32, #tpu.memory_space<vmem>>
        %dma_start3A_276 = tpu.memref_squeeze %dma_start3A_275 : memref<1x125xi32, #tpu.memory_space<vmem>> -> memref<125xi32, #tpu.memory_space<vmem>>
        %dma_start3A_277 = arith.constant 0 : i32
        %dma_start3A_278 = arith.constant 0 : i32
        %dma_start3A_279 = tpu.memref_slice %arg2[%arg0, %dma_start3A_277, %dma_start3A_278] : memref<2x10000x64xf32, #tpu.memory_space<hbm>> -> memref<1x10000x64xf32, #tpu.memory_space<hbm>>
        %dma_start3A_280 = tpu.memref_squeeze %dma_start3A_279 : memref<1x10000x64xf32, #tpu.memory_space<hbm>> -> memref<10000x64xf32, #tpu.memory_space<hbm>>
        %dma_start3A_281 = arith.constant 0 : i32
        %dma_start3A_282 = arith.constant 0 : i32
        %dma_start3A_283 = tpu.memref_slice %dma_start3A_280[%dma_start3A_281, %dma_start3A_282] : memref<10000x64xf32, #tpu.memory_space<hbm>> -> memref<10000x64xf32, #tpu.memory_space<hbm>>
        tpu.enqueue_indirect_dma source(%dma_start3A_283 : memref<10000x64xf32, #tpu.memory_space<hbm>>) target(%dma_start3A_273 : memref<125x64xf32, #tpu.memory_space<vmem>>) offsets(%dma_start3A_276 : memref<125xi32, #tpu.memory_space<vmem>>) semaphore(%arg10 : memref<!tpu.dma_semaphore, #tpu.memory_space<semaphore_mem>>)
        %add3A_284 = arith.constant 1 : i32
        %add3A_285 = arith.addi %mul3A_126, %add3A_284 : i32
        %dma_wait3A_286 = arith.constant 1 : i32
        %dma_wait3A_287 = arith.constant 0 : i32
        %dma_wait3A_288 = arith.constant 0 : i32
        %dma_wait3A_289 = tpu.memref_slice %arg8[%dma_wait3A_286, %dma_wait3A_287, %dma_wait3A_288] : memref<4x125x64xf32, #tpu.memory_space<vmem>> -> memref<1x125x64xf32, #tpu.memory_space<vmem>>
        %dma_wait3A_290 = tpu.memref_squeeze %dma_wait3A_289 : memref<1x125x64xf32, #tpu.memory_space<vmem>> -> memref<125x64xf32, #tpu.memory_space<vmem>>
        %dma_wait3A_291 = arith.constant 0 : i32
        %dma_wait3A_292 = tpu.memref_slice %arg7[%add3A_285, %dma_wait3A_291] : memref<160x125xi32, #tpu.memory_space<vmem>> -> memref<1x125xi32, #tpu.memory_space<vmem>>
        %dma_wait3A_293 = tpu.memref_squeeze %dma_wait3A_292 : memref<1x125xi32, #tpu.memory_space<vmem>> -> memref<125xi32, #tpu.memory_space<vmem>>
        %dma_wait3A_294 = arith.constant 0 : i32
        %dma_wait3A_295 = arith.constant 0 : i32
        %dma_wait3A_296 = tpu.memref_slice %arg9[%dma_wait3A_294, %dma_wait3A_295] : memref<10000x64xf32, #tpu.memory_space<vmem_shared>> -> memref<10000x64xf32, #tpu.memory_space<vmem_shared>>
        tpu.wait_indirect_dma semaphore(%arg15 : memref<!tpu.dma_semaphore, #tpu.memory_space<semaphore_mem>>) src(%dma_wait3A_290 : memref<125x64xf32, #tpu.memory_space<vmem>>) dst(%dma_wait3A_296 : memref<10000x64xf32, #tpu.memory_space<vmem_shared>>)
        %add3A_297 = arith.constant 4 : i32
        %add3A_298 = arith.addi %mul3A_126, %add3A_297 : i32
        %add3A_299 = arith.constant 1 : i32
        %add3A_300 = arith.addi %add3A_298, %add3A_299 : i32
        %dma_start3A_301 = arith.constant 1 : i32
        %dma_start3A_302 = arith.constant 0 : i32
        %dma_start3A_303 = arith.constant 0 : i32
        %dma_start3A_304 = tpu.memref_slice %arg8[%dma_start3A_301, %dma_start3A_302, %dma_start3A_303] : memref<4x125x64xf32, #tpu.memory_space<vmem>> -> memref<1x125x64xf32, #tpu.memory_space<vmem>>
        %dma_start3A_305 = tpu.memref_squeeze %dma_start3A_304 : memref<1x125x64xf32, #tpu.memory_space<vmem>> -> memref<125x64xf32, #tpu.memory_space<vmem>>
        %dma_start3A_306 = arith.constant 0 : i32
        %dma_start3A_307 = tpu.memref_slice %arg6[%add3A_300, %dma_start3A_306] : memref<160x125xi32, #tpu.memory_space<vmem>> -> memref<1x125xi32, #tpu.memory_space<vmem>>
        %dma_start3A_308 = tpu.memref_squeeze %dma_start3A_307 : memref<1x125xi32, #tpu.memory_space<vmem>> -> memref<125xi32, #tpu.memory_space<vmem>>
        %dma_start3A_309 = arith.constant 0 : i32
        %dma_start3A_310 = arith.constant 0 : i32
        %dma_start3A_311 = tpu.memref_slice %arg2[%arg0, %dma_start3A_309, %dma_start3A_310] : memref<2x10000x64xf32, #tpu.memory_space<hbm>> -> memref<1x10000x64xf32, #tpu.memory_space<hbm>>
        %dma_start3A_312 = tpu.memref_squeeze %dma_start3A_311 : memref<1x10000x64xf32, #tpu.memory_space<hbm>> -> memref<10000x64xf32, #tpu.memory_space<hbm>>
        %dma_start3A_313 = arith.constant 0 : i32
        %dma_start3A_314 = arith.constant 0 : i32
        %dma_start3A_315 = tpu.memref_slice %dma_start3A_312[%dma_start3A_313, %dma_start3A_314] : memref<10000x64xf32, #tpu.memory_space<hbm>> -> memref<10000x64xf32, #tpu.memory_space<hbm>>
        tpu.enqueue_indirect_dma source(%dma_start3A_315 : memref<10000x64xf32, #tpu.memory_space<hbm>>) target(%dma_start3A_305 : memref<125x64xf32, #tpu.memory_space<vmem>>) offsets(%dma_start3A_308 : memref<125xi32, #tpu.memory_space<vmem>>) semaphore(%arg11 : memref<!tpu.dma_semaphore, #tpu.memory_space<semaphore_mem>>)
        %add3A_316 = arith.constant 2 : i32
        %add3A_317 = arith.addi %mul3A_126, %add3A_316 : i32
        %dma_wait3A_318 = arith.constant 2 : i32
        %dma_wait3A_319 = arith.constant 0 : i32
        %dma_wait3A_320 = arith.constant 0 : i32
        %dma_wait3A_321 = tpu.memref_slice %arg8[%dma_wait3A_318, %dma_wait3A_319, %dma_wait3A_320] : memref<4x125x64xf32, #tpu.memory_space<vmem>> -> memref<1x125x64xf32, #tpu.memory_space<vmem>>
        %dma_wait3A_322 = tpu.memref_squeeze %dma_wait3A_321 : memref<1x125x64xf32, #tpu.memory_space<vmem>> -> memref<125x64xf32, #tpu.memory_space<vmem>>
        %dma_wait3A_323 = arith.constant 0 : i32
        %dma_wait3A_324 = tpu.memref_slice %arg7[%add3A_317, %dma_wait3A_323] : memref<160x125xi32, #tpu.memory_space<vmem>> -> memref<1x125xi32, #tpu.memory_space<vmem>>
        %dma_wait3A_325 = tpu.memref_squeeze %dma_wait3A_324 : memref<1x125xi32, #tpu.memory_space<vmem>> -> memref<125xi32, #tpu.memory_space<vmem>>
        %dma_wait3A_326 = arith.constant 0 : i32
        %dma_wait3A_327 = arith.constant 0 : i32
        %dma_wait3A_328 = tpu.memref_slice %arg9[%dma_wait3A_326, %dma_wait3A_327] : memref<10000x64xf32, #tpu.memory_space<vmem_shared>> -> memref<10000x64xf32, #tpu.memory_space<vmem_shared>>
        tpu.wait_indirect_dma semaphore(%arg16 : memref<!tpu.dma_semaphore, #tpu.memory_space<semaphore_mem>>) src(%dma_wait3A_322 : memref<125x64xf32, #tpu.memory_space<vmem>>) dst(%dma_wait3A_328 : memref<10000x64xf32, #tpu.memory_space<vmem_shared>>)
        %add3A_329 = arith.constant 4 : i32
        %add3A_330 = arith.addi %mul3A_126, %add3A_329 : i32
        %add3A_331 = arith.constant 2 : i32
        %add3A_332 = arith.addi %add3A_330, %add3A_331 : i32
        %dma_start3A_333 = arith.constant 2 : i32
        %dma_start3A_334 = arith.constant 0 : i32
        %dma_start3A_335 = arith.constant 0 : i32
        %dma_start3A_336 = tpu.memref_slice %arg8[%dma_start3A_333, %dma_start3A_334, %dma_start3A_335] : memref<4x125x64xf32, #tpu.memory_space<vmem>> -> memref<1x125x64xf32, #tpu.memory_space<vmem>>
        %dma_start3A_337 = tpu.memref_squeeze %dma_start3A_336 : memref<1x125x64xf32, #tpu.memory_space<vmem>> -> memref<125x64xf32, #tpu.memory_space<vmem>>
        %dma_start3A_338 = arith.constant 0 : i32
        %dma_start3A_339 = tpu.memref_slice %arg6[%add3A_332, %dma_start3A_338] : memref<160x125xi32, #tpu.memory_space<vmem>> -> memref<1x125xi32, #tpu.memory_space<vmem>>
        %dma_start3A_340 = tpu.memref_squeeze %dma_start3A_339 : memref<1x125xi32, #tpu.memory_space<vmem>> -> memref<125xi32, #tpu.memory_space<vmem>>
        %dma_start3A_341 = arith.constant 0 : i32
        %dma_start3A_342 = arith.constant 0 : i32
        %dma_start3A_343 = tpu.memref_slice %arg2[%arg0, %dma_start3A_341, %dma_start3A_342] : memref<2x10000x64xf32, #tpu.memory_space<hbm>> -> memref<1x10000x64xf32, #tpu.memory_space<hbm>>
        %dma_start3A_344 = tpu.memref_squeeze %dma_start3A_343 : memref<1x10000x64xf32, #tpu.memory_space<hbm>> -> memref<10000x64xf32, #tpu.memory_space<hbm>>
        %dma_start3A_345 = arith.constant 0 : i32
        %dma_start3A_346 = arith.constant 0 : i32
        %dma_start3A_347 = tpu.memref_slice %dma_start3A_344[%dma_start3A_345, %dma_start3A_346] : memref<10000x64xf32, #tpu.memory_space<hbm>> -> memref<10000x64xf32, #tpu.memory_space<hbm>>
        tpu.enqueue_indirect_dma source(%dma_start3A_347 : memref<10000x64xf32, #tpu.memory_space<hbm>>) target(%dma_start3A_337 : memref<125x64xf32, #tpu.memory_space<vmem>>) offsets(%dma_start3A_340 : memref<125xi32, #tpu.memory_space<vmem>>) semaphore(%arg12 : memref<!tpu.dma_semaphore, #tpu.memory_space<semaphore_mem>>)
        %add3A_348 = arith.constant 3 : i32
        %add3A_349 = arith.addi %mul3A_126, %add3A_348 : i32
        %dma_wait3A_350 = arith.constant 3 : i32
        %dma_wait3A_351 = arith.constant 0 : i32
        %dma_wait3A_352 = arith.constant 0 : i32
        %dma_wait3A_353 = tpu.memref_slice %arg8[%dma_wait3A_350, %dma_wait3A_351, %dma_wait3A_352] : memref<4x125x64xf32, #tpu.memory_space<vmem>> -> memref<1x125x64xf32, #tpu.memory_space<vmem>>
        %dma_wait3A_354 = tpu.memref_squeeze %dma_wait3A_353 : memref<1x125x64xf32, #tpu.memory_space<vmem>> -> memref<125x64xf32, #tpu.memory_space<vmem>>
        %dma_wait3A_355 = arith.constant 0 : i32
        %dma_wait3A_356 = tpu.memref_slice %arg7[%add3A_349, %dma_wait3A_355] : memref<160x125xi32, #tpu.memory_space<vmem>> -> memref<1x125xi32, #tpu.memory_space<vmem>>
        %dma_wait3A_357 = tpu.memref_squeeze %dma_wait3A_356 : memref<1x125xi32, #tpu.memory_space<vmem>> -> memref<125xi32, #tpu.memory_space<vmem>>
        %dma_wait3A_358 = arith.constant 0 : i32
        %dma_wait3A_359 = arith.constant 0 : i32
        %dma_wait3A_360 = tpu.memref_slice %arg9[%dma_wait3A_358, %dma_wait3A_359] : memref<10000x64xf32, #tpu.memory_space<vmem_shared>> -> memref<10000x64xf32, #tpu.memory_space<vmem_shared>>
        tpu.wait_indirect_dma semaphore(%arg17 : memref<!tpu.dma_semaphore, #tpu.memory_space<semaphore_mem>>) src(%dma_wait3A_354 : memref<125x64xf32, #tpu.memory_space<vmem>>) dst(%dma_wait3A_360 : memref<10000x64xf32, #tpu.memory_space<vmem_shared>>)
        %add3A_361 = arith.constant 4 : i32
        %add3A_362 = arith.addi %mul3A_126, %add3A_361 : i32
        %add3A_363 = arith.constant 3 : i32
        %add3A_364 = arith.addi %add3A_362, %add3A_363 : i32
        %dma_start3A_365 = arith.constant 3 : i32
        %dma_start3A_366 = arith.constant 0 : i32
        %dma_start3A_367 = arith.constant 0 : i32
        %dma_start3A_368 = tpu.memref_slice %arg8[%dma_start3A_365, %dma_start3A_366, %dma_start3A_367] : memref<4x125x64xf32, #tpu.memory_space<vmem>> -> memref<1x125x64xf32, #tpu.memory_space<vmem>>
        %dma_start3A_369 = tpu.memref_squeeze %dma_start3A_368 : memref<1x125x64xf32, #tpu.memory_space<vmem>> -> memref<125x64xf32, #tpu.memory_space<vmem>>
        %dma_start3A_370 = arith.constant 0 : i32
        %dma_start3A_371 = tpu.memref_slice %arg6[%add3A_364, %dma_start3A_370] : memref<160x125xi32, #tpu.memory_space<vmem>> -> memref<1x125xi32, #tpu.memory_space<vmem>>
        %dma_start3A_372 = tpu.memref_squeeze %dma_start3A_371 : memref<1x125xi32, #tpu.memory_space<vmem>> -> memref<125xi32, #tpu.memory_space<vmem>>
        %dma_start3A_373 = arith.constant 0 : i32
        %dma_start3A_374 = arith.constant 0 : i32
        %dma_start3A_375 = tpu.memref_slice %arg2[%arg0, %dma_start3A_373, %dma_start3A_374] : memref<2x10000x64xf32, #tpu.memory_space<hbm>> -> memref<1x10000x64xf32, #tpu.memory_space<hbm>>
        %dma_start3A_376 = tpu.memref_squeeze %dma_start3A_375 : memref<1x10000x64xf32, #tpu.memory_space<hbm>> -> memref<10000x64xf32, #tpu.memory_space<hbm>>
        %dma_start3A_377 = arith.constant 0 : i32
        %dma_start3A_378 = arith.constant 0 : i32
        %dma_start3A_379 = tpu.memref_slice %dma_start3A_376[%dma_start3A_377, %dma_start3A_378] : memref<10000x64xf32, #tpu.memory_space<hbm>> -> memref<10000x64xf32, #tpu.memory_space<hbm>>
        tpu.enqueue_indirect_dma source(%dma_start3A_379 : memref<10000x64xf32, #tpu.memory_space<hbm>>) target(%dma_start3A_369 : memref<125x64xf32, #tpu.memory_space<vmem>>) offsets(%dma_start3A_372 : memref<125xi32, #tpu.memory_space<vmem>>) semaphore(%arg13 : memref<!tpu.dma_semaphore, #tpu.memory_space<semaphore_mem>>)
      } else {
      }
    }
    %scan3A_70 = arith.constant 40 : i32
    %dma_wait3A = arith.constant 0 : i32
    %dma_wait3A_71 = arith.constant 156 : i32
    %dma_wait3A_72 = arith.constant 0 : i32
    %dma_wait3A_73 = arith.constant 0 : i32
    %dma_wait3A_74 = tpu.memref_slice %arg8[%dma_wait3A, %dma_wait3A_72, %dma_wait3A_73] : memref<4x125x64xf32, #tpu.memory_space<vmem>> -> memref<1x125x64xf32, #tpu.memory_space<vmem>>
    %dma_wait3A_75 = tpu.memref_squeeze %dma_wait3A_74 : memref<1x125x64xf32, #tpu.memory_space<vmem>> -> memref<125x64xf32, #tpu.memory_space<vmem>>
    %dma_wait3A_76 = arith.constant 0 : i32
    %dma_wait3A_77 = tpu.memref_slice %arg7[%dma_wait3A_71, %dma_wait3A_76] : memref<160x125xi32, #tpu.memory_space<vmem>> -> memref<1x125xi32, #tpu.memory_space<vmem>>
    %dma_wait3A_78 = tpu.memref_squeeze %dma_wait3A_77 : memref<1x125xi32, #tpu.memory_space<vmem>> -> memref<125xi32, #tpu.memory_space<vmem>>
    %dma_wait3A_79 = arith.constant 0 : i32
    %dma_wait3A_80 = arith.constant 0 : i32
    %dma_wait3A_81 = tpu.memref_slice %arg9[%dma_wait3A_79, %dma_wait3A_80] : memref<10000x64xf32, #tpu.memory_space<vmem_shared>> -> memref<10000x64xf32, #tpu.memory_space<vmem_shared>>
    tpu.wait_indirect_dma semaphore(%arg14 : memref<!tpu.dma_semaphore, #tpu.memory_space<semaphore_mem>>) src(%dma_wait3A_75 : memref<125x64xf32, #tpu.memory_space<vmem>>) dst(%dma_wait3A_81 : memref<10000x64xf32, #tpu.memory_space<vmem_shared>>)
    %dma_wait3A_82 = arith.constant 1 : i32
    %dma_wait3A_83 = arith.constant 157 : i32
    %dma_wait3A_84 = arith.constant 0 : i32
    %dma_wait3A_85 = arith.constant 0 : i32
    %dma_wait3A_86 = tpu.memref_slice %arg8[%dma_wait3A_82, %dma_wait3A_84, %dma_wait3A_85] : memref<4x125x64xf32, #tpu.memory_space<vmem>> -> memref<1x125x64xf32, #tpu.memory_space<vmem>>
    %dma_wait3A_87 = tpu.memref_squeeze %dma_wait3A_86 : memref<1x125x64xf32, #tpu.memory_space<vmem>> -> memref<125x64xf32, #tpu.memory_space<vmem>>
    %dma_wait3A_88 = arith.constant 0 : i32
    %dma_wait3A_89 = tpu.memref_slice %arg7[%dma_wait3A_83, %dma_wait3A_88] : memref<160x125xi32, #tpu.memory_space<vmem>> -> memref<1x125xi32, #tpu.memory_space<vmem>>
    %dma_wait3A_90 = tpu.memref_squeeze %dma_wait3A_89 : memref<1x125xi32, #tpu.memory_space<vmem>> -> memref<125xi32, #tpu.memory_space<vmem>>
    %dma_wait3A_91 = arith.constant 0 : i32
    %dma_wait3A_92 = arith.constant 0 : i32
    %dma_wait3A_93 = tpu.memref_slice %arg9[%dma_wait3A_91, %dma_wait3A_92] : memref<10000x64xf32, #tpu.memory_space<vmem_shared>> -> memref<10000x64xf32, #tpu.memory_space<vmem_shared>>
    tpu.wait_indirect_dma semaphore(%arg15 : memref<!tpu.dma_semaphore, #tpu.memory_space<semaphore_mem>>) src(%dma_wait3A_87 : memref<125x64xf32, #tpu.memory_space<vmem>>) dst(%dma_wait3A_93 : memref<10000x64xf32, #tpu.memory_space<vmem_shared>>)
    %dma_wait3A_94 = arith.constant 2 : i32
    %dma_wait3A_95 = arith.constant 158 : i32
    %dma_wait3A_96 = arith.constant 0 : i32
    %dma_wait3A_97 = arith.constant 0 : i32
    %dma_wait3A_98 = tpu.memref_slice %arg8[%dma_wait3A_94, %dma_wait3A_96, %dma_wait3A_97] : memref<4x125x64xf32, #tpu.memory_space<vmem>> -> memref<1x125x64xf32, #tpu.memory_space<vmem>>
    %dma_wait3A_99 = tpu.memref_squeeze %dma_wait3A_98 : memref<1x125x64xf32, #tpu.memory_space<vmem>> -> memref<125x64xf32, #tpu.memory_space<vmem>>
    %dma_wait3A_100 = arith.constant 0 : i32
    %dma_wait3A_101 = tpu.memref_slice %arg7[%dma_wait3A_95, %dma_wait3A_100] : memref<160x125xi32, #tpu.memory_space<vmem>> -> memref<1x125xi32, #tpu.memory_space<vmem>>
    %dma_wait3A_102 = tpu.memref_squeeze %dma_wait3A_101 : memref<1x125xi32, #tpu.memory_space<vmem>> -> memref<125xi32, #tpu.memory_space<vmem>>
    %dma_wait3A_103 = arith.constant 0 : i32
    %dma_wait3A_104 = arith.constant 0 : i32
    %dma_wait3A_105 = tpu.memref_slice %arg9[%dma_wait3A_103, %dma_wait3A_104] : memref<10000x64xf32, #tpu.memory_space<vmem_shared>> -> memref<10000x64xf32, #tpu.memory_space<vmem_shared>>
    tpu.wait_indirect_dma semaphore(%arg16 : memref<!tpu.dma_semaphore, #tpu.memory_space<semaphore_mem>>) src(%dma_wait3A_99 : memref<125x64xf32, #tpu.memory_space<vmem>>) dst(%dma_wait3A_105 : memref<10000x64xf32, #tpu.memory_space<vmem_shared>>)
    %dma_wait3A_106 = arith.constant 3 : i32
    %dma_wait3A_107 = arith.constant 159 : i32
    %dma_wait3A_108 = arith.constant 0 : i32
    %dma_wait3A_109 = arith.constant 0 : i32
    %dma_wait3A_110 = tpu.memref_slice %arg8[%dma_wait3A_106, %dma_wait3A_108, %dma_wait3A_109] : memref<4x125x64xf32, #tpu.memory_space<vmem>> -> memref<1x125x64xf32, #tpu.memory_space<vmem>>
    %dma_wait3A_111 = tpu.memref_squeeze %dma_wait3A_110 : memref<1x125x64xf32, #tpu.memory_space<vmem>> -> memref<125x64xf32, #tpu.memory_space<vmem>>
    %dma_wait3A_112 = arith.constant 0 : i32
    %dma_wait3A_113 = tpu.memref_slice %arg7[%dma_wait3A_107, %dma_wait3A_112] : memref<160x125xi32, #tpu.memory_space<vmem>> -> memref<1x125xi32, #tpu.memory_space<vmem>>
    %dma_wait3A_114 = tpu.memref_squeeze %dma_wait3A_113 : memref<1x125xi32, #tpu.memory_space<vmem>> -> memref<125xi32, #tpu.memory_space<vmem>>
    %dma_wait3A_115 = arith.constant 0 : i32
    %dma_wait3A_116 = arith.constant 0 : i32
    %dma_wait3A_117 = tpu.memref_slice %arg9[%dma_wait3A_115, %dma_wait3A_116] : memref<10000x64xf32, #tpu.memory_space<vmem_shared>> -> memref<10000x64xf32, #tpu.memory_space<vmem_shared>>
    tpu.wait_indirect_dma semaphore(%arg17 : memref<!tpu.dma_semaphore, #tpu.memory_space<semaphore_mem>>) src(%dma_wait3A_111 : memref<125x64xf32, #tpu.memory_space<vmem>>) dst(%dma_wait3A_117 : memref<10000x64xf32, #tpu.memory_space<vmem_shared>>)
    %barrier3A_118 = arith.constant 0 : index
    tpu.barrier barrier_id(%barrier3A_118)
    "tpu.region"() ({
      %run_scoped3A = tpu.sem_alloc : memref<!tpu.dma_semaphore, #tpu.memory_space<semaphore_mem>>
      %dma_start3A_124 = arith.constant 0 : i32
      %dma_start3A_125 = tpu.memref_slice %arg5[%arg0, %mul3A_0, %dma_start3A_124] : memref<2x10000x64xf32, #tpu.memory_space<hbm>> -> memref<1x624x64xf32, #tpu.memory_space<hbm>>
      %dma_start3A_126 = tpu.memref_squeeze %dma_start3A_125 : memref<1x624x64xf32, #tpu.memory_space<hbm>> -> memref<624x64xf32, #tpu.memory_space<hbm>>
      %dma_start3A_127 = arith.constant 0 : i32
      %dma_start3A_128 = tpu.memref_slice %arg9[%mul3A_0, %dma_start3A_127] : memref<10000x64xf32, #tpu.memory_space<vmem_shared>> -> memref<624x64xf32, #tpu.memory_space<vmem_shared>>
      tpu.enqueue_dma source(%dma_start3A_128 : memref<624x64xf32, #tpu.memory_space<vmem_shared>>) target(%dma_start3A_126 : memref<624x64xf32, #tpu.memory_space<hbm>>) target_semaphore(%run_scoped3A : memref<!tpu.dma_semaphore, #tpu.memory_space<semaphore_mem>>)
      %dma_wait3A_129 = arith.constant 0 : i32
      %dma_wait3A_130 = tpu.memref_slice %arg5[%arg0, %mul3A_0, %dma_wait3A_129] : memref<2x10000x64xf32, #tpu.memory_space<hbm>> -> memref<1x624x64xf32, #tpu.memory_space<hbm>>
      %dma_wait3A_131 = tpu.memref_squeeze %dma_wait3A_130 : memref<1x624x64xf32, #tpu.memory_space<hbm>> -> memref<624x64xf32, #tpu.memory_space<hbm>>
      %dma_wait3A_132 = arith.constant 0 : i32
      %dma_wait3A_133 = tpu.memref_slice %arg9[%mul3A_0, %dma_wait3A_132] : memref<10000x64xf32, #tpu.memory_space<vmem_shared>> -> memref<624x64xf32, #tpu.memory_space<vmem_shared>>
      tpu.wait_dma2 semaphore(%run_scoped3A : memref<!tpu.dma_semaphore, #tpu.memory_space<semaphore_mem>>) src(%dma_wait3A_133 : memref<624x64xf32, #tpu.memory_space<vmem_shared>>) dst(%dma_wait3A_131 : memref<624x64xf32, #tpu.memory_space<hbm>>)
      tpu.yield
    }) : () -> ()
    %eq3A_119 = arith.constant 0 : i32
    %eq3A_120 = arith.cmpi eq, %arg1, %eq3A_119 : i32
    %convert_element_type3A_121 = arith.extui %eq3A_120 : i1 to i32
    %cond3A_122 = arith.constant 0 : i32
    %cond3A_123 = arith.cmpi ne, %convert_element_type3A_121, %cond3A_122 : i32
    scf.if %cond3A_123 {
      "tpu.region"() ({
        %run_scoped3A = tpu.sem_alloc : memref<!tpu.dma_semaphore, #tpu.memory_space<semaphore_mem>>
        %dma_start3A_124 = arith.constant 9984 : i32
        %dma_start3A_125 = arith.constant 0 : i32
        %dma_start3A_126 = tpu.memref_slice %arg5[%arg0, %dma_start3A_124, %dma_start3A_125] : memref<2x10000x64xf32, #tpu.memory_space<hbm>> -> memref<1x16x64xf32, #tpu.memory_space<hbm>>
        %dma_start3A_127 = tpu.memref_squeeze %dma_start3A_126 : memref<1x16x64xf32, #tpu.memory_space<hbm>> -> memref<16x64xf32, #tpu.memory_space<hbm>>
        %dma_start3A_128 = arith.constant 9984 : i32
        %dma_start3A_129 = arith.constant 0 : i32
        %dma_start3A_130 = tpu.memref_slice %arg9[%dma_start3A_128, %dma_start3A_129] : memref<10000x64xf32, #tpu.memory_space<vmem_shared>> -> memref<16x64xf32, #tpu.memory_space<vmem_shared>>
        tpu.enqueue_dma source(%dma_start3A_130 : memref<16x64xf32, #tpu.memory_space<vmem_shared>>) target(%dma_start3A_127 : memref<16x64xf32, #tpu.memory_space<hbm>>) target_semaphore(%run_scoped3A : memref<!tpu.dma_semaphore, #tpu.memory_space<semaphore_mem>>)
        %dma_wait3A_131 = arith.constant 9984 : i32
        %dma_wait3A_132 = arith.constant 0 : i32
        %dma_wait3A_133 = tpu.memref_slice %arg5[%arg0, %dma_wait3A_131, %dma_wait3A_132] : memref<2x10000x64xf32, #tpu.memory_space<hbm>> -> memref<1x16x64xf32, #tpu.memory_space<hbm>>
        %dma_wait3A_134 = tpu.memref_squeeze %dma_wait3A_133 : memref<1x16x64xf32, #tpu.memory_space<hbm>> -> memref<16x64xf32, #tpu.memory_space<hbm>>
        %dma_wait3A_135 = arith.constant 9984 : i32
        %dma_wait3A_136 = arith.constant 0 : i32
        %dma_wait3A_137 = tpu.memref_slice %arg9[%dma_wait3A_135, %dma_wait3A_136] : memref<10000x64xf32, #tpu.memory_space<vmem_shared>> -> memref<16x64xf32, #tpu.memory_space<vmem_shared>>
        tpu.wait_dma2 semaphore(%run_scoped3A : memref<!tpu.dma_semaphore, #tpu.memory_space<semaphore_mem>>) src(%dma_wait3A_137 : memref<16x64xf32, #tpu.memory_space<vmem_shared>>) dst(%dma_wait3A_134 : memref<16x64xf32, #tpu.memory_space<hbm>>)
        tpu.yield
      }) : () -> ()
    } else {
    }
    return
  }
}

#map = affine_map<(d0, d1) -> (0, 0, 0)>
module attributes {stable_mosaic.version = 14 : i64} {
  func.func @agg(%arg0: i32, %arg1: i32, %arg2: memref<2x10000x64xf32, #tpu.memory_space<hbm>>, %arg3: memref<16x160x125xi32, #tpu.memory_space<hbm>>, %arg4: memref<16x160x125xi32, #tpu.memory_space<hbm>>, %arg5: memref<2x10000x64xf32, #tpu.memory_space<hbm>>, %arg6: memref<160x125xi32, #tpu.memory_space<vmem>>, %arg7: memref<160x125xi32, #tpu.memory_space<vmem>>, %arg8: memref<4x125x64xf32, #tpu.memory_space<vmem>>, %arg9: memref<10000x64xf32, #tpu.memory_space<vmem_shared>>, %arg10: memref<!tpu.dma_semaphore, #tpu.memory_space<semaphore_mem>>, %arg11: memref<!tpu.dma_semaphore, #tpu.memory_space<semaphore_mem>>, %arg12: memref<!tpu.dma_semaphore, #tpu.memory_space<semaphore_mem>>, %arg13: memref<!tpu.dma_semaphore, #tpu.memory_space<semaphore_mem>>, %arg14: memref<!tpu.dma_semaphore, #tpu.memory_space<semaphore_mem>>, %arg15: memref<!tpu.dma_semaphore, #tpu.memory_space<semaphore_mem>>, %arg16: memref<!tpu.dma_semaphore, #tpu.memory_space<semaphore_mem>>, %arg17: memref<!tpu.dma_semaphore, #tpu.memory_space<semaphore_mem>>) attributes {dimension_semantics = [#tpu.dimension_semantics<core_parallel>, #tpu.dimension_semantics<subcore_parallel>], iteration_bounds = array<i64: 2, 16>, scalar_prefetch = 0 : i64, scratch_operands = 12 : i64, tpu.core_type = #tpu.core_type<sc_vector_subcore>, window_params = [{transform_indices = #map}, {transform_indices = #map}, {transform_indices = #map}, {transform_indices = #map}]} {
    "tpu.region"() ({
      %run_scoped3A = tpu.sem_alloc : memref<!tpu.dma_semaphore, #tpu.memory_space<semaphore_mem>>
      %dma_start3A_124 = arith.constant 0 : i32
      %dma_start3A_125 = arith.constant 0 : i32
      %dma_start3A_126 = tpu.memref_slice %arg3[%arg1, %dma_start3A_124, %dma_start3A_125] : memref<16x160x125xi32, #tpu.memory_space<hbm>> -> memref<1x160x125xi32, #tpu.memory_space<hbm>>
      %dma_start3A_127 = tpu.memref_squeeze %dma_start3A_126 : memref<1x160x125xi32, #tpu.memory_space<hbm>> -> memref<160x125xi32, #tpu.memory_space<hbm>>
      %dma_start3A_128 = arith.constant 0 : i32
      %dma_start3A_129 = arith.constant 0 : i32
      %dma_start3A_130 = tpu.memref_slice %arg3[%arg1, %dma_start3A_128, %dma_start3A_129] : memref<16x160x125xi32, #tpu.memory_space<hbm>> -> memref<1x160x125xi32, #tpu.memory_space<hbm>>
      %dma_start3A_131 = tpu.memref_squeeze %dma_start3A_130 : memref<1x160x125xi32, #tpu.memory_space<hbm>> -> memref<160x125xi32, #tpu.memory_space<hbm>>
      tpu.enqueue_dma source(%dma_start3A_131 : memref<160x125xi32, #tpu.memory_space<hbm>>) target(%arg6 : memref<160x125xi32, #tpu.memory_space<vmem>>) target_semaphore(%run_scoped3A : memref<!tpu.dma_semaphore, #tpu.memory_space<semaphore_mem>>)
      %dma_wait3A_132 = arith.constant 0 : i32
      %dma_wait3A_133 = arith.constant 0 : i32
      %dma_wait3A_134 = tpu.memref_slice %arg3[%arg1, %dma_wait3A_132, %dma_wait3A_133] : memref<16x160x125xi32, #tpu.memory_space<hbm>> -> memref<1x160x125xi32, #tpu.memory_space<hbm>>
      %dma_wait3A_135 = tpu.memref_squeeze %dma_wait3A_134 : memref<1x160x125xi32, #tpu.memory_space<hbm>> -> memref<160x125xi32, #tpu.memory_space<hbm>>
      %dma_wait3A_136 = arith.constant 0 : i32
      %dma_wait3A_137 = arith.constant 0 : i32
      %dma_wait3A_138 = tpu.memref_slice %arg3[%arg1, %dma_wait3A_136, %dma_wait3A_137] : memref<16x160x125xi32, #tpu.memory_space<hbm>> -> memref<1x160x125xi32, #tpu.memory_space<hbm>>
      %dma_wait3A_139 = tpu.memref_squeeze %dma_wait3A_138 : memref<1x160x125xi32, #tpu.memory_space<hbm>> -> memref<160x125xi32, #tpu.memory_space<hbm>>
      tpu.wait_dma2 semaphore(%run_scoped3A : memref<!tpu.dma_semaphore, #tpu.memory_space<semaphore_mem>>) src(%dma_wait3A_139 : memref<160x125xi32, #tpu.memory_space<hbm>>) dst(%arg6 : memref<160x125xi32, #tpu.memory_space<vmem>>)
      tpu.yield
    }) : () -> ()
    "tpu.region"() ({
      %run_scoped3A = tpu.sem_alloc : memref<!tpu.dma_semaphore, #tpu.memory_space<semaphore_mem>>
      %dma_start3A_124 = arith.constant 0 : i32
      %dma_start3A_125 = arith.constant 0 : i32
      %dma_start3A_126 = tpu.memref_slice %arg4[%arg1, %dma_start3A_124, %dma_start3A_125] : memref<16x160x125xi32, #tpu.memory_space<hbm>> -> memref<1x160x125xi32, #tpu.memory_space<hbm>>
      %dma_start3A_127 = tpu.memref_squeeze %dma_start3A_126 : memref<1x160x125xi32, #tpu.memory_space<hbm>> -> memref<160x125xi32, #tpu.memory_space<hbm>>
      %dma_start3A_128 = arith.constant 0 : i32
      %dma_start3A_129 = arith.constant 0 : i32
      %dma_start3A_130 = tpu.memref_slice %arg4[%arg1, %dma_start3A_128, %dma_start3A_129] : memref<16x160x125xi32, #tpu.memory_space<hbm>> -> memref<1x160x125xi32, #tpu.memory_space<hbm>>
      %dma_start3A_131 = tpu.memref_squeeze %dma_start3A_130 : memref<1x160x125xi32, #tpu.memory_space<hbm>> -> memref<160x125xi32, #tpu.memory_space<hbm>>
      tpu.enqueue_dma source(%dma_start3A_131 : memref<160x125xi32, #tpu.memory_space<hbm>>) target(%arg7 : memref<160x125xi32, #tpu.memory_space<vmem>>) target_semaphore(%run_scoped3A : memref<!tpu.dma_semaphore, #tpu.memory_space<semaphore_mem>>)
      %dma_wait3A_132 = arith.constant 0 : i32
      %dma_wait3A_133 = arith.constant 0 : i32
      %dma_wait3A_134 = tpu.memref_slice %arg4[%arg1, %dma_wait3A_132, %dma_wait3A_133] : memref<16x160x125xi32, #tpu.memory_space<hbm>> -> memref<1x160x125xi32, #tpu.memory_space<hbm>>
      %dma_wait3A_135 = tpu.memref_squeeze %dma_wait3A_134 : memref<1x160x125xi32, #tpu.memory_space<hbm>> -> memref<160x125xi32, #tpu.memory_space<hbm>>
      %dma_wait3A_136 = arith.constant 0 : i32
      %dma_wait3A_137 = arith.constant 0 : i32
      %dma_wait3A_138 = tpu.memref_slice %arg4[%arg1, %dma_wait3A_136, %dma_wait3A_137] : memref<16x160x125xi32, #tpu.memory_space<hbm>> -> memref<1x160x125xi32, #tpu.memory_space<hbm>>
      %dma_wait3A_139 = tpu.memref_squeeze %dma_wait3A_138 : memref<1x160x125xi32, #tpu.memory_space<hbm>> -> memref<160x125xi32, #tpu.memory_space<hbm>>
      tpu.wait_dma2 semaphore(%run_scoped3A : memref<!tpu.dma_semaphore, #tpu.memory_space<semaphore_mem>>) src(%dma_wait3A_139 : memref<160x125xi32, #tpu.memory_space<hbm>>) dst(%arg7 : memref<160x125xi32, #tpu.memory_space<vmem>>)
      tpu.yield
    }) : () -> ()
    %mul3A = arith.constant 624 : i32
    %mul3A_0 = arith.muli %arg1, %mul3A : i32
    "tpu.region"() ({
      %run_scoped3A = tpu.sem_alloc : memref<!tpu.dma_semaphore, #tpu.memory_space<semaphore_mem>>
      %dma_start3A_124 = arith.constant 0 : i32
      %dma_start3A_125 = tpu.memref_slice %arg9[%mul3A_0, %dma_start3A_124] : memref<10000x64xf32, #tpu.memory_space<vmem_shared>> -> memref<624x64xf32, #tpu.memory_space<vmem_shared>>
      %dma_start3A_126 = arith.constant 0 : i32
      %dma_start3A_127 = arith.constant 0 : i32
      %dma_start3A_128 = tpu.memref_slice %arg2[%arg0, %dma_start3A_126, %dma_start3A_127] : memref<2x10000x64xf32, #tpu.memory_space<hbm>> -> memref<1x10000x64xf32, #tpu.memory_space<hbm>>
      %dma_start3A_129 = tpu.memref_squeeze %dma_start3A_128 : memref<1x10000x64xf32, #tpu.memory_space<hbm>> -> memref<10000x64xf32, #tpu.memory_space<hbm>>
      %dma_start3A_130 = arith.constant 0 : i32
      %dma_start3A_131 = tpu.memref_slice %dma_start3A_129[%mul3A_0, %dma_start3A_130] : memref<10000x64xf32, #tpu.memory_space<hbm>> -> memref<624x64xf32, #tpu.memory_space<hbm>>
      tpu.enqueue_dma source(%dma_start3A_131 : memref<624x64xf32, #tpu.memory_space<hbm>>) target(%dma_start3A_125 : memref<624x64xf32, #tpu.memory_space<vmem_shared>>) target_semaphore(%run_scoped3A : memref<!tpu.dma_semaphore, #tpu.memory_space<semaphore_mem>>)
      %dma_wait3A_132 = arith.constant 0 : i32
      %dma_wait3A_133 = tpu.memref_slice %arg9[%mul3A_0, %dma_wait3A_132] : memref<10000x64xf32, #tpu.memory_space<vmem_shared>> -> memref<624x64xf32, #tpu.memory_space<vmem_shared>>
      %dma_wait3A_134 = arith.constant 0 : i32
      %dma_wait3A_135 = arith.constant 0 : i32
      %dma_wait3A_136 = tpu.memref_slice %arg2[%arg0, %dma_wait3A_134, %dma_wait3A_135] : memref<2x10000x64xf32, #tpu.memory_space<hbm>> -> memref<1x10000x64xf32, #tpu.memory_space<hbm>>
      %dma_wait3A_137 = tpu.memref_squeeze %dma_wait3A_136 : memref<1x10000x64xf32, #tpu.memory_space<hbm>> -> memref<10000x64xf32, #tpu.memory_space<hbm>>
      %dma_wait3A_138 = arith.constant 0 : i32
      %dma_wait3A_139 = tpu.memref_slice %dma_wait3A_137[%mul3A_0, %dma_wait3A_138] : memref<10000x64xf32, #tpu.memory_space<hbm>> -> memref<624x64xf32, #tpu.memory_space<hbm>>
      tpu.wait_dma2 semaphore(%run_scoped3A : memref<!tpu.dma_semaphore, #tpu.memory_space<semaphore_mem>>) src(%dma_wait3A_139 : memref<624x64xf32, #tpu.memory_space<hbm>>) dst(%dma_wait3A_133 : memref<624x64xf32, #tpu.memory_space<vmem_shared>>)
      tpu.yield
    }) : () -> ()
    %eq3A = arith.constant 0 : i32
    %eq3A_1 = arith.cmpi eq, %arg1, %eq3A : i32
    %convert_element_type3A = arith.extui %eq3A_1 : i1 to i32
    %cond3A = arith.constant 0 : i32
    %cond3A_2 = arith.cmpi ne, %convert_element_type3A, %cond3A : i32
    scf.if %cond3A_2 {
      "tpu.region"() ({
        %run_scoped3A = tpu.sem_alloc : memref<!tpu.dma_semaphore, #tpu.memory_space<semaphore_mem>>
        %dma_start3A_124 = arith.constant 9984 : i32
        %dma_start3A_125 = arith.constant 0 : i32
        %dma_start3A_126 = tpu.memref_slice %arg9[%dma_start3A_124, %dma_start3A_125] : memref<10000x64xf32, #tpu.memory_space<vmem_shared>> -> memref<16x64xf32, #tpu.memory_space<vmem_shared>>
        %dma_start3A_127 = arith.constant 0 : i32
        %dma_start3A_128 = arith.constant 0 : i32
        %dma_start3A_129 = tpu.memref_slice %arg2[%arg0, %dma_start3A_127, %dma_start3A_128] : memref<2x10000x64xf32, #tpu.memory_space<hbm>> -> memref<1x10000x64xf32, #tpu.memory_space<hbm>>
        %dma_start3A_130 = tpu.memref_squeeze %dma_start3A_129 : memref<1x10000x64xf32, #tpu.memory_space<hbm>> -> memref<10000x64xf32, #tpu.memory_space<hbm>>
        %dma_start3A_131 = arith.constant 9984 : i32
        %dma_start3A_132 = arith.constant 0 : i32
        %dma_start3A_133 = tpu.memref_slice %dma_start3A_130[%dma_start3A_131, %dma_start3A_132] : memref<10000x64xf32, #tpu.memory_space<hbm>> -> memref<16x64xf32, #tpu.memory_space<hbm>>
        tpu.enqueue_dma source(%dma_start3A_133 : memref<16x64xf32, #tpu.memory_space<hbm>>) target(%dma_start3A_126 : memref<16x64xf32, #tpu.memory_space<vmem_shared>>) target_semaphore(%run_scoped3A : memref<!tpu.dma_semaphore, #tpu.memory_space<semaphore_mem>>)
        %dma_wait3A_134 = arith.constant 9984 : i32
        %dma_wait3A_135 = arith.constant 0 : i32
        %dma_wait3A_136 = tpu.memref_slice %arg9[%dma_wait3A_134, %dma_wait3A_135] : memref<10000x64xf32, #tpu.memory_space<vmem_shared>> -> memref<16x64xf32, #tpu.memory_space<vmem_shared>>
        %dma_wait3A_137 = arith.constant 0 : i32
        %dma_wait3A_138 = arith.constant 0 : i32
        %dma_wait3A_139 = tpu.memref_slice %arg2[%arg0, %dma_wait3A_137, %dma_wait3A_138] : memref<2x10000x64xf32, #tpu.memory_space<hbm>> -> memref<1x10000x64xf32, #tpu.memory_space<hbm>>
        %dma_wait3A_140 = tpu.memref_squeeze %dma_wait3A_139 : memref<1x10000x64xf32, #tpu.memory_space<hbm>> -> memref<10000x64xf32, #tpu.memory_space<hbm>>
        %dma_wait3A_141 = arith.constant 9984 : i32
        %dma_wait3A_142 = arith.constant 0 : i32
        %dma_wait3A_143 = tpu.memref_slice %dma_wait3A_140[%dma_wait3A_141, %dma_wait3A_142] : memref<10000x64xf32, #tpu.memory_space<hbm>> -> memref<16x64xf32, #tpu.memory_space<hbm>>
        tpu.wait_dma2 semaphore(%run_scoped3A : memref<!tpu.dma_semaphore, #tpu.memory_space<semaphore_mem>>) src(%dma_wait3A_143 : memref<16x64xf32, #tpu.memory_space<hbm>>) dst(%dma_wait3A_136 : memref<16x64xf32, #tpu.memory_space<vmem_shared>>)
        tpu.yield
      }) : () -> ()
    } else {
    }
    %barrier3A = arith.constant 0 : index
    tpu.barrier barrier_id(%barrier3A)
    %dma_start3A = arith.constant 0 : i32
    %dma_start3A_3 = arith.constant 0 : i32
    %dma_start3A_4 = arith.constant 0 : i32
    %dma_start3A_5 = arith.constant 0 : i32
    %dma_start3A_6 = tpu.memref_slice %arg8[%dma_start3A_3, %dma_start3A_4, %dma_start3A_5] : memref<4x125x64xf32, #tpu.memory_space<vmem>> -> memref<1x125x64xf32, #tpu.memory_space<vmem>>
    %dma_start3A_7 = tpu.memref_squeeze %dma_start3A_6 : memref<1x125x64xf32, #tpu.memory_space<vmem>> -> memref<125x64xf32, #tpu.memory_space<vmem>>
    %dma_start3A_8 = arith.constant 0 : i32
    %dma_start3A_9 = tpu.memref_slice %arg6[%dma_start3A, %dma_start3A_8] : memref<160x125xi32, #tpu.memory_space<vmem>> -> memref<1x125xi32, #tpu.memory_space<vmem>>
    %dma_start3A_10 = tpu.memref_squeeze %dma_start3A_9 : memref<1x125xi32, #tpu.memory_space<vmem>> -> memref<125xi32, #tpu.memory_space<vmem>>
    %dma_start3A_11 = arith.constant 0 : i32
    %dma_start3A_12 = arith.constant 0 : i32
    %dma_start3A_13 = tpu.memref_slice %arg2[%arg0, %dma_start3A_11, %dma_start3A_12] : memref<2x10000x64xf32, #tpu.memory_space<hbm>> -> memref<1x10000x64xf32, #tpu.memory_space<hbm>>
    %dma_start3A_14 = tpu.memref_squeeze %dma_start3A_13 : memref<1x10000x64xf32, #tpu.memory_space<hbm>> -> memref<10000x64xf32, #tpu.memory_space<hbm>>
    %dma_start3A_15 = arith.constant 0 : i32
    %dma_start3A_16 = arith.constant 0 : i32
    %dma_start3A_17 = tpu.memref_slice %dma_start3A_14[%dma_start3A_15, %dma_start3A_16] : memref<10000x64xf32, #tpu.memory_space<hbm>> -> memref<10000x64xf32, #tpu.memory_space<hbm>>
    tpu.enqueue_indirect_dma source(%dma_start3A_17 : memref<10000x64xf32, #tpu.memory_space<hbm>>) target(%dma_start3A_7 : memref<125x64xf32, #tpu.memory_space<vmem>>) offsets(%dma_start3A_10 : memref<125xi32, #tpu.memory_space<vmem>>) semaphore(%arg10 : memref<!tpu.dma_semaphore, #tpu.memory_space<semaphore_mem>>)
    %dma_start3A_18 = arith.constant 1 : i32
    %dma_start3A_19 = arith.constant 1 : i32
    %dma_start3A_20 = arith.constant 0 : i32
    %dma_start3A_21 = arith.constant 0 : i32
    %dma_start3A_22 = tpu.memref_slice %arg8[%dma_start3A_19, %dma_start3A_20, %dma_start3A_21] : memref<4x125x64xf32, #tpu.memory_space<vmem>> -> memref<1x125x64xf32, #tpu.memory_space<vmem>>
    %dma_start3A_23 = tpu.memref_squeeze %dma_start3A_22 : memref<1x125x64xf32, #tpu.memory_space<vmem>> -> memref<125x64xf32, #tpu.memory_space<vmem>>
    %dma_start3A_24 = arith.constant 0 : i32
    %dma_start3A_25 = tpu.memref_slice %arg6[%dma_start3A_18, %dma_start3A_24] : memref<160x125xi32, #tpu.memory_space<vmem>> -> memref<1x125xi32, #tpu.memory_space<vmem>>
    %dma_start3A_26 = tpu.memref_squeeze %dma_start3A_25 : memref<1x125xi32, #tpu.memory_space<vmem>> -> memref<125xi32, #tpu.memory_space<vmem>>
    %dma_start3A_27 = arith.constant 0 : i32
    %dma_start3A_28 = arith.constant 0 : i32
    %dma_start3A_29 = tpu.memref_slice %arg2[%arg0, %dma_start3A_27, %dma_start3A_28] : memref<2x10000x64xf32, #tpu.memory_space<hbm>> -> memref<1x10000x64xf32, #tpu.memory_space<hbm>>
    %dma_start3A_30 = tpu.memref_squeeze %dma_start3A_29 : memref<1x10000x64xf32, #tpu.memory_space<hbm>> -> memref<10000x64xf32, #tpu.memory_space<hbm>>
    %dma_start3A_31 = arith.constant 0 : i32
    %dma_start3A_32 = arith.constant 0 : i32
    %dma_start3A_33 = tpu.memref_slice %dma_start3A_30[%dma_start3A_31, %dma_start3A_32] : memref<10000x64xf32, #tpu.memory_space<hbm>> -> memref<10000x64xf32, #tpu.memory_space<hbm>>
    tpu.enqueue_indirect_dma source(%dma_start3A_33 : memref<10000x64xf32, #tpu.memory_space<hbm>>) target(%dma_start3A_23 : memref<125x64xf32, #tpu.memory_space<vmem>>) offsets(%dma_start3A_26 : memref<125xi32, #tpu.memory_space<vmem>>) semaphore(%arg11 : memref<!tpu.dma_semaphore, #tpu.memory_space<semaphore_mem>>)
    %dma_start3A_34 = arith.constant 2 : i32
    %dma_start3A_35 = arith.constant 2 : i32
    %dma_start3A_36 = arith.constant 0 : i32
    %dma_start3A_37 = arith.constant 0 : i32
    %dma_start3A_38 = tpu.memref_slice %arg8[%dma_start3A_35, %dma_start3A_36, %dma_start3A_37] : memref<4x125x64xf32, #tpu.memory_space<vmem>> -> memref<1x125x64xf32, #tpu.memory_space<vmem>>
    %dma_start3A_39 = tpu.memref_squeeze %dma_start3A_38 : memref<1x125x64xf32, #tpu.memory_space<vmem>> -> memref<125x64xf32, #tpu.memory_space<vmem>>
    %dma_start3A_40 = arith.constant 0 : i32
    %dma_start3A_41 = tpu.memref_slice %arg6[%dma_start3A_34, %dma_start3A_40] : memref<160x125xi32, #tpu.memory_space<vmem>> -> memref<1x125xi32, #tpu.memory_space<vmem>>
    %dma_start3A_42 = tpu.memref_squeeze %dma_start3A_41 : memref<1x125xi32, #tpu.memory_space<vmem>> -> memref<125xi32, #tpu.memory_space<vmem>>
    %dma_start3A_43 = arith.constant 0 : i32
    %dma_start3A_44 = arith.constant 0 : i32
    %dma_start3A_45 = tpu.memref_slice %arg2[%arg0, %dma_start3A_43, %dma_start3A_44] : memref<2x10000x64xf32, #tpu.memory_space<hbm>> -> memref<1x10000x64xf32, #tpu.memory_space<hbm>>
    %dma_start3A_46 = tpu.memref_squeeze %dma_start3A_45 : memref<1x10000x64xf32, #tpu.memory_space<hbm>> -> memref<10000x64xf32, #tpu.memory_space<hbm>>
    %dma_start3A_47 = arith.constant 0 : i32
    %dma_start3A_48 = arith.constant 0 : i32
    %dma_start3A_49 = tpu.memref_slice %dma_start3A_46[%dma_start3A_47, %dma_start3A_48] : memref<10000x64xf32, #tpu.memory_space<hbm>> -> memref<10000x64xf32, #tpu.memory_space<hbm>>
    tpu.enqueue_indirect_dma source(%dma_start3A_49 : memref<10000x64xf32, #tpu.memory_space<hbm>>) target(%dma_start3A_39 : memref<125x64xf32, #tpu.memory_space<vmem>>) offsets(%dma_start3A_42 : memref<125xi32, #tpu.memory_space<vmem>>) semaphore(%arg12 : memref<!tpu.dma_semaphore, #tpu.memory_space<semaphore_mem>>)
    %dma_start3A_50 = arith.constant 3 : i32
    %dma_start3A_51 = arith.constant 3 : i32
    %dma_start3A_52 = arith.constant 0 : i32
    %dma_start3A_53 = arith.constant 0 : i32
    %dma_start3A_54 = tpu.memref_slice %arg8[%dma_start3A_51, %dma_start3A_52, %dma_start3A_53] : memref<4x125x64xf32, #tpu.memory_space<vmem>> -> memref<1x125x64xf32, #tpu.memory_space<vmem>>
    %dma_start3A_55 = tpu.memref_squeeze %dma_start3A_54 : memref<1x125x64xf32, #tpu.memory_space<vmem>> -> memref<125x64xf32, #tpu.memory_space<vmem>>
    %dma_start3A_56 = arith.constant 0 : i32
    %dma_start3A_57 = tpu.memref_slice %arg6[%dma_start3A_50, %dma_start3A_56] : memref<160x125xi32, #tpu.memory_space<vmem>> -> memref<1x125xi32, #tpu.memory_space<vmem>>
    %dma_start3A_58 = tpu.memref_squeeze %dma_start3A_57 : memref<1x125xi32, #tpu.memory_space<vmem>> -> memref<125xi32, #tpu.memory_space<vmem>>
    %dma_start3A_59 = arith.constant 0 : i32
    %dma_start3A_60 = arith.constant 0 : i32
    %dma_start3A_61 = tpu.memref_slice %arg2[%arg0, %dma_start3A_59, %dma_start3A_60] : memref<2x10000x64xf32, #tpu.memory_space<hbm>> -> memref<1x10000x64xf32, #tpu.memory_space<hbm>>
    %dma_start3A_62 = tpu.memref_squeeze %dma_start3A_61 : memref<1x10000x64xf32, #tpu.memory_space<hbm>> -> memref<10000x64xf32, #tpu.memory_space<hbm>>
    %dma_start3A_63 = arith.constant 0 : i32
    %dma_start3A_64 = arith.constant 0 : i32
    %dma_start3A_65 = tpu.memref_slice %dma_start3A_62[%dma_start3A_63, %dma_start3A_64] : memref<10000x64xf32, #tpu.memory_space<hbm>> -> memref<10000x64xf32, #tpu.memory_space<hbm>>
    tpu.enqueue_indirect_dma source(%dma_start3A_65 : memref<10000x64xf32, #tpu.memory_space<hbm>>) target(%dma_start3A_55 : memref<125x64xf32, #tpu.memory_space<vmem>>) offsets(%dma_start3A_58 : memref<125xi32, #tpu.memory_space<vmem>>) semaphore(%arg13 : memref<!tpu.dma_semaphore, #tpu.memory_space<semaphore_mem>>)
    %scan3A = arith.constant 0 : i32
    %scan3A_66 = arith.constant 0 : i32
    %scan3A_67 = arith.constant 40 : i32
    %scan3A_68 = arith.addi %scan3A_66, %scan3A_67 : i32
    %scan3A_69 = arith.constant 1 : i32
    scf.for %scan3A_124 = %scan3A_66 to %scan3A_68 step %scan3A_69  : i32 {
      %mul3A_125 = arith.constant 4 : i32
      %mul3A_126 = arith.muli %scan3A_124, %mul3A_125 : i32
      %add3A = arith.constant 0 : i32
      %add3A_127 = arith.addi %mul3A_126, %add3A : i32
      %dma_wait3A_128 = arith.constant 0 : i32
      %dma_wait3A_129 = arith.constant 0 : i32
      %dma_wait3A_130 = arith.constant 0 : i32
      %dma_wait3A_131 = tpu.memref_slice %arg8[%dma_wait3A_128, %dma_wait3A_129, %dma_wait3A_130] : memref<4x125x64xf32, #tpu.memory_space<vmem>> -> memref<1x125x64xf32, #tpu.memory_space<vmem>>
      %dma_wait3A_132 = tpu.memref_squeeze %dma_wait3A_131 : memref<1x125x64xf32, #tpu.memory_space<vmem>> -> memref<125x64xf32, #tpu.memory_space<vmem>>
      %dma_wait3A_133 = arith.constant 0 : i32
      %dma_wait3A_134 = tpu.memref_slice %arg6[%add3A_127, %dma_wait3A_133] : memref<160x125xi32, #tpu.memory_space<vmem>> -> memref<1x125xi32, #tpu.memory_space<vmem>>
      %dma_wait3A_135 = tpu.memref_squeeze %dma_wait3A_134 : memref<1x125xi32, #tpu.memory_space<vmem>> -> memref<125xi32, #tpu.memory_space<vmem>>
      %dma_wait3A_136 = arith.constant 0 : i32
      %dma_wait3A_137 = arith.constant 0 : i32
      %dma_wait3A_138 = tpu.memref_slice %arg2[%arg0, %dma_wait3A_136, %dma_wait3A_137] : memref<2x10000x64xf32, #tpu.memory_space<hbm>> -> memref<1x10000x64xf32, #tpu.memory_space<hbm>>
      %dma_wait3A_139 = tpu.memref_squeeze %dma_wait3A_138 : memref<1x10000x64xf32, #tpu.memory_space<hbm>> -> memref<10000x64xf32, #tpu.memory_space<hbm>>
      %dma_wait3A_140 = arith.constant 0 : i32
      %dma_wait3A_141 = arith.constant 0 : i32
      %dma_wait3A_142 = tpu.memref_slice %dma_wait3A_139[%dma_wait3A_140, %dma_wait3A_141] : memref<10000x64xf32, #tpu.memory_space<hbm>> -> memref<10000x64xf32, #tpu.memory_space<hbm>>
      tpu.wait_indirect_dma semaphore(%arg10 : memref<!tpu.dma_semaphore, #tpu.memory_space<semaphore_mem>>) src(%dma_wait3A_142 : memref<10000x64xf32, #tpu.memory_space<hbm>>) dst(%dma_wait3A_132 : memref<125x64xf32, #tpu.memory_space<vmem>>)
      %add3A_143 = arith.constant 0 : i32
      %add3A_144 = arith.addi %mul3A_126, %add3A_143 : i32
      %dma_start3A_145 = arith.constant 0 : i32
      %dma_start3A_146 = arith.constant 0 : i32
      %dma_start3A_147 = arith.constant 0 : i32
      %dma_start3A_148 = tpu.memref_slice %arg8[%dma_start3A_145, %dma_start3A_146, %dma_start3A_147] : memref<4x125x64xf32, #tpu.memory_space<vmem>> -> memref<1x125x64xf32, #tpu.memory_space<vmem>>
      %dma_start3A_149 = tpu.memref_squeeze %dma_start3A_148 : memref<1x125x64xf32, #tpu.memory_space<vmem>> -> memref<125x64xf32, #tpu.memory_space<vmem>>
      %dma_start3A_150 = arith.constant 0 : i32
      %dma_start3A_151 = tpu.memref_slice %arg7[%add3A_144, %dma_start3A_150] : memref<160x125xi32, #tpu.memory_space<vmem>> -> memref<1x125xi32, #tpu.memory_space<vmem>>
      %dma_start3A_152 = tpu.memref_squeeze %dma_start3A_151 : memref<1x125xi32, #tpu.memory_space<vmem>> -> memref<125xi32, #tpu.memory_space<vmem>>
      %dma_start3A_153 = arith.constant 0 : i32
      %dma_start3A_154 = arith.constant 0 : i32
      %dma_start3A_155 = tpu.memref_slice %arg9[%dma_start3A_153, %dma_start3A_154] : memref<10000x64xf32, #tpu.memory_space<vmem_shared>> -> memref<10000x64xf32, #tpu.memory_space<vmem_shared>>
      tpu.enqueue_indirect_dma source(%dma_start3A_149 : memref<125x64xf32, #tpu.memory_space<vmem>>) target(%dma_start3A_155 : memref<10000x64xf32, #tpu.memory_space<vmem_shared>>) offsets(%dma_start3A_152 : memref<125xi32, #tpu.memory_space<vmem>>) semaphore(%arg14 : memref<!tpu.dma_semaphore, #tpu.memory_space<semaphore_mem>>) {add = true}
      %add3A_156 = arith.constant 1 : i32
      %add3A_157 = arith.addi %mul3A_126, %add3A_156 : i32
      %dma_wait3A_158 = arith.constant 1 : i32
      %dma_wait3A_159 = arith.constant 0 : i32
      %dma_wait3A_160 = arith.constant 0 : i32
      %dma_wait3A_161 = tpu.memref_slice %arg8[%dma_wait3A_158, %dma_wait3A_159, %dma_wait3A_160] : memref<4x125x64xf32, #tpu.memory_space<vmem>> -> memref<1x125x64xf32, #tpu.memory_space<vmem>>
      %dma_wait3A_162 = tpu.memref_squeeze %dma_wait3A_161 : memref<1x125x64xf32, #tpu.memory_space<vmem>> -> memref<125x64xf32, #tpu.memory_space<vmem>>
      %dma_wait3A_163 = arith.constant 0 : i32
      %dma_wait3A_164 = tpu.memref_slice %arg6[%add3A_157, %dma_wait3A_163] : memref<160x125xi32, #tpu.memory_space<vmem>> -> memref<1x125xi32, #tpu.memory_space<vmem>>
      %dma_wait3A_165 = tpu.memref_squeeze %dma_wait3A_164 : memref<1x125xi32, #tpu.memory_space<vmem>> -> memref<125xi32, #tpu.memory_space<vmem>>
      %dma_wait3A_166 = arith.constant 0 : i32
      %dma_wait3A_167 = arith.constant 0 : i32
      %dma_wait3A_168 = tpu.memref_slice %arg2[%arg0, %dma_wait3A_166, %dma_wait3A_167] : memref<2x10000x64xf32, #tpu.memory_space<hbm>> -> memref<1x10000x64xf32, #tpu.memory_space<hbm>>
      %dma_wait3A_169 = tpu.memref_squeeze %dma_wait3A_168 : memref<1x10000x64xf32, #tpu.memory_space<hbm>> -> memref<10000x64xf32, #tpu.memory_space<hbm>>
      %dma_wait3A_170 = arith.constant 0 : i32
      %dma_wait3A_171 = arith.constant 0 : i32
      %dma_wait3A_172 = tpu.memref_slice %dma_wait3A_169[%dma_wait3A_170, %dma_wait3A_171] : memref<10000x64xf32, #tpu.memory_space<hbm>> -> memref<10000x64xf32, #tpu.memory_space<hbm>>
      tpu.wait_indirect_dma semaphore(%arg11 : memref<!tpu.dma_semaphore, #tpu.memory_space<semaphore_mem>>) src(%dma_wait3A_172 : memref<10000x64xf32, #tpu.memory_space<hbm>>) dst(%dma_wait3A_162 : memref<125x64xf32, #tpu.memory_space<vmem>>)
      %add3A_173 = arith.constant 1 : i32
      %add3A_174 = arith.addi %mul3A_126, %add3A_173 : i32
      %dma_start3A_175 = arith.constant 1 : i32
      %dma_start3A_176 = arith.constant 0 : i32
      %dma_start3A_177 = arith.constant 0 : i32
      %dma_start3A_178 = tpu.memref_slice %arg8[%dma_start3A_175, %dma_start3A_176, %dma_start3A_177] : memref<4x125x64xf32, #tpu.memory_space<vmem>> -> memref<1x125x64xf32, #tpu.memory_space<vmem>>
      %dma_start3A_179 = tpu.memref_squeeze %dma_start3A_178 : memref<1x125x64xf32, #tpu.memory_space<vmem>> -> memref<125x64xf32, #tpu.memory_space<vmem>>
      %dma_start3A_180 = arith.constant 0 : i32
      %dma_start3A_181 = tpu.memref_slice %arg7[%add3A_174, %dma_start3A_180] : memref<160x125xi32, #tpu.memory_space<vmem>> -> memref<1x125xi32, #tpu.memory_space<vmem>>
      %dma_start3A_182 = tpu.memref_squeeze %dma_start3A_181 : memref<1x125xi32, #tpu.memory_space<vmem>> -> memref<125xi32, #tpu.memory_space<vmem>>
      %dma_start3A_183 = arith.constant 0 : i32
      %dma_start3A_184 = arith.constant 0 : i32
      %dma_start3A_185 = tpu.memref_slice %arg9[%dma_start3A_183, %dma_start3A_184] : memref<10000x64xf32, #tpu.memory_space<vmem_shared>> -> memref<10000x64xf32, #tpu.memory_space<vmem_shared>>
      tpu.enqueue_indirect_dma source(%dma_start3A_179 : memref<125x64xf32, #tpu.memory_space<vmem>>) target(%dma_start3A_185 : memref<10000x64xf32, #tpu.memory_space<vmem_shared>>) offsets(%dma_start3A_182 : memref<125xi32, #tpu.memory_space<vmem>>) semaphore(%arg15 : memref<!tpu.dma_semaphore, #tpu.memory_space<semaphore_mem>>) {add = true}
      %add3A_186 = arith.constant 2 : i32
      %add3A_187 = arith.addi %mul3A_126, %add3A_186 : i32
      %dma_wait3A_188 = arith.constant 2 : i32
      %dma_wait3A_189 = arith.constant 0 : i32
      %dma_wait3A_190 = arith.constant 0 : i32
      %dma_wait3A_191 = tpu.memref_slice %arg8[%dma_wait3A_188, %dma_wait3A_189, %dma_wait3A_190] : memref<4x125x64xf32, #tpu.memory_space<vmem>> -> memref<1x125x64xf32, #tpu.memory_space<vmem>>
      %dma_wait3A_192 = tpu.memref_squeeze %dma_wait3A_191 : memref<1x125x64xf32, #tpu.memory_space<vmem>> -> memref<125x64xf32, #tpu.memory_space<vmem>>
      %dma_wait3A_193 = arith.constant 0 : i32
      %dma_wait3A_194 = tpu.memref_slice %arg6[%add3A_187, %dma_wait3A_193] : memref<160x125xi32, #tpu.memory_space<vmem>> -> memref<1x125xi32, #tpu.memory_space<vmem>>
      %dma_wait3A_195 = tpu.memref_squeeze %dma_wait3A_194 : memref<1x125xi32, #tpu.memory_space<vmem>> -> memref<125xi32, #tpu.memory_space<vmem>>
      %dma_wait3A_196 = arith.constant 0 : i32
      %dma_wait3A_197 = arith.constant 0 : i32
      %dma_wait3A_198 = tpu.memref_slice %arg2[%arg0, %dma_wait3A_196, %dma_wait3A_197] : memref<2x10000x64xf32, #tpu.memory_space<hbm>> -> memref<1x10000x64xf32, #tpu.memory_space<hbm>>
      %dma_wait3A_199 = tpu.memref_squeeze %dma_wait3A_198 : memref<1x10000x64xf32, #tpu.memory_space<hbm>> -> memref<10000x64xf32, #tpu.memory_space<hbm>>
      %dma_wait3A_200 = arith.constant 0 : i32
      %dma_wait3A_201 = arith.constant 0 : i32
      %dma_wait3A_202 = tpu.memref_slice %dma_wait3A_199[%dma_wait3A_200, %dma_wait3A_201] : memref<10000x64xf32, #tpu.memory_space<hbm>> -> memref<10000x64xf32, #tpu.memory_space<hbm>>
      tpu.wait_indirect_dma semaphore(%arg12 : memref<!tpu.dma_semaphore, #tpu.memory_space<semaphore_mem>>) src(%dma_wait3A_202 : memref<10000x64xf32, #tpu.memory_space<hbm>>) dst(%dma_wait3A_192 : memref<125x64xf32, #tpu.memory_space<vmem>>)
      %add3A_203 = arith.constant 2 : i32
      %add3A_204 = arith.addi %mul3A_126, %add3A_203 : i32
      %dma_start3A_205 = arith.constant 2 : i32
      %dma_start3A_206 = arith.constant 0 : i32
      %dma_start3A_207 = arith.constant 0 : i32
      %dma_start3A_208 = tpu.memref_slice %arg8[%dma_start3A_205, %dma_start3A_206, %dma_start3A_207] : memref<4x125x64xf32, #tpu.memory_space<vmem>> -> memref<1x125x64xf32, #tpu.memory_space<vmem>>
      %dma_start3A_209 = tpu.memref_squeeze %dma_start3A_208 : memref<1x125x64xf32, #tpu.memory_space<vmem>> -> memref<125x64xf32, #tpu.memory_space<vmem>>
      %dma_start3A_210 = arith.constant 0 : i32
      %dma_start3A_211 = tpu.memref_slice %arg7[%add3A_204, %dma_start3A_210] : memref<160x125xi32, #tpu.memory_space<vmem>> -> memref<1x125xi32, #tpu.memory_space<vmem>>
      %dma_start3A_212 = tpu.memref_squeeze %dma_start3A_211 : memref<1x125xi32, #tpu.memory_space<vmem>> -> memref<125xi32, #tpu.memory_space<vmem>>
      %dma_start3A_213 = arith.constant 0 : i32
      %dma_start3A_214 = arith.constant 0 : i32
      %dma_start3A_215 = tpu.memref_slice %arg9[%dma_start3A_213, %dma_start3A_214] : memref<10000x64xf32, #tpu.memory_space<vmem_shared>> -> memref<10000x64xf32, #tpu.memory_space<vmem_shared>>
      tpu.enqueue_indirect_dma source(%dma_start3A_209 : memref<125x64xf32, #tpu.memory_space<vmem>>) target(%dma_start3A_215 : memref<10000x64xf32, #tpu.memory_space<vmem_shared>>) offsets(%dma_start3A_212 : memref<125xi32, #tpu.memory_space<vmem>>) semaphore(%arg16 : memref<!tpu.dma_semaphore, #tpu.memory_space<semaphore_mem>>) {add = true}
      %add3A_216 = arith.constant 3 : i32
      %add3A_217 = arith.addi %mul3A_126, %add3A_216 : i32
      %dma_wait3A_218 = arith.constant 3 : i32
      %dma_wait3A_219 = arith.constant 0 : i32
      %dma_wait3A_220 = arith.constant 0 : i32
      %dma_wait3A_221 = tpu.memref_slice %arg8[%dma_wait3A_218, %dma_wait3A_219, %dma_wait3A_220] : memref<4x125x64xf32, #tpu.memory_space<vmem>> -> memref<1x125x64xf32, #tpu.memory_space<vmem>>
      %dma_wait3A_222 = tpu.memref_squeeze %dma_wait3A_221 : memref<1x125x64xf32, #tpu.memory_space<vmem>> -> memref<125x64xf32, #tpu.memory_space<vmem>>
      %dma_wait3A_223 = arith.constant 0 : i32
      %dma_wait3A_224 = tpu.memref_slice %arg6[%add3A_217, %dma_wait3A_223] : memref<160x125xi32, #tpu.memory_space<vmem>> -> memref<1x125xi32, #tpu.memory_space<vmem>>
      %dma_wait3A_225 = tpu.memref_squeeze %dma_wait3A_224 : memref<1x125xi32, #tpu.memory_space<vmem>> -> memref<125xi32, #tpu.memory_space<vmem>>
      %dma_wait3A_226 = arith.constant 0 : i32
      %dma_wait3A_227 = arith.constant 0 : i32
      %dma_wait3A_228 = tpu.memref_slice %arg2[%arg0, %dma_wait3A_226, %dma_wait3A_227] : memref<2x10000x64xf32, #tpu.memory_space<hbm>> -> memref<1x10000x64xf32, #tpu.memory_space<hbm>>
      %dma_wait3A_229 = tpu.memref_squeeze %dma_wait3A_228 : memref<1x10000x64xf32, #tpu.memory_space<hbm>> -> memref<10000x64xf32, #tpu.memory_space<hbm>>
      %dma_wait3A_230 = arith.constant 0 : i32
      %dma_wait3A_231 = arith.constant 0 : i32
      %dma_wait3A_232 = tpu.memref_slice %dma_wait3A_229[%dma_wait3A_230, %dma_wait3A_231] : memref<10000x64xf32, #tpu.memory_space<hbm>> -> memref<10000x64xf32, #tpu.memory_space<hbm>>
      tpu.wait_indirect_dma semaphore(%arg13 : memref<!tpu.dma_semaphore, #tpu.memory_space<semaphore_mem>>) src(%dma_wait3A_232 : memref<10000x64xf32, #tpu.memory_space<hbm>>) dst(%dma_wait3A_222 : memref<125x64xf32, #tpu.memory_space<vmem>>)
      %add3A_233 = arith.constant 3 : i32
      %add3A_234 = arith.addi %mul3A_126, %add3A_233 : i32
      %dma_start3A_235 = arith.constant 3 : i32
      %dma_start3A_236 = arith.constant 0 : i32
      %dma_start3A_237 = arith.constant 0 : i32
      %dma_start3A_238 = tpu.memref_slice %arg8[%dma_start3A_235, %dma_start3A_236, %dma_start3A_237] : memref<4x125x64xf32, #tpu.memory_space<vmem>> -> memref<1x125x64xf32, #tpu.memory_space<vmem>>
      %dma_start3A_239 = tpu.memref_squeeze %dma_start3A_238 : memref<1x125x64xf32, #tpu.memory_space<vmem>> -> memref<125x64xf32, #tpu.memory_space<vmem>>
      %dma_start3A_240 = arith.constant 0 : i32
      %dma_start3A_241 = tpu.memref_slice %arg7[%add3A_234, %dma_start3A_240] : memref<160x125xi32, #tpu.memory_space<vmem>> -> memref<1x125xi32, #tpu.memory_space<vmem>>
      %dma_start3A_242 = tpu.memref_squeeze %dma_start3A_241 : memref<1x125xi32, #tpu.memory_space<vmem>> -> memref<125xi32, #tpu.memory_space<vmem>>
      %dma_start3A_243 = arith.constant 0 : i32
      %dma_start3A_244 = arith.constant 0 : i32
      %dma_start3A_245 = tpu.memref_slice %arg9[%dma_start3A_243, %dma_start3A_244] : memref<10000x64xf32, #tpu.memory_space<vmem_shared>> -> memref<10000x64xf32, #tpu.memory_space<vmem_shared>>
      tpu.enqueue_indirect_dma source(%dma_start3A_239 : memref<125x64xf32, #tpu.memory_space<vmem>>) target(%dma_start3A_245 : memref<10000x64xf32, #tpu.memory_space<vmem_shared>>) offsets(%dma_start3A_242 : memref<125xi32, #tpu.memory_space<vmem>>) semaphore(%arg17 : memref<!tpu.dma_semaphore, #tpu.memory_space<semaphore_mem>>) {add = true}
      %add3A_246 = arith.constant 1 : i32
      %add3A_247 = arith.addi %scan3A_124, %add3A_246 : i32
      %lt3A = arith.constant 40 : i32
      %lt3A_248 = arith.cmpi slt, %add3A_247, %lt3A : i32
      %convert_element_type3A_249 = arith.extui %lt3A_248 : i1 to i32
      %cond3A_250 = arith.constant 0 : i32
      %cond3A_251 = arith.cmpi ne, %convert_element_type3A_249, %cond3A_250 : i32
      scf.if %cond3A_251 {
        %add3A_252 = arith.constant 0 : i32
        %add3A_253 = arith.addi %mul3A_126, %add3A_252 : i32
        %dma_wait3A_254 = arith.constant 0 : i32
        %dma_wait3A_255 = arith.constant 0 : i32
        %dma_wait3A_256 = arith.constant 0 : i32
        %dma_wait3A_257 = tpu.memref_slice %arg8[%dma_wait3A_254, %dma_wait3A_255, %dma_wait3A_256] : memref<4x125x64xf32, #tpu.memory_space<vmem>> -> memref<1x125x64xf32, #tpu.memory_space<vmem>>
        %dma_wait3A_258 = tpu.memref_squeeze %dma_wait3A_257 : memref<1x125x64xf32, #tpu.memory_space<vmem>> -> memref<125x64xf32, #tpu.memory_space<vmem>>
        %dma_wait3A_259 = arith.constant 0 : i32
        %dma_wait3A_260 = tpu.memref_slice %arg7[%add3A_253, %dma_wait3A_259] : memref<160x125xi32, #tpu.memory_space<vmem>> -> memref<1x125xi32, #tpu.memory_space<vmem>>
        %dma_wait3A_261 = tpu.memref_squeeze %dma_wait3A_260 : memref<1x125xi32, #tpu.memory_space<vmem>> -> memref<125xi32, #tpu.memory_space<vmem>>
        %dma_wait3A_262 = arith.constant 0 : i32
        %dma_wait3A_263 = arith.constant 0 : i32
        %dma_wait3A_264 = tpu.memref_slice %arg9[%dma_wait3A_262, %dma_wait3A_263] : memref<10000x64xf32, #tpu.memory_space<vmem_shared>> -> memref<10000x64xf32, #tpu.memory_space<vmem_shared>>
        tpu.wait_indirect_dma semaphore(%arg14 : memref<!tpu.dma_semaphore, #tpu.memory_space<semaphore_mem>>) src(%dma_wait3A_258 : memref<125x64xf32, #tpu.memory_space<vmem>>) dst(%dma_wait3A_264 : memref<10000x64xf32, #tpu.memory_space<vmem_shared>>)
        %add3A_265 = arith.constant 4 : i32
        %add3A_266 = arith.addi %mul3A_126, %add3A_265 : i32
        %add3A_267 = arith.constant 0 : i32
        %add3A_268 = arith.addi %add3A_266, %add3A_267 : i32
        %dma_start3A_269 = arith.constant 0 : i32
        %dma_start3A_270 = arith.constant 0 : i32
        %dma_start3A_271 = arith.constant 0 : i32
        %dma_start3A_272 = tpu.memref_slice %arg8[%dma_start3A_269, %dma_start3A_270, %dma_start3A_271] : memref<4x125x64xf32, #tpu.memory_space<vmem>> -> memref<1x125x64xf32, #tpu.memory_space<vmem>>
        %dma_start3A_273 = tpu.memref_squeeze %dma_start3A_272 : memref<1x125x64xf32, #tpu.memory_space<vmem>> -> memref<125x64xf32, #tpu.memory_space<vmem>>
        %dma_start3A_274 = arith.constant 0 : i32
        %dma_start3A_275 = tpu.memref_slice %arg6[%add3A_268, %dma_start3A_274] : memref<160x125xi32, #tpu.memory_space<vmem>> -> memref<1x125xi32, #tpu.memory_space<vmem>>
        %dma_start3A_276 = tpu.memref_squeeze %dma_start3A_275 : memref<1x125xi32, #tpu.memory_space<vmem>> -> memref<125xi32, #tpu.memory_space<vmem>>
        %dma_start3A_277 = arith.constant 0 : i32
        %dma_start3A_278 = arith.constant 0 : i32
        %dma_start3A_279 = tpu.memref_slice %arg2[%arg0, %dma_start3A_277, %dma_start3A_278] : memref<2x10000x64xf32, #tpu.memory_space<hbm>> -> memref<1x10000x64xf32, #tpu.memory_space<hbm>>
        %dma_start3A_280 = tpu.memref_squeeze %dma_start3A_279 : memref<1x10000x64xf32, #tpu.memory_space<hbm>> -> memref<10000x64xf32, #tpu.memory_space<hbm>>
        %dma_start3A_281 = arith.constant 0 : i32
        %dma_start3A_282 = arith.constant 0 : i32
        %dma_start3A_283 = tpu.memref_slice %dma_start3A_280[%dma_start3A_281, %dma_start3A_282] : memref<10000x64xf32, #tpu.memory_space<hbm>> -> memref<10000x64xf32, #tpu.memory_space<hbm>>
        tpu.enqueue_indirect_dma source(%dma_start3A_283 : memref<10000x64xf32, #tpu.memory_space<hbm>>) target(%dma_start3A_273 : memref<125x64xf32, #tpu.memory_space<vmem>>) offsets(%dma_start3A_276 : memref<125xi32, #tpu.memory_space<vmem>>) semaphore(%arg10 : memref<!tpu.dma_semaphore, #tpu.memory_space<semaphore_mem>>)
        %add3A_284 = arith.constant 1 : i32
        %add3A_285 = arith.addi %mul3A_126, %add3A_284 : i32
        %dma_wait3A_286 = arith.constant 1 : i32
        %dma_wait3A_287 = arith.constant 0 : i32
        %dma_wait3A_288 = arith.constant 0 : i32
        %dma_wait3A_289 = tpu.memref_slice %arg8[%dma_wait3A_286, %dma_wait3A_287, %dma_wait3A_288] : memref<4x125x64xf32, #tpu.memory_space<vmem>> -> memref<1x125x64xf32, #tpu.memory_space<vmem>>
        %dma_wait3A_290 = tpu.memref_squeeze %dma_wait3A_289 : memref<1x125x64xf32, #tpu.memory_space<vmem>> -> memref<125x64xf32, #tpu.memory_space<vmem>>
        %dma_wait3A_291 = arith.constant 0 : i32
        %dma_wait3A_292 = tpu.memref_slice %arg7[%add3A_285, %dma_wait3A_291] : memref<160x125xi32, #tpu.memory_space<vmem>> -> memref<1x125xi32, #tpu.memory_space<vmem>>
        %dma_wait3A_293 = tpu.memref_squeeze %dma_wait3A_292 : memref<1x125xi32, #tpu.memory_space<vmem>> -> memref<125xi32, #tpu.memory_space<vmem>>
        %dma_wait3A_294 = arith.constant 0 : i32
        %dma_wait3A_295 = arith.constant 0 : i32
        %dma_wait3A_296 = tpu.memref_slice %arg9[%dma_wait3A_294, %dma_wait3A_295] : memref<10000x64xf32, #tpu.memory_space<vmem_shared>> -> memref<10000x64xf32, #tpu.memory_space<vmem_shared>>
        tpu.wait_indirect_dma semaphore(%arg15 : memref<!tpu.dma_semaphore, #tpu.memory_space<semaphore_mem>>) src(%dma_wait3A_290 : memref<125x64xf32, #tpu.memory_space<vmem>>) dst(%dma_wait3A_296 : memref<10000x64xf32, #tpu.memory_space<vmem_shared>>)
        %add3A_297 = arith.constant 4 : i32
        %add3A_298 = arith.addi %mul3A_126, %add3A_297 : i32
        %add3A_299 = arith.constant 1 : i32
        %add3A_300 = arith.addi %add3A_298, %add3A_299 : i32
        %dma_start3A_301 = arith.constant 1 : i32
        %dma_start3A_302 = arith.constant 0 : i32
        %dma_start3A_303 = arith.constant 0 : i32
        %dma_start3A_304 = tpu.memref_slice %arg8[%dma_start3A_301, %dma_start3A_302, %dma_start3A_303] : memref<4x125x64xf32, #tpu.memory_space<vmem>> -> memref<1x125x64xf32, #tpu.memory_space<vmem>>
        %dma_start3A_305 = tpu.memref_squeeze %dma_start3A_304 : memref<1x125x64xf32, #tpu.memory_space<vmem>> -> memref<125x64xf32, #tpu.memory_space<vmem>>
        %dma_start3A_306 = arith.constant 0 : i32
        %dma_start3A_307 = tpu.memref_slice %arg6[%add3A_300, %dma_start3A_306] : memref<160x125xi32, #tpu.memory_space<vmem>> -> memref<1x125xi32, #tpu.memory_space<vmem>>
        %dma_start3A_308 = tpu.memref_squeeze %dma_start3A_307 : memref<1x125xi32, #tpu.memory_space<vmem>> -> memref<125xi32, #tpu.memory_space<vmem>>
        %dma_start3A_309 = arith.constant 0 : i32
        %dma_start3A_310 = arith.constant 0 : i32
        %dma_start3A_311 = tpu.memref_slice %arg2[%arg0, %dma_start3A_309, %dma_start3A_310] : memref<2x10000x64xf32, #tpu.memory_space<hbm>> -> memref<1x10000x64xf32, #tpu.memory_space<hbm>>
        %dma_start3A_312 = tpu.memref_squeeze %dma_start3A_311 : memref<1x10000x64xf32, #tpu.memory_space<hbm>> -> memref<10000x64xf32, #tpu.memory_space<hbm>>
        %dma_start3A_313 = arith.constant 0 : i32
        %dma_start3A_314 = arith.constant 0 : i32
        %dma_start3A_315 = tpu.memref_slice %dma_start3A_312[%dma_start3A_313, %dma_start3A_314] : memref<10000x64xf32, #tpu.memory_space<hbm>> -> memref<10000x64xf32, #tpu.memory_space<hbm>>
        tpu.enqueue_indirect_dma source(%dma_start3A_315 : memref<10000x64xf32, #tpu.memory_space<hbm>>) target(%dma_start3A_305 : memref<125x64xf32, #tpu.memory_space<vmem>>) offsets(%dma_start3A_308 : memref<125xi32, #tpu.memory_space<vmem>>) semaphore(%arg11 : memref<!tpu.dma_semaphore, #tpu.memory_space<semaphore_mem>>)
        %add3A_316 = arith.constant 2 : i32
        %add3A_317 = arith.addi %mul3A_126, %add3A_316 : i32
        %dma_wait3A_318 = arith.constant 2 : i32
        %dma_wait3A_319 = arith.constant 0 : i32
        %dma_wait3A_320 = arith.constant 0 : i32
        %dma_wait3A_321 = tpu.memref_slice %arg8[%dma_wait3A_318, %dma_wait3A_319, %dma_wait3A_320] : memref<4x125x64xf32, #tpu.memory_space<vmem>> -> memref<1x125x64xf32, #tpu.memory_space<vmem>>
        %dma_wait3A_322 = tpu.memref_squeeze %dma_wait3A_321 : memref<1x125x64xf32, #tpu.memory_space<vmem>> -> memref<125x64xf32, #tpu.memory_space<vmem>>
        %dma_wait3A_323 = arith.constant 0 : i32
        %dma_wait3A_324 = tpu.memref_slice %arg7[%add3A_317, %dma_wait3A_323] : memref<160x125xi32, #tpu.memory_space<vmem>> -> memref<1x125xi32, #tpu.memory_space<vmem>>
        %dma_wait3A_325 = tpu.memref_squeeze %dma_wait3A_324 : memref<1x125xi32, #tpu.memory_space<vmem>> -> memref<125xi32, #tpu.memory_space<vmem>>
        %dma_wait3A_326 = arith.constant 0 : i32
        %dma_wait3A_327 = arith.constant 0 : i32
        %dma_wait3A_328 = tpu.memref_slice %arg9[%dma_wait3A_326, %dma_wait3A_327] : memref<10000x64xf32, #tpu.memory_space<vmem_shared>> -> memref<10000x64xf32, #tpu.memory_space<vmem_shared>>
        tpu.wait_indirect_dma semaphore(%arg16 : memref<!tpu.dma_semaphore, #tpu.memory_space<semaphore_mem>>) src(%dma_wait3A_322 : memref<125x64xf32, #tpu.memory_space<vmem>>) dst(%dma_wait3A_328 : memref<10000x64xf32, #tpu.memory_space<vmem_shared>>)
        %add3A_329 = arith.constant 4 : i32
        %add3A_330 = arith.addi %mul3A_126, %add3A_329 : i32
        %add3A_331 = arith.constant 2 : i32
        %add3A_332 = arith.addi %add3A_330, %add3A_331 : i32
        %dma_start3A_333 = arith.constant 2 : i32
        %dma_start3A_334 = arith.constant 0 : i32
        %dma_start3A_335 = arith.constant 0 : i32
        %dma_start3A_336 = tpu.memref_slice %arg8[%dma_start3A_333, %dma_start3A_334, %dma_start3A_335] : memref<4x125x64xf32, #tpu.memory_space<vmem>> -> memref<1x125x64xf32, #tpu.memory_space<vmem>>
        %dma_start3A_337 = tpu.memref_squeeze %dma_start3A_336 : memref<1x125x64xf32, #tpu.memory_space<vmem>> -> memref<125x64xf32, #tpu.memory_space<vmem>>
        %dma_start3A_338 = arith.constant 0 : i32
        %dma_start3A_339 = tpu.memref_slice %arg6[%add3A_332, %dma_start3A_338] : memref<160x125xi32, #tpu.memory_space<vmem>> -> memref<1x125xi32, #tpu.memory_space<vmem>>
        %dma_start3A_340 = tpu.memref_squeeze %dma_start3A_339 : memref<1x125xi32, #tpu.memory_space<vmem>> -> memref<125xi32, #tpu.memory_space<vmem>>
        %dma_start3A_341 = arith.constant 0 : i32
        %dma_start3A_342 = arith.constant 0 : i32
        %dma_start3A_343 = tpu.memref_slice %arg2[%arg0, %dma_start3A_341, %dma_start3A_342] : memref<2x10000x64xf32, #tpu.memory_space<hbm>> -> memref<1x10000x64xf32, #tpu.memory_space<hbm>>
        %dma_start3A_344 = tpu.memref_squeeze %dma_start3A_343 : memref<1x10000x64xf32, #tpu.memory_space<hbm>> -> memref<10000x64xf32, #tpu.memory_space<hbm>>
        %dma_start3A_345 = arith.constant 0 : i32
        %dma_start3A_346 = arith.constant 0 : i32
        %dma_start3A_347 = tpu.memref_slice %dma_start3A_344[%dma_start3A_345, %dma_start3A_346] : memref<10000x64xf32, #tpu.memory_space<hbm>> -> memref<10000x64xf32, #tpu.memory_space<hbm>>
        tpu.enqueue_indirect_dma source(%dma_start3A_347 : memref<10000x64xf32, #tpu.memory_space<hbm>>) target(%dma_start3A_337 : memref<125x64xf32, #tpu.memory_space<vmem>>) offsets(%dma_start3A_340 : memref<125xi32, #tpu.memory_space<vmem>>) semaphore(%arg12 : memref<!tpu.dma_semaphore, #tpu.memory_space<semaphore_mem>>)
        %add3A_348 = arith.constant 3 : i32
        %add3A_349 = arith.addi %mul3A_126, %add3A_348 : i32
        %dma_wait3A_350 = arith.constant 3 : i32
        %dma_wait3A_351 = arith.constant 0 : i32
        %dma_wait3A_352 = arith.constant 0 : i32
        %dma_wait3A_353 = tpu.memref_slice %arg8[%dma_wait3A_350, %dma_wait3A_351, %dma_wait3A_352] : memref<4x125x64xf32, #tpu.memory_space<vmem>> -> memref<1x125x64xf32, #tpu.memory_space<vmem>>
        %dma_wait3A_354 = tpu.memref_squeeze %dma_wait3A_353 : memref<1x125x64xf32, #tpu.memory_space<vmem>> -> memref<125x64xf32, #tpu.memory_space<vmem>>
        %dma_wait3A_355 = arith.constant 0 : i32
        %dma_wait3A_356 = tpu.memref_slice %arg7[%add3A_349, %dma_wait3A_355] : memref<160x125xi32, #tpu.memory_space<vmem>> -> memref<1x125xi32, #tpu.memory_space<vmem>>
        %dma_wait3A_357 = tpu.memref_squeeze %dma_wait3A_356 : memref<1x125xi32, #tpu.memory_space<vmem>> -> memref<125xi32, #tpu.memory_space<vmem>>
        %dma_wait3A_358 = arith.constant 0 : i32
        %dma_wait3A_359 = arith.constant 0 : i32
        %dma_wait3A_360 = tpu.memref_slice %arg9[%dma_wait3A_358, %dma_wait3A_359] : memref<10000x64xf32, #tpu.memory_space<vmem_shared>> -> memref<10000x64xf32, #tpu.memory_space<vmem_shared>>
        tpu.wait_indirect_dma semaphore(%arg17 : memref<!tpu.dma_semaphore, #tpu.memory_space<semaphore_mem>>) src(%dma_wait3A_354 : memref<125x64xf32, #tpu.memory_space<vmem>>) dst(%dma_wait3A_360 : memref<10000x64xf32, #tpu.memory_space<vmem_shared>>)
        %add3A_361 = arith.constant 4 : i32
        %add3A_362 = arith.addi %mul3A_126, %add3A_361 : i32
        %add3A_363 = arith.constant 3 : i32
        %add3A_364 = arith.addi %add3A_362, %add3A_363 : i32
        %dma_start3A_365 = arith.constant 3 : i32
        %dma_start3A_366 = arith.constant 0 : i32
        %dma_start3A_367 = arith.constant 0 : i32
        %dma_start3A_368 = tpu.memref_slice %arg8[%dma_start3A_365, %dma_start3A_366, %dma_start3A_367] : memref<4x125x64xf32, #tpu.memory_space<vmem>> -> memref<1x125x64xf32, #tpu.memory_space<vmem>>
        %dma_start3A_369 = tpu.memref_squeeze %dma_start3A_368 : memref<1x125x64xf32, #tpu.memory_space<vmem>> -> memref<125x64xf32, #tpu.memory_space<vmem>>
        %dma_start3A_370 = arith.constant 0 : i32
        %dma_start3A_371 = tpu.memref_slice %arg6[%add3A_364, %dma_start3A_370] : memref<160x125xi32, #tpu.memory_space<vmem>> -> memref<1x125xi32, #tpu.memory_space<vmem>>
        %dma_start3A_372 = tpu.memref_squeeze %dma_start3A_371 : memref<1x125xi32, #tpu.memory_space<vmem>> -> memref<125xi32, #tpu.memory_space<vmem>>
        %dma_start3A_373 = arith.constant 0 : i32
        %dma_start3A_374 = arith.constant 0 : i32
        %dma_start3A_375 = tpu.memref_slice %arg2[%arg0, %dma_start3A_373, %dma_start3A_374] : memref<2x10000x64xf32, #tpu.memory_space<hbm>> -> memref<1x10000x64xf32, #tpu.memory_space<hbm>>
        %dma_start3A_376 = tpu.memref_squeeze %dma_start3A_375 : memref<1x10000x64xf32, #tpu.memory_space<hbm>> -> memref<10000x64xf32, #tpu.memory_space<hbm>>
        %dma_start3A_377 = arith.constant 0 : i32
        %dma_start3A_378 = arith.constant 0 : i32
        %dma_start3A_379 = tpu.memref_slice %dma_start3A_376[%dma_start3A_377, %dma_start3A_378] : memref<10000x64xf32, #tpu.memory_space<hbm>> -> memref<10000x64xf32, #tpu.memory_space<hbm>>
        tpu.enqueue_indirect_dma source(%dma_start3A_379 : memref<10000x64xf32, #tpu.memory_space<hbm>>) target(%dma_start3A_369 : memref<125x64xf32, #tpu.memory_space<vmem>>) offsets(%dma_start3A_372 : memref<125xi32, #tpu.memory_space<vmem>>) semaphore(%arg13 : memref<!tpu.dma_semaphore, #tpu.memory_space<semaphore_mem>>)
      } else {
      }
    }
    %scan3A_70 = arith.constant 40 : i32
    %dma_wait3A = arith.constant 0 : i32
    %dma_wait3A_71 = arith.constant 156 : i32
    %dma_wait3A_72 = arith.constant 0 : i32
    %dma_wait3A_73 = arith.constant 0 : i32
    %dma_wait3A_74 = tpu.memref_slice %arg8[%dma_wait3A, %dma_wait3A_72, %dma_wait3A_73] : memref<4x125x64xf32, #tpu.memory_space<vmem>> -> memref<1x125x64xf32, #tpu.memory_space<vmem>>
    %dma_wait3A_75 = tpu.memref_squeeze %dma_wait3A_74 : memref<1x125x64xf32, #tpu.memory_space<vmem>> -> memref<125x64xf32, #tpu.memory_space<vmem>>
    %dma_wait3A_76 = arith.constant 0 : i32
    %dma_wait3A_77 = tpu.memref_slice %arg7[%dma_wait3A_71, %dma_wait3A_76] : memref<160x125xi32, #tpu.memory_space<vmem>> -> memref<1x125xi32, #tpu.memory_space<vmem>>
    %dma_wait3A_78 = tpu.memref_squeeze %dma_wait3A_77 : memref<1x125xi32, #tpu.memory_space<vmem>> -> memref<125xi32, #tpu.memory_space<vmem>>
    %dma_wait3A_79 = arith.constant 0 : i32
    %dma_wait3A_80 = arith.constant 0 : i32
    %dma_wait3A_81 = tpu.memref_slice %arg9[%dma_wait3A_79, %dma_wait3A_80] : memref<10000x64xf32, #tpu.memory_space<vmem_shared>> -> memref<10000x64xf32, #tpu.memory_space<vmem_shared>>
    tpu.wait_indirect_dma semaphore(%arg14 : memref<!tpu.dma_semaphore, #tpu.memory_space<semaphore_mem>>) src(%dma_wait3A_75 : memref<125x64xf32, #tpu.memory_space<vmem>>) dst(%dma_wait3A_81 : memref<10000x64xf32, #tpu.memory_space<vmem_shared>>)
    %dma_wait3A_82 = arith.constant 1 : i32
    %dma_wait3A_83 = arith.constant 157 : i32
    %dma_wait3A_84 = arith.constant 0 : i32
    %dma_wait3A_85 = arith.constant 0 : i32
    %dma_wait3A_86 = tpu.memref_slice %arg8[%dma_wait3A_82, %dma_wait3A_84, %dma_wait3A_85] : memref<4x125x64xf32, #tpu.memory_space<vmem>> -> memref<1x125x64xf32, #tpu.memory_space<vmem>>
    %dma_wait3A_87 = tpu.memref_squeeze %dma_wait3A_86 : memref<1x125x64xf32, #tpu.memory_space<vmem>> -> memref<125x64xf32, #tpu.memory_space<vmem>>
    %dma_wait3A_88 = arith.constant 0 : i32
    %dma_wait3A_89 = tpu.memref_slice %arg7[%dma_wait3A_83, %dma_wait3A_88] : memref<160x125xi32, #tpu.memory_space<vmem>> -> memref<1x125xi32, #tpu.memory_space<vmem>>
    %dma_wait3A_90 = tpu.memref_squeeze %dma_wait3A_89 : memref<1x125xi32, #tpu.memory_space<vmem>> -> memref<125xi32, #tpu.memory_space<vmem>>
    %dma_wait3A_91 = arith.constant 0 : i32
    %dma_wait3A_92 = arith.constant 0 : i32
    %dma_wait3A_93 = tpu.memref_slice %arg9[%dma_wait3A_91, %dma_wait3A_92] : memref<10000x64xf32, #tpu.memory_space<vmem_shared>> -> memref<10000x64xf32, #tpu.memory_space<vmem_shared>>
    tpu.wait_indirect_dma semaphore(%arg15 : memref<!tpu.dma_semaphore, #tpu.memory_space<semaphore_mem>>) src(%dma_wait3A_87 : memref<125x64xf32, #tpu.memory_space<vmem>>) dst(%dma_wait3A_93 : memref<10000x64xf32, #tpu.memory_space<vmem_shared>>)
    %dma_wait3A_94 = arith.constant 2 : i32
    %dma_wait3A_95 = arith.constant 158 : i32
    %dma_wait3A_96 = arith.constant 0 : i32
    %dma_wait3A_97 = arith.constant 0 : i32
    %dma_wait3A_98 = tpu.memref_slice %arg8[%dma_wait3A_94, %dma_wait3A_96, %dma_wait3A_97] : memref<4x125x64xf32, #tpu.memory_space<vmem>> -> memref<1x125x64xf32, #tpu.memory_space<vmem>>
    %dma_wait3A_99 = tpu.memref_squeeze %dma_wait3A_98 : memref<1x125x64xf32, #tpu.memory_space<vmem>> -> memref<125x64xf32, #tpu.memory_space<vmem>>
    %dma_wait3A_100 = arith.constant 0 : i32
    %dma_wait3A_101 = tpu.memref_slice %arg7[%dma_wait3A_95, %dma_wait3A_100] : memref<160x125xi32, #tpu.memory_space<vmem>> -> memref<1x125xi32, #tpu.memory_space<vmem>>
    %dma_wait3A_102 = tpu.memref_squeeze %dma_wait3A_101 : memref<1x125xi32, #tpu.memory_space<vmem>> -> memref<125xi32, #tpu.memory_space<vmem>>
    %dma_wait3A_103 = arith.constant 0 : i32
    %dma_wait3A_104 = arith.constant 0 : i32
    %dma_wait3A_105 = tpu.memref_slice %arg9[%dma_wait3A_103, %dma_wait3A_104] : memref<10000x64xf32, #tpu.memory_space<vmem_shared>> -> memref<10000x64xf32, #tpu.memory_space<vmem_shared>>
    tpu.wait_indirect_dma semaphore(%arg16 : memref<!tpu.dma_semaphore, #tpu.memory_space<semaphore_mem>>) src(%dma_wait3A_99 : memref<125x64xf32, #tpu.memory_space<vmem>>) dst(%dma_wait3A_105 : memref<10000x64xf32, #tpu.memory_space<vmem_shared>>)
    %dma_wait3A_106 = arith.constant 3 : i32
    %dma_wait3A_107 = arith.constant 159 : i32
    %dma_wait3A_108 = arith.constant 0 : i32
    %dma_wait3A_109 = arith.constant 0 : i32
    %dma_wait3A_110 = tpu.memref_slice %arg8[%dma_wait3A_106, %dma_wait3A_108, %dma_wait3A_109] : memref<4x125x64xf32, #tpu.memory_space<vmem>> -> memref<1x125x64xf32, #tpu.memory_space<vmem>>
    %dma_wait3A_111 = tpu.memref_squeeze %dma_wait3A_110 : memref<1x125x64xf32, #tpu.memory_space<vmem>> -> memref<125x64xf32, #tpu.memory_space<vmem>>
    %dma_wait3A_112 = arith.constant 0 : i32
    %dma_wait3A_113 = tpu.memref_slice %arg7[%dma_wait3A_107, %dma_wait3A_112] : memref<160x125xi32, #tpu.memory_space<vmem>> -> memref<1x125xi32, #tpu.memory_space<vmem>>
    %dma_wait3A_114 = tpu.memref_squeeze %dma_wait3A_113 : memref<1x125xi32, #tpu.memory_space<vmem>> -> memref<125xi32, #tpu.memory_space<vmem>>
    %dma_wait3A_115 = arith.constant 0 : i32
    %dma_wait3A_116 = arith.constant 0 : i32
    %dma_wait3A_117 = tpu.memref_slice %arg9[%dma_wait3A_115, %dma_wait3A_116] : memref<10000x64xf32, #tpu.memory_space<vmem_shared>> -> memref<10000x64xf32, #tpu.memory_space<vmem_shared>>
    tpu.wait_indirect_dma semaphore(%arg17 : memref<!tpu.dma_semaphore, #tpu.memory_space<semaphore_mem>>) src(%dma_wait3A_111 : memref<125x64xf32, #tpu.memory_space<vmem>>) dst(%dma_wait3A_117 : memref<10000x64xf32, #tpu.memory_space<vmem_shared>>)
    %barrier3A_118 = arith.constant 0 : index
    tpu.barrier barrier_id(%barrier3A_118)
    "tpu.region"() ({
      %run_scoped3A = tpu.sem_alloc : memref<!tpu.dma_semaphore, #tpu.memory_space<semaphore_mem>>
      %dma_start3A_124 = arith.constant 0 : i32
      %dma_start3A_125 = tpu.memref_slice %arg5[%arg0, %mul3A_0, %dma_start3A_124] : memref<2x10000x64xf32, #tpu.memory_space<hbm>> -> memref<1x624x64xf32, #tpu.memory_space<hbm>>
      %dma_start3A_126 = tpu.memref_squeeze %dma_start3A_125 : memref<1x624x64xf32, #tpu.memory_space<hbm>> -> memref<624x64xf32, #tpu.memory_space<hbm>>
      %dma_start3A_127 = arith.constant 0 : i32
      %dma_start3A_128 = tpu.memref_slice %arg9[%mul3A_0, %dma_start3A_127] : memref<10000x64xf32, #tpu.memory_space<vmem_shared>> -> memref<624x64xf32, #tpu.memory_space<vmem_shared>>
      tpu.enqueue_dma source(%dma_start3A_128 : memref<624x64xf32, #tpu.memory_space<vmem_shared>>) target(%dma_start3A_126 : memref<624x64xf32, #tpu.memory_space<hbm>>) target_semaphore(%run_scoped3A : memref<!tpu.dma_semaphore, #tpu.memory_space<semaphore_mem>>)
      %dma_wait3A_129 = arith.constant 0 : i32
      %dma_wait3A_130 = tpu.memref_slice %arg5[%arg0, %mul3A_0, %dma_wait3A_129] : memref<2x10000x64xf32, #tpu.memory_space<hbm>> -> memref<1x624x64xf32, #tpu.memory_space<hbm>>
      %dma_wait3A_131 = tpu.memref_squeeze %dma_wait3A_130 : memref<1x624x64xf32, #tpu.memory_space<hbm>> -> memref<624x64xf32, #tpu.memory_space<hbm>>
      %dma_wait3A_132 = arith.constant 0 : i32
      %dma_wait3A_133 = tpu.memref_slice %arg9[%mul3A_0, %dma_wait3A_132] : memref<10000x64xf32, #tpu.memory_space<vmem_shared>> -> memref<624x64xf32, #tpu.memory_space<vmem_shared>>
      tpu.wait_dma2 semaphore(%run_scoped3A : memref<!tpu.dma_semaphore, #tpu.memory_space<semaphore_mem>>) src(%dma_wait3A_133 : memref<624x64xf32, #tpu.memory_space<vmem_shared>>) dst(%dma_wait3A_131 : memref<624x64xf32, #tpu.memory_space<hbm>>)
      tpu.yield
    }) : () -> ()
    %eq3A_119 = arith.constant 0 : i32
    %eq3A_120 = arith.cmpi eq, %arg1, %eq3A_119 : i32
    %convert_element_type3A_121 = arith.extui %eq3A_120 : i1 to i32
    %cond3A_122 = arith.constant 0 : i32
    %cond3A_123 = arith.cmpi ne, %convert_element_type3A_121, %cond3A_122 : i32
    scf.if %cond3A_123 {
      "tpu.region"() ({
        %run_scoped3A = tpu.sem_alloc : memref<!tpu.dma_semaphore, #tpu.memory_space<semaphore_mem>>
        %dma_start3A_124 = arith.constant 9984 : i32
        %dma_start3A_125 = arith.constant 0 : i32
        %dma_start3A_126 = tpu.memref_slice %arg5[%arg0, %dma_start3A_124, %dma_start3A_125] : memref<2x10000x64xf32, #tpu.memory_space<hbm>> -> memref<1x16x64xf32, #tpu.memory_space<hbm>>
        %dma_start3A_127 = tpu.memref_squeeze %dma_start3A_126 : memref<1x16x64xf32, #tpu.memory_space<hbm>> -> memref<16x64xf32, #tpu.memory_space<hbm>>
        %dma_start3A_128 = arith.constant 9984 : i32
        %dma_start3A_129 = arith.constant 0 : i32
        %dma_start3A_130 = tpu.memref_slice %arg9[%dma_start3A_128, %dma_start3A_129] : memref<10000x64xf32, #tpu.memory_space<vmem_shared>> -> memref<16x64xf32, #tpu.memory_space<vmem_shared>>
        tpu.enqueue_dma source(%dma_start3A_130 : memref<16x64xf32, #tpu.memory_space<vmem_shared>>) target(%dma_start3A_127 : memref<16x64xf32, #tpu.memory_space<hbm>>) target_semaphore(%run_scoped3A : memref<!tpu.dma_semaphore, #tpu.memory_space<semaphore_mem>>)
        %dma_wait3A_131 = arith.constant 9984 : i32
        %dma_wait3A_132 = arith.constant 0 : i32
        %dma_wait3A_133 = tpu.memref_slice %arg5[%arg0, %dma_wait3A_131, %dma_wait3A_132] : memref<2x10000x64xf32, #tpu.memory_space<hbm>> -> memref<1x16x64xf32, #tpu.memory_space<hbm>>
        %dma_wait3A_134 = tpu.memref_squeeze %dma_wait3A_133 : memref<1x16x64xf32, #tpu.memory_space<hbm>> -> memref<16x64xf32, #tpu.memory_space<hbm>>
        %dma_wait3A_135 = arith.constant 9984 : i32
        %dma_wait3A_136 = arith.constant 0 : i32
        %dma_wait3A_137 = tpu.memref_slice %arg9[%dma_wait3A_135, %dma_wait3A_136] : memref<10000x64xf32, #tpu.memory_space<vmem_shared>> -> memref<16x64xf32, #tpu.memory_space<vmem_shared>>
        tpu.wait_dma2 semaphore(%run_scoped3A : memref<!tpu.dma_semaphore, #tpu.memory_space<semaphore_mem>>) src(%dma_wait3A_137 : memref<16x64xf32, #tpu.memory_space<vmem_shared>>) dst(%dma_wait3A_134 : memref<16x64xf32, #tpu.memory_space<hbm>>)
        tpu.yield
      }) : () -> ()
    } else {
    }
    return
  }
}

#map = affine_map<(d0, d1) -> (0, 0, 0)>
module attributes {stable_mosaic.version = 14 : i64} {
  func.func @agg(%arg0: i32, %arg1: i32, %arg2: memref<2x10000x64xf32, #tpu.memory_space<hbm>>, %arg3: memref<16x160x125xi32, #tpu.memory_space<hbm>>, %arg4: memref<16x160x125xi32, #tpu.memory_space<hbm>>, %arg5: memref<2x10000x64xf32, #tpu.memory_space<hbm>>, %arg6: memref<160x125xi32, #tpu.memory_space<vmem>>, %arg7: memref<160x125xi32, #tpu.memory_space<vmem>>, %arg8: memref<4x125x64xf32, #tpu.memory_space<vmem>>, %arg9: memref<10000x64xf32, #tpu.memory_space<vmem_shared>>, %arg10: memref<!tpu.dma_semaphore, #tpu.memory_space<semaphore_mem>>, %arg11: memref<!tpu.dma_semaphore, #tpu.memory_space<semaphore_mem>>, %arg12: memref<!tpu.dma_semaphore, #tpu.memory_space<semaphore_mem>>, %arg13: memref<!tpu.dma_semaphore, #tpu.memory_space<semaphore_mem>>, %arg14: memref<!tpu.dma_semaphore, #tpu.memory_space<semaphore_mem>>, %arg15: memref<!tpu.dma_semaphore, #tpu.memory_space<semaphore_mem>>, %arg16: memref<!tpu.dma_semaphore, #tpu.memory_space<semaphore_mem>>, %arg17: memref<!tpu.dma_semaphore, #tpu.memory_space<semaphore_mem>>) attributes {dimension_semantics = [#tpu.dimension_semantics<core_parallel>, #tpu.dimension_semantics<subcore_parallel>], iteration_bounds = array<i64: 2, 16>, scalar_prefetch = 0 : i64, scratch_operands = 12 : i64, tpu.core_type = #tpu.core_type<sc_vector_subcore>, window_params = [{transform_indices = #map}, {transform_indices = #map}, {transform_indices = #map}, {transform_indices = #map}]} {
    "tpu.region"() ({
      %run_scoped3A = tpu.sem_alloc : memref<!tpu.dma_semaphore, #tpu.memory_space<semaphore_mem>>
      %dma_start3A_124 = arith.constant 0 : i32
      %dma_start3A_125 = arith.constant 0 : i32
      %dma_start3A_126 = tpu.memref_slice %arg3[%arg1, %dma_start3A_124, %dma_start3A_125] : memref<16x160x125xi32, #tpu.memory_space<hbm>> -> memref<1x160x125xi32, #tpu.memory_space<hbm>>
      %dma_start3A_127 = tpu.memref_squeeze %dma_start3A_126 : memref<1x160x125xi32, #tpu.memory_space<hbm>> -> memref<160x125xi32, #tpu.memory_space<hbm>>
      %dma_start3A_128 = arith.constant 0 : i32
      %dma_start3A_129 = arith.constant 0 : i32
      %dma_start3A_130 = tpu.memref_slice %arg3[%arg1, %dma_start3A_128, %dma_start3A_129] : memref<16x160x125xi32, #tpu.memory_space<hbm>> -> memref<1x160x125xi32, #tpu.memory_space<hbm>>
      %dma_start3A_131 = tpu.memref_squeeze %dma_start3A_130 : memref<1x160x125xi32, #tpu.memory_space<hbm>> -> memref<160x125xi32, #tpu.memory_space<hbm>>
      tpu.enqueue_dma source(%dma_start3A_131 : memref<160x125xi32, #tpu.memory_space<hbm>>) target(%arg6 : memref<160x125xi32, #tpu.memory_space<vmem>>) target_semaphore(%run_scoped3A : memref<!tpu.dma_semaphore, #tpu.memory_space<semaphore_mem>>)
      %dma_wait3A_132 = arith.constant 0 : i32
      %dma_wait3A_133 = arith.constant 0 : i32
      %dma_wait3A_134 = tpu.memref_slice %arg3[%arg1, %dma_wait3A_132, %dma_wait3A_133] : memref<16x160x125xi32, #tpu.memory_space<hbm>> -> memref<1x160x125xi32, #tpu.memory_space<hbm>>
      %dma_wait3A_135 = tpu.memref_squeeze %dma_wait3A_134 : memref<1x160x125xi32, #tpu.memory_space<hbm>> -> memref<160x125xi32, #tpu.memory_space<hbm>>
      %dma_wait3A_136 = arith.constant 0 : i32
      %dma_wait3A_137 = arith.constant 0 : i32
      %dma_wait3A_138 = tpu.memref_slice %arg3[%arg1, %dma_wait3A_136, %dma_wait3A_137] : memref<16x160x125xi32, #tpu.memory_space<hbm>> -> memref<1x160x125xi32, #tpu.memory_space<hbm>>
      %dma_wait3A_139 = tpu.memref_squeeze %dma_wait3A_138 : memref<1x160x125xi32, #tpu.memory_space<hbm>> -> memref<160x125xi32, #tpu.memory_space<hbm>>
      tpu.wait_dma2 semaphore(%run_scoped3A : memref<!tpu.dma_semaphore, #tpu.memory_space<semaphore_mem>>) src(%dma_wait3A_139 : memref<160x125xi32, #tpu.memory_space<hbm>>) dst(%arg6 : memref<160x125xi32, #tpu.memory_space<vmem>>)
      tpu.yield
    }) : () -> ()
    "tpu.region"() ({
      %run_scoped3A = tpu.sem_alloc : memref<!tpu.dma_semaphore, #tpu.memory_space<semaphore_mem>>
      %dma_start3A_124 = arith.constant 0 : i32
      %dma_start3A_125 = arith.constant 0 : i32
      %dma_start3A_126 = tpu.memref_slice %arg4[%arg1, %dma_start3A_124, %dma_start3A_125] : memref<16x160x125xi32, #tpu.memory_space<hbm>> -> memref<1x160x125xi32, #tpu.memory_space<hbm>>
      %dma_start3A_127 = tpu.memref_squeeze %dma_start3A_126 : memref<1x160x125xi32, #tpu.memory_space<hbm>> -> memref<160x125xi32, #tpu.memory_space<hbm>>
      %dma_start3A_128 = arith.constant 0 : i32
      %dma_start3A_129 = arith.constant 0 : i32
      %dma_start3A_130 = tpu.memref_slice %arg4[%arg1, %dma_start3A_128, %dma_start3A_129] : memref<16x160x125xi32, #tpu.memory_space<hbm>> -> memref<1x160x125xi32, #tpu.memory_space<hbm>>
      %dma_start3A_131 = tpu.memref_squeeze %dma_start3A_130 : memref<1x160x125xi32, #tpu.memory_space<hbm>> -> memref<160x125xi32, #tpu.memory_space<hbm>>
      tpu.enqueue_dma source(%dma_start3A_131 : memref<160x125xi32, #tpu.memory_space<hbm>>) target(%arg7 : memref<160x125xi32, #tpu.memory_space<vmem>>) target_semaphore(%run_scoped3A : memref<!tpu.dma_semaphore, #tpu.memory_space<semaphore_mem>>)
      %dma_wait3A_132 = arith.constant 0 : i32
      %dma_wait3A_133 = arith.constant 0 : i32
      %dma_wait3A_134 = tpu.memref_slice %arg4[%arg1, %dma_wait3A_132, %dma_wait3A_133] : memref<16x160x125xi32, #tpu.memory_space<hbm>> -> memref<1x160x125xi32, #tpu.memory_space<hbm>>
      %dma_wait3A_135 = tpu.memref_squeeze %dma_wait3A_134 : memref<1x160x125xi32, #tpu.memory_space<hbm>> -> memref<160x125xi32, #tpu.memory_space<hbm>>
      %dma_wait3A_136 = arith.constant 0 : i32
      %dma_wait3A_137 = arith.constant 0 : i32
      %dma_wait3A_138 = tpu.memref_slice %arg4[%arg1, %dma_wait3A_136, %dma_wait3A_137] : memref<16x160x125xi32, #tpu.memory_space<hbm>> -> memref<1x160x125xi32, #tpu.memory_space<hbm>>
      %dma_wait3A_139 = tpu.memref_squeeze %dma_wait3A_138 : memref<1x160x125xi32, #tpu.memory_space<hbm>> -> memref<160x125xi32, #tpu.memory_space<hbm>>
      tpu.wait_dma2 semaphore(%run_scoped3A : memref<!tpu.dma_semaphore, #tpu.memory_space<semaphore_mem>>) src(%dma_wait3A_139 : memref<160x125xi32, #tpu.memory_space<hbm>>) dst(%arg7 : memref<160x125xi32, #tpu.memory_space<vmem>>)
      tpu.yield
    }) : () -> ()
    %mul3A = arith.constant 624 : i32
    %mul3A_0 = arith.muli %arg1, %mul3A : i32
    "tpu.region"() ({
      %run_scoped3A = tpu.sem_alloc : memref<!tpu.dma_semaphore, #tpu.memory_space<semaphore_mem>>
      %dma_start3A_124 = arith.constant 0 : i32
      %dma_start3A_125 = tpu.memref_slice %arg9[%mul3A_0, %dma_start3A_124] : memref<10000x64xf32, #tpu.memory_space<vmem_shared>> -> memref<624x64xf32, #tpu.memory_space<vmem_shared>>
      %dma_start3A_126 = arith.constant 0 : i32
      %dma_start3A_127 = arith.constant 0 : i32
      %dma_start3A_128 = tpu.memref_slice %arg2[%arg0, %dma_start3A_126, %dma_start3A_127] : memref<2x10000x64xf32, #tpu.memory_space<hbm>> -> memref<1x10000x64xf32, #tpu.memory_space<hbm>>
      %dma_start3A_129 = tpu.memref_squeeze %dma_start3A_128 : memref<1x10000x64xf32, #tpu.memory_space<hbm>> -> memref<10000x64xf32, #tpu.memory_space<hbm>>
      %dma_start3A_130 = arith.constant 0 : i32
      %dma_start3A_131 = tpu.memref_slice %dma_start3A_129[%mul3A_0, %dma_start3A_130] : memref<10000x64xf32, #tpu.memory_space<hbm>> -> memref<624x64xf32, #tpu.memory_space<hbm>>
      tpu.enqueue_dma source(%dma_start3A_131 : memref<624x64xf32, #tpu.memory_space<hbm>>) target(%dma_start3A_125 : memref<624x64xf32, #tpu.memory_space<vmem_shared>>) target_semaphore(%run_scoped3A : memref<!tpu.dma_semaphore, #tpu.memory_space<semaphore_mem>>)
      %dma_wait3A_132 = arith.constant 0 : i32
      %dma_wait3A_133 = tpu.memref_slice %arg9[%mul3A_0, %dma_wait3A_132] : memref<10000x64xf32, #tpu.memory_space<vmem_shared>> -> memref<624x64xf32, #tpu.memory_space<vmem_shared>>
      %dma_wait3A_134 = arith.constant 0 : i32
      %dma_wait3A_135 = arith.constant 0 : i32
      %dma_wait3A_136 = tpu.memref_slice %arg2[%arg0, %dma_wait3A_134, %dma_wait3A_135] : memref<2x10000x64xf32, #tpu.memory_space<hbm>> -> memref<1x10000x64xf32, #tpu.memory_space<hbm>>
      %dma_wait3A_137 = tpu.memref_squeeze %dma_wait3A_136 : memref<1x10000x64xf32, #tpu.memory_space<hbm>> -> memref<10000x64xf32, #tpu.memory_space<hbm>>
      %dma_wait3A_138 = arith.constant 0 : i32
      %dma_wait3A_139 = tpu.memref_slice %dma_wait3A_137[%mul3A_0, %dma_wait3A_138] : memref<10000x64xf32, #tpu.memory_space<hbm>> -> memref<624x64xf32, #tpu.memory_space<hbm>>
      tpu.wait_dma2 semaphore(%run_scoped3A : memref<!tpu.dma_semaphore, #tpu.memory_space<semaphore_mem>>) src(%dma_wait3A_139 : memref<624x64xf32, #tpu.memory_space<hbm>>) dst(%dma_wait3A_133 : memref<624x64xf32, #tpu.memory_space<vmem_shared>>)
      tpu.yield
    }) : () -> ()
    %eq3A = arith.constant 0 : i32
    %eq3A_1 = arith.cmpi eq, %arg1, %eq3A : i32
    %convert_element_type3A = arith.extui %eq3A_1 : i1 to i32
    %cond3A = arith.constant 0 : i32
    %cond3A_2 = arith.cmpi ne, %convert_element_type3A, %cond3A : i32
    scf.if %cond3A_2 {
      "tpu.region"() ({
        %run_scoped3A = tpu.sem_alloc : memref<!tpu.dma_semaphore, #tpu.memory_space<semaphore_mem>>
        %dma_start3A_124 = arith.constant 9984 : i32
        %dma_start3A_125 = arith.constant 0 : i32
        %dma_start3A_126 = tpu.memref_slice %arg9[%dma_start3A_124, %dma_start3A_125] : memref<10000x64xf32, #tpu.memory_space<vmem_shared>> -> memref<16x64xf32, #tpu.memory_space<vmem_shared>>
        %dma_start3A_127 = arith.constant 0 : i32
        %dma_start3A_128 = arith.constant 0 : i32
        %dma_start3A_129 = tpu.memref_slice %arg2[%arg0, %dma_start3A_127, %dma_start3A_128] : memref<2x10000x64xf32, #tpu.memory_space<hbm>> -> memref<1x10000x64xf32, #tpu.memory_space<hbm>>
        %dma_start3A_130 = tpu.memref_squeeze %dma_start3A_129 : memref<1x10000x64xf32, #tpu.memory_space<hbm>> -> memref<10000x64xf32, #tpu.memory_space<hbm>>
        %dma_start3A_131 = arith.constant 9984 : i32
        %dma_start3A_132 = arith.constant 0 : i32
        %dma_start3A_133 = tpu.memref_slice %dma_start3A_130[%dma_start3A_131, %dma_start3A_132] : memref<10000x64xf32, #tpu.memory_space<hbm>> -> memref<16x64xf32, #tpu.memory_space<hbm>>
        tpu.enqueue_dma source(%dma_start3A_133 : memref<16x64xf32, #tpu.memory_space<hbm>>) target(%dma_start3A_126 : memref<16x64xf32, #tpu.memory_space<vmem_shared>>) target_semaphore(%run_scoped3A : memref<!tpu.dma_semaphore, #tpu.memory_space<semaphore_mem>>)
        %dma_wait3A_134 = arith.constant 9984 : i32
        %dma_wait3A_135 = arith.constant 0 : i32
        %dma_wait3A_136 = tpu.memref_slice %arg9[%dma_wait3A_134, %dma_wait3A_135] : memref<10000x64xf32, #tpu.memory_space<vmem_shared>> -> memref<16x64xf32, #tpu.memory_space<vmem_shared>>
        %dma_wait3A_137 = arith.constant 0 : i32
        %dma_wait3A_138 = arith.constant 0 : i32
        %dma_wait3A_139 = tpu.memref_slice %arg2[%arg0, %dma_wait3A_137, %dma_wait3A_138] : memref<2x10000x64xf32, #tpu.memory_space<hbm>> -> memref<1x10000x64xf32, #tpu.memory_space<hbm>>
        %dma_wait3A_140 = tpu.memref_squeeze %dma_wait3A_139 : memref<1x10000x64xf32, #tpu.memory_space<hbm>> -> memref<10000x64xf32, #tpu.memory_space<hbm>>
        %dma_wait3A_141 = arith.constant 9984 : i32
        %dma_wait3A_142 = arith.constant 0 : i32
        %dma_wait3A_143 = tpu.memref_slice %dma_wait3A_140[%dma_wait3A_141, %dma_wait3A_142] : memref<10000x64xf32, #tpu.memory_space<hbm>> -> memref<16x64xf32, #tpu.memory_space<hbm>>
        tpu.wait_dma2 semaphore(%run_scoped3A : memref<!tpu.dma_semaphore, #tpu.memory_space<semaphore_mem>>) src(%dma_wait3A_143 : memref<16x64xf32, #tpu.memory_space<hbm>>) dst(%dma_wait3A_136 : memref<16x64xf32, #tpu.memory_space<vmem_shared>>)
        tpu.yield
      }) : () -> ()
    } else {
    }
    %barrier3A = arith.constant 0 : index
    tpu.barrier barrier_id(%barrier3A)
    %dma_start3A = arith.constant 0 : i32
    %dma_start3A_3 = arith.constant 0 : i32
    %dma_start3A_4 = arith.constant 0 : i32
    %dma_start3A_5 = arith.constant 0 : i32
    %dma_start3A_6 = tpu.memref_slice %arg8[%dma_start3A_3, %dma_start3A_4, %dma_start3A_5] : memref<4x125x64xf32, #tpu.memory_space<vmem>> -> memref<1x125x64xf32, #tpu.memory_space<vmem>>
    %dma_start3A_7 = tpu.memref_squeeze %dma_start3A_6 : memref<1x125x64xf32, #tpu.memory_space<vmem>> -> memref<125x64xf32, #tpu.memory_space<vmem>>
    %dma_start3A_8 = arith.constant 0 : i32
    %dma_start3A_9 = tpu.memref_slice %arg6[%dma_start3A, %dma_start3A_8] : memref<160x125xi32, #tpu.memory_space<vmem>> -> memref<1x125xi32, #tpu.memory_space<vmem>>
    %dma_start3A_10 = tpu.memref_squeeze %dma_start3A_9 : memref<1x125xi32, #tpu.memory_space<vmem>> -> memref<125xi32, #tpu.memory_space<vmem>>
    %dma_start3A_11 = arith.constant 0 : i32
    %dma_start3A_12 = arith.constant 0 : i32
    %dma_start3A_13 = tpu.memref_slice %arg2[%arg0, %dma_start3A_11, %dma_start3A_12] : memref<2x10000x64xf32, #tpu.memory_space<hbm>> -> memref<1x10000x64xf32, #tpu.memory_space<hbm>>
    %dma_start3A_14 = tpu.memref_squeeze %dma_start3A_13 : memref<1x10000x64xf32, #tpu.memory_space<hbm>> -> memref<10000x64xf32, #tpu.memory_space<hbm>>
    %dma_start3A_15 = arith.constant 0 : i32
    %dma_start3A_16 = arith.constant 0 : i32
    %dma_start3A_17 = tpu.memref_slice %dma_start3A_14[%dma_start3A_15, %dma_start3A_16] : memref<10000x64xf32, #tpu.memory_space<hbm>> -> memref<10000x64xf32, #tpu.memory_space<hbm>>
    tpu.enqueue_indirect_dma source(%dma_start3A_17 : memref<10000x64xf32, #tpu.memory_space<hbm>>) target(%dma_start3A_7 : memref<125x64xf32, #tpu.memory_space<vmem>>) offsets(%dma_start3A_10 : memref<125xi32, #tpu.memory_space<vmem>>) semaphore(%arg10 : memref<!tpu.dma_semaphore, #tpu.memory_space<semaphore_mem>>)
    %dma_start3A_18 = arith.constant 1 : i32
    %dma_start3A_19 = arith.constant 1 : i32
    %dma_start3A_20 = arith.constant 0 : i32
    %dma_start3A_21 = arith.constant 0 : i32
    %dma_start3A_22 = tpu.memref_slice %arg8[%dma_start3A_19, %dma_start3A_20, %dma_start3A_21] : memref<4x125x64xf32, #tpu.memory_space<vmem>> -> memref<1x125x64xf32, #tpu.memory_space<vmem>>
    %dma_start3A_23 = tpu.memref_squeeze %dma_start3A_22 : memref<1x125x64xf32, #tpu.memory_space<vmem>> -> memref<125x64xf32, #tpu.memory_space<vmem>>
    %dma_start3A_24 = arith.constant 0 : i32
    %dma_start3A_25 = tpu.memref_slice %arg6[%dma_start3A_18, %dma_start3A_24] : memref<160x125xi32, #tpu.memory_space<vmem>> -> memref<1x125xi32, #tpu.memory_space<vmem>>
    %dma_start3A_26 = tpu.memref_squeeze %dma_start3A_25 : memref<1x125xi32, #tpu.memory_space<vmem>> -> memref<125xi32, #tpu.memory_space<vmem>>
    %dma_start3A_27 = arith.constant 0 : i32
    %dma_start3A_28 = arith.constant 0 : i32
    %dma_start3A_29 = tpu.memref_slice %arg2[%arg0, %dma_start3A_27, %dma_start3A_28] : memref<2x10000x64xf32, #tpu.memory_space<hbm>> -> memref<1x10000x64xf32, #tpu.memory_space<hbm>>
    %dma_start3A_30 = tpu.memref_squeeze %dma_start3A_29 : memref<1x10000x64xf32, #tpu.memory_space<hbm>> -> memref<10000x64xf32, #tpu.memory_space<hbm>>
    %dma_start3A_31 = arith.constant 0 : i32
    %dma_start3A_32 = arith.constant 0 : i32
    %dma_start3A_33 = tpu.memref_slice %dma_start3A_30[%dma_start3A_31, %dma_start3A_32] : memref<10000x64xf32, #tpu.memory_space<hbm>> -> memref<10000x64xf32, #tpu.memory_space<hbm>>
    tpu.enqueue_indirect_dma source(%dma_start3A_33 : memref<10000x64xf32, #tpu.memory_space<hbm>>) target(%dma_start3A_23 : memref<125x64xf32, #tpu.memory_space<vmem>>) offsets(%dma_start3A_26 : memref<125xi32, #tpu.memory_space<vmem>>) semaphore(%arg11 : memref<!tpu.dma_semaphore, #tpu.memory_space<semaphore_mem>>)
    %dma_start3A_34 = arith.constant 2 : i32
    %dma_start3A_35 = arith.constant 2 : i32
    %dma_start3A_36 = arith.constant 0 : i32
    %dma_start3A_37 = arith.constant 0 : i32
    %dma_start3A_38 = tpu.memref_slice %arg8[%dma_start3A_35, %dma_start3A_36, %dma_start3A_37] : memref<4x125x64xf32, #tpu.memory_space<vmem>> -> memref<1x125x64xf32, #tpu.memory_space<vmem>>
    %dma_start3A_39 = tpu.memref_squeeze %dma_start3A_38 : memref<1x125x64xf32, #tpu.memory_space<vmem>> -> memref<125x64xf32, #tpu.memory_space<vmem>>
    %dma_start3A_40 = arith.constant 0 : i32
    %dma_start3A_41 = tpu.memref_slice %arg6[%dma_start3A_34, %dma_start3A_40] : memref<160x125xi32, #tpu.memory_space<vmem>> -> memref<1x125xi32, #tpu.memory_space<vmem>>
    %dma_start3A_42 = tpu.memref_squeeze %dma_start3A_41 : memref<1x125xi32, #tpu.memory_space<vmem>> -> memref<125xi32, #tpu.memory_space<vmem>>
    %dma_start3A_43 = arith.constant 0 : i32
    %dma_start3A_44 = arith.constant 0 : i32
    %dma_start3A_45 = tpu.memref_slice %arg2[%arg0, %dma_start3A_43, %dma_start3A_44] : memref<2x10000x64xf32, #tpu.memory_space<hbm>> -> memref<1x10000x64xf32, #tpu.memory_space<hbm>>
    %dma_start3A_46 = tpu.memref_squeeze %dma_start3A_45 : memref<1x10000x64xf32, #tpu.memory_space<hbm>> -> memref<10000x64xf32, #tpu.memory_space<hbm>>
    %dma_start3A_47 = arith.constant 0 : i32
    %dma_start3A_48 = arith.constant 0 : i32
    %dma_start3A_49 = tpu.memref_slice %dma_start3A_46[%dma_start3A_47, %dma_start3A_48] : memref<10000x64xf32, #tpu.memory_space<hbm>> -> memref<10000x64xf32, #tpu.memory_space<hbm>>
    tpu.enqueue_indirect_dma source(%dma_start3A_49 : memref<10000x64xf32, #tpu.memory_space<hbm>>) target(%dma_start3A_39 : memref<125x64xf32, #tpu.memory_space<vmem>>) offsets(%dma_start3A_42 : memref<125xi32, #tpu.memory_space<vmem>>) semaphore(%arg12 : memref<!tpu.dma_semaphore, #tpu.memory_space<semaphore_mem>>)
    %dma_start3A_50 = arith.constant 3 : i32
    %dma_start3A_51 = arith.constant 3 : i32
    %dma_start3A_52 = arith.constant 0 : i32
    %dma_start3A_53 = arith.constant 0 : i32
    %dma_start3A_54 = tpu.memref_slice %arg8[%dma_start3A_51, %dma_start3A_52, %dma_start3A_53] : memref<4x125x64xf32, #tpu.memory_space<vmem>> -> memref<1x125x64xf32, #tpu.memory_space<vmem>>
    %dma_start3A_55 = tpu.memref_squeeze %dma_start3A_54 : memref<1x125x64xf32, #tpu.memory_space<vmem>> -> memref<125x64xf32, #tpu.memory_space<vmem>>
    %dma_start3A_56 = arith.constant 0 : i32
    %dma_start3A_57 = tpu.memref_slice %arg6[%dma_start3A_50, %dma_start3A_56] : memref<160x125xi32, #tpu.memory_space<vmem>> -> memref<1x125xi32, #tpu.memory_space<vmem>>
    %dma_start3A_58 = tpu.memref_squeeze %dma_start3A_57 : memref<1x125xi32, #tpu.memory_space<vmem>> -> memref<125xi32, #tpu.memory_space<vmem>>
    %dma_start3A_59 = arith.constant 0 : i32
    %dma_start3A_60 = arith.constant 0 : i32
    %dma_start3A_61 = tpu.memref_slice %arg2[%arg0, %dma_start3A_59, %dma_start3A_60] : memref<2x10000x64xf32, #tpu.memory_space<hbm>> -> memref<1x10000x64xf32, #tpu.memory_space<hbm>>
    %dma_start3A_62 = tpu.memref_squeeze %dma_start3A_61 : memref<1x10000x64xf32, #tpu.memory_space<hbm>> -> memref<10000x64xf32, #tpu.memory_space<hbm>>
    %dma_start3A_63 = arith.constant 0 : i32
    %dma_start3A_64 = arith.constant 0 : i32
    %dma_start3A_65 = tpu.memref_slice %dma_start3A_62[%dma_start3A_63, %dma_start3A_64] : memref<10000x64xf32, #tpu.memory_space<hbm>> -> memref<10000x64xf32, #tpu.memory_space<hbm>>
    tpu.enqueue_indirect_dma source(%dma_start3A_65 : memref<10000x64xf32, #tpu.memory_space<hbm>>) target(%dma_start3A_55 : memref<125x64xf32, #tpu.memory_space<vmem>>) offsets(%dma_start3A_58 : memref<125xi32, #tpu.memory_space<vmem>>) semaphore(%arg13 : memref<!tpu.dma_semaphore, #tpu.memory_space<semaphore_mem>>)
    %scan3A = arith.constant 0 : i32
    %scan3A_66 = arith.constant 0 : i32
    %scan3A_67 = arith.constant 40 : i32
    %scan3A_68 = arith.addi %scan3A_66, %scan3A_67 : i32
    %scan3A_69 = arith.constant 1 : i32
    scf.for %scan3A_124 = %scan3A_66 to %scan3A_68 step %scan3A_69  : i32 {
      %mul3A_125 = arith.constant 4 : i32
      %mul3A_126 = arith.muli %scan3A_124, %mul3A_125 : i32
      %add3A = arith.constant 0 : i32
      %add3A_127 = arith.addi %mul3A_126, %add3A : i32
      %dma_wait3A_128 = arith.constant 0 : i32
      %dma_wait3A_129 = arith.constant 0 : i32
      %dma_wait3A_130 = arith.constant 0 : i32
      %dma_wait3A_131 = tpu.memref_slice %arg8[%dma_wait3A_128, %dma_wait3A_129, %dma_wait3A_130] : memref<4x125x64xf32, #tpu.memory_space<vmem>> -> memref<1x125x64xf32, #tpu.memory_space<vmem>>
      %dma_wait3A_132 = tpu.memref_squeeze %dma_wait3A_131 : memref<1x125x64xf32, #tpu.memory_space<vmem>> -> memref<125x64xf32, #tpu.memory_space<vmem>>
      %dma_wait3A_133 = arith.constant 0 : i32
      %dma_wait3A_134 = tpu.memref_slice %arg6[%add3A_127, %dma_wait3A_133] : memref<160x125xi32, #tpu.memory_space<vmem>> -> memref<1x125xi32, #tpu.memory_space<vmem>>
      %dma_wait3A_135 = tpu.memref_squeeze %dma_wait3A_134 : memref<1x125xi32, #tpu.memory_space<vmem>> -> memref<125xi32, #tpu.memory_space<vmem>>
      %dma_wait3A_136 = arith.constant 0 : i32
      %dma_wait3A_137 = arith.constant 0 : i32
      %dma_wait3A_138 = tpu.memref_slice %arg2[%arg0, %dma_wait3A_136, %dma_wait3A_137] : memref<2x10000x64xf32, #tpu.memory_space<hbm>> -> memref<1x10000x64xf32, #tpu.memory_space<hbm>>
      %dma_wait3A_139 = tpu.memref_squeeze %dma_wait3A_138 : memref<1x10000x64xf32, #tpu.memory_space<hbm>> -> memref<10000x64xf32, #tpu.memory_space<hbm>>
      %dma_wait3A_140 = arith.constant 0 : i32
      %dma_wait3A_141 = arith.constant 0 : i32
      %dma_wait3A_142 = tpu.memref_slice %dma_wait3A_139[%dma_wait3A_140, %dma_wait3A_141] : memref<10000x64xf32, #tpu.memory_space<hbm>> -> memref<10000x64xf32, #tpu.memory_space<hbm>>
      tpu.wait_indirect_dma semaphore(%arg10 : memref<!tpu.dma_semaphore, #tpu.memory_space<semaphore_mem>>) src(%dma_wait3A_142 : memref<10000x64xf32, #tpu.memory_space<hbm>>) dst(%dma_wait3A_132 : memref<125x64xf32, #tpu.memory_space<vmem>>)
      %add3A_143 = arith.constant 0 : i32
      %add3A_144 = arith.addi %mul3A_126, %add3A_143 : i32
      %dma_start3A_145 = arith.constant 0 : i32
      %dma_start3A_146 = arith.constant 0 : i32
      %dma_start3A_147 = arith.constant 0 : i32
      %dma_start3A_148 = tpu.memref_slice %arg8[%dma_start3A_145, %dma_start3A_146, %dma_start3A_147] : memref<4x125x64xf32, #tpu.memory_space<vmem>> -> memref<1x125x64xf32, #tpu.memory_space<vmem>>
      %dma_start3A_149 = tpu.memref_squeeze %dma_start3A_148 : memref<1x125x64xf32, #tpu.memory_space<vmem>> -> memref<125x64xf32, #tpu.memory_space<vmem>>
      %dma_start3A_150 = arith.constant 0 : i32
      %dma_start3A_151 = tpu.memref_slice %arg7[%add3A_144, %dma_start3A_150] : memref<160x125xi32, #tpu.memory_space<vmem>> -> memref<1x125xi32, #tpu.memory_space<vmem>>
      %dma_start3A_152 = tpu.memref_squeeze %dma_start3A_151 : memref<1x125xi32, #tpu.memory_space<vmem>> -> memref<125xi32, #tpu.memory_space<vmem>>
      %dma_start3A_153 = arith.constant 0 : i32
      %dma_start3A_154 = arith.constant 0 : i32
      %dma_start3A_155 = tpu.memref_slice %arg9[%dma_start3A_153, %dma_start3A_154] : memref<10000x64xf32, #tpu.memory_space<vmem_shared>> -> memref<10000x64xf32, #tpu.memory_space<vmem_shared>>
      tpu.enqueue_indirect_dma source(%dma_start3A_149 : memref<125x64xf32, #tpu.memory_space<vmem>>) target(%dma_start3A_155 : memref<10000x64xf32, #tpu.memory_space<vmem_shared>>) offsets(%dma_start3A_152 : memref<125xi32, #tpu.memory_space<vmem>>) semaphore(%arg14 : memref<!tpu.dma_semaphore, #tpu.memory_space<semaphore_mem>>) {add = true}
      %add3A_156 = arith.constant 1 : i32
      %add3A_157 = arith.addi %mul3A_126, %add3A_156 : i32
      %dma_wait3A_158 = arith.constant 1 : i32
      %dma_wait3A_159 = arith.constant 0 : i32
      %dma_wait3A_160 = arith.constant 0 : i32
      %dma_wait3A_161 = tpu.memref_slice %arg8[%dma_wait3A_158, %dma_wait3A_159, %dma_wait3A_160] : memref<4x125x64xf32, #tpu.memory_space<vmem>> -> memref<1x125x64xf32, #tpu.memory_space<vmem>>
      %dma_wait3A_162 = tpu.memref_squeeze %dma_wait3A_161 : memref<1x125x64xf32, #tpu.memory_space<vmem>> -> memref<125x64xf32, #tpu.memory_space<vmem>>
      %dma_wait3A_163 = arith.constant 0 : i32
      %dma_wait3A_164 = tpu.memref_slice %arg6[%add3A_157, %dma_wait3A_163] : memref<160x125xi32, #tpu.memory_space<vmem>> -> memref<1x125xi32, #tpu.memory_space<vmem>>
      %dma_wait3A_165 = tpu.memref_squeeze %dma_wait3A_164 : memref<1x125xi32, #tpu.memory_space<vmem>> -> memref<125xi32, #tpu.memory_space<vmem>>
      %dma_wait3A_166 = arith.constant 0 : i32
      %dma_wait3A_167 = arith.constant 0 : i32
      %dma_wait3A_168 = tpu.memref_slice %arg2[%arg0, %dma_wait3A_166, %dma_wait3A_167] : memref<2x10000x64xf32, #tpu.memory_space<hbm>> -> memref<1x10000x64xf32, #tpu.memory_space<hbm>>
      %dma_wait3A_169 = tpu.memref_squeeze %dma_wait3A_168 : memref<1x10000x64xf32, #tpu.memory_space<hbm>> -> memref<10000x64xf32, #tpu.memory_space<hbm>>
      %dma_wait3A_170 = arith.constant 0 : i32
      %dma_wait3A_171 = arith.constant 0 : i32
      %dma_wait3A_172 = tpu.memref_slice %dma_wait3A_169[%dma_wait3A_170, %dma_wait3A_171] : memref<10000x64xf32, #tpu.memory_space<hbm>> -> memref<10000x64xf32, #tpu.memory_space<hbm>>
      tpu.wait_indirect_dma semaphore(%arg11 : memref<!tpu.dma_semaphore, #tpu.memory_space<semaphore_mem>>) src(%dma_wait3A_172 : memref<10000x64xf32, #tpu.memory_space<hbm>>) dst(%dma_wait3A_162 : memref<125x64xf32, #tpu.memory_space<vmem>>)
      %add3A_173 = arith.constant 1 : i32
      %add3A_174 = arith.addi %mul3A_126, %add3A_173 : i32
      %dma_start3A_175 = arith.constant 1 : i32
      %dma_start3A_176 = arith.constant 0 : i32
      %dma_start3A_177 = arith.constant 0 : i32
      %dma_start3A_178 = tpu.memref_slice %arg8[%dma_start3A_175, %dma_start3A_176, %dma_start3A_177] : memref<4x125x64xf32, #tpu.memory_space<vmem>> -> memref<1x125x64xf32, #tpu.memory_space<vmem>>
      %dma_start3A_179 = tpu.memref_squeeze %dma_start3A_178 : memref<1x125x64xf32, #tpu.memory_space<vmem>> -> memref<125x64xf32, #tpu.memory_space<vmem>>
      %dma_start3A_180 = arith.constant 0 : i32
      %dma_start3A_181 = tpu.memref_slice %arg7[%add3A_174, %dma_start3A_180] : memref<160x125xi32, #tpu.memory_space<vmem>> -> memref<1x125xi32, #tpu.memory_space<vmem>>
      %dma_start3A_182 = tpu.memref_squeeze %dma_start3A_181 : memref<1x125xi32, #tpu.memory_space<vmem>> -> memref<125xi32, #tpu.memory_space<vmem>>
      %dma_start3A_183 = arith.constant 0 : i32
      %dma_start3A_184 = arith.constant 0 : i32
      %dma_start3A_185 = tpu.memref_slice %arg9[%dma_start3A_183, %dma_start3A_184] : memref<10000x64xf32, #tpu.memory_space<vmem_shared>> -> memref<10000x64xf32, #tpu.memory_space<vmem_shared>>
      tpu.enqueue_indirect_dma source(%dma_start3A_179 : memref<125x64xf32, #tpu.memory_space<vmem>>) target(%dma_start3A_185 : memref<10000x64xf32, #tpu.memory_space<vmem_shared>>) offsets(%dma_start3A_182 : memref<125xi32, #tpu.memory_space<vmem>>) semaphore(%arg15 : memref<!tpu.dma_semaphore, #tpu.memory_space<semaphore_mem>>) {add = true}
      %add3A_186 = arith.constant 2 : i32
      %add3A_187 = arith.addi %mul3A_126, %add3A_186 : i32
      %dma_wait3A_188 = arith.constant 2 : i32
      %dma_wait3A_189 = arith.constant 0 : i32
      %dma_wait3A_190 = arith.constant 0 : i32
      %dma_wait3A_191 = tpu.memref_slice %arg8[%dma_wait3A_188, %dma_wait3A_189, %dma_wait3A_190] : memref<4x125x64xf32, #tpu.memory_space<vmem>> -> memref<1x125x64xf32, #tpu.memory_space<vmem>>
      %dma_wait3A_192 = tpu.memref_squeeze %dma_wait3A_191 : memref<1x125x64xf32, #tpu.memory_space<vmem>> -> memref<125x64xf32, #tpu.memory_space<vmem>>
      %dma_wait3A_193 = arith.constant 0 : i32
      %dma_wait3A_194 = tpu.memref_slice %arg6[%add3A_187, %dma_wait3A_193] : memref<160x125xi32, #tpu.memory_space<vmem>> -> memref<1x125xi32, #tpu.memory_space<vmem>>
      %dma_wait3A_195 = tpu.memref_squeeze %dma_wait3A_194 : memref<1x125xi32, #tpu.memory_space<vmem>> -> memref<125xi32, #tpu.memory_space<vmem>>
      %dma_wait3A_196 = arith.constant 0 : i32
      %dma_wait3A_197 = arith.constant 0 : i32
      %dma_wait3A_198 = tpu.memref_slice %arg2[%arg0, %dma_wait3A_196, %dma_wait3A_197] : memref<2x10000x64xf32, #tpu.memory_space<hbm>> -> memref<1x10000x64xf32, #tpu.memory_space<hbm>>
      %dma_wait3A_199 = tpu.memref_squeeze %dma_wait3A_198 : memref<1x10000x64xf32, #tpu.memory_space<hbm>> -> memref<10000x64xf32, #tpu.memory_space<hbm>>
      %dma_wait3A_200 = arith.constant 0 : i32
      %dma_wait3A_201 = arith.constant 0 : i32
      %dma_wait3A_202 = tpu.memref_slice %dma_wait3A_199[%dma_wait3A_200, %dma_wait3A_201] : memref<10000x64xf32, #tpu.memory_space<hbm>> -> memref<10000x64xf32, #tpu.memory_space<hbm>>
      tpu.wait_indirect_dma semaphore(%arg12 : memref<!tpu.dma_semaphore, #tpu.memory_space<semaphore_mem>>) src(%dma_wait3A_202 : memref<10000x64xf32, #tpu.memory_space<hbm>>) dst(%dma_wait3A_192 : memref<125x64xf32, #tpu.memory_space<vmem>>)
      %add3A_203 = arith.constant 2 : i32
      %add3A_204 = arith.addi %mul3A_126, %add3A_203 : i32
      %dma_start3A_205 = arith.constant 2 : i32
      %dma_start3A_206 = arith.constant 0 : i32
      %dma_start3A_207 = arith.constant 0 : i32
      %dma_start3A_208 = tpu.memref_slice %arg8[%dma_start3A_205, %dma_start3A_206, %dma_start3A_207] : memref<4x125x64xf32, #tpu.memory_space<vmem>> -> memref<1x125x64xf32, #tpu.memory_space<vmem>>
      %dma_start3A_209 = tpu.memref_squeeze %dma_start3A_208 : memref<1x125x64xf32, #tpu.memory_space<vmem>> -> memref<125x64xf32, #tpu.memory_space<vmem>>
      %dma_start3A_210 = arith.constant 0 : i32
      %dma_start3A_211 = tpu.memref_slice %arg7[%add3A_204, %dma_start3A_210] : memref<160x125xi32, #tpu.memory_space<vmem>> -> memref<1x125xi32, #tpu.memory_space<vmem>>
      %dma_start3A_212 = tpu.memref_squeeze %dma_start3A_211 : memref<1x125xi32, #tpu.memory_space<vmem>> -> memref<125xi32, #tpu.memory_space<vmem>>
      %dma_start3A_213 = arith.constant 0 : i32
      %dma_start3A_214 = arith.constant 0 : i32
      %dma_start3A_215 = tpu.memref_slice %arg9[%dma_start3A_213, %dma_start3A_214] : memref<10000x64xf32, #tpu.memory_space<vmem_shared>> -> memref<10000x64xf32, #tpu.memory_space<vmem_shared>>
      tpu.enqueue_indirect_dma source(%dma_start3A_209 : memref<125x64xf32, #tpu.memory_space<vmem>>) target(%dma_start3A_215 : memref<10000x64xf32, #tpu.memory_space<vmem_shared>>) offsets(%dma_start3A_212 : memref<125xi32, #tpu.memory_space<vmem>>) semaphore(%arg16 : memref<!tpu.dma_semaphore, #tpu.memory_space<semaphore_mem>>) {add = true}
      %add3A_216 = arith.constant 3 : i32
      %add3A_217 = arith.addi %mul3A_126, %add3A_216 : i32
      %dma_wait3A_218 = arith.constant 3 : i32
      %dma_wait3A_219 = arith.constant 0 : i32
      %dma_wait3A_220 = arith.constant 0 : i32
      %dma_wait3A_221 = tpu.memref_slice %arg8[%dma_wait3A_218, %dma_wait3A_219, %dma_wait3A_220] : memref<4x125x64xf32, #tpu.memory_space<vmem>> -> memref<1x125x64xf32, #tpu.memory_space<vmem>>
      %dma_wait3A_222 = tpu.memref_squeeze %dma_wait3A_221 : memref<1x125x64xf32, #tpu.memory_space<vmem>> -> memref<125x64xf32, #tpu.memory_space<vmem>>
      %dma_wait3A_223 = arith.constant 0 : i32
      %dma_wait3A_224 = tpu.memref_slice %arg6[%add3A_217, %dma_wait3A_223] : memref<160x125xi32, #tpu.memory_space<vmem>> -> memref<1x125xi32, #tpu.memory_space<vmem>>
      %dma_wait3A_225 = tpu.memref_squeeze %dma_wait3A_224 : memref<1x125xi32, #tpu.memory_space<vmem>> -> memref<125xi32, #tpu.memory_space<vmem>>
      %dma_wait3A_226 = arith.constant 0 : i32
      %dma_wait3A_227 = arith.constant 0 : i32
      %dma_wait3A_228 = tpu.memref_slice %arg2[%arg0, %dma_wait3A_226, %dma_wait3A_227] : memref<2x10000x64xf32, #tpu.memory_space<hbm>> -> memref<1x10000x64xf32, #tpu.memory_space<hbm>>
      %dma_wait3A_229 = tpu.memref_squeeze %dma_wait3A_228 : memref<1x10000x64xf32, #tpu.memory_space<hbm>> -> memref<10000x64xf32, #tpu.memory_space<hbm>>
      %dma_wait3A_230 = arith.constant 0 : i32
      %dma_wait3A_231 = arith.constant 0 : i32
      %dma_wait3A_232 = tpu.memref_slice %dma_wait3A_229[%dma_wait3A_230, %dma_wait3A_231] : memref<10000x64xf32, #tpu.memory_space<hbm>> -> memref<10000x64xf32, #tpu.memory_space<hbm>>
      tpu.wait_indirect_dma semaphore(%arg13 : memref<!tpu.dma_semaphore, #tpu.memory_space<semaphore_mem>>) src(%dma_wait3A_232 : memref<10000x64xf32, #tpu.memory_space<hbm>>) dst(%dma_wait3A_222 : memref<125x64xf32, #tpu.memory_space<vmem>>)
      %add3A_233 = arith.constant 3 : i32
      %add3A_234 = arith.addi %mul3A_126, %add3A_233 : i32
      %dma_start3A_235 = arith.constant 3 : i32
      %dma_start3A_236 = arith.constant 0 : i32
      %dma_start3A_237 = arith.constant 0 : i32
      %dma_start3A_238 = tpu.memref_slice %arg8[%dma_start3A_235, %dma_start3A_236, %dma_start3A_237] : memref<4x125x64xf32, #tpu.memory_space<vmem>> -> memref<1x125x64xf32, #tpu.memory_space<vmem>>
      %dma_start3A_239 = tpu.memref_squeeze %dma_start3A_238 : memref<1x125x64xf32, #tpu.memory_space<vmem>> -> memref<125x64xf32, #tpu.memory_space<vmem>>
      %dma_start3A_240 = arith.constant 0 : i32
      %dma_start3A_241 = tpu.memref_slice %arg7[%add3A_234, %dma_start3A_240] : memref<160x125xi32, #tpu.memory_space<vmem>> -> memref<1x125xi32, #tpu.memory_space<vmem>>
      %dma_start3A_242 = tpu.memref_squeeze %dma_start3A_241 : memref<1x125xi32, #tpu.memory_space<vmem>> -> memref<125xi32, #tpu.memory_space<vmem>>
      %dma_start3A_243 = arith.constant 0 : i32
      %dma_start3A_244 = arith.constant 0 : i32
      %dma_start3A_245 = tpu.memref_slice %arg9[%dma_start3A_243, %dma_start3A_244] : memref<10000x64xf32, #tpu.memory_space<vmem_shared>> -> memref<10000x64xf32, #tpu.memory_space<vmem_shared>>
      tpu.enqueue_indirect_dma source(%dma_start3A_239 : memref<125x64xf32, #tpu.memory_space<vmem>>) target(%dma_start3A_245 : memref<10000x64xf32, #tpu.memory_space<vmem_shared>>) offsets(%dma_start3A_242 : memref<125xi32, #tpu.memory_space<vmem>>) semaphore(%arg17 : memref<!tpu.dma_semaphore, #tpu.memory_space<semaphore_mem>>) {add = true}
      %add3A_246 = arith.constant 1 : i32
      %add3A_247 = arith.addi %scan3A_124, %add3A_246 : i32
      %lt3A = arith.constant 40 : i32
      %lt3A_248 = arith.cmpi slt, %add3A_247, %lt3A : i32
      %convert_element_type3A_249 = arith.extui %lt3A_248 : i1 to i32
      %cond3A_250 = arith.constant 0 : i32
      %cond3A_251 = arith.cmpi ne, %convert_element_type3A_249, %cond3A_250 : i32
      scf.if %cond3A_251 {
        %add3A_252 = arith.constant 0 : i32
        %add3A_253 = arith.addi %mul3A_126, %add3A_252 : i32
        %dma_wait3A_254 = arith.constant 0 : i32
        %dma_wait3A_255 = arith.constant 0 : i32
        %dma_wait3A_256 = arith.constant 0 : i32
        %dma_wait3A_257 = tpu.memref_slice %arg8[%dma_wait3A_254, %dma_wait3A_255, %dma_wait3A_256] : memref<4x125x64xf32, #tpu.memory_space<vmem>> -> memref<1x125x64xf32, #tpu.memory_space<vmem>>
        %dma_wait3A_258 = tpu.memref_squeeze %dma_wait3A_257 : memref<1x125x64xf32, #tpu.memory_space<vmem>> -> memref<125x64xf32, #tpu.memory_space<vmem>>
        %dma_wait3A_259 = arith.constant 0 : i32
        %dma_wait3A_260 = tpu.memref_slice %arg7[%add3A_253, %dma_wait3A_259] : memref<160x125xi32, #tpu.memory_space<vmem>> -> memref<1x125xi32, #tpu.memory_space<vmem>>
        %dma_wait3A_261 = tpu.memref_squeeze %dma_wait3A_260 : memref<1x125xi32, #tpu.memory_space<vmem>> -> memref<125xi32, #tpu.memory_space<vmem>>
        %dma_wait3A_262 = arith.constant 0 : i32
        %dma_wait3A_263 = arith.constant 0 : i32
        %dma_wait3A_264 = tpu.memref_slice %arg9[%dma_wait3A_262, %dma_wait3A_263] : memref<10000x64xf32, #tpu.memory_space<vmem_shared>> -> memref<10000x64xf32, #tpu.memory_space<vmem_shared>>
        tpu.wait_indirect_dma semaphore(%arg14 : memref<!tpu.dma_semaphore, #tpu.memory_space<semaphore_mem>>) src(%dma_wait3A_258 : memref<125x64xf32, #tpu.memory_space<vmem>>) dst(%dma_wait3A_264 : memref<10000x64xf32, #tpu.memory_space<vmem_shared>>)
        %add3A_265 = arith.constant 4 : i32
        %add3A_266 = arith.addi %mul3A_126, %add3A_265 : i32
        %add3A_267 = arith.constant 0 : i32
        %add3A_268 = arith.addi %add3A_266, %add3A_267 : i32
        %dma_start3A_269 = arith.constant 0 : i32
        %dma_start3A_270 = arith.constant 0 : i32
        %dma_start3A_271 = arith.constant 0 : i32
        %dma_start3A_272 = tpu.memref_slice %arg8[%dma_start3A_269, %dma_start3A_270, %dma_start3A_271] : memref<4x125x64xf32, #tpu.memory_space<vmem>> -> memref<1x125x64xf32, #tpu.memory_space<vmem>>
        %dma_start3A_273 = tpu.memref_squeeze %dma_start3A_272 : memref<1x125x64xf32, #tpu.memory_space<vmem>> -> memref<125x64xf32, #tpu.memory_space<vmem>>
        %dma_start3A_274 = arith.constant 0 : i32
        %dma_start3A_275 = tpu.memref_slice %arg6[%add3A_268, %dma_start3A_274] : memref<160x125xi32, #tpu.memory_space<vmem>> -> memref<1x125xi32, #tpu.memory_space<vmem>>
        %dma_start3A_276 = tpu.memref_squeeze %dma_start3A_275 : memref<1x125xi32, #tpu.memory_space<vmem>> -> memref<125xi32, #tpu.memory_space<vmem>>
        %dma_start3A_277 = arith.constant 0 : i32
        %dma_start3A_278 = arith.constant 0 : i32
        %dma_start3A_279 = tpu.memref_slice %arg2[%arg0, %dma_start3A_277, %dma_start3A_278] : memref<2x10000x64xf32, #tpu.memory_space<hbm>> -> memref<1x10000x64xf32, #tpu.memory_space<hbm>>
        %dma_start3A_280 = tpu.memref_squeeze %dma_start3A_279 : memref<1x10000x64xf32, #tpu.memory_space<hbm>> -> memref<10000x64xf32, #tpu.memory_space<hbm>>
        %dma_start3A_281 = arith.constant 0 : i32
        %dma_start3A_282 = arith.constant 0 : i32
        %dma_start3A_283 = tpu.memref_slice %dma_start3A_280[%dma_start3A_281, %dma_start3A_282] : memref<10000x64xf32, #tpu.memory_space<hbm>> -> memref<10000x64xf32, #tpu.memory_space<hbm>>
        tpu.enqueue_indirect_dma source(%dma_start3A_283 : memref<10000x64xf32, #tpu.memory_space<hbm>>) target(%dma_start3A_273 : memref<125x64xf32, #tpu.memory_space<vmem>>) offsets(%dma_start3A_276 : memref<125xi32, #tpu.memory_space<vmem>>) semaphore(%arg10 : memref<!tpu.dma_semaphore, #tpu.memory_space<semaphore_mem>>)
        %add3A_284 = arith.constant 1 : i32
        %add3A_285 = arith.addi %mul3A_126, %add3A_284 : i32
        %dma_wait3A_286 = arith.constant 1 : i32
        %dma_wait3A_287 = arith.constant 0 : i32
        %dma_wait3A_288 = arith.constant 0 : i32
        %dma_wait3A_289 = tpu.memref_slice %arg8[%dma_wait3A_286, %dma_wait3A_287, %dma_wait3A_288] : memref<4x125x64xf32, #tpu.memory_space<vmem>> -> memref<1x125x64xf32, #tpu.memory_space<vmem>>
        %dma_wait3A_290 = tpu.memref_squeeze %dma_wait3A_289 : memref<1x125x64xf32, #tpu.memory_space<vmem>> -> memref<125x64xf32, #tpu.memory_space<vmem>>
        %dma_wait3A_291 = arith.constant 0 : i32
        %dma_wait3A_292 = tpu.memref_slice %arg7[%add3A_285, %dma_wait3A_291] : memref<160x125xi32, #tpu.memory_space<vmem>> -> memref<1x125xi32, #tpu.memory_space<vmem>>
        %dma_wait3A_293 = tpu.memref_squeeze %dma_wait3A_292 : memref<1x125xi32, #tpu.memory_space<vmem>> -> memref<125xi32, #tpu.memory_space<vmem>>
        %dma_wait3A_294 = arith.constant 0 : i32
        %dma_wait3A_295 = arith.constant 0 : i32
        %dma_wait3A_296 = tpu.memref_slice %arg9[%dma_wait3A_294, %dma_wait3A_295] : memref<10000x64xf32, #tpu.memory_space<vmem_shared>> -> memref<10000x64xf32, #tpu.memory_space<vmem_shared>>
        tpu.wait_indirect_dma semaphore(%arg15 : memref<!tpu.dma_semaphore, #tpu.memory_space<semaphore_mem>>) src(%dma_wait3A_290 : memref<125x64xf32, #tpu.memory_space<vmem>>) dst(%dma_wait3A_296 : memref<10000x64xf32, #tpu.memory_space<vmem_shared>>)
        %add3A_297 = arith.constant 4 : i32
        %add3A_298 = arith.addi %mul3A_126, %add3A_297 : i32
        %add3A_299 = arith.constant 1 : i32
        %add3A_300 = arith.addi %add3A_298, %add3A_299 : i32
        %dma_start3A_301 = arith.constant 1 : i32
        %dma_start3A_302 = arith.constant 0 : i32
        %dma_start3A_303 = arith.constant 0 : i32
        %dma_start3A_304 = tpu.memref_slice %arg8[%dma_start3A_301, %dma_start3A_302, %dma_start3A_303] : memref<4x125x64xf32, #tpu.memory_space<vmem>> -> memref<1x125x64xf32, #tpu.memory_space<vmem>>
        %dma_start3A_305 = tpu.memref_squeeze %dma_start3A_304 : memref<1x125x64xf32, #tpu.memory_space<vmem>> -> memref<125x64xf32, #tpu.memory_space<vmem>>
        %dma_start3A_306 = arith.constant 0 : i32
        %dma_start3A_307 = tpu.memref_slice %arg6[%add3A_300, %dma_start3A_306] : memref<160x125xi32, #tpu.memory_space<vmem>> -> memref<1x125xi32, #tpu.memory_space<vmem>>
        %dma_start3A_308 = tpu.memref_squeeze %dma_start3A_307 : memref<1x125xi32, #tpu.memory_space<vmem>> -> memref<125xi32, #tpu.memory_space<vmem>>
        %dma_start3A_309 = arith.constant 0 : i32
        %dma_start3A_310 = arith.constant 0 : i32
        %dma_start3A_311 = tpu.memref_slice %arg2[%arg0, %dma_start3A_309, %dma_start3A_310] : memref<2x10000x64xf32, #tpu.memory_space<hbm>> -> memref<1x10000x64xf32, #tpu.memory_space<hbm>>
        %dma_start3A_312 = tpu.memref_squeeze %dma_start3A_311 : memref<1x10000x64xf32, #tpu.memory_space<hbm>> -> memref<10000x64xf32, #tpu.memory_space<hbm>>
        %dma_start3A_313 = arith.constant 0 : i32
        %dma_start3A_314 = arith.constant 0 : i32
        %dma_start3A_315 = tpu.memref_slice %dma_start3A_312[%dma_start3A_313, %dma_start3A_314] : memref<10000x64xf32, #tpu.memory_space<hbm>> -> memref<10000x64xf32, #tpu.memory_space<hbm>>
        tpu.enqueue_indirect_dma source(%dma_start3A_315 : memref<10000x64xf32, #tpu.memory_space<hbm>>) target(%dma_start3A_305 : memref<125x64xf32, #tpu.memory_space<vmem>>) offsets(%dma_start3A_308 : memref<125xi32, #tpu.memory_space<vmem>>) semaphore(%arg11 : memref<!tpu.dma_semaphore, #tpu.memory_space<semaphore_mem>>)
        %add3A_316 = arith.constant 2 : i32
        %add3A_317 = arith.addi %mul3A_126, %add3A_316 : i32
        %dma_wait3A_318 = arith.constant 2 : i32
        %dma_wait3A_319 = arith.constant 0 : i32
        %dma_wait3A_320 = arith.constant 0 : i32
        %dma_wait3A_321 = tpu.memref_slice %arg8[%dma_wait3A_318, %dma_wait3A_319, %dma_wait3A_320] : memref<4x125x64xf32, #tpu.memory_space<vmem>> -> memref<1x125x64xf32, #tpu.memory_space<vmem>>
        %dma_wait3A_322 = tpu.memref_squeeze %dma_wait3A_321 : memref<1x125x64xf32, #tpu.memory_space<vmem>> -> memref<125x64xf32, #tpu.memory_space<vmem>>
        %dma_wait3A_323 = arith.constant 0 : i32
        %dma_wait3A_324 = tpu.memref_slice %arg7[%add3A_317, %dma_wait3A_323] : memref<160x125xi32, #tpu.memory_space<vmem>> -> memref<1x125xi32, #tpu.memory_space<vmem>>
        %dma_wait3A_325 = tpu.memref_squeeze %dma_wait3A_324 : memref<1x125xi32, #tpu.memory_space<vmem>> -> memref<125xi32, #tpu.memory_space<vmem>>
        %dma_wait3A_326 = arith.constant 0 : i32
        %dma_wait3A_327 = arith.constant 0 : i32
        %dma_wait3A_328 = tpu.memref_slice %arg9[%dma_wait3A_326, %dma_wait3A_327] : memref<10000x64xf32, #tpu.memory_space<vmem_shared>> -> memref<10000x64xf32, #tpu.memory_space<vmem_shared>>
        tpu.wait_indirect_dma semaphore(%arg16 : memref<!tpu.dma_semaphore, #tpu.memory_space<semaphore_mem>>) src(%dma_wait3A_322 : memref<125x64xf32, #tpu.memory_space<vmem>>) dst(%dma_wait3A_328 : memref<10000x64xf32, #tpu.memory_space<vmem_shared>>)
        %add3A_329 = arith.constant 4 : i32
        %add3A_330 = arith.addi %mul3A_126, %add3A_329 : i32
        %add3A_331 = arith.constant 2 : i32
        %add3A_332 = arith.addi %add3A_330, %add3A_331 : i32
        %dma_start3A_333 = arith.constant 2 : i32
        %dma_start3A_334 = arith.constant 0 : i32
        %dma_start3A_335 = arith.constant 0 : i32
        %dma_start3A_336 = tpu.memref_slice %arg8[%dma_start3A_333, %dma_start3A_334, %dma_start3A_335] : memref<4x125x64xf32, #tpu.memory_space<vmem>> -> memref<1x125x64xf32, #tpu.memory_space<vmem>>
        %dma_start3A_337 = tpu.memref_squeeze %dma_start3A_336 : memref<1x125x64xf32, #tpu.memory_space<vmem>> -> memref<125x64xf32, #tpu.memory_space<vmem>>
        %dma_start3A_338 = arith.constant 0 : i32
        %dma_start3A_339 = tpu.memref_slice %arg6[%add3A_332, %dma_start3A_338] : memref<160x125xi32, #tpu.memory_space<vmem>> -> memref<1x125xi32, #tpu.memory_space<vmem>>
        %dma_start3A_340 = tpu.memref_squeeze %dma_start3A_339 : memref<1x125xi32, #tpu.memory_space<vmem>> -> memref<125xi32, #tpu.memory_space<vmem>>
        %dma_start3A_341 = arith.constant 0 : i32
        %dma_start3A_342 = arith.constant 0 : i32
        %dma_start3A_343 = tpu.memref_slice %arg2[%arg0, %dma_start3A_341, %dma_start3A_342] : memref<2x10000x64xf32, #tpu.memory_space<hbm>> -> memref<1x10000x64xf32, #tpu.memory_space<hbm>>
        %dma_start3A_344 = tpu.memref_squeeze %dma_start3A_343 : memref<1x10000x64xf32, #tpu.memory_space<hbm>> -> memref<10000x64xf32, #tpu.memory_space<hbm>>
        %dma_start3A_345 = arith.constant 0 : i32
        %dma_start3A_346 = arith.constant 0 : i32
        %dma_start3A_347 = tpu.memref_slice %dma_start3A_344[%dma_start3A_345, %dma_start3A_346] : memref<10000x64xf32, #tpu.memory_space<hbm>> -> memref<10000x64xf32, #tpu.memory_space<hbm>>
        tpu.enqueue_indirect_dma source(%dma_start3A_347 : memref<10000x64xf32, #tpu.memory_space<hbm>>) target(%dma_start3A_337 : memref<125x64xf32, #tpu.memory_space<vmem>>) offsets(%dma_start3A_340 : memref<125xi32, #tpu.memory_space<vmem>>) semaphore(%arg12 : memref<!tpu.dma_semaphore, #tpu.memory_space<semaphore_mem>>)
        %add3A_348 = arith.constant 3 : i32
        %add3A_349 = arith.addi %mul3A_126, %add3A_348 : i32
        %dma_wait3A_350 = arith.constant 3 : i32
        %dma_wait3A_351 = arith.constant 0 : i32
        %dma_wait3A_352 = arith.constant 0 : i32
        %dma_wait3A_353 = tpu.memref_slice %arg8[%dma_wait3A_350, %dma_wait3A_351, %dma_wait3A_352] : memref<4x125x64xf32, #tpu.memory_space<vmem>> -> memref<1x125x64xf32, #tpu.memory_space<vmem>>
        %dma_wait3A_354 = tpu.memref_squeeze %dma_wait3A_353 : memref<1x125x64xf32, #tpu.memory_space<vmem>> -> memref<125x64xf32, #tpu.memory_space<vmem>>
        %dma_wait3A_355 = arith.constant 0 : i32
        %dma_wait3A_356 = tpu.memref_slice %arg7[%add3A_349, %dma_wait3A_355] : memref<160x125xi32, #tpu.memory_space<vmem>> -> memref<1x125xi32, #tpu.memory_space<vmem>>
        %dma_wait3A_357 = tpu.memref_squeeze %dma_wait3A_356 : memref<1x125xi32, #tpu.memory_space<vmem>> -> memref<125xi32, #tpu.memory_space<vmem>>
        %dma_wait3A_358 = arith.constant 0 : i32
        %dma_wait3A_359 = arith.constant 0 : i32
        %dma_wait3A_360 = tpu.memref_slice %arg9[%dma_wait3A_358, %dma_wait3A_359] : memref<10000x64xf32, #tpu.memory_space<vmem_shared>> -> memref<10000x64xf32, #tpu.memory_space<vmem_shared>>
        tpu.wait_indirect_dma semaphore(%arg17 : memref<!tpu.dma_semaphore, #tpu.memory_space<semaphore_mem>>) src(%dma_wait3A_354 : memref<125x64xf32, #tpu.memory_space<vmem>>) dst(%dma_wait3A_360 : memref<10000x64xf32, #tpu.memory_space<vmem_shared>>)
        %add3A_361 = arith.constant 4 : i32
        %add3A_362 = arith.addi %mul3A_126, %add3A_361 : i32
        %add3A_363 = arith.constant 3 : i32
        %add3A_364 = arith.addi %add3A_362, %add3A_363 : i32
        %dma_start3A_365 = arith.constant 3 : i32
        %dma_start3A_366 = arith.constant 0 : i32
        %dma_start3A_367 = arith.constant 0 : i32
        %dma_start3A_368 = tpu.memref_slice %arg8[%dma_start3A_365, %dma_start3A_366, %dma_start3A_367] : memref<4x125x64xf32, #tpu.memory_space<vmem>> -> memref<1x125x64xf32, #tpu.memory_space<vmem>>
        %dma_start3A_369 = tpu.memref_squeeze %dma_start3A_368 : memref<1x125x64xf32, #tpu.memory_space<vmem>> -> memref<125x64xf32, #tpu.memory_space<vmem>>
        %dma_start3A_370 = arith.constant 0 : i32
        %dma_start3A_371 = tpu.memref_slice %arg6[%add3A_364, %dma_start3A_370] : memref<160x125xi32, #tpu.memory_space<vmem>> -> memref<1x125xi32, #tpu.memory_space<vmem>>
        %dma_start3A_372 = tpu.memref_squeeze %dma_start3A_371 : memref<1x125xi32, #tpu.memory_space<vmem>> -> memref<125xi32, #tpu.memory_space<vmem>>
        %dma_start3A_373 = arith.constant 0 : i32
        %dma_start3A_374 = arith.constant 0 : i32
        %dma_start3A_375 = tpu.memref_slice %arg2[%arg0, %dma_start3A_373, %dma_start3A_374] : memref<2x10000x64xf32, #tpu.memory_space<hbm>> -> memref<1x10000x64xf32, #tpu.memory_space<hbm>>
        %dma_start3A_376 = tpu.memref_squeeze %dma_start3A_375 : memref<1x10000x64xf32, #tpu.memory_space<hbm>> -> memref<10000x64xf32, #tpu.memory_space<hbm>>
        %dma_start3A_377 = arith.constant 0 : i32
        %dma_start3A_378 = arith.constant 0 : i32
        %dma_start3A_379 = tpu.memref_slice %dma_start3A_376[%dma_start3A_377, %dma_start3A_378] : memref<10000x64xf32, #tpu.memory_space<hbm>> -> memref<10000x64xf32, #tpu.memory_space<hbm>>
        tpu.enqueue_indirect_dma source(%dma_start3A_379 : memref<10000x64xf32, #tpu.memory_space<hbm>>) target(%dma_start3A_369 : memref<125x64xf32, #tpu.memory_space<vmem>>) offsets(%dma_start3A_372 : memref<125xi32, #tpu.memory_space<vmem>>) semaphore(%arg13 : memref<!tpu.dma_semaphore, #tpu.memory_space<semaphore_mem>>)
      } else {
      }
    }
    %scan3A_70 = arith.constant 40 : i32
    %dma_wait3A = arith.constant 0 : i32
    %dma_wait3A_71 = arith.constant 156 : i32
    %dma_wait3A_72 = arith.constant 0 : i32
    %dma_wait3A_73 = arith.constant 0 : i32
    %dma_wait3A_74 = tpu.memref_slice %arg8[%dma_wait3A, %dma_wait3A_72, %dma_wait3A_73] : memref<4x125x64xf32, #tpu.memory_space<vmem>> -> memref<1x125x64xf32, #tpu.memory_space<vmem>>
    %dma_wait3A_75 = tpu.memref_squeeze %dma_wait3A_74 : memref<1x125x64xf32, #tpu.memory_space<vmem>> -> memref<125x64xf32, #tpu.memory_space<vmem>>
    %dma_wait3A_76 = arith.constant 0 : i32
    %dma_wait3A_77 = tpu.memref_slice %arg7[%dma_wait3A_71, %dma_wait3A_76] : memref<160x125xi32, #tpu.memory_space<vmem>> -> memref<1x125xi32, #tpu.memory_space<vmem>>
    %dma_wait3A_78 = tpu.memref_squeeze %dma_wait3A_77 : memref<1x125xi32, #tpu.memory_space<vmem>> -> memref<125xi32, #tpu.memory_space<vmem>>
    %dma_wait3A_79 = arith.constant 0 : i32
    %dma_wait3A_80 = arith.constant 0 : i32
    %dma_wait3A_81 = tpu.memref_slice %arg9[%dma_wait3A_79, %dma_wait3A_80] : memref<10000x64xf32, #tpu.memory_space<vmem_shared>> -> memref<10000x64xf32, #tpu.memory_space<vmem_shared>>
    tpu.wait_indirect_dma semaphore(%arg14 : memref<!tpu.dma_semaphore, #tpu.memory_space<semaphore_mem>>) src(%dma_wait3A_75 : memref<125x64xf32, #tpu.memory_space<vmem>>) dst(%dma_wait3A_81 : memref<10000x64xf32, #tpu.memory_space<vmem_shared>>)
    %dma_wait3A_82 = arith.constant 1 : i32
    %dma_wait3A_83 = arith.constant 157 : i32
    %dma_wait3A_84 = arith.constant 0 : i32
    %dma_wait3A_85 = arith.constant 0 : i32
    %dma_wait3A_86 = tpu.memref_slice %arg8[%dma_wait3A_82, %dma_wait3A_84, %dma_wait3A_85] : memref<4x125x64xf32, #tpu.memory_space<vmem>> -> memref<1x125x64xf32, #tpu.memory_space<vmem>>
    %dma_wait3A_87 = tpu.memref_squeeze %dma_wait3A_86 : memref<1x125x64xf32, #tpu.memory_space<vmem>> -> memref<125x64xf32, #tpu.memory_space<vmem>>
    %dma_wait3A_88 = arith.constant 0 : i32
    %dma_wait3A_89 = tpu.memref_slice %arg7[%dma_wait3A_83, %dma_wait3A_88] : memref<160x125xi32, #tpu.memory_space<vmem>> -> memref<1x125xi32, #tpu.memory_space<vmem>>
    %dma_wait3A_90 = tpu.memref_squeeze %dma_wait3A_89 : memref<1x125xi32, #tpu.memory_space<vmem>> -> memref<125xi32, #tpu.memory_space<vmem>>
    %dma_wait3A_91 = arith.constant 0 : i32
    %dma_wait3A_92 = arith.constant 0 : i32
    %dma_wait3A_93 = tpu.memref_slice %arg9[%dma_wait3A_91, %dma_wait3A_92] : memref<10000x64xf32, #tpu.memory_space<vmem_shared>> -> memref<10000x64xf32, #tpu.memory_space<vmem_shared>>
    tpu.wait_indirect_dma semaphore(%arg15 : memref<!tpu.dma_semaphore, #tpu.memory_space<semaphore_mem>>) src(%dma_wait3A_87 : memref<125x64xf32, #tpu.memory_space<vmem>>) dst(%dma_wait3A_93 : memref<10000x64xf32, #tpu.memory_space<vmem_shared>>)
    %dma_wait3A_94 = arith.constant 2 : i32
    %dma_wait3A_95 = arith.constant 158 : i32
    %dma_wait3A_96 = arith.constant 0 : i32
    %dma_wait3A_97 = arith.constant 0 : i32
    %dma_wait3A_98 = tpu.memref_slice %arg8[%dma_wait3A_94, %dma_wait3A_96, %dma_wait3A_97] : memref<4x125x64xf32, #tpu.memory_space<vmem>> -> memref<1x125x64xf32, #tpu.memory_space<vmem>>
    %dma_wait3A_99 = tpu.memref_squeeze %dma_wait3A_98 : memref<1x125x64xf32, #tpu.memory_space<vmem>> -> memref<125x64xf32, #tpu.memory_space<vmem>>
    %dma_wait3A_100 = arith.constant 0 : i32
    %dma_wait3A_101 = tpu.memref_slice %arg7[%dma_wait3A_95, %dma_wait3A_100] : memref<160x125xi32, #tpu.memory_space<vmem>> -> memref<1x125xi32, #tpu.memory_space<vmem>>
    %dma_wait3A_102 = tpu.memref_squeeze %dma_wait3A_101 : memref<1x125xi32, #tpu.memory_space<vmem>> -> memref<125xi32, #tpu.memory_space<vmem>>
    %dma_wait3A_103 = arith.constant 0 : i32
    %dma_wait3A_104 = arith.constant 0 : i32
    %dma_wait3A_105 = tpu.memref_slice %arg9[%dma_wait3A_103, %dma_wait3A_104] : memref<10000x64xf32, #tpu.memory_space<vmem_shared>> -> memref<10000x64xf32, #tpu.memory_space<vmem_shared>>
    tpu.wait_indirect_dma semaphore(%arg16 : memref<!tpu.dma_semaphore, #tpu.memory_space<semaphore_mem>>) src(%dma_wait3A_99 : memref<125x64xf32, #tpu.memory_space<vmem>>) dst(%dma_wait3A_105 : memref<10000x64xf32, #tpu.memory_space<vmem_shared>>)
    %dma_wait3A_106 = arith.constant 3 : i32
    %dma_wait3A_107 = arith.constant 159 : i32
    %dma_wait3A_108 = arith.constant 0 : i32
    %dma_wait3A_109 = arith.constant 0 : i32
    %dma_wait3A_110 = tpu.memref_slice %arg8[%dma_wait3A_106, %dma_wait3A_108, %dma_wait3A_109] : memref<4x125x64xf32, #tpu.memory_space<vmem>> -> memref<1x125x64xf32, #tpu.memory_space<vmem>>
    %dma_wait3A_111 = tpu.memref_squeeze %dma_wait3A_110 : memref<1x125x64xf32, #tpu.memory_space<vmem>> -> memref<125x64xf32, #tpu.memory_space<vmem>>
    %dma_wait3A_112 = arith.constant 0 : i32
    %dma_wait3A_113 = tpu.memref_slice %arg7[%dma_wait3A_107, %dma_wait3A_112] : memref<160x125xi32, #tpu.memory_space<vmem>> -> memref<1x125xi32, #tpu.memory_space<vmem>>
    %dma_wait3A_114 = tpu.memref_squeeze %dma_wait3A_113 : memref<1x125xi32, #tpu.memory_space<vmem>> -> memref<125xi32, #tpu.memory_space<vmem>>
    %dma_wait3A_115 = arith.constant 0 : i32
    %dma_wait3A_116 = arith.constant 0 : i32
    %dma_wait3A_117 = tpu.memref_slice %arg9[%dma_wait3A_115, %dma_wait3A_116] : memref<10000x64xf32, #tpu.memory_space<vmem_shared>> -> memref<10000x64xf32, #tpu.memory_space<vmem_shared>>
    tpu.wait_indirect_dma semaphore(%arg17 : memref<!tpu.dma_semaphore, #tpu.memory_space<semaphore_mem>>) src(%dma_wait3A_111 : memref<125x64xf32, #tpu.memory_space<vmem>>) dst(%dma_wait3A_117 : memref<10000x64xf32, #tpu.memory_space<vmem_shared>>)
    %barrier3A_118 = arith.constant 0 : index
    tpu.barrier barrier_id(%barrier3A_118)
    "tpu.region"() ({
      %run_scoped3A = tpu.sem_alloc : memref<!tpu.dma_semaphore, #tpu.memory_space<semaphore_mem>>
      %dma_start3A_124 = arith.constant 0 : i32
      %dma_start3A_125 = tpu.memref_slice %arg5[%arg0, %mul3A_0, %dma_start3A_124] : memref<2x10000x64xf32, #tpu.memory_space<hbm>> -> memref<1x624x64xf32, #tpu.memory_space<hbm>>
      %dma_start3A_126 = tpu.memref_squeeze %dma_start3A_125 : memref<1x624x64xf32, #tpu.memory_space<hbm>> -> memref<624x64xf32, #tpu.memory_space<hbm>>
      %dma_start3A_127 = arith.constant 0 : i32
      %dma_start3A_128 = tpu.memref_slice %arg9[%mul3A_0, %dma_start3A_127] : memref<10000x64xf32, #tpu.memory_space<vmem_shared>> -> memref<624x64xf32, #tpu.memory_space<vmem_shared>>
      tpu.enqueue_dma source(%dma_start3A_128 : memref<624x64xf32, #tpu.memory_space<vmem_shared>>) target(%dma_start3A_126 : memref<624x64xf32, #tpu.memory_space<hbm>>) target_semaphore(%run_scoped3A : memref<!tpu.dma_semaphore, #tpu.memory_space<semaphore_mem>>)
      %dma_wait3A_129 = arith.constant 0 : i32
      %dma_wait3A_130 = tpu.memref_slice %arg5[%arg0, %mul3A_0, %dma_wait3A_129] : memref<2x10000x64xf32, #tpu.memory_space<hbm>> -> memref<1x624x64xf32, #tpu.memory_space<hbm>>
      %dma_wait3A_131 = tpu.memref_squeeze %dma_wait3A_130 : memref<1x624x64xf32, #tpu.memory_space<hbm>> -> memref<624x64xf32, #tpu.memory_space<hbm>>
      %dma_wait3A_132 = arith.constant 0 : i32
      %dma_wait3A_133 = tpu.memref_slice %arg9[%mul3A_0, %dma_wait3A_132] : memref<10000x64xf32, #tpu.memory_space<vmem_shared>> -> memref<624x64xf32, #tpu.memory_space<vmem_shared>>
      tpu.wait_dma2 semaphore(%run_scoped3A : memref<!tpu.dma_semaphore, #tpu.memory_space<semaphore_mem>>) src(%dma_wait3A_133 : memref<624x64xf32, #tpu.memory_space<vmem_shared>>) dst(%dma_wait3A_131 : memref<624x64xf32, #tpu.memory_space<hbm>>)
      tpu.yield
    }) : () -> ()
    %eq3A_119 = arith.constant 0 : i32
    %eq3A_120 = arith.cmpi eq, %arg1, %eq3A_119 : i32
    %convert_element_type3A_121 = arith.extui %eq3A_120 : i1 to i32
    %cond3A_122 = arith.constant 0 : i32
    %cond3A_123 = arith.cmpi ne, %convert_element_type3A_121, %cond3A_122 : i32
    scf.if %cond3A_123 {
      "tpu.region"() ({
        %run_scoped3A = tpu.sem_alloc : memref<!tpu.dma_semaphore, #tpu.memory_space<semaphore_mem>>
        %dma_start3A_124 = arith.constant 9984 : i32
        %dma_start3A_125 = arith.constant 0 : i32
        %dma_start3A_126 = tpu.memref_slice %arg5[%arg0, %dma_start3A_124, %dma_start3A_125] : memref<2x10000x64xf32, #tpu.memory_space<hbm>> -> memref<1x16x64xf32, #tpu.memory_space<hbm>>
        %dma_start3A_127 = tpu.memref_squeeze %dma_start3A_126 : memref<1x16x64xf32, #tpu.memory_space<hbm>> -> memref<16x64xf32, #tpu.memory_space<hbm>>
        %dma_start3A_128 = arith.constant 9984 : i32
        %dma_start3A_129 = arith.constant 0 : i32
        %dma_start3A_130 = tpu.memref_slice %arg9[%dma_start3A_128, %dma_start3A_129] : memref<10000x64xf32, #tpu.memory_space<vmem_shared>> -> memref<16x64xf32, #tpu.memory_space<vmem_shared>>
        tpu.enqueue_dma source(%dma_start3A_130 : memref<16x64xf32, #tpu.memory_space<vmem_shared>>) target(%dma_start3A_127 : memref<16x64xf32, #tpu.memory_space<hbm>>) target_semaphore(%run_scoped3A : memref<!tpu.dma_semaphore, #tpu.memory_space<semaphore_mem>>)
        %dma_wait3A_131 = arith.constant 9984 : i32
        %dma_wait3A_132 = arith.constant 0 : i32
        %dma_wait3A_133 = tpu.memref_slice %arg5[%arg0, %dma_wait3A_131, %dma_wait3A_132] : memref<2x10000x64xf32, #tpu.memory_space<hbm>> -> memref<1x16x64xf32, #tpu.memory_space<hbm>>
        %dma_wait3A_134 = tpu.memref_squeeze %dma_wait3A_133 : memref<1x16x64xf32, #tpu.memory_space<hbm>> -> memref<16x64xf32, #tpu.memory_space<hbm>>
        %dma_wait3A_135 = arith.constant 9984 : i32
        %dma_wait3A_136 = arith.constant 0 : i32
        %dma_wait3A_137 = tpu.memref_slice %arg9[%dma_wait3A_135, %dma_wait3A_136] : memref<10000x64xf32, #tpu.memory_space<vmem_shared>> -> memref<16x64xf32, #tpu.memory_space<vmem_shared>>
        tpu.wait_dma2 semaphore(%run_scoped3A : memref<!tpu.dma_semaphore, #tpu.memory_space<semaphore_mem>>) src(%dma_wait3A_137 : memref<16x64xf32, #tpu.memory_space<vmem_shared>>) dst(%dma_wait3A_134 : memref<16x64xf32, #tpu.memory_space<hbm>>)
        tpu.yield
      }) : () -> ()
    } else {
    }
    return
  }
}

module attributes {stable_mosaic.version = 14 : i64} {
  func.func @body(%arg0: i32, %arg1: i32, %arg2: memref<2x2000x64xf32, #tpu.memory_space<vmem>>, %arg3: memref<64x128xf32, #tpu.memory_space<vmem>>, %arg4: memref<64x128xf32, #tpu.memory_space<vmem>>, %arg5: memref<1x128xf32, #tpu.memory_space<vmem>>, %arg6: memref<1x128xf32, #tpu.memory_space<vmem>>, %arg7: memref<1x128xf32, #tpu.memory_space<vmem>>, %arg8: memref<128x128xf32, #tpu.memory_space<vmem>>, %arg9: memref<1x128xf32, #tpu.memory_space<vmem>>, %arg10: memref<2x2000x64xf32, #tpu.memory_space<vmem>>, %arg11: memref<10000x128xf32, #tpu.memory_space<vmem>>, %arg12: memref<8x128xf32, #tpu.memory_space<vmem>>) attributes {dimension_semantics = [#tpu.dimension_semantics<arbitrary>, #tpu.dimension_semantics<arbitrary>], iteration_bounds = array<i64: 2, 5>, scalar_prefetch = 0 : i64, scratch_operands = 2 : i64, tpu.core_type = #tpu.core_type<tc>, window_params = [{transform_indices = @transform_0, window_bounds = array<i64: 2, 2000, 64>}, {pipeline_mode = #tpu.pipeline_mode<synchronous>, transform_indices = @transform_1, window_bounds = array<i64: 64, 128>}, {pipeline_mode = #tpu.pipeline_mode<synchronous>, transform_indices = @transform_2, window_bounds = array<i64: 64, 128>}, {pipeline_mode = #tpu.pipeline_mode<synchronous>, transform_indices = @transform_3, window_bounds = array<i64: 1, 128>}, {pipeline_mode = #tpu.pipeline_mode<synchronous>, transform_indices = @transform_4, window_bounds = array<i64: 1, 128>}, {pipeline_mode = #tpu.pipeline_mode<synchronous>, transform_indices = @transform_5, window_bounds = array<i64: 1, 128>}, {pipeline_mode = #tpu.pipeline_mode<synchronous>, transform_indices = @transform_6, window_bounds = array<i64: 128, 128>}, {pipeline_mode = #tpu.pipeline_mode<synchronous>, transform_indices = @transform_7, window_bounds = array<i64: 1, 128>}, {transform_indices = @transform_8, window_bounds = array<i64: 2, 2000, 64>}]} {
    %eq3A = arith.constant 0 : i32
    %eq3A_0 = arith.cmpi eq, %arg0, %eq3A : i32
    %convert_element_type3A = arith.extui %eq3A_0 : i1 to i32
    %cond3A = arith.constant 0 : i32
    %cond3A_1 = arith.cmpi ne, %convert_element_type3A, %cond3A : i32
    scf.if %cond3A_1 {
      %get3A = arith.constant 0 : index
      %get3A_7 = arith.constant 0 : index
      %get3A_8 = arith.constant 0 : index
      %get3A_9 = vector.load %arg2[%get3A, %get3A_7, %get3A_8] : memref<2x2000x64xf32, #tpu.memory_space<vmem>>, vector<1x2000x64xf32>
      %get3A_10 = vector.shape_cast %get3A_9 : vector<1x2000x64xf32> to vector<2000x64xf32>
      %get3A_11 = arith.constant 0 : index
      %get3A_12 = arith.constant 0 : index
      %get3A_13 = vector.load %arg3[%get3A_11, %get3A_12] : memref<64x128xf32, #tpu.memory_space<vmem>>, vector<64x128xf32>
      %dot_general3A = arith.constant dense<0.000000e+00> : vector<2000x128xf32>
      %dot_general3A_14 = tpu.matmul %get3A_10, %get3A_13, %dot_general3A {dimension_numbers = #tpu.dot_dimension_numbers<[1], [0], [0], [1], [0, 0, 1, 1], [], []>, transpose_lhs_hint = false} : vector<2000x64xf32>, vector<64x128xf32>, vector<2000x128xf32> -> vector<2000x128xf32>
      %get3A_15 = arith.constant 1 : index
      %get3A_16 = arith.constant 0 : index
      %get3A_17 = arith.constant 0 : index
      %get3A_18 = vector.load %arg2[%get3A_15, %get3A_16, %get3A_17] : memref<2x2000x64xf32, #tpu.memory_space<vmem>>, vector<1x2000x64xf32>
      %get3A_19 = vector.shape_cast %get3A_18 : vector<1x2000x64xf32> to vector<2000x64xf32>
      %get3A_20 = arith.constant 0 : index
      %get3A_21 = arith.constant 0 : index
      %get3A_22 = vector.load %arg4[%get3A_20, %get3A_21] : memref<64x128xf32, #tpu.memory_space<vmem>>, vector<64x128xf32>
      %dot_general3A_23 = arith.constant dense<0.000000e+00> : vector<2000x128xf32>
      %dot_general3A_24 = tpu.matmul %get3A_19, %get3A_22, %dot_general3A_23 {dimension_numbers = #tpu.dot_dimension_numbers<[1], [0], [0], [1], [0, 0, 1, 1], [], []>, transpose_lhs_hint = false} : vector<2000x64xf32>, vector<64x128xf32>, vector<2000x128xf32> -> vector<2000x128xf32>
      %add3A = arith.addf %dot_general3A_14, %dot_general3A_24 : vector<2000x128xf32>
      %get3A_25 = arith.constant 0 : index
      %get3A_26 = arith.constant 0 : index
      %get3A_27 = vector.load %arg5[%get3A_25, %get3A_26] : memref<1x128xf32, #tpu.memory_space<vmem>>, vector<1x128xf32>
      %add3A_28 = vector.broadcast %get3A_27 : vector<1x128xf32> to vector<2000x128xf32>
      %add3A_29 = arith.addf %add3A, %add3A_28 : vector<2000x128xf32>
      %mul3A = arith.constant 2000 : i32
      %mul3A_30 = arith.muli %arg1, %mul3A : i32
      %swap3A = arith.index_cast %mul3A_30 : i32 to index
      %swap3A_31 = arith.constant 0 : index
      %swap3A_32 = vector.load %arg11[%swap3A, %swap3A_31] : memref<10000x128xf32, #tpu.memory_space<vmem>>, vector<2000x128xf32>
      tpu.vector_store %arg11[%swap3A, %swap3A_31], %add3A_29 {strides = array<i32>} : memref<10000x128xf32, #tpu.memory_space<vmem>>, vector<2000x128xf32>,
      %eq3A_33 = arith.constant 0 : i32
      %eq3A_34 = arith.cmpi eq, %arg1, %eq3A_33 : i32
      %convert_element_type3A_35 = arith.extui %eq3A_34 : i1 to i32
      %cond3A_36 = arith.constant 0 : i32
      %cond3A_37 = arith.cmpi ne, %convert_element_type3A_35, %cond3A_36 : i32
      scf.if %cond3A_37 {
        %broadcast_in_dim3A_57 = arith.constant 0.000000e+00 : f32
        %broadcast_in_dim3A_58 = vector.broadcast %broadcast_in_dim3A_57 : f32 to vector<8x128xf32>
        %swap3A_59 = arith.constant 0 : index
        %swap3A_60 = arith.constant 0 : index
        %swap3A_61 = vector.load %arg12[%swap3A_59, %swap3A_60] : memref<8x128xf32, #tpu.memory_space<vmem>>, vector<8x128xf32>
        tpu.vector_store %arg12[%swap3A_59, %swap3A_60], %broadcast_in_dim3A_58 {strides = array<i32>} : memref<8x128xf32, #tpu.memory_space<vmem>>, vector<8x128xf32>,
      } else {
      }
      %get3A_38 = arith.constant 0 : index
      %get3A_39 = arith.constant 0 : index
      %get3A_40 = vector.load %arg12[%get3A_38, %get3A_39] : memref<8x128xf32, #tpu.memory_space<vmem>>, vector<1x128xf32>
      %reduce_sum3A = arith.constant dense<0.000000e+00> : vector<128xf32>
      %reduce_sum3A_41 = vector.multi_reduction <add>, %add3A_29, %reduce_sum3A [0] : vector<2000x128xf32> to vector<128xf32>
      %broadcast_in_dim3A = vector.shape_cast %reduce_sum3A_41 : vector<128xf32> to vector<1x128xf32>
      %add3A_42 = arith.addf %get3A_40, %broadcast_in_dim3A : vector<1x128xf32>
      %swap3A_43 = arith.constant 0 : index
      %swap3A_44 = arith.constant 0 : index
      %swap3A_45 = vector.load %arg12[%swap3A_43, %swap3A_44] : memref<8x128xf32, #tpu.memory_space<vmem>>, vector<1x128xf32>
      tpu.vector_store %arg12[%swap3A_43, %swap3A_44], %add3A_42 {strides = array<i32>} : memref<8x128xf32, #tpu.memory_space<vmem>>, vector<1x128xf32>,
      %get3A_46 = arith.constant 1 : index
      %get3A_47 = arith.constant 0 : index
      %get3A_48 = vector.load %arg12[%get3A_46, %get3A_47] : memref<8x128xf32, #tpu.memory_space<vmem>>, vector<1x128xf32>
      %mul3A_49 = arith.mulf %add3A_29, %add3A_29 : vector<2000x128xf32>
      %reduce_sum3A_50 = arith.constant dense<0.000000e+00> : vector<128xf32>
      %reduce_sum3A_51 = vector.multi_reduction <add>, %mul3A_49, %reduce_sum3A_50 [0] : vector<2000x128xf32> to vector<128xf32>
      %broadcast_in_dim3A_52 = vector.shape_cast %reduce_sum3A_51 : vector<128xf32> to vector<1x128xf32>
      %add3A_53 = arith.addf %get3A_48, %broadcast_in_dim3A_52 : vector<1x128xf32>
      %swap3A_54 = arith.constant 1 : index
      %swap3A_55 = arith.constant 0 : index
      %swap3A_56 = vector.load %arg12[%swap3A_54, %swap3A_55] : memref<8x128xf32, #tpu.memory_space<vmem>>, vector<1x128xf32>
      tpu.vector_store %arg12[%swap3A_54, %swap3A_55], %add3A_53 {strides = array<i32>} : memref<8x128xf32, #tpu.memory_space<vmem>>, vector<1x128xf32>,
    } else {
    }
    %eq3A_2 = arith.constant 1 : i32
    %eq3A_3 = arith.cmpi eq, %arg0, %eq3A_2 : i32
    %convert_element_type3A_4 = arith.extui %eq3A_3 : i1 to i32
    %cond3A_5 = arith.constant 0 : i32
    %cond3A_6 = arith.cmpi ne, %convert_element_type3A_4, %cond3A_5 : i32
    scf.if %cond3A_6 {
      %get3A = arith.constant 0 : index
      %get3A_7 = arith.constant 0 : index
      %get3A_8 = vector.load %arg12[%get3A, %get3A_7] : memref<8x128xf32, #tpu.memory_space<vmem>>, vector<8x128xf32>
      %slice3A = vector.extract_strided_slice %get3A_8 {offsets = [0, 0], sizes = [1, 128], strides = [1, 1]} : vector<8x128xf32> to vector<1x128xf32>
      %mul3A = arith.constant 9.99999974E-5 : f32
      %mul3A_9 = vector.broadcast %mul3A : f32 to vector<1x128xf32>
      %mul3A_10 = arith.mulf %slice3A, %mul3A_9 : vector<1x128xf32>
      %slice3A_11 = vector.extract_strided_slice %get3A_8 {offsets = [1, 0], sizes = [1, 128], strides = [1, 1]} : vector<8x128xf32> to vector<1x128xf32>
      %mul3A_12 = arith.constant 9.99999974E-5 : f32
      %mul3A_13 = vector.broadcast %mul3A_12 : f32 to vector<1x128xf32>
      %mul3A_14 = arith.mulf %slice3A_11, %mul3A_13 : vector<1x128xf32>
      %mul3A_15 = arith.mulf %mul3A_10, %mul3A_10 : vector<1x128xf32>
      %sub3A = arith.subf %mul3A_14, %mul3A_15 : vector<1x128xf32>
      %mul3A_16 = arith.constant 2000 : i32
      %mul3A_17 = arith.muli %arg1, %mul3A_16 : i32
      %get3A_18 = arith.index_cast %mul3A_17 : i32 to index
      %get3A_19 = arith.constant 0 : index
      %get3A_20 = vector.load %arg11[%get3A_18, %get3A_19] : memref<10000x128xf32, #tpu.memory_space<vmem>>, vector<2000x128xf32>
      %sub3A_21 = vector.broadcast %mul3A_10 : vector<1x128xf32> to vector<2000x128xf32>
      %sub3A_22 = arith.subf %get3A_20, %sub3A_21 : vector<2000x128xf32>
      %add3A = arith.constant 9.99999974E-6 : f32
      %add3A_23 = vector.broadcast %add3A : f32 to vector<1x128xf32>
      %add3A_24 = arith.addf %sub3A, %add3A_23 : vector<1x128xf32>
      %rsqrt3A = math.rsqrt %add3A_24 : vector<1x128xf32>
      %mul3A_25 = vector.broadcast %rsqrt3A : vector<1x128xf32> to vector<2000x128xf32>
      %mul3A_26 = arith.mulf %sub3A_22, %mul3A_25 : vector<2000x128xf32>
      %get3A_27 = arith.constant 0 : index
      %get3A_28 = arith.constant 0 : index
      %get3A_29 = vector.load %arg6[%get3A_27, %get3A_28] : memref<1x128xf32, #tpu.memory_space<vmem>>, vector<1x128xf32>
      %mul3A_30 = vector.broadcast %get3A_29 : vector<1x128xf32> to vector<2000x128xf32>
      %mul3A_31 = arith.mulf %mul3A_26, %mul3A_30 : vector<2000x128xf32>
      %get3A_32 = arith.constant 0 : index
      %get3A_33 = arith.constant 0 : index
      %get3A_34 = vector.load %arg7[%get3A_32, %get3A_33] : memref<1x128xf32, #tpu.memory_space<vmem>>, vector<1x128xf32>
      %add3A_35 = vector.broadcast %get3A_34 : vector<1x128xf32> to vector<2000x128xf32>
      %add3A_36 = arith.addf %mul3A_31, %add3A_35 : vector<2000x128xf32>
      %max3A = arith.constant 0.000000e+00 : f32
      %max3A_37 = vector.broadcast %max3A : f32 to vector<2000x128xf32>
      %max3A_38 = arith.maximumf %add3A_36, %max3A_37 : vector<2000x128xf32>
      %get3A_39 = arith.constant 0 : index
      %get3A_40 = arith.constant 0 : index
      %get3A_41 = vector.load %arg8[%get3A_39, %get3A_40] : memref<128x128xf32, #tpu.memory_space<vmem>>, vector<128x128xf32>
      %dot_general3A = arith.constant dense<0.000000e+00> : vector<2000x128xf32>
      %dot_general3A_42 = tpu.matmul %max3A_38, %get3A_41, %dot_general3A {dimension_numbers = #tpu.dot_dimension_numbers<[1], [0], [0], [1], [0, 0, 1, 1], [], []>, transpose_lhs_hint = false} : vector<2000x128xf32>, vector<128x128xf32>, vector<2000x128xf32> -> vector<2000x128xf32>
      %get3A_43 = arith.constant 0 : index
      %get3A_44 = arith.constant 0 : index
      %get3A_45 = vector.load %arg9[%get3A_43, %get3A_44] : memref<1x128xf32, #tpu.memory_space<vmem>>, vector<1x128xf32>
      %add3A_46 = vector.broadcast %get3A_45 : vector<1x128xf32> to vector<2000x128xf32>
      %add3A_47 = arith.addf %dot_general3A_42, %add3A_46 : vector<2000x128xf32>
      %gt3A = arith.constant 0.000000e+00 : f32
      %gt3A_48 = vector.broadcast %gt3A : f32 to vector<2000x128xf32>
      %gt3A_49 = arith.cmpf ogt, %add3A_47, %gt3A_48 : vector<2000x128xf32>
      %exp3A = math.exp %add3A_47 : vector<2000x128xf32>
      %sub3A_50 = arith.constant 1.000000e+00 : f32
      %sub3A_51 = vector.broadcast %sub3A_50 : f32 to vector<2000x128xf32>
      %sub3A_52 = arith.subf %exp3A, %sub3A_51 : vector<2000x128xf32>
      %mul3A_53 = arith.constant 1.000000e-01 : f32
      %mul3A_54 = vector.broadcast %mul3A_53 : f32 to vector<2000x128xf32>
      %mul3A_55 = arith.mulf %mul3A_54, %sub3A_52 : vector<2000x128xf32>
      %select_n3A = arith.select %gt3A_49, %add3A_47, %mul3A_55 : vector<2000x128xi1>, vector<2000x128xf32>
      %slice3A_56 = vector.extract_strided_slice %select_n3A {offsets = [0, 0], sizes = [2000, 64], strides = [1, 1]} : vector<2000x128xf32> to vector<2000x64xf32>
      %swap3A = arith.constant 0 : index
      %swap3A_57 = arith.constant 0 : index
      %swap3A_58 = arith.constant 0 : index
      %swap3A_59 = vector.load %arg10[%swap3A, %swap3A_57, %swap3A_58] : memref<2x2000x64xf32, #tpu.memory_space<vmem>>, vector<1x2000x64xf32>
      %swap3A_60 = vector.shape_cast %swap3A_59 : vector<1x2000x64xf32> to vector<2000x64xf32>
      %swap3A_61 = vector.shape_cast %slice3A_56 : vector<2000x64xf32> to vector<1x2000x64xf32>
      tpu.vector_store %arg10[%swap3A, %swap3A_57, %swap3A_58], %swap3A_61 {strides = array<i32>} : memref<2x2000x64xf32, #tpu.memory_space<vmem>>, vector<1x2000x64xf32>,
      %slice3A_62 = vector.extract_strided_slice %select_n3A {offsets = [0, 64], sizes = [2000, 64], strides = [1, 1]} : vector<2000x128xf32> to vector<2000x64xf32>
      %swap3A_63 = arith.constant 1 : index
      %swap3A_64 = arith.constant 0 : index
      %swap3A_65 = arith.constant 0 : index
      %swap3A_66 = vector.load %arg10[%swap3A_63, %swap3A_64, %swap3A_65] : memref<2x2000x64xf32, #tpu.memory_space<vmem>>, vector<1x2000x64xf32>
      %swap3A_67 = vector.shape_cast %swap3A_66 : vector<1x2000x64xf32> to vector<2000x64xf32>
      %swap3A_68 = vector.shape_cast %slice3A_62 : vector<2000x64xf32> to vector<1x2000x64xf32>
      tpu.vector_store %arg10[%swap3A_63, %swap3A_64, %swap3A_65], %swap3A_68 {strides = array<i32>} : memref<2x2000x64xf32, #tpu.memory_space<vmem>>, vector<1x2000x64xf32>,
    } else {
    }
    return
  }
  func.func @transform_0(%arg0: i32, %arg1: i32) -> (i32, i32, i32) {
    %eq3A = arith.constant 0 : i32
    %eq3A_0 = arith.cmpi eq, %arg0, %eq3A : i32
    %jit3A = arith.constant 4 : i32
    %select_n3A = arith.select %eq3A_0, %arg1, %jit3A : i32
    %c0_i32 = arith.constant 0 : i32
    %c0_i32_1 = arith.constant 0 : i32
    %c0_i32_2 = arith.constant 0 : i32
    return %c0_i32, %select_n3A, %c0_i32_1 : i32, i32, i32
  }
  func.func @transform_1(%arg0: i32, %arg1: i32) -> (i32, i32) {
    %c0_i32 = arith.constant 0 : i32
    %c0_i32_0 = arith.constant 0 : i32
    %c0_i32_1 = arith.constant 0 : i32
    return %c0_i32, %c0_i32_0 : i32, i32
  }
  func.func @transform_2(%arg0: i32, %arg1: i32) -> (i32, i32) {
    %c0_i32 = arith.constant 0 : i32
    %c0_i32_0 = arith.constant 0 : i32
    %c0_i32_1 = arith.constant 0 : i32
    return %c0_i32, %c0_i32_0 : i32, i32
  }
  func.func @transform_3(%arg0: i32, %arg1: i32) -> (i32, i32) {
    %c0_i32 = arith.constant 0 : i32
    %c0_i32_0 = arith.constant 0 : i32
    %c0_i32_1 = arith.constant 0 : i32
    return %c0_i32, %c0_i32_0 : i32, i32
  }
  func.func @transform_4(%arg0: i32, %arg1: i32) -> (i32, i32) {
    %c0_i32 = arith.constant 0 : i32
    %c0_i32_0 = arith.constant 0 : i32
    %c0_i32_1 = arith.constant 0 : i32
    return %c0_i32, %c0_i32_0 : i32, i32
  }
  func.func @transform_5(%arg0: i32, %arg1: i32) -> (i32, i32) {
    %c0_i32 = arith.constant 0 : i32
    %c0_i32_0 = arith.constant 0 : i32
    %c0_i32_1 = arith.constant 0 : i32
    return %c0_i32, %c0_i32_0 : i32, i32
  }
  func.func @transform_6(%arg0: i32, %arg1: i32) -> (i32, i32) {
    %c0_i32 = arith.constant 0 : i32
    %c0_i32_0 = arith.constant 0 : i32
    %c0_i32_1 = arith.constant 0 : i32
    return %c0_i32, %c0_i32_0 : i32, i32
  }
  func.func @transform_7(%arg0: i32, %arg1: i32) -> (i32, i32) {
    %c0_i32 = arith.constant 0 : i32
    %c0_i32_0 = arith.constant 0 : i32
    %c0_i32_1 = arith.constant 0 : i32
    return %c0_i32, %c0_i32_0 : i32, i32
  }
  func.func @transform_8(%arg0: i32, %arg1: i32) -> (i32, i32, i32) {
    %eq3A = arith.constant 1 : i32
    %eq3A_0 = arith.cmpi eq, %arg0, %eq3A : i32
    %jit3A = arith.constant 0 : i32
    %select_n3A = arith.select %eq3A_0, %arg1, %jit3A : i32
    %c0_i32 = arith.constant 0 : i32
    %c0_i32_1 = arith.constant 0 : i32
    %c0_i32_2 = arith.constant 0 : i32
    return %c0_i32, %select_n3A, %c0_i32_1 : i32, i32, i32
  }
}

module attributes {stable_mosaic.version = 14 : i64} {
  func.func @body(%arg0: i32, %arg1: i32, %arg2: memref<2x2000x64xf32, #tpu.memory_space<vmem>>, %arg3: memref<64x128xf32, #tpu.memory_space<vmem>>, %arg4: memref<64x128xf32, #tpu.memory_space<vmem>>, %arg5: memref<1x128xf32, #tpu.memory_space<vmem>>, %arg6: memref<1x128xf32, #tpu.memory_space<vmem>>, %arg7: memref<1x128xf32, #tpu.memory_space<vmem>>, %arg8: memref<128x128xf32, #tpu.memory_space<vmem>>, %arg9: memref<1x128xf32, #tpu.memory_space<vmem>>, %arg10: memref<1x2000x1xi32, #tpu.memory_space<vmem>>, %arg11: memref<1x1x2000xi32, #tpu.memory_space<vmem>>, %arg12: memref<16x8xf32, #tpu.memory_space<vmem>>, %arg13: memref<128x128xf32, #tpu.memory_space<vmem>>, %arg14: memref<128x128xf32, #tpu.memory_space<vmem>>, %arg15: memref<8x128xf32, #tpu.memory_space<vmem>>, %arg16: memref<1x128xf32, #tpu.memory_space<vmem>>, %arg17: memref<128x4xf32, #tpu.memory_space<vmem>>, %arg18: memref<1x4xf32, #tpu.memory_space<vmem>>, %arg19: memref<16x4xf32, #tpu.memory_space<vmem>>, %arg20: memref<10000x128xf32, #tpu.memory_space<vmem>>, %arg21: memref<8x128xf32, #tpu.memory_space<vmem>>, %arg22: memref<16x128xf32, #tpu.memory_space<vmem>>, %arg23: memref<16x128xf32, #tpu.memory_space<vmem>>, %arg24: memref<16x1xf32, #tpu.memory_space<vmem>>) attributes {dimension_semantics = [#tpu.dimension_semantics<arbitrary>, #tpu.dimension_semantics<arbitrary>], iteration_bounds = array<i64: 2, 5>, scalar_prefetch = 0 : i64, scratch_operands = 5 : i64, tpu.core_type = #tpu.core_type<tc>, window_params = [{transform_indices = @transform_0, window_bounds = array<i64: 2, 2000, 64>}, {pipeline_mode = #tpu.pipeline_mode<synchronous>, transform_indices = @transform_1, window_bounds = array<i64: 64, 128>}, {pipeline_mode = #tpu.pipeline_mode<synchronous>, transform_indices = @transform_2, window_bounds = array<i64: 64, 128>}, {pipeline_mode = #tpu.pipeline_mode<synchronous>, transform_indices = @transform_3, window_bounds = array<i64: 1, 128>}, {pipeline_mode = #tpu.pipeline_mode<synchronous>, transform_indices = @transform_4, window_bounds = array<i64: 1, 128>}, {pipeline_mode = #tpu.pipeline_mode<synchronous>, transform_indices = @transform_5, window_bounds = array<i64: 1, 128>}, {pipeline_mode = #tpu.pipeline_mode<synchronous>, transform_indices = @transform_6, window_bounds = array<i64: 128, 128>}, {pipeline_mode = #tpu.pipeline_mode<synchronous>, transform_indices = @transform_7, window_bounds = array<i64: 1, 128>}, {transform_indices = @transform_8, window_bounds = array<i64: 1, 2000, 1>}, {transform_indices = @transform_9, window_bounds = array<i64: 1, 1, 2000>}, {pipeline_mode = #tpu.pipeline_mode<synchronous>, transform_indices = @transform_10, window_bounds = array<i64: 16, 8>}, {pipeline_mode = #tpu.pipeline_mode<synchronous>, transform_indices = @transform_11, window_bounds = array<i64: 128, 128>}, {pipeline_mode = #tpu.pipeline_mode<synchronous>, transform_indices = @transform_12, window_bounds = array<i64: 128, 128>}, {pipeline_mode = #tpu.pipeline_mode<synchronous>, transform_indices = @transform_13, window_bounds = array<i64: 8, 128>}, {pipeline_mode = #tpu.pipeline_mode<synchronous>, transform_indices = @transform_14, window_bounds = array<i64: 1, 128>}, {pipeline_mode = #tpu.pipeline_mode<synchronous>, transform_indices = @transform_15, window_bounds = array<i64: 128, 4>}, {pipeline_mode = #tpu.pipeline_mode<synchronous>, transform_indices = @transform_16, window_bounds = array<i64: 1, 4>}, {pipeline_mode = #tpu.pipeline_mode<synchronous>, transform_indices = @transform_17, window_bounds = array<i64: 16, 4>}]} {
    %eq3A = arith.constant 0 : i32
    %eq3A_0 = arith.cmpi eq, %arg0, %eq3A : i32
    %convert_element_type3A = arith.extui %eq3A_0 : i1 to i32
    %cond3A = arith.constant 0 : i32
    %cond3A_1 = arith.cmpi ne, %convert_element_type3A, %cond3A : i32
    scf.if %cond3A_1 {
      %get3A = arith.constant 0 : index
      %get3A_7 = arith.constant 0 : index
      %get3A_8 = arith.constant 0 : index
      %get3A_9 = vector.load %arg2[%get3A, %get3A_7, %get3A_8] : memref<2x2000x64xf32, #tpu.memory_space<vmem>>, vector<1x2000x64xf32>
      %get3A_10 = vector.shape_cast %get3A_9 : vector<1x2000x64xf32> to vector<2000x64xf32>
      %get3A_11 = arith.constant 0 : index
      %get3A_12 = arith.constant 0 : index
      %get3A_13 = vector.load %arg3[%get3A_11, %get3A_12] : memref<64x128xf32, #tpu.memory_space<vmem>>, vector<64x128xf32>
      %dot_general3A = arith.constant dense<0.000000e+00> : vector<2000x128xf32>
      %dot_general3A_14 = tpu.matmul %get3A_10, %get3A_13, %dot_general3A {dimension_numbers = #tpu.dot_dimension_numbers<[1], [0], [0], [1], [0, 0, 1, 1], [], []>, transpose_lhs_hint = false} : vector<2000x64xf32>, vector<64x128xf32>, vector<2000x128xf32> -> vector<2000x128xf32>
      %get3A_15 = arith.constant 1 : index
      %get3A_16 = arith.constant 0 : index
      %get3A_17 = arith.constant 0 : index
      %get3A_18 = vector.load %arg2[%get3A_15, %get3A_16, %get3A_17] : memref<2x2000x64xf32, #tpu.memory_space<vmem>>, vector<1x2000x64xf32>
      %get3A_19 = vector.shape_cast %get3A_18 : vector<1x2000x64xf32> to vector<2000x64xf32>
      %get3A_20 = arith.constant 0 : index
      %get3A_21 = arith.constant 0 : index
      %get3A_22 = vector.load %arg4[%get3A_20, %get3A_21] : memref<64x128xf32, #tpu.memory_space<vmem>>, vector<64x128xf32>
      %dot_general3A_23 = arith.constant dense<0.000000e+00> : vector<2000x128xf32>
      %dot_general3A_24 = tpu.matmul %get3A_19, %get3A_22, %dot_general3A_23 {dimension_numbers = #tpu.dot_dimension_numbers<[1], [0], [0], [1], [0, 0, 1, 1], [], []>, transpose_lhs_hint = false} : vector<2000x64xf32>, vector<64x128xf32>, vector<2000x128xf32> -> vector<2000x128xf32>
      %add3A = arith.addf %dot_general3A_14, %dot_general3A_24 : vector<2000x128xf32>
      %get3A_25 = arith.constant 0 : index
      %get3A_26 = arith.constant 0 : index
      %get3A_27 = vector.load %arg5[%get3A_25, %get3A_26] : memref<1x128xf32, #tpu.memory_space<vmem>>, vector<1x128xf32>
      %add3A_28 = vector.broadcast %get3A_27 : vector<1x128xf32> to vector<2000x128xf32>
      %add3A_29 = arith.addf %add3A, %add3A_28 : vector<2000x128xf32>
      %mul3A = arith.constant 2000 : i32
      %mul3A_30 = arith.muli %arg1, %mul3A : i32
      %swap3A = arith.index_cast %mul3A_30 : i32 to index
      %swap3A_31 = arith.constant 0 : index
      %swap3A_32 = vector.load %arg20[%swap3A, %swap3A_31] : memref<10000x128xf32, #tpu.memory_space<vmem>>, vector<2000x128xf32>
      tpu.vector_store %arg20[%swap3A, %swap3A_31], %add3A_29 {strides = array<i32>} : memref<10000x128xf32, #tpu.memory_space<vmem>>, vector<2000x128xf32>,
      %eq3A_33 = arith.constant 0 : i32
      %eq3A_34 = arith.cmpi eq, %arg1, %eq3A_33 : i32
      %convert_element_type3A_35 = arith.extui %eq3A_34 : i1 to i32
      %cond3A_36 = arith.constant 0 : i32
      %cond3A_37 = arith.cmpi ne, %convert_element_type3A_35, %cond3A_36 : i32
      scf.if %cond3A_37 {
        %broadcast_in_dim3A_57 = arith.constant 0.000000e+00 : f32
        %broadcast_in_dim3A_58 = vector.broadcast %broadcast_in_dim3A_57 : f32 to vector<8x128xf32>
        %swap3A_59 = arith.constant 0 : index
        %swap3A_60 = arith.constant 0 : index
        %swap3A_61 = vector.load %arg21[%swap3A_59, %swap3A_60] : memref<8x128xf32, #tpu.memory_space<vmem>>, vector<8x128xf32>
        tpu.vector_store %arg21[%swap3A_59, %swap3A_60], %broadcast_in_dim3A_58 {strides = array<i32>} : memref<8x128xf32, #tpu.memory_space<vmem>>, vector<8x128xf32>,
        %broadcast_in_dim3A_62 = arith.constant 0.000000e+00 : f32
        %broadcast_in_dim3A_63 = vector.broadcast %broadcast_in_dim3A_62 : f32 to vector<16x128xf32>
        %swap3A_64 = arith.constant 0 : index
        %swap3A_65 = arith.constant 0 : index
        %swap3A_66 = vector.load %arg22[%swap3A_64, %swap3A_65] : memref<16x128xf32, #tpu.memory_space<vmem>>, vector<16x128xf32>
        tpu.vector_store %arg22[%swap3A_64, %swap3A_65], %broadcast_in_dim3A_63 {strides = array<i32>} : memref<16x128xf32, #tpu.memory_space<vmem>>, vector<16x128xf32>,
        %broadcast_in_dim3A_67 = arith.constant 0.000000e+00 : f32
        %broadcast_in_dim3A_68 = vector.broadcast %broadcast_in_dim3A_67 : f32 to vector<16x1xf32>
        %swap3A_69 = arith.constant 0 : index
        %swap3A_70 = arith.constant 0 : index
        %swap3A_71 = vector.load %arg24[%swap3A_69, %swap3A_70] : memref<16x1xf32, #tpu.memory_space<vmem>>, vector<16x1xf32>
        tpu.vector_store %arg24[%swap3A_69, %swap3A_70], %broadcast_in_dim3A_68 {strides = array<i32>} : memref<16x1xf32, #tpu.memory_space<vmem>>, vector<16x1xf32>,
        %broadcast_in_dim3A_72 = arith.constant -1.000000e+30 : f32
        %broadcast_in_dim3A_73 = vector.broadcast %broadcast_in_dim3A_72 : f32 to vector<16x128xf32>
        %swap3A_74 = arith.constant 0 : index
        %swap3A_75 = arith.constant 0 : index
        %swap3A_76 = vector.load %arg23[%swap3A_74, %swap3A_75] : memref<16x128xf32, #tpu.memory_space<vmem>>, vector<16x128xf32>
        tpu.vector_store %arg23[%swap3A_74, %swap3A_75], %broadcast_in_dim3A_73 {strides = array<i32>} : memref<16x128xf32, #tpu.memory_space<vmem>>, vector<16x128xf32>,
      } else {
      }
      %get3A_38 = arith.constant 0 : index
      %get3A_39 = arith.constant 0 : index
      %get3A_40 = vector.load %arg21[%get3A_38, %get3A_39] : memref<8x128xf32, #tpu.memory_space<vmem>>, vector<1x128xf32>
      %reduce_sum3A = arith.constant dense<0.000000e+00> : vector<128xf32>
      %reduce_sum3A_41 = vector.multi_reduction <add>, %add3A_29, %reduce_sum3A [0] : vector<2000x128xf32> to vector<128xf32>
      %broadcast_in_dim3A = vector.shape_cast %reduce_sum3A_41 : vector<128xf32> to vector<1x128xf32>
      %add3A_42 = arith.addf %get3A_40, %broadcast_in_dim3A : vector<1x128xf32>
      %swap3A_43 = arith.constant 0 : index
      %swap3A_44 = arith.constant 0 : index
      %swap3A_45 = vector.load %arg21[%swap3A_43, %swap3A_44] : memref<8x128xf32, #tpu.memory_space<vmem>>, vector<1x128xf32>
      tpu.vector_store %arg21[%swap3A_43, %swap3A_44], %add3A_42 {strides = array<i32>} : memref<8x128xf32, #tpu.memory_space<vmem>>, vector<1x128xf32>,
      %get3A_46 = arith.constant 1 : index
      %get3A_47 = arith.constant 0 : index
      %get3A_48 = vector.load %arg21[%get3A_46, %get3A_47] : memref<8x128xf32, #tpu.memory_space<vmem>>, vector<1x128xf32>
      %mul3A_49 = arith.mulf %add3A_29, %add3A_29 : vector<2000x128xf32>
      %reduce_sum3A_50 = arith.constant dense<0.000000e+00> : vector<128xf32>
      %reduce_sum3A_51 = vector.multi_reduction <add>, %mul3A_49, %reduce_sum3A_50 [0] : vector<2000x128xf32> to vector<128xf32>
      %broadcast_in_dim3A_52 = vector.shape_cast %reduce_sum3A_51 : vector<128xf32> to vector<1x128xf32>
      %add3A_53 = arith.addf %get3A_48, %broadcast_in_dim3A_52 : vector<1x128xf32>
      %swap3A_54 = arith.constant 1 : index
      %swap3A_55 = arith.constant 0 : index
      %swap3A_56 = vector.load %arg21[%swap3A_54, %swap3A_55] : memref<8x128xf32, #tpu.memory_space<vmem>>, vector<1x128xf32>
      tpu.vector_store %arg21[%swap3A_54, %swap3A_55], %add3A_53 {strides = array<i32>} : memref<8x128xf32, #tpu.memory_space<vmem>>, vector<1x128xf32>,
    } else {
    }
    %eq3A_2 = arith.constant 1 : i32
    %eq3A_3 = arith.cmpi eq, %arg0, %eq3A_2 : i32
    %convert_element_type3A_4 = arith.extui %eq3A_3 : i1 to i32
    %cond3A_5 = arith.constant 0 : i32
    %cond3A_6 = arith.cmpi ne, %convert_element_type3A_4, %cond3A_5 : i32
    scf.if %cond3A_6 {
      %get3A = arith.constant 0 : index
      %get3A_7 = arith.constant 0 : index
      %get3A_8 = vector.load %arg21[%get3A, %get3A_7] : memref<8x128xf32, #tpu.memory_space<vmem>>, vector<8x128xf32>
      %slice3A = vector.extract_strided_slice %get3A_8 {offsets = [0, 0], sizes = [1, 128], strides = [1, 1]} : vector<8x128xf32> to vector<1x128xf32>
      %mul3A = arith.constant 9.99999974E-5 : f32
      %mul3A_9 = vector.broadcast %mul3A : f32 to vector<1x128xf32>
      %mul3A_10 = arith.mulf %slice3A, %mul3A_9 : vector<1x128xf32>
      %slice3A_11 = vector.extract_strided_slice %get3A_8 {offsets = [1, 0], sizes = [1, 128], strides = [1, 1]} : vector<8x128xf32> to vector<1x128xf32>
      %mul3A_12 = arith.constant 9.99999974E-5 : f32
      %mul3A_13 = vector.broadcast %mul3A_12 : f32 to vector<1x128xf32>
      %mul3A_14 = arith.mulf %slice3A_11, %mul3A_13 : vector<1x128xf32>
      %mul3A_15 = arith.mulf %mul3A_10, %mul3A_10 : vector<1x128xf32>
      %sub3A = arith.subf %mul3A_14, %mul3A_15 : vector<1x128xf32>
      %mul3A_16 = arith.constant 2000 : i32
      %mul3A_17 = arith.muli %arg1, %mul3A_16 : i32
      %get3A_18 = arith.index_cast %mul3A_17 : i32 to index
      %get3A_19 = arith.constant 0 : index
      %get3A_20 = vector.load %arg20[%get3A_18, %get3A_19] : memref<10000x128xf32, #tpu.memory_space<vmem>>, vector<2000x128xf32>
      %sub3A_21 = vector.broadcast %mul3A_10 : vector<1x128xf32> to vector<2000x128xf32>
      %sub3A_22 = arith.subf %get3A_20, %sub3A_21 : vector<2000x128xf32>
      %add3A = arith.constant 9.99999974E-6 : f32
      %add3A_23 = vector.broadcast %add3A : f32 to vector<1x128xf32>
      %add3A_24 = arith.addf %sub3A, %add3A_23 : vector<1x128xf32>
      %rsqrt3A = math.rsqrt %add3A_24 : vector<1x128xf32>
      %mul3A_25 = vector.broadcast %rsqrt3A : vector<1x128xf32> to vector<2000x128xf32>
      %mul3A_26 = arith.mulf %sub3A_22, %mul3A_25 : vector<2000x128xf32>
      %get3A_27 = arith.constant 0 : index
      %get3A_28 = arith.constant 0 : index
      %get3A_29 = vector.load %arg6[%get3A_27, %get3A_28] : memref<1x128xf32, #tpu.memory_space<vmem>>, vector<1x128xf32>
      %mul3A_30 = vector.broadcast %get3A_29 : vector<1x128xf32> to vector<2000x128xf32>
      %mul3A_31 = arith.mulf %mul3A_26, %mul3A_30 : vector<2000x128xf32>
      %get3A_32 = arith.constant 0 : index
      %get3A_33 = arith.constant 0 : index
      %get3A_34 = vector.load %arg7[%get3A_32, %get3A_33] : memref<1x128xf32, #tpu.memory_space<vmem>>, vector<1x128xf32>
      %add3A_35 = vector.broadcast %get3A_34 : vector<1x128xf32> to vector<2000x128xf32>
      %add3A_36 = arith.addf %mul3A_31, %add3A_35 : vector<2000x128xf32>
      %max3A = arith.constant 0.000000e+00 : f32
      %max3A_37 = vector.broadcast %max3A : f32 to vector<2000x128xf32>
      %max3A_38 = arith.maximumf %add3A_36, %max3A_37 : vector<2000x128xf32>
      %get3A_39 = arith.constant 0 : index
      %get3A_40 = arith.constant 0 : index
      %get3A_41 = vector.load %arg8[%get3A_39, %get3A_40] : memref<128x128xf32, #tpu.memory_space<vmem>>, vector<128x128xf32>
      %dot_general3A = arith.constant dense<0.000000e+00> : vector<2000x128xf32>
      %dot_general3A_42 = tpu.matmul %max3A_38, %get3A_41, %dot_general3A {dimension_numbers = #tpu.dot_dimension_numbers<[1], [0], [0], [1], [0, 0, 1, 1], [], []>, transpose_lhs_hint = false} : vector<2000x128xf32>, vector<128x128xf32>, vector<2000x128xf32> -> vector<2000x128xf32>
      %get3A_43 = arith.constant 0 : index
      %get3A_44 = arith.constant 0 : index
      %get3A_45 = vector.load %arg9[%get3A_43, %get3A_44] : memref<1x128xf32, #tpu.memory_space<vmem>>, vector<1x128xf32>
      %add3A_46 = vector.broadcast %get3A_45 : vector<1x128xf32> to vector<2000x128xf32>
      %add3A_47 = arith.addf %dot_general3A_42, %add3A_46 : vector<2000x128xf32>
      %gt3A = arith.constant 0.000000e+00 : f32
      %gt3A_48 = vector.broadcast %gt3A : f32 to vector<2000x128xf32>
      %gt3A_49 = arith.cmpf ogt, %add3A_47, %gt3A_48 : vector<2000x128xf32>
      %exp3A = math.exp %add3A_47 : vector<2000x128xf32>
      %sub3A_50 = arith.constant 1.000000e+00 : f32
      %sub3A_51 = vector.broadcast %sub3A_50 : f32 to vector<2000x128xf32>
      %sub3A_52 = arith.subf %exp3A, %sub3A_51 : vector<2000x128xf32>
      %mul3A_53 = arith.constant 1.000000e-01 : f32
      %mul3A_54 = vector.broadcast %mul3A_53 : f32 to vector<2000x128xf32>
      %mul3A_55 = arith.mulf %mul3A_54, %sub3A_52 : vector<2000x128xf32>
      %select_n3A = arith.select %gt3A_49, %add3A_47, %mul3A_55 : vector<2000x128xi1>, vector<2000x128xf32>
      %get3A_56 = arith.constant 0 : index
      %get3A_57 = arith.constant 0 : index
      %get3A_58 = arith.constant 0 : index
      %get3A_59 = vector.load %arg10[%get3A_56, %get3A_57, %get3A_58] : memref<1x2000x1xi32, #tpu.memory_space<vmem>>, vector<1x2000x1xi32>
      %get3A_60 = vector.shape_cast %get3A_59 : vector<1x2000x1xi32> to vector<2000x1xi32>
      %get3A_61 = arith.constant 0 : index
      %get3A_62 = arith.constant 0 : index
      %get3A_63 = arith.constant 0 : index
      %get3A_64 = vector.load %arg11[%get3A_61, %get3A_62, %get3A_63] : memref<1x1x2000xi32, #tpu.memory_space<vmem>>, vector<1x1x2000xi32>
      %get3A_65 = vector.shape_cast %get3A_64 : vector<1x1x2000xi32> to vector<1x2000xi32>
      %iota3A = tpu.iota {dimensions = array<i32: 0>} : vector<16x1xi32>
      %eq3A_66 = vector.broadcast %iota3A : vector<16x1xi32> to vector<16x2000xi32>
      %eq3A_67 = vector.broadcast %get3A_65 : vector<1x2000xi32> to vector<16x2000xi32>
      %eq3A_68 = arith.cmpi eq, %eq3A_66, %eq3A_67 : vector<16x2000xi32>
      %convert_element_type3A_69 = arith.extui %eq3A_68 : vector<16x2000xi1> to vector<16x2000xi32>
      %convert_element_type3A_70 = arith.sitofp %convert_element_type3A_69 : vector<16x2000xi32> to vector<16x2000xf32>
      %get3A_71 = arith.constant 0 : index
      %get3A_72 = arith.constant 0 : index
      %get3A_73 = vector.load %arg22[%get3A_71, %get3A_72] : memref<16x128xf32, #tpu.memory_space<vmem>>, vector<16x128xf32>
      %dot_general3A_74 = arith.constant dense<0.000000e+00> : vector<16x128xf32>
      %dot_general3A_75 = tpu.matmul %convert_element_type3A_70, %select_n3A, %dot_general3A_74 {dimension_numbers = #tpu.dot_dimension_numbers<[1], [0], [0], [1], [0, 0, 1, 1], [], []>, transpose_lhs_hint = false} : vector<16x2000xf32>, vector<2000x128xf32>, vector<16x128xf32> -> vector<16x128xf32>
      %add3A_76 = arith.addf %get3A_73, %dot_general3A_75 : vector<16x128xf32>
      %swap3A = arith.constant 0 : index
      %swap3A_77 = arith.constant 0 : index
      %swap3A_78 = vector.load %arg22[%swap3A, %swap3A_77] : memref<16x128xf32, #tpu.memory_space<vmem>>, vector<16x128xf32>
      tpu.vector_store %arg22[%swap3A, %swap3A_77], %add3A_76 {strides = array<i32>} : memref<16x128xf32, #tpu.memory_space<vmem>>, vector<16x128xf32>,
      %get3A_79 = arith.constant 0 : index
      %get3A_80 = arith.constant 0 : index
      %get3A_81 = vector.load %arg24[%get3A_79, %get3A_80] : memref<16x1xf32, #tpu.memory_space<vmem>>, vector<16x1xf32>
      %reduce_sum3A = arith.constant dense<0.000000e+00> : vector<16xf32>
      %reduce_sum3A_82 = vector.multi_reduction <add>, %convert_element_type3A_70, %reduce_sum3A [1] : vector<16x2000xf32> to vector<16xf32>
      %broadcast_in_dim3A = vector.shape_cast %reduce_sum3A_82 : vector<16xf32> to vector<16x1xf32>
      %add3A_83 = arith.addf %get3A_81, %broadcast_in_dim3A : vector<16x1xf32>
      %swap3A_84 = arith.constant 0 : index
      %swap3A_85 = arith.constant 0 : index
      %swap3A_86 = vector.load %arg24[%swap3A_84, %swap3A_85] : memref<16x1xf32, #tpu.memory_space<vmem>>, vector<16x1xf32>
      tpu.vector_store %arg24[%swap3A_84, %swap3A_85], %add3A_83 {strides = array<i32>} : memref<16x1xf32, #tpu.memory_space<vmem>>, vector<16x1xf32>,
      %eq3A_87 = arith.constant 0 : i32
      %eq3A_88 = vector.broadcast %eq3A_87 : i32 to vector<2000x1xi32>
      %eq3A_89 = arith.cmpi eq, %get3A_60, %eq3A_88 : vector<2000x1xi32>
      %jit3A = arith.constant -1.000000e+30 : f32
      %broadcast_in_dim3A_90 = vector.shape_cast %eq3A_89 : vector<2000x1xi1> to vector<2000x1xi1>
      %broadcast_in_dim3A_91 = vector.broadcast %broadcast_in_dim3A_90 : vector<2000x1xi1> to vector<2000x128xi1>
      %broadcast_in_dim3A_92 = vector.broadcast %jit3A : f32 to vector<2000x128xf32>
      %select_n3A_93 = arith.select %broadcast_in_dim3A_91, %select_n3A, %broadcast_in_dim3A_92 : vector<2000x128xi1>, vector<2000x128xf32>
      %get3A_94 = arith.constant 0 : index
      %get3A_95 = arith.constant 0 : index
      %get3A_96 = vector.load %arg23[%get3A_94, %get3A_95] : memref<16x128xf32, #tpu.memory_space<vmem>>, vector<1x128xf32>
      %reduce_max3A = arith.constant dense<0xFF800000> : vector<128xf32>
      %reduce_max3A_97 = vector.multi_reduction <maximumf>, %select_n3A_93, %reduce_max3A [0] : vector<2000x128xf32> to vector<128xf32>
      %broadcast_in_dim3A_98 = vector.shape_cast %reduce_max3A_97 : vector<128xf32> to vector<1x128xf32>
      %max3A_99 = arith.maximumf %get3A_96, %broadcast_in_dim3A_98 : vector<1x128xf32>
      %swap3A_100 = arith.constant 0 : index
      %swap3A_101 = arith.constant 0 : index
      %swap3A_102 = vector.load %arg23[%swap3A_100, %swap3A_101] : memref<16x128xf32, #tpu.memory_space<vmem>>, vector<1x128xf32>
      tpu.vector_store %arg23[%swap3A_100, %swap3A_101], %max3A_99 {strides = array<i32>} : memref<16x128xf32, #tpu.memory_space<vmem>>, vector<1x128xf32>,
      %eq3A_103 = arith.constant 1 : i32
      %eq3A_104 = vector.broadcast %eq3A_103 : i32 to vector<2000x1xi32>
      %eq3A_105 = arith.cmpi eq, %get3A_60, %eq3A_104 : vector<2000x1xi32>
      %jit3A_106 = arith.constant -1.000000e+30 : f32
      %broadcast_in_dim3A_107 = vector.shape_cast %eq3A_105 : vector<2000x1xi1> to vector<2000x1xi1>
      %broadcast_in_dim3A_108 = vector.broadcast %broadcast_in_dim3A_107 : vector<2000x1xi1> to vector<2000x128xi1>
      %broadcast_in_dim3A_109 = vector.broadcast %jit3A_106 : f32 to vector<2000x128xf32>
      %select_n3A_110 = arith.select %broadcast_in_dim3A_108, %select_n3A, %broadcast_in_dim3A_109 : vector<2000x128xi1>, vector<2000x128xf32>
      %get3A_111 = arith.constant 1 : index
      %get3A_112 = arith.constant 0 : index
      %get3A_113 = vector.load %arg23[%get3A_111, %get3A_112] : memref<16x128xf32, #tpu.memory_space<vmem>>, vector<1x128xf32>
      %reduce_max3A_114 = arith.constant dense<0xFF800000> : vector<128xf32>
      %reduce_max3A_115 = vector.multi_reduction <maximumf>, %select_n3A_110, %reduce_max3A_114 [0] : vector<2000x128xf32> to vector<128xf32>
      %broadcast_in_dim3A_116 = vector.shape_cast %reduce_max3A_115 : vector<128xf32> to vector<1x128xf32>
      %max3A_117 = arith.maximumf %get3A_113, %broadcast_in_dim3A_116 : vector<1x128xf32>
      %swap3A_118 = arith.constant 1 : index
      %swap3A_119 = arith.constant 0 : index
      %swap3A_120 = vector.load %arg23[%swap3A_118, %swap3A_119] : memref<16x128xf32, #tpu.memory_space<vmem>>, vector<1x128xf32>
      tpu.vector_store %arg23[%swap3A_118, %swap3A_119], %max3A_117 {strides = array<i32>} : memref<16x128xf32, #tpu.memory_space<vmem>>, vector<1x128xf32>,
      %eq3A_121 = arith.constant 2 : i32
      %eq3A_122 = vector.broadcast %eq3A_121 : i32 to vector<2000x1xi32>
      %eq3A_123 = arith.cmpi eq, %get3A_60, %eq3A_122 : vector<2000x1xi32>
      %jit3A_124 = arith.constant -1.000000e+30 : f32
      %broadcast_in_dim3A_125 = vector.shape_cast %eq3A_123 : vector<2000x1xi1> to vector<2000x1xi1>
      %broadcast_in_dim3A_126 = vector.broadcast %broadcast_in_dim3A_125 : vector<2000x1xi1> to vector<2000x128xi1>
      %broadcast_in_dim3A_127 = vector.broadcast %jit3A_124 : f32 to vector<2000x128xf32>
      %select_n3A_128 = arith.select %broadcast_in_dim3A_126, %select_n3A, %broadcast_in_dim3A_127 : vector<2000x128xi1>, vector<2000x128xf32>
      %get3A_129 = arith.constant 2 : index
      %get3A_130 = arith.constant 0 : index
      %get3A_131 = vector.load %arg23[%get3A_129, %get3A_130] : memref<16x128xf32, #tpu.memory_space<vmem>>, vector<1x128xf32>
      %reduce_max3A_132 = arith.constant dense<0xFF800000> : vector<128xf32>
      %reduce_max3A_133 = vector.multi_reduction <maximumf>, %select_n3A_128, %reduce_max3A_132 [0] : vector<2000x128xf32> to vector<128xf32>
      %broadcast_in_dim3A_134 = vector.shape_cast %reduce_max3A_133 : vector<128xf32> to vector<1x128xf32>
      %max3A_135 = arith.maximumf %get3A_131, %broadcast_in_dim3A_134 : vector<1x128xf32>
      %swap3A_136 = arith.constant 2 : index
      %swap3A_137 = arith.constant 0 : index
      %swap3A_138 = vector.load %arg23[%swap3A_136, %swap3A_137] : memref<16x128xf32, #tpu.memory_space<vmem>>, vector<1x128xf32>
      tpu.vector_store %arg23[%swap3A_136, %swap3A_137], %max3A_135 {strides = array<i32>} : memref<16x128xf32, #tpu.memory_space<vmem>>, vector<1x128xf32>,
      %eq3A_139 = arith.constant 3 : i32
      %eq3A_140 = vector.broadcast %eq3A_139 : i32 to vector<2000x1xi32>
      %eq3A_141 = arith.cmpi eq, %get3A_60, %eq3A_140 : vector<2000x1xi32>
      %jit3A_142 = arith.constant -1.000000e+30 : f32
      %broadcast_in_dim3A_143 = vector.shape_cast %eq3A_141 : vector<2000x1xi1> to vector<2000x1xi1>
      %broadcast_in_dim3A_144 = vector.broadcast %broadcast_in_dim3A_143 : vector<2000x1xi1> to vector<2000x128xi1>
      %broadcast_in_dim3A_145 = vector.broadcast %jit3A_142 : f32 to vector<2000x128xf32>
      %select_n3A_146 = arith.select %broadcast_in_dim3A_144, %select_n3A, %broadcast_in_dim3A_145 : vector<2000x128xi1>, vector<2000x128xf32>
      %get3A_147 = arith.constant 3 : index
      %get3A_148 = arith.constant 0 : index
      %get3A_149 = vector.load %arg23[%get3A_147, %get3A_148] : memref<16x128xf32, #tpu.memory_space<vmem>>, vector<1x128xf32>
      %reduce_max3A_150 = arith.constant dense<0xFF800000> : vector<128xf32>
      %reduce_max3A_151 = vector.multi_reduction <maximumf>, %select_n3A_146, %reduce_max3A_150 [0] : vector<2000x128xf32> to vector<128xf32>
      %broadcast_in_dim3A_152 = vector.shape_cast %reduce_max3A_151 : vector<128xf32> to vector<1x128xf32>
      %max3A_153 = arith.maximumf %get3A_149, %broadcast_in_dim3A_152 : vector<1x128xf32>
      %swap3A_154 = arith.constant 3 : index
      %swap3A_155 = arith.constant 0 : index
      %swap3A_156 = vector.load %arg23[%swap3A_154, %swap3A_155] : memref<16x128xf32, #tpu.memory_space<vmem>>, vector<1x128xf32>
      tpu.vector_store %arg23[%swap3A_154, %swap3A_155], %max3A_153 {strides = array<i32>} : memref<16x128xf32, #tpu.memory_space<vmem>>, vector<1x128xf32>,
      %eq3A_157 = arith.constant 4 : i32
      %eq3A_158 = vector.broadcast %eq3A_157 : i32 to vector<2000x1xi32>
      %eq3A_159 = arith.cmpi eq, %get3A_60, %eq3A_158 : vector<2000x1xi32>
      %jit3A_160 = arith.constant -1.000000e+30 : f32
      %broadcast_in_dim3A_161 = vector.shape_cast %eq3A_159 : vector<2000x1xi1> to vector<2000x1xi1>
      %broadcast_in_dim3A_162 = vector.broadcast %broadcast_in_dim3A_161 : vector<2000x1xi1> to vector<2000x128xi1>
      %broadcast_in_dim3A_163 = vector.broadcast %jit3A_160 : f32 to vector<2000x128xf32>
      %select_n3A_164 = arith.select %broadcast_in_dim3A_162, %select_n3A, %broadcast_in_dim3A_163 : vector<2000x128xi1>, vector<2000x128xf32>
      %get3A_165 = arith.constant 4 : index
      %get3A_166 = arith.constant 0 : index
      %get3A_167 = vector.load %arg23[%get3A_165, %get3A_166] : memref<16x128xf32, #tpu.memory_space<vmem>>, vector<1x128xf32>
      %reduce_max3A_168 = arith.constant dense<0xFF800000> : vector<128xf32>
      %reduce_max3A_169 = vector.multi_reduction <maximumf>, %select_n3A_164, %reduce_max3A_168 [0] : vector<2000x128xf32> to vector<128xf32>
      %broadcast_in_dim3A_170 = vector.shape_cast %reduce_max3A_169 : vector<128xf32> to vector<1x128xf32>
      %max3A_171 = arith.maximumf %get3A_167, %broadcast_in_dim3A_170 : vector<1x128xf32>
      %swap3A_172 = arith.constant 4 : index
      %swap3A_173 = arith.constant 0 : index
      %swap3A_174 = vector.load %arg23[%swap3A_172, %swap3A_173] : memref<16x128xf32, #tpu.memory_space<vmem>>, vector<1x128xf32>
      tpu.vector_store %arg23[%swap3A_172, %swap3A_173], %max3A_171 {strides = array<i32>} : memref<16x128xf32, #tpu.memory_space<vmem>>, vector<1x128xf32>,
      %eq3A_175 = arith.constant 5 : i32
      %eq3A_176 = vector.broadcast %eq3A_175 : i32 to vector<2000x1xi32>
      %eq3A_177 = arith.cmpi eq, %get3A_60, %eq3A_176 : vector<2000x1xi32>
      %jit3A_178 = arith.constant -1.000000e+30 : f32
      %broadcast_in_dim3A_179 = vector.shape_cast %eq3A_177 : vector<2000x1xi1> to vector<2000x1xi1>
      %broadcast_in_dim3A_180 = vector.broadcast %broadcast_in_dim3A_179 : vector<2000x1xi1> to vector<2000x128xi1>
      %broadcast_in_dim3A_181 = vector.broadcast %jit3A_178 : f32 to vector<2000x128xf32>
      %select_n3A_182 = arith.select %broadcast_in_dim3A_180, %select_n3A, %broadcast_in_dim3A_181 : vector<2000x128xi1>, vector<2000x128xf32>
      %get3A_183 = arith.constant 5 : index
      %get3A_184 = arith.constant 0 : index
      %get3A_185 = vector.load %arg23[%get3A_183, %get3A_184] : memref<16x128xf32, #tpu.memory_space<vmem>>, vector<1x128xf32>
      %reduce_max3A_186 = arith.constant dense<0xFF800000> : vector<128xf32>
      %reduce_max3A_187 = vector.multi_reduction <maximumf>, %select_n3A_182, %reduce_max3A_186 [0] : vector<2000x128xf32> to vector<128xf32>
      %broadcast_in_dim3A_188 = vector.shape_cast %reduce_max3A_187 : vector<128xf32> to vector<1x128xf32>
      %max3A_189 = arith.maximumf %get3A_185, %broadcast_in_dim3A_188 : vector<1x128xf32>
      %swap3A_190 = arith.constant 5 : index
      %swap3A_191 = arith.constant 0 : index
      %swap3A_192 = vector.load %arg23[%swap3A_190, %swap3A_191] : memref<16x128xf32, #tpu.memory_space<vmem>>, vector<1x128xf32>
      tpu.vector_store %arg23[%swap3A_190, %swap3A_191], %max3A_189 {strides = array<i32>} : memref<16x128xf32, #tpu.memory_space<vmem>>, vector<1x128xf32>,
      %eq3A_193 = arith.constant 6 : i32
      %eq3A_194 = vector.broadcast %eq3A_193 : i32 to vector<2000x1xi32>
      %eq3A_195 = arith.cmpi eq, %get3A_60, %eq3A_194 : vector<2000x1xi32>
      %jit3A_196 = arith.constant -1.000000e+30 : f32
      %broadcast_in_dim3A_197 = vector.shape_cast %eq3A_195 : vector<2000x1xi1> to vector<2000x1xi1>
      %broadcast_in_dim3A_198 = vector.broadcast %broadcast_in_dim3A_197 : vector<2000x1xi1> to vector<2000x128xi1>
      %broadcast_in_dim3A_199 = vector.broadcast %jit3A_196 : f32 to vector<2000x128xf32>
      %select_n3A_200 = arith.select %broadcast_in_dim3A_198, %select_n3A, %broadcast_in_dim3A_199 : vector<2000x128xi1>, vector<2000x128xf32>
      %get3A_201 = arith.constant 6 : index
      %get3A_202 = arith.constant 0 : index
      %get3A_203 = vector.load %arg23[%get3A_201, %get3A_202] : memref<16x128xf32, #tpu.memory_space<vmem>>, vector<1x128xf32>
      %reduce_max3A_204 = arith.constant dense<0xFF800000> : vector<128xf32>
      %reduce_max3A_205 = vector.multi_reduction <maximumf>, %select_n3A_200, %reduce_max3A_204 [0] : vector<2000x128xf32> to vector<128xf32>
      %broadcast_in_dim3A_206 = vector.shape_cast %reduce_max3A_205 : vector<128xf32> to vector<1x128xf32>
      %max3A_207 = arith.maximumf %get3A_203, %broadcast_in_dim3A_206 : vector<1x128xf32>
      %swap3A_208 = arith.constant 6 : index
      %swap3A_209 = arith.constant 0 : index
      %swap3A_210 = vector.load %arg23[%swap3A_208, %swap3A_209] : memref<16x128xf32, #tpu.memory_space<vmem>>, vector<1x128xf32>
      tpu.vector_store %arg23[%swap3A_208, %swap3A_209], %max3A_207 {strides = array<i32>} : memref<16x128xf32, #tpu.memory_space<vmem>>, vector<1x128xf32>,
      %eq3A_211 = arith.constant 7 : i32
      %eq3A_212 = vector.broadcast %eq3A_211 : i32 to vector<2000x1xi32>
      %eq3A_213 = arith.cmpi eq, %get3A_60, %eq3A_212 : vector<2000x1xi32>
      %jit3A_214 = arith.constant -1.000000e+30 : f32
      %broadcast_in_dim3A_215 = vector.shape_cast %eq3A_213 : vector<2000x1xi1> to vector<2000x1xi1>
      %broadcast_in_dim3A_216 = vector.broadcast %broadcast_in_dim3A_215 : vector<2000x1xi1> to vector<2000x128xi1>
      %broadcast_in_dim3A_217 = vector.broadcast %jit3A_214 : f32 to vector<2000x128xf32>
      %select_n3A_218 = arith.select %broadcast_in_dim3A_216, %select_n3A, %broadcast_in_dim3A_217 : vector<2000x128xi1>, vector<2000x128xf32>
      %get3A_219 = arith.constant 7 : index
      %get3A_220 = arith.constant 0 : index
      %get3A_221 = vector.load %arg23[%get3A_219, %get3A_220] : memref<16x128xf32, #tpu.memory_space<vmem>>, vector<1x128xf32>
      %reduce_max3A_222 = arith.constant dense<0xFF800000> : vector<128xf32>
      %reduce_max3A_223 = vector.multi_reduction <maximumf>, %select_n3A_218, %reduce_max3A_222 [0] : vector<2000x128xf32> to vector<128xf32>
      %broadcast_in_dim3A_224 = vector.shape_cast %reduce_max3A_223 : vector<128xf32> to vector<1x128xf32>
      %max3A_225 = arith.maximumf %get3A_221, %broadcast_in_dim3A_224 : vector<1x128xf32>
      %swap3A_226 = arith.constant 7 : index
      %swap3A_227 = arith.constant 0 : index
      %swap3A_228 = vector.load %arg23[%swap3A_226, %swap3A_227] : memref<16x128xf32, #tpu.memory_space<vmem>>, vector<1x128xf32>
      tpu.vector_store %arg23[%swap3A_226, %swap3A_227], %max3A_225 {strides = array<i32>} : memref<16x128xf32, #tpu.memory_space<vmem>>, vector<1x128xf32>,
      %eq3A_229 = arith.constant 8 : i32
      %eq3A_230 = vector.broadcast %eq3A_229 : i32 to vector<2000x1xi32>
      %eq3A_231 = arith.cmpi eq, %get3A_60, %eq3A_230 : vector<2000x1xi32>
      %jit3A_232 = arith.constant -1.000000e+30 : f32
      %broadcast_in_dim3A_233 = vector.shape_cast %eq3A_231 : vector<2000x1xi1> to vector<2000x1xi1>
      %broadcast_in_dim3A_234 = vector.broadcast %broadcast_in_dim3A_233 : vector<2000x1xi1> to vector<2000x128xi1>
      %broadcast_in_dim3A_235 = vector.broadcast %jit3A_232 : f32 to vector<2000x128xf32>
      %select_n3A_236 = arith.select %broadcast_in_dim3A_234, %select_n3A, %broadcast_in_dim3A_235 : vector<2000x128xi1>, vector<2000x128xf32>
      %get3A_237 = arith.constant 8 : index
      %get3A_238 = arith.constant 0 : index
      %get3A_239 = vector.load %arg23[%get3A_237, %get3A_238] : memref<16x128xf32, #tpu.memory_space<vmem>>, vector<1x128xf32>
      %reduce_max3A_240 = arith.constant dense<0xFF800000> : vector<128xf32>
      %reduce_max3A_241 = vector.multi_reduction <maximumf>, %select_n3A_236, %reduce_max3A_240 [0] : vector<2000x128xf32> to vector<128xf32>
      %broadcast_in_dim3A_242 = vector.shape_cast %reduce_max3A_241 : vector<128xf32> to vector<1x128xf32>
      %max3A_243 = arith.maximumf %get3A_239, %broadcast_in_dim3A_242 : vector<1x128xf32>
      %swap3A_244 = arith.constant 8 : index
      %swap3A_245 = arith.constant 0 : index
      %swap3A_246 = vector.load %arg23[%swap3A_244, %swap3A_245] : memref<16x128xf32, #tpu.memory_space<vmem>>, vector<1x128xf32>
      tpu.vector_store %arg23[%swap3A_244, %swap3A_245], %max3A_243 {strides = array<i32>} : memref<16x128xf32, #tpu.memory_space<vmem>>, vector<1x128xf32>,
      %eq3A_247 = arith.constant 9 : i32
      %eq3A_248 = vector.broadcast %eq3A_247 : i32 to vector<2000x1xi32>
      %eq3A_249 = arith.cmpi eq, %get3A_60, %eq3A_248 : vector<2000x1xi32>
      %jit3A_250 = arith.constant -1.000000e+30 : f32
      %broadcast_in_dim3A_251 = vector.shape_cast %eq3A_249 : vector<2000x1xi1> to vector<2000x1xi1>
      %broadcast_in_dim3A_252 = vector.broadcast %broadcast_in_dim3A_251 : vector<2000x1xi1> to vector<2000x128xi1>
      %broadcast_in_dim3A_253 = vector.broadcast %jit3A_250 : f32 to vector<2000x128xf32>
      %select_n3A_254 = arith.select %broadcast_in_dim3A_252, %select_n3A, %broadcast_in_dim3A_253 : vector<2000x128xi1>, vector<2000x128xf32>
      %get3A_255 = arith.constant 9 : index
      %get3A_256 = arith.constant 0 : index
      %get3A_257 = vector.load %arg23[%get3A_255, %get3A_256] : memref<16x128xf32, #tpu.memory_space<vmem>>, vector<1x128xf32>
      %reduce_max3A_258 = arith.constant dense<0xFF800000> : vector<128xf32>
      %reduce_max3A_259 = vector.multi_reduction <maximumf>, %select_n3A_254, %reduce_max3A_258 [0] : vector<2000x128xf32> to vector<128xf32>
      %broadcast_in_dim3A_260 = vector.shape_cast %reduce_max3A_259 : vector<128xf32> to vector<1x128xf32>
      %max3A_261 = arith.maximumf %get3A_257, %broadcast_in_dim3A_260 : vector<1x128xf32>
      %swap3A_262 = arith.constant 9 : index
      %swap3A_263 = arith.constant 0 : index
      %swap3A_264 = vector.load %arg23[%swap3A_262, %swap3A_263] : memref<16x128xf32, #tpu.memory_space<vmem>>, vector<1x128xf32>
      tpu.vector_store %arg23[%swap3A_262, %swap3A_263], %max3A_261 {strides = array<i32>} : memref<16x128xf32, #tpu.memory_space<vmem>>, vector<1x128xf32>,
      %eq3A_265 = arith.constant 10 : i32
      %eq3A_266 = vector.broadcast %eq3A_265 : i32 to vector<2000x1xi32>
      %eq3A_267 = arith.cmpi eq, %get3A_60, %eq3A_266 : vector<2000x1xi32>
      %jit3A_268 = arith.constant -1.000000e+30 : f32
      %broadcast_in_dim3A_269 = vector.shape_cast %eq3A_267 : vector<2000x1xi1> to vector<2000x1xi1>
      %broadcast_in_dim3A_270 = vector.broadcast %broadcast_in_dim3A_269 : vector<2000x1xi1> to vector<2000x128xi1>
      %broadcast_in_dim3A_271 = vector.broadcast %jit3A_268 : f32 to vector<2000x128xf32>
      %select_n3A_272 = arith.select %broadcast_in_dim3A_270, %select_n3A, %broadcast_in_dim3A_271 : vector<2000x128xi1>, vector<2000x128xf32>
      %get3A_273 = arith.constant 10 : index
      %get3A_274 = arith.constant 0 : index
      %get3A_275 = vector.load %arg23[%get3A_273, %get3A_274] : memref<16x128xf32, #tpu.memory_space<vmem>>, vector<1x128xf32>
      %reduce_max3A_276 = arith.constant dense<0xFF800000> : vector<128xf32>
      %reduce_max3A_277 = vector.multi_reduction <maximumf>, %select_n3A_272, %reduce_max3A_276 [0] : vector<2000x128xf32> to vector<128xf32>
      %broadcast_in_dim3A_278 = vector.shape_cast %reduce_max3A_277 : vector<128xf32> to vector<1x128xf32>
      %max3A_279 = arith.maximumf %get3A_275, %broadcast_in_dim3A_278 : vector<1x128xf32>
      %swap3A_280 = arith.constant 10 : index
      %swap3A_281 = arith.constant 0 : index
      %swap3A_282 = vector.load %arg23[%swap3A_280, %swap3A_281] : memref<16x128xf32, #tpu.memory_space<vmem>>, vector<1x128xf32>
      tpu.vector_store %arg23[%swap3A_280, %swap3A_281], %max3A_279 {strides = array<i32>} : memref<16x128xf32, #tpu.memory_space<vmem>>, vector<1x128xf32>,
      %eq3A_283 = arith.constant 11 : i32
      %eq3A_284 = vector.broadcast %eq3A_283 : i32 to vector<2000x1xi32>
      %eq3A_285 = arith.cmpi eq, %get3A_60, %eq3A_284 : vector<2000x1xi32>
      %jit3A_286 = arith.constant -1.000000e+30 : f32
      %broadcast_in_dim3A_287 = vector.shape_cast %eq3A_285 : vector<2000x1xi1> to vector<2000x1xi1>
      %broadcast_in_dim3A_288 = vector.broadcast %broadcast_in_dim3A_287 : vector<2000x1xi1> to vector<2000x128xi1>
      %broadcast_in_dim3A_289 = vector.broadcast %jit3A_286 : f32 to vector<2000x128xf32>
      %select_n3A_290 = arith.select %broadcast_in_dim3A_288, %select_n3A, %broadcast_in_dim3A_289 : vector<2000x128xi1>, vector<2000x128xf32>
      %get3A_291 = arith.constant 11 : index
      %get3A_292 = arith.constant 0 : index
      %get3A_293 = vector.load %arg23[%get3A_291, %get3A_292] : memref<16x128xf32, #tpu.memory_space<vmem>>, vector<1x128xf32>
      %reduce_max3A_294 = arith.constant dense<0xFF800000> : vector<128xf32>
      %reduce_max3A_295 = vector.multi_reduction <maximumf>, %select_n3A_290, %reduce_max3A_294 [0] : vector<2000x128xf32> to vector<128xf32>
      %broadcast_in_dim3A_296 = vector.shape_cast %reduce_max3A_295 : vector<128xf32> to vector<1x128xf32>
      %max3A_297 = arith.maximumf %get3A_293, %broadcast_in_dim3A_296 : vector<1x128xf32>
      %swap3A_298 = arith.constant 11 : index
      %swap3A_299 = arith.constant 0 : index
      %swap3A_300 = vector.load %arg23[%swap3A_298, %swap3A_299] : memref<16x128xf32, #tpu.memory_space<vmem>>, vector<1x128xf32>
      tpu.vector_store %arg23[%swap3A_298, %swap3A_299], %max3A_297 {strides = array<i32>} : memref<16x128xf32, #tpu.memory_space<vmem>>, vector<1x128xf32>,
      %eq3A_301 = arith.constant 12 : i32
      %eq3A_302 = vector.broadcast %eq3A_301 : i32 to vector<2000x1xi32>
      %eq3A_303 = arith.cmpi eq, %get3A_60, %eq3A_302 : vector<2000x1xi32>
      %jit3A_304 = arith.constant -1.000000e+30 : f32
      %broadcast_in_dim3A_305 = vector.shape_cast %eq3A_303 : vector<2000x1xi1> to vector<2000x1xi1>
      %broadcast_in_dim3A_306 = vector.broadcast %broadcast_in_dim3A_305 : vector<2000x1xi1> to vector<2000x128xi1>
      %broadcast_in_dim3A_307 = vector.broadcast %jit3A_304 : f32 to vector<2000x128xf32>
      %select_n3A_308 = arith.select %broadcast_in_dim3A_306, %select_n3A, %broadcast_in_dim3A_307 : vector<2000x128xi1>, vector<2000x128xf32>
      %get3A_309 = arith.constant 12 : index
      %get3A_310 = arith.constant 0 : index
      %get3A_311 = vector.load %arg23[%get3A_309, %get3A_310] : memref<16x128xf32, #tpu.memory_space<vmem>>, vector<1x128xf32>
      %reduce_max3A_312 = arith.constant dense<0xFF800000> : vector<128xf32>
      %reduce_max3A_313 = vector.multi_reduction <maximumf>, %select_n3A_308, %reduce_max3A_312 [0] : vector<2000x128xf32> to vector<128xf32>
      %broadcast_in_dim3A_314 = vector.shape_cast %reduce_max3A_313 : vector<128xf32> to vector<1x128xf32>
      %max3A_315 = arith.maximumf %get3A_311, %broadcast_in_dim3A_314 : vector<1x128xf32>
      %swap3A_316 = arith.constant 12 : index
      %swap3A_317 = arith.constant 0 : index
      %swap3A_318 = vector.load %arg23[%swap3A_316, %swap3A_317] : memref<16x128xf32, #tpu.memory_space<vmem>>, vector<1x128xf32>
      tpu.vector_store %arg23[%swap3A_316, %swap3A_317], %max3A_315 {strides = array<i32>} : memref<16x128xf32, #tpu.memory_space<vmem>>, vector<1x128xf32>,
      %eq3A_319 = arith.constant 13 : i32
      %eq3A_320 = vector.broadcast %eq3A_319 : i32 to vector<2000x1xi32>
      %eq3A_321 = arith.cmpi eq, %get3A_60, %eq3A_320 : vector<2000x1xi32>
      %jit3A_322 = arith.constant -1.000000e+30 : f32
      %broadcast_in_dim3A_323 = vector.shape_cast %eq3A_321 : vector<2000x1xi1> to vector<2000x1xi1>
      %broadcast_in_dim3A_324 = vector.broadcast %broadcast_in_dim3A_323 : vector<2000x1xi1> to vector<2000x128xi1>
      %broadcast_in_dim3A_325 = vector.broadcast %jit3A_322 : f32 to vector<2000x128xf32>
      %select_n3A_326 = arith.select %broadcast_in_dim3A_324, %select_n3A, %broadcast_in_dim3A_325 : vector<2000x128xi1>, vector<2000x128xf32>
      %get3A_327 = arith.constant 13 : index
      %get3A_328 = arith.constant 0 : index
      %get3A_329 = vector.load %arg23[%get3A_327, %get3A_328] : memref<16x128xf32, #tpu.memory_space<vmem>>, vector<1x128xf32>
      %reduce_max3A_330 = arith.constant dense<0xFF800000> : vector<128xf32>
      %reduce_max3A_331 = vector.multi_reduction <maximumf>, %select_n3A_326, %reduce_max3A_330 [0] : vector<2000x128xf32> to vector<128xf32>
      %broadcast_in_dim3A_332 = vector.shape_cast %reduce_max3A_331 : vector<128xf32> to vector<1x128xf32>
      %max3A_333 = arith.maximumf %get3A_329, %broadcast_in_dim3A_332 : vector<1x128xf32>
      %swap3A_334 = arith.constant 13 : index
      %swap3A_335 = arith.constant 0 : index
      %swap3A_336 = vector.load %arg23[%swap3A_334, %swap3A_335] : memref<16x128xf32, #tpu.memory_space<vmem>>, vector<1x128xf32>
      tpu.vector_store %arg23[%swap3A_334, %swap3A_335], %max3A_333 {strides = array<i32>} : memref<16x128xf32, #tpu.memory_space<vmem>>, vector<1x128xf32>,
      %eq3A_337 = arith.constant 14 : i32
      %eq3A_338 = vector.broadcast %eq3A_337 : i32 to vector<2000x1xi32>
      %eq3A_339 = arith.cmpi eq, %get3A_60, %eq3A_338 : vector<2000x1xi32>
      %jit3A_340 = arith.constant -1.000000e+30 : f32
      %broadcast_in_dim3A_341 = vector.shape_cast %eq3A_339 : vector<2000x1xi1> to vector<2000x1xi1>
      %broadcast_in_dim3A_342 = vector.broadcast %broadcast_in_dim3A_341 : vector<2000x1xi1> to vector<2000x128xi1>
      %broadcast_in_dim3A_343 = vector.broadcast %jit3A_340 : f32 to vector<2000x128xf32>
      %select_n3A_344 = arith.select %broadcast_in_dim3A_342, %select_n3A, %broadcast_in_dim3A_343 : vector<2000x128xi1>, vector<2000x128xf32>
      %get3A_345 = arith.constant 14 : index
      %get3A_346 = arith.constant 0 : index
      %get3A_347 = vector.load %arg23[%get3A_345, %get3A_346] : memref<16x128xf32, #tpu.memory_space<vmem>>, vector<1x128xf32>
      %reduce_max3A_348 = arith.constant dense<0xFF800000> : vector<128xf32>
      %reduce_max3A_349 = vector.multi_reduction <maximumf>, %select_n3A_344, %reduce_max3A_348 [0] : vector<2000x128xf32> to vector<128xf32>
      %broadcast_in_dim3A_350 = vector.shape_cast %reduce_max3A_349 : vector<128xf32> to vector<1x128xf32>
      %max3A_351 = arith.maximumf %get3A_347, %broadcast_in_dim3A_350 : vector<1x128xf32>
      %swap3A_352 = arith.constant 14 : index
      %swap3A_353 = arith.constant 0 : index
      %swap3A_354 = vector.load %arg23[%swap3A_352, %swap3A_353] : memref<16x128xf32, #tpu.memory_space<vmem>>, vector<1x128xf32>
      tpu.vector_store %arg23[%swap3A_352, %swap3A_353], %max3A_351 {strides = array<i32>} : memref<16x128xf32, #tpu.memory_space<vmem>>, vector<1x128xf32>,
      %eq3A_355 = arith.constant 15 : i32
      %eq3A_356 = vector.broadcast %eq3A_355 : i32 to vector<2000x1xi32>
      %eq3A_357 = arith.cmpi eq, %get3A_60, %eq3A_356 : vector<2000x1xi32>
      %jit3A_358 = arith.constant -1.000000e+30 : f32
      %broadcast_in_dim3A_359 = vector.shape_cast %eq3A_357 : vector<2000x1xi1> to vector<2000x1xi1>
      %broadcast_in_dim3A_360 = vector.broadcast %broadcast_in_dim3A_359 : vector<2000x1xi1> to vector<2000x128xi1>
      %broadcast_in_dim3A_361 = vector.broadcast %jit3A_358 : f32 to vector<2000x128xf32>
      %select_n3A_362 = arith.select %broadcast_in_dim3A_360, %select_n3A, %broadcast_in_dim3A_361 : vector<2000x128xi1>, vector<2000x128xf32>
      %get3A_363 = arith.constant 15 : index
      %get3A_364 = arith.constant 0 : index
      %get3A_365 = vector.load %arg23[%get3A_363, %get3A_364] : memref<16x128xf32, #tpu.memory_space<vmem>>, vector<1x128xf32>
      %reduce_max3A_366 = arith.constant dense<0xFF800000> : vector<128xf32>
      %reduce_max3A_367 = vector.multi_reduction <maximumf>, %select_n3A_362, %reduce_max3A_366 [0] : vector<2000x128xf32> to vector<128xf32>
      %broadcast_in_dim3A_368 = vector.shape_cast %reduce_max3A_367 : vector<128xf32> to vector<1x128xf32>
      %max3A_369 = arith.maximumf %get3A_365, %broadcast_in_dim3A_368 : vector<1x128xf32>
      %swap3A_370 = arith.constant 15 : index
      %swap3A_371 = arith.constant 0 : index
      %swap3A_372 = vector.load %arg23[%swap3A_370, %swap3A_371] : memref<16x128xf32, #tpu.memory_space<vmem>>, vector<1x128xf32>
      tpu.vector_store %arg23[%swap3A_370, %swap3A_371], %max3A_369 {strides = array<i32>} : memref<16x128xf32, #tpu.memory_space<vmem>>, vector<1x128xf32>,
      %eq3A_373 = arith.constant 4 : i32
      %eq3A_374 = arith.cmpi eq, %arg1, %eq3A_373 : i32
      %convert_element_type3A_375 = arith.extui %eq3A_374 : i1 to i32
      %cond3A_376 = arith.constant 0 : i32
      %cond3A_377 = arith.cmpi ne, %convert_element_type3A_375, %cond3A_376 : i32
      scf.if %cond3A_377 {
        %get3A_378 = arith.constant 0 : index
        %get3A_379 = arith.constant 0 : index
        %get3A_380 = vector.load %arg24[%get3A_378, %get3A_379] : memref<16x1xf32, #tpu.memory_space<vmem>>, vector<16x1xf32>
        %get3A_381 = arith.constant 0 : index
        %get3A_382 = arith.constant 0 : index
        %get3A_383 = vector.load %arg22[%get3A_381, %get3A_382] : memref<16x128xf32, #tpu.memory_space<vmem>>, vector<16x128xf32>
        %max3A_384 = arith.constant 1.000000e+00 : f32
        %max3A_385 = vector.broadcast %max3A_384 : f32 to vector<16x1xf32>
        %max3A_386 = arith.maximumf %get3A_380, %max3A_385 : vector<16x1xf32>
        %div3A = vector.broadcast %max3A_386 : vector<16x1xf32> to vector<16x128xf32>
        %div3A_387 = arith.divf %get3A_383, %div3A : vector<16x128xf32>
        %gt3A_388 = arith.constant 0.000000e+00 : f32
        %gt3A_389 = vector.broadcast %gt3A_388 : f32 to vector<16x1xf32>
        %gt3A_390 = arith.cmpf ogt, %get3A_380, %gt3A_389 : vector<16x1xf32>
        %get3A_391 = arith.constant 0 : index
        %get3A_392 = arith.constant 0 : index
        %get3A_393 = vector.load %arg23[%get3A_391, %get3A_392] : memref<16x128xf32, #tpu.memory_space<vmem>>, vector<16x128xf32>
        %jit3A_394 = arith.constant 0.000000e+00 : f32
        %broadcast_in_dim3A_395 = vector.shape_cast %gt3A_390 : vector<16x1xi1> to vector<16x1xi1>
        %broadcast_in_dim3A_396 = vector.broadcast %broadcast_in_dim3A_395 : vector<16x1xi1> to vector<16x128xi1>
        %broadcast_in_dim3A_397 = vector.broadcast %jit3A_394 : f32 to vector<16x128xf32>
        %select_n3A_398 = arith.select %broadcast_in_dim3A_396, %get3A_393, %broadcast_in_dim3A_397 : vector<16x128xi1>, vector<16x128xf32>
        %get3A_399 = arith.constant 0 : index
        %get3A_400 = arith.constant 0 : index
        %get3A_401 = vector.load %arg13[%get3A_399, %get3A_400] : memref<128x128xf32, #tpu.memory_space<vmem>>, vector<128x128xf32>
        %dot_general3A_402 = arith.constant dense<0.000000e+00> : vector<16x128xf32>
        %dot_general3A_403 = tpu.matmul %div3A_387, %get3A_401, %dot_general3A_402 {dimension_numbers = #tpu.dot_dimension_numbers<[1], [0], [0], [1], [0, 0, 1, 1], [], []>, transpose_lhs_hint = false} : vector<16x128xf32>, vector<128x128xf32>, vector<16x128xf32> -> vector<16x128xf32>
        %get3A_404 = arith.constant 0 : index
        %get3A_405 = arith.constant 0 : index
        %get3A_406 = vector.load %arg14[%get3A_404, %get3A_405] : memref<128x128xf32, #tpu.memory_space<vmem>>, vector<128x128xf32>
        %dot_general3A_407 = arith.constant dense<0.000000e+00> : vector<16x128xf32>
        %dot_general3A_408 = tpu.matmul %select_n3A_398, %get3A_406, %dot_general3A_407 {dimension_numbers = #tpu.dot_dimension_numbers<[1], [0], [0], [1], [0, 0, 1, 1], [], []>, transpose_lhs_hint = false} : vector<16x128xf32>, vector<128x128xf32>, vector<16x128xf32> -> vector<16x128xf32>
        %add3A_409 = arith.addf %dot_general3A_403, %dot_general3A_408 : vector<16x128xf32>
        %get3A_410 = arith.constant 0 : index
        %get3A_411 = arith.constant 0 : index
        %get3A_412 = vector.load %arg12[%get3A_410, %get3A_411] : memref<16x8xf32, #tpu.memory_space<vmem>>, vector<16x8xf32>
        %get3A_413 = arith.constant 0 : index
        %get3A_414 = arith.constant 0 : index
        %get3A_415 = vector.load %arg15[%get3A_413, %get3A_414] : memref<8x128xf32, #tpu.memory_space<vmem>>, vector<8x128xf32>
        %dot_general3A_416 = arith.constant dense<0.000000e+00> : vector<16x128xf32>
        %dot_general3A_417 = tpu.matmul %get3A_412, %get3A_415, %dot_general3A_416 {dimension_numbers = #tpu.dot_dimension_numbers<[1], [0], [0], [1], [0, 0, 1, 1], [], []>, transpose_lhs_hint = false} : vector<16x8xf32>, vector<8x128xf32>, vector<16x128xf32> -> vector<16x128xf32>
        %add3A_418 = arith.addf %add3A_409, %dot_general3A_417 : vector<16x128xf32>
        %get3A_419 = arith.constant 0 : index
        %get3A_420 = arith.constant 0 : index
        %get3A_421 = vector.load %arg16[%get3A_419, %get3A_420] : memref<1x128xf32, #tpu.memory_space<vmem>>, vector<1x128xf32>
        %add3A_422 = vector.broadcast %get3A_421 : vector<1x128xf32> to vector<16x128xf32>
        %add3A_423 = arith.addf %add3A_418, %add3A_422 : vector<16x128xf32>
        %gt3A_424 = arith.constant 0.000000e+00 : f32
        %gt3A_425 = vector.broadcast %gt3A_424 : f32 to vector<16x128xf32>
        %gt3A_426 = arith.cmpf ogt, %add3A_423, %gt3A_425 : vector<16x128xf32>
        %exp3A_427 = math.exp %add3A_423 : vector<16x128xf32>
        %sub3A_428 = arith.constant 1.000000e+00 : f32
        %sub3A_429 = vector.broadcast %sub3A_428 : f32 to vector<16x128xf32>
        %sub3A_430 = arith.subf %exp3A_427, %sub3A_429 : vector<16x128xf32>
        %mul3A_431 = arith.constant 1.000000e-01 : f32
        %mul3A_432 = vector.broadcast %mul3A_431 : f32 to vector<16x128xf32>
        %mul3A_433 = arith.mulf %mul3A_432, %sub3A_430 : vector<16x128xf32>
        %select_n3A_434 = arith.select %gt3A_426, %add3A_423, %mul3A_433 : vector<16x128xi1>, vector<16x128xf32>
        %get3A_435 = arith.constant 0 : index
        %get3A_436 = arith.constant 0 : index
        %get3A_437 = vector.load %arg17[%get3A_435, %get3A_436] : memref<128x4xf32, #tpu.memory_space<vmem>>, vector<128x4xf32>
        %dot_general3A_438 = arith.constant dense<0.000000e+00> : vector<16x4xf32>
        %dot_general3A_439 = tpu.matmul %select_n3A_434, %get3A_437, %dot_general3A_438 {dimension_numbers = #tpu.dot_dimension_numbers<[1], [0], [0], [1], [0, 0, 1, 1], [], []>, transpose_lhs_hint = false} : vector<16x128xf32>, vector<128x4xf32>, vector<16x4xf32> -> vector<16x4xf32>
        %get3A_440 = arith.constant 0 : index
        %get3A_441 = arith.constant 0 : index
        %get3A_442 = vector.load %arg18[%get3A_440, %get3A_441] : memref<1x4xf32, #tpu.memory_space<vmem>>, vector<1x4xf32>
        %add3A_443 = vector.broadcast %get3A_442 : vector<1x4xf32> to vector<16x4xf32>
        %add3A_444 = arith.addf %dot_general3A_439, %add3A_443 : vector<16x4xf32>
        %reduce_max3A_445 = arith.constant dense<0xFF800000> : vector<16xf32>
        %reduce_max3A_446 = vector.multi_reduction <maximumf>, %add3A_444, %reduce_max3A_445 [1] : vector<16x4xf32> to vector<16xf32>
        %broadcast_in_dim3A_447 = vector.shape_cast %reduce_max3A_446 : vector<16xf32> to vector<16x1xf32>
        %sub3A_448 = vector.broadcast %broadcast_in_dim3A_447 : vector<16x1xf32> to vector<16x4xf32>
        %sub3A_449 = arith.subf %add3A_444, %sub3A_448 : vector<16x4xf32>
        %exp3A_450 = math.exp %sub3A_449 : vector<16x4xf32>
        %reduce_sum3A_451 = arith.constant dense<0.000000e+00> : vector<16xf32>
        %reduce_sum3A_452 = vector.multi_reduction <add>, %exp3A_450, %reduce_sum3A_451 [1] : vector<16x4xf32> to vector<16xf32>
        %broadcast_in_dim3A_453 = vector.shape_cast %reduce_sum3A_452 : vector<16xf32> to vector<16x1xf32>
        %div3A_454 = vector.broadcast %broadcast_in_dim3A_453 : vector<16x1xf32> to vector<16x4xf32>
        %div3A_455 = arith.divf %exp3A_450, %div3A_454 : vector<16x4xf32>
        %swap3A_456 = arith.constant 0 : index
        %swap3A_457 = arith.constant 0 : index
        %swap3A_458 = vector.load %arg19[%swap3A_456, %swap3A_457] : memref<16x4xf32, #tpu.memory_space<vmem>>, vector<16x4xf32>
        tpu.vector_store %arg19[%swap3A_456, %swap3A_457], %div3A_455 {strides = array<i32>} : memref<16x4xf32, #tpu.memory_space<vmem>>, vector<16x4xf32>,
      } else {
      }
    } else {
    }
    return
  }
  func.func @transform_0(%arg0: i32, %arg1: i32) -> (i32, i32, i32) {
    %eq3A = arith.constant 0 : i32
    %eq3A_0 = arith.cmpi eq, %arg0, %eq3A : i32
    %jit3A = arith.constant 4 : i32
    %select_n3A = arith.select %eq3A_0, %arg1, %jit3A : i32
    %c0_i32 = arith.constant 0 : i32
    %c0_i32_1 = arith.constant 0 : i32
    %c0_i32_2 = arith.constant 0 : i32
    return %c0_i32, %select_n3A, %c0_i32_1 : i32, i32, i32
  }
  func.func @transform_1(%arg0: i32, %arg1: i32) -> (i32, i32) {
    %c0_i32 = arith.constant 0 : i32
    %c0_i32_0 = arith.constant 0 : i32
    %c0_i32_1 = arith.constant 0 : i32
    return %c0_i32, %c0_i32_0 : i32, i32
  }
  func.func @transform_2(%arg0: i32, %arg1: i32) -> (i32, i32) {
    %c0_i32 = arith.constant 0 : i32
    %c0_i32_0 = arith.constant 0 : i32
    %c0_i32_1 = arith.constant 0 : i32
    return %c0_i32, %c0_i32_0 : i32, i32
  }
  func.func @transform_3(%arg0: i32, %arg1: i32) -> (i32, i32) {
    %c0_i32 = arith.constant 0 : i32
    %c0_i32_0 = arith.constant 0 : i32
    %c0_i32_1 = arith.constant 0 : i32
    return %c0_i32, %c0_i32_0 : i32, i32
  }
  func.func @transform_4(%arg0: i32, %arg1: i32) -> (i32, i32) {
    %c0_i32 = arith.constant 0 : i32
    %c0_i32_0 = arith.constant 0 : i32
    %c0_i32_1 = arith.constant 0 : i32
    return %c0_i32, %c0_i32_0 : i32, i32
  }
  func.func @transform_5(%arg0: i32, %arg1: i32) -> (i32, i32) {
    %c0_i32 = arith.constant 0 : i32
    %c0_i32_0 = arith.constant 0 : i32
    %c0_i32_1 = arith.constant 0 : i32
    return %c0_i32, %c0_i32_0 : i32, i32
  }
  func.func @transform_6(%arg0: i32, %arg1: i32) -> (i32, i32) {
    %c0_i32 = arith.constant 0 : i32
    %c0_i32_0 = arith.constant 0 : i32
    %c0_i32_1 = arith.constant 0 : i32
    return %c0_i32, %c0_i32_0 : i32, i32
  }
  func.func @transform_7(%arg0: i32, %arg1: i32) -> (i32, i32) {
    %c0_i32 = arith.constant 0 : i32
    %c0_i32_0 = arith.constant 0 : i32
    %c0_i32_1 = arith.constant 0 : i32
    return %c0_i32, %c0_i32_0 : i32, i32
  }
  func.func @transform_8(%arg0: i32, %arg1: i32) -> (i32, i32, i32) {
    %eq3A = arith.constant 1 : i32
    %eq3A_0 = arith.cmpi eq, %arg0, %eq3A : i32
    %jit3A = arith.constant 0 : i32
    %select_n3A = arith.select %eq3A_0, %arg1, %jit3A : i32
    %c0_i32 = arith.constant 0 : i32
    %c0_i32_1 = arith.constant 0 : i32
    %c0_i32_2 = arith.constant 0 : i32
    return %select_n3A, %c0_i32, %c0_i32_1 : i32, i32, i32
  }
  func.func @transform_9(%arg0: i32, %arg1: i32) -> (i32, i32, i32) {
    %eq3A = arith.constant 1 : i32
    %eq3A_0 = arith.cmpi eq, %arg0, %eq3A : i32
    %jit3A = arith.constant 0 : i32
    %select_n3A = arith.select %eq3A_0, %arg1, %jit3A : i32
    %c0_i32 = arith.constant 0 : i32
    %c0_i32_1 = arith.constant 0 : i32
    %c0_i32_2 = arith.constant 0 : i32
    return %select_n3A, %c0_i32, %c0_i32_1 : i32, i32, i32
  }
  func.func @transform_10(%arg0: i32, %arg1: i32) -> (i32, i32) {
    %c0_i32 = arith.constant 0 : i32
    %c0_i32_0 = arith.constant 0 : i32
    %c0_i32_1 = arith.constant 0 : i32
    return %c0_i32, %c0_i32_0 : i32, i32
  }
  func.func @transform_11(%arg0: i32, %arg1: i32) -> (i32, i32) {
    %c0_i32 = arith.constant 0 : i32
    %c0_i32_0 = arith.constant 0 : i32
    %c0_i32_1 = arith.constant 0 : i32
    return %c0_i32, %c0_i32_0 : i32, i32
  }
  func.func @transform_12(%arg0: i32, %arg1: i32) -> (i32, i32) {
    %c0_i32 = arith.constant 0 : i32
    %c0_i32_0 = arith.constant 0 : i32
    %c0_i32_1 = arith.constant 0 : i32
    return %c0_i32, %c0_i32_0 : i32, i32
  }
  func.func @transform_13(%arg0: i32, %arg1: i32) -> (i32, i32) {
    %c0_i32 = arith.constant 0 : i32
    %c0_i32_0 = arith.constant 0 : i32
    %c0_i32_1 = arith.constant 0 : i32
    return %c0_i32, %c0_i32_0 : i32, i32
  }
  func.func @transform_14(%arg0: i32, %arg1: i32) -> (i32, i32) {
    %c0_i32 = arith.constant 0 : i32
    %c0_i32_0 = arith.constant 0 : i32
    %c0_i32_1 = arith.constant 0 : i32
    return %c0_i32, %c0_i32_0 : i32, i32
  }
  func.func @transform_15(%arg0: i32, %arg1: i32) -> (i32, i32) {
    %c0_i32 = arith.constant 0 : i32
    %c0_i32_0 = arith.constant 0 : i32
    %c0_i32_1 = arith.constant 0 : i32
    return %c0_i32, %c0_i32_0 : i32, i32
  }
  func.func @transform_16(%arg0: i32, %arg1: i32) -> (i32, i32) {
    %c0_i32 = arith.constant 0 : i32
    %c0_i32_0 = arith.constant 0 : i32
    %c0_i32_1 = arith.constant 0 : i32
    return %c0_i32, %c0_i32_0 : i32, i32
  }
  func.func @transform_17(%arg0: i32, %arg1: i32) -> (i32, i32) {
    %c0_i32 = arith.constant 0 : i32
    %c0_i32_0 = arith.constant 0 : i32
    %c0_i32_1 = arith.constant 0 : i32
    return %c0_i32, %c0_i32_0 : i32, i32
  }
}

</mosaic_0001>

<sc_bundles>
// kernel: kernel.11.cloned.1.call-start
scs
__scs_entry_jumppad:
0x0: {  	(pc) =	sbr.rel $0x88, $3  }
0x1: {  	(tag) =	ssettag $0x0;
	lr =	simm.s32 $0x1  }
0x2: {  	[smem:$0x3F86] =	sst lr;
	_ =	strace $0xD0000000  }
0x3: {  	_ = 	snop  }
0x4: {  	_ = 	snop  }
0x5: {  	_ = 	snop  }
0x6: {  	_ = 	snop  }
0x7: {  	_ = 	snop  }
__scs_overlays_trampoline_lowered:
0x8: {  	[smem:$0x3F95] =	sst s0  }
0x9: {  	[smem:$0x3F96] =	sst s1  }
0xa: {  	[smem:$0x3F97] =	sst s2  }
0xb: {  	[smem:$0x3F98] =	sst s3  }
0xc: {  	[smem:$0x3F99] =	sst s4  }
0xd: {  	[smem:$0x3F9A] =	sst s5  }
0xe: {  	[smem:$0x3F9B] =	sst s6  }
0xf: {  	[smem:$0x3F9C] =	sst s7  }
0x10: {  	[smem:$0x3F9D] =	sst s8  }
0x11: {  	[smem:$0x3F9E] =	sst s9;
	s0 =	simm.s32 @!p0 $0x0  }
0x12: {  	s1 =	sld [smem:$0x3F84];
	s0 =	simm.s32 @p0 $0x1  }
0x13: {  	[smem:$0x3F9F] =	sst s0;
	s0 =	simm.s32 @!p1 $0x0  }
0x14: {  	s2 =	sld [smem:$0x3F83];
	s0 =	simm.s32 @p1 $0x1  }
0x15: {  	[smem:$0x3FA0] =	sst s0;
	s0 =	simm.s32 @!p2 $0x0  }
0x16: {  	s3 =	sld [smem:$0x3FDB];
	s0 =	simm.s32 @p2 $0x1  }
0x17: {  	s4 =	simm.s32 $0x1BF5;
	[smem:$0x3FA2] =	sst s0  }
0x18: {  	s0 =	sld [smem:$0x3F85];
	_ =	swait.ge [sflag:s4], $0x0  }
0x19: {  	s7 =	sld [smem:$0x3F86]  }
0x1a: {  	s8 =	sadd.s32 $0xFFFFE003, lr  }
0x1b: {  	s9 =	sadd.s32 $0xFFFFFEF7, lr;
	s5 =	simm.s32 $0xFFFFFFFF;
	p2 =	slt.u32 s8, $0xFFFFF086  }
0x1c: {  	p1 =	slt.u32 s9, $0xF7A;
	s5 =	simm.s32 @!p2 $0x0  }
0x1d: {  	s5 =	simm.s32 @p1 $0x1;
	p0 =	seq.s32 s7, s2  }
0x1e: {  	s7 =	smul.u32 @!p0 $0xF7A, s2;
	p2 =	seq.s32 @!p0 s5, $0x0  }
0x1f: {  	s9 =	smul.u32 $0xF7A, s1;
	s8 =	simm.s32 @!p0 $0x1BF5;
	p2 =	por !p2, p0  }
0x20: {  	[sflag:s8] =	ssyncset.s32 @!p0 $0xFFFFF086;
	s6 =	sadd.s32 @!p0 s3, s7;
	s7 =	simm.s32 @!p0 $0x108  }
0x21: {  	s3 =	sadd.s32 s3, s9;
	s6 =	sadd.s32 @!p0 $0x88, s6;
	s7 =	simm.s32 @p2 $0x1082  }
0x22: {  	[simem:s7], [sflag:s8] =	dma.local @!p0 [hbm:s6], $0xF7A  }
0x23: {  	s9 =	sor.u32 $0xD0000000, s2;
	s6 =	simm.s32 $0x108;
	_ =	swait.ge @!p0 [sflag:s8], $0x0  }
0x24: {  	s3 =	sadd.s32 $0x88, s3;
	s6 =	simm.s32 @!p1 $0x1082;
	[sflag:s4] =	ssyncset.s32 $0xFFFFF086  }
0x25: {  	[simem:s6], [sflag:s4] =	dma.local [hbm:s3], $0xF7A  }
0x26: {  	[smem:$0x3F86] =	sst s1;
	(tag) =	ssettag s2;
	_ =	strace s9  }
0x27: {  	s1 =	sld [smem:$0x3F96]  }
0x28: {  	s2 =	sld [smem:$0x3F97]  }
0x29: {  	s4 =	sld [smem:$0x3F99]  }
0x2a: {  	p0 =	seq.s32 s5, $0x0;
	s5 =	sld [smem:$0x3F9A]  }
0x2b: {  	s6 =	sld [smem:$0x3F9B]  }
0x2c: {  	s7 =	sld [smem:$0x3F9C]  }
0x2d: {  	s3 =	simm.s32 $0x108;
	s8 =	sld [smem:$0x3F9D]  }
0x2e: {  	s3 =	simm.s32 @!p0 $0x1082;
	s9 =	sld [smem:$0x3F9E]  }
0x2f: {  	lr =	sadd.s32 s0, s3;
	s0 =	sld [smem:$0x3F95]  }
0x30: {  	s3 =	sld [smem:$0x3F98]  }
0x31: {  	[smem:$0x3FA1] =	sst s10  }
0x32: {  	s10 =	sld [smem:$0x3F9F];
	_ =	sdelay $0x3  }
0x33: {  	p0 =	seq.s32 s10, $0x1;
	s10 =	sld [smem:$0x3FA1];
	_ =	sdelay $0x3  }
0x34: {  	[smem:$0x3FA1] =	sst s10  }
0x35: {  	s10 =	sld [smem:$0x3FA0];
	_ =	sdelay $0x3  }
0x36: {  	p1 =	seq.s32 s10, $0x1;
	s10 =	sld [smem:$0x3FA1];
	_ =	sdelay $0x3  }
0x37: {  	[smem:$0x3FA1] =	sst s10  }
0x38: {  	s10 =	sld [smem:$0x3FA2]  }
0x39: {  	_ = 	snop;
	(pc) =	sbr.ind lr, $3  }
0x3a: {  	_ = 	snop  }
0x3b: {  	_ = 	snop  }
0x3c: {  	p2 =	seq.s32 s10, $0x1;
	s10 =	sld [smem:$0x3FA1]  }
0x3d: {  	_ =	shalt  }
0x3e: {  	_ =	shalt  }
0x3f: {  	_ =	shalt  }
0x40: {  	_ =	shalt  }
0x41: {  	_ =	shalt  }
0x42: {  	_ =	shalt  }
0x43: {  	_ =	shalt  }
0x44: {  	_ =	shalt  }
0x45: {  	_ =	shalt  }
0x46: {  	_ =	shalt  }
0x47: {  	_ =	shalt  }
0x48: {  	_ =	shalt  }
0x49: {  	_ =	shalt  }
0x4a: {  	_ =	shalt  }
0x4b: {  	_ =	shalt  }
0x4c: {  	_ =	shalt  }
0x4d: {  	_ =	shalt  }
0x4e: {  	_ =	shalt  }
0x4f: {  	_ =	shalt  }
0x50: {  	_ =	shalt  }
0x51: {  	_ =	shalt  }
0x52: {  	_ =	shalt  }
0x53: {  	_ =	shalt  }
0x54: {  	_ =	shalt  }
0x55: {  	_ =	shalt  }
0x56: {  	_ =	shalt  }
0x57: {  	_ =	shalt  }
0x58: {  	_ =	shalt  }
0x59: {  	_ =	shalt  }
0x5a: {  	_ =	shalt  }
0x5b: {  	_ =	shalt  }
0x5c: {  	_ =	shalt  }
0x5d: {  	_ =	shalt  }
0x5e: {  	_ =	shalt  }
0x5f: {  	_ =	shalt  }
0x60: {  	_ =	shalt  }
0x61: {  	_ =	shalt  }
0x62: {  	_ =	shalt  }
0x63: {  	_ =	shalt  }
0x64: {  	_ =	shalt  }
0x65: {  	_ =	shalt  }
0x66: {  	_ =	shalt  }
0x67: {  	_ =	shalt  }
0x68: {  	_ =	shalt  }
0x69: {  	_ =	shalt  }
0x6a: {  	_ =	shalt  }
0x6b: {  	_ =	shalt  }
0x6c: {  	_ =	shalt  }
0x6d: {  	_ =	shalt  }
0x6e: {  	_ =	shalt  }
0x6f: {  	_ =	shalt  }
0x70: {  	_ =	shalt  }
0x71: {  	_ =	shalt  }
0x72: {  	_ =	shalt  }
0x73: {  	_ =	shalt  }
0x74: {  	_ =	shalt  }
0x75: {  	_ =	shalt  }
0x76: {  	_ =	shalt  }
0x77: {  	_ =	shalt  }
0x78: {  	_ =	shalt  }
0x79: {  	_ =	shalt  }
0x7a: {  	_ =	shalt  }
0x7b: {  	_ =	shalt  }
0x7c: {  	_ =	shalt  }
0x7d: {  	_ =	shalt  }
0x7e: {  	_ =	shalt  }
0x7f: {  	_ =	shalt  }
0x80: {  	_ =	shalt  }
0x81: {  	_ =	shalt  }
0x82: {  	_ =	shalt  }
0x83: {  	_ =	shalt  }
0x84: {  	_ =	shalt  }
0x85: {  	_ =	shalt  }
0x86: {  	_ =	shalt  }
0x87: {  	_ =	shalt  }
.Lfunc_end0:
.L_simem_size_0:
called_computation.1_lowered:
.L_overlay_start_0:
0x88: {  	s2 =	sld [smem:$0x3FD9]  }
0x89: {  	s3 =	sld [smem:$0x3FFE];
	_ =	sdelay $0x1  }
0x8a: {  	s1 =	srdreg.scid  }
0x8b: {  	s0 =	sand.u32 $0x1, s1  }
0x8c: {  	s16 =	sshll.u32 s0, $0xA;
	s2 =	sadd.s32 s3, s2  }
0x8d: {  	s2 =	sadd.s32 s2, s16  }
0x8e: {  	[smem:$0x3FAD] =	sst s2  }
0x8f: {  	_ = 	snop  }
0x90: {  	(tm) =	ssettm $0x1  }
0x91: {  	s17 =	sld [smem:$0x3FFB];
	_ =	sdelay $0x3  }
0x92: {  	_ =	strace s17  }
0x93: {  	s2 =	sld [smem:$0x3FFC];
	_ =	sdelay $0x3  }
0x94: {  	_ =	strace s2  }
0x95: {  	s2 =	sld [smem:$0x3FFD];
	_ =	sdelay $0x3  }
0x96: {  	_ =	strace s2  }
0x97: {  	_ =	strace $0x8FFFFFFF  }
0x98: {  	s18 =	sld [smem:$0x3FDB];
	_ =	sdelay $0x1  }
0x99: {  	s19 =	simm.s32 $_scs_section_size  }
0x9a: {  	s4 =	simm.s32 $_size__tile_overlayer_lowered;
	s5 =	simm.s32 $_tile_overlayer_lowered  }
0x9b: {  	s22 =	simm.s32 $0x1BFF;
	s21 =	sshll.u32 s5, $0x1;
	s2 =	sadd.s32 s19, s18  }
0x9c: {  	s6 =	simm.s32 $0x0;
	s20 =	sshll.u32 s4, $0x1;
	s4 =	sadd.s32 s21, s2  }
0x9d: {  	[timem:s6], [sflag:s22] =	dma.local [hbm:s4], s20  }
0x9e: {  	_ =	swait.ge [sflag:s22], s20  }
0x9f: {  	s3 =	ssub.s32 $0x0, s20;
	[sflag:s22] =	ssyncset.done $0x0  }
0xa0: {  	[sflag:s22] =	ssyncadd.s32 s3;
	_ =	sdelay $0x1  }
0xa1: {  	s23 =	simm.s32 $0x1B8B  }
0xa2: {  	_ =	swait.ge [sflag:s23], $0x1  }
0xa3: {  	[sflag:s23] =	ssyncset.done $0x0  }
0xa4: {  	s25 =	simm.s32 $0x1B8E;
	s24 =	sld [smem:$0x3FFE];
	[sflag:s23] =	ssyncadd.s32 $0xFFFFFFFF  }
0xa5: {  	s26 =	simm.s32 $execute0_lowered;
	[smem:$0x3FD2] =	sst s25  }
0xa6: {  	s4 =	sshll.u32 s26, $0x1;
	_ =	strace $0x80000049;
	[dreg:$0x1] =	wrdreg $0xFFFFFFFF  }
0xa7: {  	s28 =	simm.s32 $_size_execute0_lowered;
	s2 =	sadd.s32 s2, s4;
	[dreg:$0x0] =	wrdreg $0x0  }
0xa8: {  	s4 =	sshll.u32 s28, $0x1;
	[dreg:$0x2] =	wrdreg s2  }
0xa9: {  	[dreg:$0x3] =	wrdreg s4  }
0xaa: {  	[dreg:$0x4] =	wrdreg $0xC0  }
0xab: {  	_ =	task [dreg:s6], $0x5FFFF  }
0xac: {  	[dreg:$0x1] =	wrdreg $0xFFFFFFFF  }
0xad: {  	[dreg:$0x0] =	wrdreg $0x60  }
0xae: {  	[dreg:$0x2] =	wrdreg s24  }
0xaf: {  	[dreg:$0x3] =	wrdreg $0x11D000  }
0xb0: {  	[dreg:$0x4] =	wrdreg $0x9  }
0xb1: {  	_ =	task.clear_ibuf [dreg:s6], $0x5FFFF;
	_ =	strace $0x90000049  }
0xb2: {  	s29 =	simm.s32 $0x9;
	_ =	strace $0x8000004B  }
0xb3: {  	_ =	swait.ge [sflag:s29], $0x1  }
0xb4: {  	[sflag:s29] =	ssyncadd.s32 $0xFFFFFFFF  }
0xb5: {  	_ =	strace $0x9000004B  }
0xb6: {  	_ =	sfence  }
0xb7: {  	s30 =	sld [smem:$0x0];
	_ =	sdelay $0x2  }
0xb8: {  	s31 =	sshll.u32 s1, $0xD;
	s1 =	sshrl.u32 s1, $0x2  }
0xb9: {  	s3 =	sand.u32 $0x4000, s31;
	s1 =	sadd.s32 s1, s30  }
0xba: {  	s0 =	sor.u32 s3, s0;
	s1 =	sshll.u32 s1, $0x11  }
0xbb: {  	s0 =	sor.u32 s1, s0  }
0xbc: {  	s0 =	sadd.s32 $0x8F2B, s0  }
0xbd: {  	[sflag:s0] =	ssyncadd.remote.s32 $0x1  }
0xbe: {  	_ =	sfence.sel $0xFFFF  }
0xbf: {  	[dreg:$0x0] =	wrdreg $0xFFFFFFFF;
	(pc) =	sbr.abs _section_cstart, $3  }
0xc0: {  	[dreg:$0x1] =	wrdreg $0xFFFFFFFF  }
0xc1: {  	_ =	task.clear_ibuf [dreg:s6], $0x2FFFF;
	_ =	strace $0x9FFFFFFF  }
0xc2: {  	(tm) =	ssettm $0x7FFFFFFF  }
0xc3: {  	_ =	shalt  }
tec
execute0_lowered:
.L_overlay_start_1:
0x0: {  	(tag) =	ssettag $0x1  }
0x1: {  	s0 =	rddreg [dreg:$0x0]  }
0x2: {  	s1 =	rddreg [dreg:$0x1];
	s3 =	srdreg.scid;
	s2 =	simm.s32 $0x0  }
0x3: {  	s10 =	stileid.u32;
	s16 =	simm.s32 $0x7D;
	s17 =	simm.s32 $0xA000  }
0x4: {  	s19 =	simm.s32 $0xBF40;
	s21 =	simm.s32 $0xDE80;
	s23 =	simm.s32 $0xFDC0  }
0x5: {  	s24 =	simm.s32 $0x1;
	s25 =	simm.s32 $0x2;
	s28 =	simm.s32 $0x4  }
0x6: {  	s29 =	simm.s32 $0x5;
	s30 =	simm.s32 $0x6;
	s31 =	simm.s32 $0x7  }
0x7: {  	s3 =	sand.u32 $0x1, s3;
	[smem:$0x7FF] =	sst s2;
	s4 =	smul.u32 $0xA00, s10  }
0x8: {  	s9 =	smul.u32 $0x9C00, s10;
	s15 =	sadd.s32 $0x9C000, s1;
	p0 =	sne.s32 s10, $0x0  }
0x9: {  	s26 =	sshll.u32 s10, $0x6;
	s10 =	simm.s32 $0x0;
	s6 =	smul.u32 $0x9C400, s3  }
0xa: {  	_ =	strace $0x8000004A;
	s3 =	ssub.s32 $0x2, s3;
	s12 =	sor.u32 $0x1C09, s26  }
0xb: {  	s15 =	sshrl.u32 @!p0 s15, $0x3;
	s26 =	simm.s32 $0x3;
	s8 =	sshrl.u32 s3, $0x1  }
0xc: {  	s4 =	sadd.s32 s4, s0;
	s13 =	sadd.s32 s9, s1;
	s11 =	sshrl.u32 s9, $0x3  }
0xd: {  	s7 =	sshrl.u32 s6, $0x3;
	s8 =	ssub.s32 s3, s8;
	s3 =	sadd.s32 $0x4800, s4  }
0xe: {  	s4 =	sadd.s32 $0xE800, s4;
	s6 =	sadd.s32 s9, s6;
	s9 =	simm.s32 $0x9  }
0xf: {  	s13 =	sshrl.u32 s13, $0x3;
	s5 =	sadd.s32 s7, s0;
	s0 =	sadd.s32 $0x3FA00, s0  }
0x10: {  	s6 =	sshrl.u32 s6, $0x3;
	s8 =	smax.u32 s8, $0x1;
	s5 =	sadd.s32 $0x18800, s5  }
0x11: {  	s7 =	sadd.s32 s0, s7;
	s6 =	sadd.s32 s0, s6;
	s0 =	simm.s32 $0x8  }
0x12: {  	s7 =	sadd.s32 $0x13800, s7;
	s11 =	sadd.s32 s11, s5;
	s14 =	sadd.s32 @!p0 $0x13800, s5  }
.LBB2_1:
0x13: {  	[tilespmem:s2], [sflag:$0x9] =	stream.linear.gather [hbm4b:s3+s2], $0x5000, $0x38;
	[tilespmem:$0x1B940] =	vst v63  }
0x14: {  	_ =	swait.ge [sflag:s9], $0x5000  }
0x15: {  	[sflag:s9] =	ssyncset.done $0x0  }
0x16: {  	s18 =	simm.s32 $0x5000;
	[sflag:s9] =	ssyncadd.s32 $0xFFFFB000  }
0x17: {  	[tilespmem:s18], [sflag:$0x9] =	stream.linear.gather [hbm4b:s4+s2], $0x5000, $0x38;
	[tilespmem:$0x1B940] =	vst v63  }
0x18: {  	_ =	swait.ge [sflag:s9], $0x5000  }
0x19: {  	[sflag:s9] =	ssyncset.done $0x0  }
0x1a: {  	[sflag:s9] =	ssyncadd.s32 $0xFFFFB000  }
0x1b: {  	[spmem:s13], [sflag:s12] =	dma.local [hbm:s11], $0x1380  }
0x1c: {  	_ =	swait.ge [sflag:s9], $0x1380  }
0x1d: {  	[sflag:s9] =	ssyncset.done $0x0  }
0x1e: {  	s18 =	simm.s32 @!p0 $0x9;
	[sflag:s9] =	ssyncadd.s32 $0xFFFFEC80  }
0x1f: {  	[spmem:s15], [sflag:s12] =	dma.local @!p0 [hbm:s14], $0x80  }
0x20: {  	_ =	swait.ge @!p0 [sflag:s18], $0x80  }
0x21: {  	[sflag:s18] =	ssyncset.done @!p0 $0x0  }
0x22: {  	[sflag:s18] =	ssyncadd.s32 @!p0 $0xFFFFFF80  }
0x23: {  	[bflag:$0x0] =	sbarrier.arrive $0xFFFF  }
0x24: {  	[tilespmem:s17], [sflag:$0x1] =	stream.indirect.gather [hbm4b:s5+s16], $0x40, s2, s16, $0xb8;
	[tilespmem:$0x1B940] =	vst v63  }
0x25: {  	s20 =	simm.s32 $0x80  }
0x26: {  	[tilespmem:s19], [sflag:$0x2] =	stream.indirect.gather [hbm4b:s5+s16], $0x40, s20, s16, $0xb8;
	[tilespmem:$0x1B940] =	vst v63  }
0x27: {  	s22 =	simm.s32 $0x100  }
0x28: {  	[tilespmem:s21], [sflag:$0x3] =	stream.indirect.gather [hbm4b:s5+s16], $0x40, s22, s16, $0xb8;
	[tilespmem:$0x1B940] =	vst v63  }
0x29: {  	s20 =	simm.s32 $0x180  }
0x2a: {  	[tilespmem:s23], [sflag:$0x4] =	stream.indirect.gather [hbm4b:s5+s16], $0x40, s20, s16, $0xb8;
	[tilespmem:$0x1B940] =	vst v63  }
0x2b: {  	_ =	swait.ge [sflag:s24], $0x1F40  }
0x2c: {  	[sflag:s24] =	ssyncset.done $0x0  }
0x2d: {  	s22 =	simm.s32 $0x5000;
	[sflag:s24] =	ssyncadd.s32 $0xFFFFE0C0  }
0x2e: {  	[spmem:s1] =	stream.indirect.scatter.add.f32 [tilespmem:s17], [sflag:$0x5], $0x40, s22, s16, $0xb8;
	[tilespmem:$0x1B940] =	vst v63  }
0x2f: {  	_ =	swait.ge [sflag:s25], $0x1F40  }
0x30: {  	[sflag:s25] =	ssyncset.done $0x0  }
0x31: {  	s20 =	simm.s32 $0x5080;
	[sflag:s25] =	ssyncadd.s32 $0xFFFFE0C0  }
0x32: {  	[spmem:s1] =	stream.indirect.scatter.add.f32 [tilespmem:s19], [sflag:$0x6], $0x40, s20, s16, $0xb8;
	[tilespmem:$0x1B940] =	vst v63  }
0x33: {  	_ =	swait.ge [sflag:s26], $0x1F40  }
0x34: {  	[sflag:s26] =	ssyncset.done $0x0  }
0x35: {  	s22 =	simm.s32 $0x5100;
	[sflag:s26] =	ssyncadd.s32 $0xFFFFE0C0  }
0x36: {  	[spmem:s1] =	stream.indirect.scatter.add.f32 [tilespmem:s21], [sflag:$0x7], $0x40, s22, s16, $0xb8;
	[tilespmem:$0x1B940] =	vst v63  }
0x37: {  	_ =	swait.ge [sflag:s28], $0x1F40  }
0x38: {  	[sflag:s28] =	ssyncset.done $0x0  }
0x39: {  	s20 =	simm.s32 $0x5180;
	[sflag:s28] =	ssyncadd.s32 $0xFFFFE0C0  }
0x3a: {  	[spmem:s1] =	stream.indirect.scatter.add.f32 [tilespmem:s23], [sflag:$0x8], $0x40, s20, s16, $0xb8;
	[tilespmem:$0x1B940] =	vst v63  }
0x3b: {  	_ =	swait.ge [sflag:s29], $0x1F40  }
0x3c: {  	[sflag:s29] =	ssyncset.done $0x0  }
0x3d: {  	s22 =	simm.s32 $0x200;
	[sflag:s29] =	ssyncadd.s32 $0xFFFFE0C0  }
0x3e: {  	[tilespmem:s17], [sflag:$0x1] =	stream.indirect.gather [hbm4b:s5+s16], $0x40, s22, s16, $0xb8;
	[tilespmem:$0x1B940] =	vst v63  }
0x3f: {  	_ =	swait.ge [sflag:s30], $0x1F40  }
0x40: {  	[sflag:s30] =	ssyncset.done $0x0  }
0x41: {  	s20 =	simm.s32 $0x280;
	[sflag:s30] =	ssyncadd.s32 $0xFFFFE0C0  }
0x42: {  	[tilespmem:s19], [sflag:$0x2] =	stream.indirect.gather [hbm4b:s5+s16], $0x40, s20, s16, $0xb8;
	[tilespmem:$0x1B940] =	vst v63  }
0x43: {  	_ =	swait.ge [sflag:s31], $0x1F40  }
0x44: {  	[sflag:s31] =	ssyncset.done $0x0  }
0x45: {  	s22 =	simm.s32 $0x300;
	[sflag:s31] =	ssyncadd.s32 $0xFFFFE0C0  }
0x46: {  	[tilespmem:s21], [sflag:$0x3] =	stream.indirect.gather [hbm4b:s5+s16], $0x40, s22, s16, $0xb8;
	[tilespmem:$0x1B940] =	vst v63  }
0x47: {  	_ =	swait.ge [sflag:s0], $0x1F40  }
0x48: {  	[sflag:s0] =	ssyncset.done $0x0  }
0x49: {  	s18 =	simm.s32 $0x800;
	s20 =	simm.s32 $0x380;
	[sflag:s0] =	ssyncadd.s32 $0xFFFFE0C0  }
.LBB2_2:
0x4a: {  	[tilespmem:s23], [sflag:$0x4] =	stream.indirect.gather [hbm4b:s5+s16], $0x40, s20, s16, $0xb8;
	[tilespmem:$0x1B940] =	vst v63  }
0x4b: {  	s20 =	smov.u32 s18  }
0x4c: {  	p1 =	sne.s32 s18, $0x13000;
	s18 =	sadd.s32 $0x800, s18;
	_ =	swait.ge [sflag:s24], $0x1F40  }
0x4d: {  	s20 =	sshra.s32 s20, $0x2;
	[sflag:s24] =	ssyncset.done $0x0  }
0x4e: {  	s22 =	sadd.s32 $0x5000, s20;
	[sflag:s24] =	ssyncadd.s32 $0xFFFFE0C0  }
0x4f: {  	[spmem:s1] =	stream.indirect.scatter.add.f32 [tilespmem:s17], [sflag:$0x5], $0x40, s22, s16, $0xb8;
	[tilespmem:$0x1B940] =	vst v63  }
0x50: {  	_ =	swait.ge [sflag:s25], $0x1F40  }
0x51: {  	[sflag:s25] =	ssyncset.done $0x0  }
0x52: {  	s22 =	sadd.s32 $0x5080, s20;
	[sflag:s25] =	ssyncadd.s32 $0xFFFFE0C0  }
0x53: {  	[spmem:s1] =	stream.indirect.scatter.add.f32 [tilespmem:s19], [sflag:$0x6], $0x40, s22, s16, $0xb8;
	[tilespmem:$0x1B940] =	vst v63  }
0x54: {  	_ =	swait.ge [sflag:s26], $0x1F40  }
0x55: {  	[sflag:s26] =	ssyncset.done $0x0  }
0x56: {  	s22 =	sadd.s32 $0x5100, s20;
	[sflag:s26] =	ssyncadd.s32 $0xFFFFE0C0  }
0x57: {  	[spmem:s1] =	stream.indirect.scatter.add.f32 [tilespmem:s21], [sflag:$0x7], $0x40, s22, s16, $0xb8;
	[tilespmem:$0x1B940] =	vst v63  }
0x58: {  	_ =	swait.ge [sflag:s28], $0x1F40  }
0x59: {  	[sflag:s28] =	ssyncset.done $0x0  }
0x5a: {  	s22 =	sadd.s32 $0x5180, s20;
	[sflag:s28] =	ssyncadd.s32 $0xFFFFE0C0  }
0x5b: {  	[spmem:s1] =	stream.indirect.scatter.add.f32 [tilespmem:s23], [sflag:$0x8], $0x40, s22, s16, $0xb8;
	[tilespmem:$0x1B940] =	vst v63  }
0x5c: {  	_ =	swait.ge [sflag:s29], $0x1F40  }
0x5d: {  	[sflag:s29] =	ssyncset.done $0x0  }
0x5e: {  	s22 =	sadd.s32 $0x200, s20;
	[sflag:s29] =	ssyncadd.s32 $0xFFFFE0C0  }
0x5f: {  	[tilespmem:s17], [sflag:$0x1] =	stream.indirect.gather [hbm4b:s5+s16], $0x40, s22, s16, $0xb8;
	[tilespmem:$0x1B940] =	vst v63  }
0x60: {  	_ =	swait.ge [sflag:s30], $0x1F40  }
0x61: {  	[sflag:s30] =	ssyncset.done $0x0  }
0x62: {  	s22 =	sadd.s32 $0x280, s20;
	[sflag:s30] =	ssyncadd.s32 $0xFFFFE0C0  }
0x63: {  	[tilespmem:s19], [sflag:$0x2] =	stream.indirect.gather [hbm4b:s5+s16], $0x40, s22, s16, $0xb8;
	[tilespmem:$0x1B940] =	vst v63  }
0x64: {  	_ =	swait.ge [sflag:s31], $0x1F40  }
0x65: {  	[sflag:s31] =	ssyncset.done $0x0  }
.Ltmp0:
0x66: {  	s22 =	sadd.s32 $0x300, s20;
	[sflag:s31] =	ssyncadd.s32 $0xFFFFE0C0;
	(pc) =	sbr.rel @p1 .LBB2_2-.Ltmp0, $4  }
0x67: {  	[tilespmem:s21], [sflag:$0x3] =	stream.indirect.gather [hbm4b:s5+s16], $0x40, s22, s16, $0xb8;
	[tilespmem:$0x1B940] =	vst v63  }
0x68: {  	_ =	swait.ge [sflag:s0], $0x1F40  }
0x69: {  	[sflag:s0] =	ssyncset.done $0x0  }
0x6a: {  	s20 =	sadd.s32 $0x380, s20;
	[sflag:s0] =	ssyncadd.s32 $0xFFFFE0C0  }
0x6b: {  	[tilespmem:s23], [sflag:$0x4] =	stream.indirect.gather [hbm4b:s5+s16], $0x40, s20, s16, $0xb8;
	[tilespmem:$0x1B940] =	vst v63  }
0x6c: {  	_ =	swait.ge [sflag:s24], $0x1F40  }
0x6d: {  	[sflag:s24] =	ssyncset.done $0x0  }
0x6e: {  	s18 =	simm.s32 $0x9E00;
	[sflag:s24] =	ssyncadd.s32 $0xFFFFE0C0  }
0x6f: {  	[spmem:s1] =	stream.indirect.scatter.add.f32 [tilespmem:s17], [sflag:$0x5], $0x40, s18, s16, $0xb8;
	[tilespmem:$0x1B940] =	vst v63  }
0x70: {  	_ =	swait.ge [sflag:s25], $0x1F40  }
0x71: {  	[sflag:s25] =	ssyncset.done $0x0  }
0x72: {  	s22 =	simm.s32 $0x9E80;
	[sflag:s25] =	ssyncadd.s32 $0xFFFFE0C0  }
0x73: {  	[spmem:s1] =	stream.indirect.scatter.add.f32 [tilespmem:s19], [sflag:$0x6], $0x40, s22, s16, $0xb8;
	[tilespmem:$0x1B940] =	vst v63  }
0x74: {  	_ =	swait.ge [sflag:s26], $0x1F40  }
0x75: {  	[sflag:s26] =	ssyncset.done $0x0  }
0x76: {  	s20 =	simm.s32 $0x9F00;
	[sflag:s26] =	ssyncadd.s32 $0xFFFFE0C0  }
0x77: {  	[spmem:s1] =	stream.indirect.scatter.add.f32 [tilespmem:s21], [sflag:$0x7], $0x40, s20, s16, $0xb8;
	[tilespmem:$0x1B940] =	vst v63  }
0x78: {  	_ =	swait.ge [sflag:s28], $0x1F40  }
0x79: {  	[sflag:s28] =	ssyncset.done $0x0  }
0x7a: {  	s22 =	simm.s32 $0x9F80;
	[sflag:s28] =	ssyncadd.s32 $0xFFFFE0C0  }
0x7b: {  	[spmem:s1] =	stream.indirect.scatter.add.f32 [tilespmem:s23], [sflag:$0x8], $0x40, s22, s16, $0xb8;
	[tilespmem:$0x1B940] =	vst v63  }
0x7c: {  	_ =	swait.ge [sflag:s29], $0x1F40  }
0x7d: {  	[sflag:s29] =	ssyncset.done $0x0  }
0x7e: {  	[sflag:s29] =	ssyncadd.s32 $0xFFFFE0C0  }
0x7f: {  	_ =	swait.ge [sflag:s30], $0x1F40  }
0x80: {  	[sflag:s30] =	ssyncset.done $0x0  }
0x81: {  	[sflag:s30] =	ssyncadd.s32 $0xFFFFE0C0  }
0x82: {  	_ =	swait.ge [sflag:s31], $0x1F40  }
0x83: {  	[sflag:s31] =	ssyncset.done $0x0  }
0x84: {  	[sflag:s31] =	ssyncadd.s32 $0xFFFFE0C0  }
0x85: {  	_ =	swait.ge [sflag:s0], $0x1F40  }
0x86: {  	[sflag:s0] =	ssyncset.done $0x0  }
0x87: {  	[sflag:s0] =	ssyncadd.s32 $0xFFFFE0C0  }
0x88: {  	[bflag:$0x0] =	sbarrier.arrive $0xFFFF  }
0x89: {  	[hbm:s6], [sflag:s12] =	dma.local [spmem:s13], $0x1380  }
0x8a: {  	s10 =	sadd.s32 $0x1, s10;
	_ =	swait.ge [sflag:s9], $0x1380  }
0x8b: {  	p1 =	sne.s32 s10, s8;
	[sflag:s9] =	ssyncset.done $0x0  }
.Ltmp1:
0x8c: {  	s18 =	simm.s32 @!p0 $0x9;
	[sflag:s9] =	ssyncadd.s32 $0xFFFFEC80;
	(pc) =	sbr.rel @p1 .LBB2_1-.Ltmp1, $4  }
0x8d: {  	[hbm:s7], [sflag:s12] =	dma.local @!p0 [spmem:s15], $0x80  }
0x8e: {  	_ =	swait.ge @!p0 [sflag:s18], $0x80  }
0x8f: {  	[sflag:s18] =	ssyncset.done @!p0 $0x0  }
0x90: {  	[sflag:s18] =	ssyncadd.s32 @!p0 $0xFFFFFF80  }
0x91: {  	_ =	sfence.sel $0x180000  }
0x92: {  	[bflag:$0x0] =	sbarrier.arrive $0xFFFF  }
0x93: {  	_ =	strace $0x9000004A  }
0x94: {  	[bflag:$0x2] =	sbarrier.arrive $0xFFFF  }
0x95: {  	s0 =	rddreg [dreg:$0x2]  }
0x96: {  	s0 =	sadd.s32 @!p0 $0x100000, s0  }
0x97: {  	[sflag:s0] =	ssyncadd.tile.s32 @!p0 $0x1;
	_ =	shalt  }
.Lfunc_end2:
_tile_overlayer_lowered:
.L_overlay_start_2:
0x98: {  	(tag) =	ssettag $0x2  }
0x99: {  	s0 =	rddreg [dreg:$0x0];
	s2 =	stileid.u32  }
0x9a: {  	s1 =	rddreg [dreg:$0x1];
	p0 =	sne.s32 s2, $0x0  }
0x9b: {  	s3 =	rddreg [dreg:$0x2];
	[bflag:$0x3] =	sbarrier.arrive $0xFFFF;
	s2 =	simm.s32 @!p0 $0x1C09  }
0x9c: {  	[timem:s3], [sflag:s2] =	dma.local @!p0 [hbm:s0], s1  }
0x9d: {  	s0 =	simm.s32 @!p0 $0x9  }
0x9e: {  	_ =	swait.ge @!p0 [sflag:s0], s1  }
0x9f: {  	s1 =	ssub.s32 @!p0 $0x0, s1;
	[sflag:s0] =	ssyncset.done @!p0 $0x0  }
0xa0: {  	[sflag:s0] =	ssyncadd.s32 @!p0 s1  }
0xa1: {  	[bflag:$0x3] =	sbarrier.arrive $0xFFFF  }
0xa2: {  	_ =	shalt  }

// kernel: kernel.14.cloned.1.call-start
scs
__scs_entry_jumppad:
0x0: {  	(pc) =	sbr.rel $0x88, $3  }
0x1: {  	(tag) =	ssettag $0x0;
	lr =	simm.s32 $0x1  }
0x2: {  	[smem:$0x3F86] =	sst lr;
	_ =	strace $0xD0000000  }
0x3: {  	_ = 	snop  }
0x4: {  	_ = 	snop  }
0x5: {  	_ = 	snop  }
0x6: {  	_ = 	snop  }
0x7: {  	_ = 	snop  }
__scs_overlays_trampoline_lowered:
0x8: {  	[smem:$0x3F95] =	sst s0  }
0x9: {  	[smem:$0x3F96] =	sst s1  }
0xa: {  	[smem:$0x3F97] =	sst s2  }
0xb: {  	[smem:$0x3F98] =	sst s3  }
0xc: {  	[smem:$0x3F99] =	sst s4  }
0xd: {  	[smem:$0x3F9A] =	sst s5  }
0xe: {  	[smem:$0x3F9B] =	sst s6  }
0xf: {  	[smem:$0x3F9C] =	sst s7  }
0x10: {  	[smem:$0x3F9D] =	sst s8  }
0x11: {  	[smem:$0x3F9E] =	sst s9;
	s0 =	simm.s32 @!p0 $0x0  }
0x12: {  	s1 =	sld [smem:$0x3F84];
	s0 =	simm.s32 @p0 $0x1  }
0x13: {  	[smem:$0x3F9F] =	sst s0;
	s0 =	simm.s32 @!p1 $0x0  }
0x14: {  	s2 =	sld [smem:$0x3F83];
	s0 =	simm.s32 @p1 $0x1  }
0x15: {  	[smem:$0x3FA0] =	sst s0;
	s0 =	simm.s32 @!p2 $0x0  }
0x16: {  	s3 =	sld [smem:$0x3FDB];
	s0 =	simm.s32 @p2 $0x1  }
0x17: {  	s4 =	simm.s32 $0x1BF5;
	[smem:$0x3FA2] =	sst s0  }
0x18: {  	s0 =	sld [smem:$0x3F85];
	_ =	swait.ge [sflag:s4], $0x0  }
0x19: {  	s7 =	sld [smem:$0x3F86]  }
0x1a: {  	s8 =	sadd.s32 $0xFFFFE003, lr  }
0x1b: {  	s9 =	sadd.s32 $0xFFFFFEF7, lr;
	s5 =	simm.s32 $0xFFFFFFFF;
	p2 =	slt.u32 s8, $0xFFFFF086  }
0x1c: {  	p1 =	slt.u32 s9, $0xF7A;
	s5 =	simm.s32 @!p2 $0x0  }
0x1d: {  	s5 =	simm.s32 @p1 $0x1;
	p0 =	seq.s32 s7, s2  }
0x1e: {  	s7 =	smul.u32 @!p0 $0xF7A, s2;
	p2 =	seq.s32 @!p0 s5, $0x0  }
0x1f: {  	s9 =	smul.u32 $0xF7A, s1;
	s8 =	simm.s32 @!p0 $0x1BF5;
	p2 =	por !p2, p0  }
0x20: {  	[sflag:s8] =	ssyncset.s32 @!p0 $0xFFFFF086;
	s6 =	sadd.s32 @!p0 s3, s7;
	s7 =	simm.s32 @!p0 $0x108  }
0x21: {  	s3 =	sadd.s32 s3, s9;
	s6 =	sadd.s32 @!p0 $0x88, s6;
	s7 =	simm.s32 @p2 $0x1082  }
0x22: {  	[simem:s7], [sflag:s8] =	dma.local @!p0 [hbm:s6], $0xF7A  }
0x23: {  	s9 =	sor.u32 $0xD0000000, s2;
	s6 =	simm.s32 $0x108;
	_ =	swait.ge @!p0 [sflag:s8], $0x0  }
0x24: {  	s3 =	sadd.s32 $0x88, s3;
	s6 =	simm.s32 @!p1 $0x1082;
	[sflag:s4] =	ssyncset.s32 $0xFFFFF086  }
0x25: {  	[simem:s6], [sflag:s4] =	dma.local [hbm:s3], $0xF7A  }
0x26: {  	[smem:$0x3F86] =	sst s1;
	(tag) =	ssettag s2;
	_ =	strace s9  }
0x27: {  	s1 =	sld [smem:$0x3F96]  }
0x28: {  	s2 =	sld [smem:$0x3F97]  }
0x29: {  	s4 =	sld [smem:$0x3F99]  }
0x2a: {  	p0 =	seq.s32 s5, $0x0;
	s5 =	sld [smem:$0x3F9A]  }
0x2b: {  	s6 =	sld [smem:$0x3F9B]  }
0x2c: {  	s7 =	sld [smem:$0x3F9C]  }
0x2d: {  	s3 =	simm.s32 $0x108;
	s8 =	sld [smem:$0x3F9D]  }
0x2e: {  	s3 =	simm.s32 @!p0 $0x1082;
	s9 =	sld [smem:$0x3F9E]  }
0x2f: {  	lr =	sadd.s32 s0, s3;
	s0 =	sld [smem:$0x3F95]  }
0x30: {  	s3 =	sld [smem:$0x3F98]  }
0x31: {  	[smem:$0x3FA1] =	sst s10  }
0x32: {  	s10 =	sld [smem:$0x3F9F];
	_ =	sdelay $0x3  }
0x33: {  	p0 =	seq.s32 s10, $0x1;
	s10 =	sld [smem:$0x3FA1];
	_ =	sdelay $0x3  }
0x34: {  	[smem:$0x3FA1] =	sst s10  }
0x35: {  	s10 =	sld [smem:$0x3FA0];
	_ =	sdelay $0x3  }
0x36: {  	p1 =	seq.s32 s10, $0x1;
	s10 =	sld [smem:$0x3FA1];
	_ =	sdelay $0x3  }
0x37: {  	[smem:$0x3FA1] =	sst s10  }
0x38: {  	s10 =	sld [smem:$0x3FA2]  }
0x39: {  	_ = 	snop;
	(pc) =	sbr.ind lr, $3  }
0x3a: {  	_ = 	snop  }
0x3b: {  	_ = 	snop  }
0x3c: {  	p2 =	seq.s32 s10, $0x1;
	s10 =	sld [smem:$0x3FA1]  }
0x3d: {  	_ =	shalt  }
0x3e: {  	_ =	shalt  }
0x3f: {  	_ =	shalt  }
0x40: {  	_ =	shalt  }
0x41: {  	_ =	shalt  }
0x42: {  	_ =	shalt  }
0x43: {  	_ =	shalt  }
0x44: {  	_ =	shalt  }
0x45: {  	_ =	shalt  }
0x46: {  	_ =	shalt  }
0x47: {  	_ =	shalt  }
0x48: {  	_ =	shalt  }
0x49: {  	_ =	shalt  }
0x4a: {  	_ =	shalt  }
0x4b: {  	_ =	shalt  }
0x4c: {  	_ =	shalt  }
0x4d: {  	_ =	shalt  }
0x4e: {  	_ =	shalt  }
0x4f: {  	_ =	shalt  }
0x50: {  	_ =	shalt  }
0x51: {  	_ =	shalt  }
0x52: {  	_ =	shalt  }
0x53: {  	_ =	shalt  }
0x54: {  	_ =	shalt  }
0x55: {  	_ =	shalt  }
0x56: {  	_ =	shalt  }
0x57: {  	_ =	shalt  }
0x58: {  	_ =	shalt  }
0x59: {  	_ =	shalt  }
0x5a: {  	_ =	shalt  }
0x5b: {  	_ =	shalt  }
0x5c: {  	_ =	shalt  }
0x5d: {  	_ =	shalt  }
0x5e: {  	_ =	shalt  }
0x5f: {  	_ =	shalt  }
0x60: {  	_ =	shalt  }
0x61: {  	_ =	shalt  }
0x62: {  	_ =	shalt  }
0x63: {  	_ =	shalt  }
0x64: {  	_ =	shalt  }
0x65: {  	_ =	shalt  }
0x66: {  	_ =	shalt  }
0x67: {  	_ =	shalt  }
0x68: {  	_ =	shalt  }
0x69: {  	_ =	shalt  }
0x6a: {  	_ =	shalt  }
0x6b: {  	_ =	shalt  }
0x6c: {  	_ =	shalt  }
0x6d: {  	_ =	shalt  }
0x6e: {  	_ =	shalt  }
0x6f: {  	_ =	shalt  }
0x70: {  	_ =	shalt  }
0x71: {  	_ =	shalt  }
0x72: {  	_ =	shalt  }
0x73: {  	_ =	shalt  }
0x74: {  	_ =	shalt  }
0x75: {  	_ =	shalt  }
0x76: {  	_ =	shalt  }
0x77: {  	_ =	shalt  }
0x78: {  	_ =	shalt  }
0x79: {  	_ =	shalt  }
0x7a: {  	_ =	shalt  }
0x7b: {  	_ =	shalt  }
0x7c: {  	_ =	shalt  }
0x7d: {  	_ =	shalt  }
0x7e: {  	_ =	shalt  }
0x7f: {  	_ =	shalt  }
0x80: {  	_ =	shalt  }
0x81: {  	_ =	shalt  }
0x82: {  	_ =	shalt  }
0x83: {  	_ =	shalt  }
0x84: {  	_ =	shalt  }
0x85: {  	_ =	shalt  }
0x86: {  	_ =	shalt  }
0x87: {  	_ =	shalt  }
.Lfunc_end0:
.L_simem_size_0:
called_computation.2_lowered:
.L_overlay_start_0:
0x88: {  	s2 =	sld [smem:$0x3FD9]  }
0x89: {  	s3 =	sld [smem:$0x3FFE];
	_ =	sdelay $0x1  }
0x8a: {  	s1 =	srdreg.scid  }
0x8b: {  	s0 =	sand.u32 $0x1, s1  }
0x8c: {  	s16 =	sshll.u32 s0, $0xA;
	s2 =	sadd.s32 s3, s2  }
0x8d: {  	s2 =	sadd.s32 s2, s16  }
0x8e: {  	[smem:$0x3FAD] =	sst s2  }
0x8f: {  	_ = 	snop  }
0x90: {  	(tm) =	ssettm $0x1  }
0x91: {  	s17 =	sld [smem:$0x3FFB];
	_ =	sdelay $0x3  }
0x92: {  	_ =	strace s17  }
0x93: {  	s2 =	sld [smem:$0x3FFC];
	_ =	sdelay $0x3  }
0x94: {  	_ =	strace s2  }
0x95: {  	s2 =	sld [smem:$0x3FFD];
	_ =	sdelay $0x3  }
0x96: {  	_ =	strace s2  }
0x97: {  	_ =	strace $0x8FFFFFFF  }
0x98: {  	s18 =	sld [smem:$0x3FDB];
	_ =	sdelay $0x1  }
0x99: {  	s19 =	simm.s32 $_scs_section_size  }
0x9a: {  	s4 =	simm.s32 $_size__tile_overlayer_lowered;
	s5 =	simm.s32 $_tile_overlayer_lowered  }
0x9b: {  	s22 =	simm.s32 $0x1BFF;
	s21 =	sshll.u32 s5, $0x1;
	s2 =	sadd.s32 s19, s18  }
0x9c: {  	s6 =	simm.s32 $0x0;
	s20 =	sshll.u32 s4, $0x1;
	s4 =	sadd.s32 s21, s2  }
0x9d: {  	[timem:s6], [sflag:s22] =	dma.local [hbm:s4], s20  }
0x9e: {  	_ =	swait.ge [sflag:s22], s20  }
0x9f: {  	s3 =	ssub.s32 $0x0, s20;
	[sflag:s22] =	ssyncset.done $0x0  }
0xa0: {  	[sflag:s22] =	ssyncadd.s32 s3;
	_ =	sdelay $0x1  }
0xa1: {  	s23 =	simm.s32 $0x1B8B  }
0xa2: {  	_ =	swait.ge [sflag:s23], $0x1  }
0xa3: {  	[sflag:s23] =	ssyncset.done $0x0  }
0xa4: {  	s25 =	simm.s32 $0x1B8E;
	s24 =	sld [smem:$0x3FFE];
	[sflag:s23] =	ssyncadd.s32 $0xFFFFFFFF  }
0xa5: {  	s26 =	simm.s32 $execute0_lowered;
	[smem:$0x3FD2] =	sst s25  }
0xa6: {  	s4 =	sshll.u32 s26, $0x1;
	_ =	strace $0x8000004C;
	[dreg:$0x1] =	wrdreg $0xFFFFFFFF  }
0xa7: {  	s28 =	simm.s32 $_size_execute0_lowered;
	s2 =	sadd.s32 s2, s4;
	[dreg:$0x0] =	wrdreg $0x0  }
0xa8: {  	s4 =	sshll.u32 s28, $0x1;
	[dreg:$0x2] =	wrdreg s2  }
0xa9: {  	[dreg:$0x3] =	wrdreg s4  }
0xaa: {  	[dreg:$0x4] =	wrdreg $0xC0  }
0xab: {  	_ =	task [dreg:s6], $0x5FFFF  }
0xac: {  	[dreg:$0x1] =	wrdreg $0xFFFFFFFF  }
0xad: {  	[dreg:$0x0] =	wrdreg $0x60  }
0xae: {  	[dreg:$0x2] =	wrdreg s24  }
0xaf: {  	[dreg:$0x3] =	wrdreg $0x11D000  }
0xb0: {  	[dreg:$0x4] =	wrdreg $0x9  }
0xb1: {  	_ =	task.clear_ibuf [dreg:s6], $0x5FFFF;
	_ =	strace $0x9000004C  }
0xb2: {  	s29 =	simm.s32 $0x9;
	_ =	strace $0x8000004E  }
0xb3: {  	_ =	swait.ge [sflag:s29], $0x1  }
0xb4: {  	[sflag:s29] =	ssyncadd.s32 $0xFFFFFFFF  }
0xb5: {  	_ =	strace $0x9000004E  }
0xb6: {  	_ =	sfence  }
0xb7: {  	s30 =	sld [smem:$0x0];
	_ =	sdelay $0x2  }
0xb8: {  	s31 =	sshll.u32 s1, $0xD;
	s1 =	sshrl.u32 s1, $0x2  }
0xb9: {  	s3 =	sand.u32 $0x4000, s31;
	s1 =	sadd.s32 s1, s30  }
0xba: {  	s0 =	sor.u32 s3, s0;
	s1 =	sshll.u32 s1, $0x11  }
0xbb: {  	s0 =	sor.u32 s1, s0  }
0xbc: {  	s0 =	sadd.s32 $0x8F2B, s0  }
0xbd: {  	[sflag:s0] =	ssyncadd.remote.s32 $0x1  }
0xbe: {  	_ =	sfence.sel $0xFFFF  }
0xbf: {  	[dreg:$0x0] =	wrdreg $0xFFFFFFFF;
	(pc) =	sbr.abs _section_cstart, $3  }
0xc0: {  	[dreg:$0x1] =	wrdreg $0xFFFFFFFF  }
0xc1: {  	_ =	task.clear_ibuf [dreg:s6], $0x2FFFF;
	_ =	strace $0x9FFFFFFF  }
0xc2: {  	(tm) =	ssettm $0x7FFFFFFF  }
0xc3: {  	_ =	shalt  }
tec
execute0_lowered:
.L_overlay_start_1:
0x0: {  	(tag) =	ssettag $0x1  }
0x1: {  	s0 =	rddreg [dreg:$0x0]  }
0x2: {  	s1 =	rddreg [dreg:$0x1];
	s3 =	srdreg.scid;
	s2 =	simm.s32 $0x0  }
0x3: {  	s10 =	stileid.u32;
	s16 =	simm.s32 $0x7D;
	s17 =	simm.s32 $0xA000  }
0x4: {  	s19 =	simm.s32 $0xBF40;
	s21 =	simm.s32 $0xDE80;
	s23 =	simm.s32 $0xFDC0  }
0x5: {  	s24 =	simm.s32 $0x1;
	s25 =	simm.s32 $0x2;
	s28 =	simm.s32 $0x4  }
0x6: {  	s29 =	simm.s32 $0x5;
	s30 =	simm.s32 $0x6;
	s31 =	simm.s32 $0x7  }
0x7: {  	s3 =	sand.u32 $0x1, s3;
	[smem:$0x7FF] =	sst s2;
	s4 =	smul.u32 $0xA00, s10  }
0x8: {  	s9 =	smul.u32 $0x9C00, s10;
	s15 =	sadd.s32 $0x9C000, s1;
	p0 =	sne.s32 s10, $0x0  }
0x9: {  	s26 =	sshll.u32 s10, $0x6;
	s10 =	simm.s32 $0x0;
	s6 =	smul.u32 $0x9C400, s3  }
0xa: {  	_ =	strace $0x8000004D;
	s3 =	ssub.s32 $0x2, s3;
	s12 =	sor.u32 $0x1C09, s26  }
0xb: {  	s15 =	sshrl.u32 @!p0 s15, $0x3;
	s26 =	simm.s32 $0x3;
	s8 =	sshrl.u32 s3, $0x1  }
0xc: {  	s4 =	sadd.s32 s4, s0;
	s13 =	sadd.s32 s9, s1;
	s11 =	sshrl.u32 s9, $0x3  }
0xd: {  	s7 =	sshrl.u32 s6, $0x3;
	s8 =	ssub.s32 s3, s8;
	s3 =	sadd.s32 $0x4800, s4  }
0xe: {  	s4 =	sadd.s32 $0xE800, s4;
	s6 =	sadd.s32 s9, s6;
	s9 =	simm.s32 $0x9  }
0xf: {  	s13 =	sshrl.u32 s13, $0x3;
	s5 =	sadd.s32 s7, s0;
	s0 =	sadd.s32 $0x3FA00, s0  }
0x10: {  	s6 =	sshrl.u32 s6, $0x3;
	s8 =	smax.u32 s8, $0x1;
	s5 =	sadd.s32 $0x18800, s5  }
0x11: {  	s7 =	sadd.s32 s0, s7;
	s6 =	sadd.s32 s0, s6;
	s0 =	simm.s32 $0x8  }
0x12: {  	s7 =	sadd.s32 $0x13800, s7;
	s11 =	sadd.s32 s11, s5;
	s14 =	sadd.s32 @!p0 $0x13800, s5  }
.LBB2_1:
0x13: {  	[tilespmem:s2], [sflag:$0x9] =	stream.linear.gather [hbm4b:s3+s2], $0x5000, $0x38;
	[tilespmem:$0x1B940] =	vst v63  }
0x14: {  	_ =	swait.ge [sflag:s9], $0x5000  }
0x15: {  	[sflag:s9] =	ssyncset.done $0x0  }
0x16: {  	s18 =	simm.s32 $0x5000;
	[sflag:s9] =	ssyncadd.s32 $0xFFFFB000  }
0x17: {  	[tilespmem:s18], [sflag:$0x9] =	stream.linear.gather [hbm4b:s4+s2], $0x5000, $0x38;
	[tilespmem:$0x1B940] =	vst v63  }
0x18: {  	_ =	swait.ge [sflag:s9], $0x5000  }
0x19: {  	[sflag:s9] =	ssyncset.done $0x0  }
0x1a: {  	[sflag:s9] =	ssyncadd.s32 $0xFFFFB000  }
0x1b: {  	[spmem:s13], [sflag:s12] =	dma.local [hbm:s11], $0x1380  }
0x1c: {  	_ =	swait.ge [sflag:s9], $0x1380  }
0x1d: {  	[sflag:s9] =	ssyncset.done $0x0  }
0x1e: {  	s18 =	simm.s32 @!p0 $0x9;
	[sflag:s9] =	ssyncadd.s32 $0xFFFFEC80  }
0x1f: {  	[spmem:s15], [sflag:s12] =	dma.local @!p0 [hbm:s14], $0x80  }
0x20: {  	_ =	swait.ge @!p0 [sflag:s18], $0x80  }
0x21: {  	[sflag:s18] =	ssyncset.done @!p0 $0x0  }
0x22: {  	[sflag:s18] =	ssyncadd.s32 @!p0 $0xFFFFFF80  }
0x23: {  	[bflag:$0x0] =	sbarrier.arrive $0xFFFF  }
0x24: {  	[tilespmem:s17], [sflag:$0x1] =	stream.indirect.gather [hbm4b:s5+s16], $0x40, s2, s16, $0xb8;
	[tilespmem:$0x1B940] =	vst v63  }
0x25: {  	s20 =	simm.s32 $0x80  }
0x26: {  	[tilespmem:s19], [sflag:$0x2] =	stream.indirect.gather [hbm4b:s5+s16], $0x40, s20, s16, $0xb8;
	[tilespmem:$0x1B940] =	vst v63  }
0x27: {  	s22 =	simm.s32 $0x100  }
0x28: {  	[tilespmem:s21], [sflag:$0x3] =	stream.indirect.gather [hbm4b:s5+s16], $0x40, s22, s16, $0xb8;
	[tilespmem:$0x1B940] =	vst v63  }
0x29: {  	s20 =	simm.s32 $0x180  }
0x2a: {  	[tilespmem:s23], [sflag:$0x4] =	stream.indirect.gather [hbm4b:s5+s16], $0x40, s20, s16, $0xb8;
	[tilespmem:$0x1B940] =	vst v63  }
0x2b: {  	_ =	swait.ge [sflag:s24], $0x1F40  }
0x2c: {  	[sflag:s24] =	ssyncset.done $0x0  }
0x2d: {  	s22 =	simm.s32 $0x5000;
	[sflag:s24] =	ssyncadd.s32 $0xFFFFE0C0  }
0x2e: {  	[spmem:s1] =	stream.indirect.scatter.add.f32 [tilespmem:s17], [sflag:$0x5], $0x40, s22, s16, $0xb8;
	[tilespmem:$0x1B940] =	vst v63  }
0x2f: {  	_ =	swait.ge [sflag:s25], $0x1F40  }
0x30: {  	[sflag:s25] =	ssyncset.done $0x0  }
0x31: {  	s20 =	simm.s32 $0x5080;
	[sflag:s25] =	ssyncadd.s32 $0xFFFFE0C0  }
0x32: {  	[spmem:s1] =	stream.indirect.scatter.add.f32 [tilespmem:s19], [sflag:$0x6], $0x40, s20, s16, $0xb8;
	[tilespmem:$0x1B940] =	vst v63  }
0x33: {  	_ =	swait.ge [sflag:s26], $0x1F40  }
0x34: {  	[sflag:s26] =	ssyncset.done $0x0  }
0x35: {  	s22 =	simm.s32 $0x5100;
	[sflag:s26] =	ssyncadd.s32 $0xFFFFE0C0  }
0x36: {  	[spmem:s1] =	stream.indirect.scatter.add.f32 [tilespmem:s21], [sflag:$0x7], $0x40, s22, s16, $0xb8;
	[tilespmem:$0x1B940] =	vst v63  }
0x37: {  	_ =	swait.ge [sflag:s28], $0x1F40  }
0x38: {  	[sflag:s28] =	ssyncset.done $0x0  }
0x39: {  	s20 =	simm.s32 $0x5180;
	[sflag:s28] =	ssyncadd.s32 $0xFFFFE0C0  }
0x3a: {  	[spmem:s1] =	stream.indirect.scatter.add.f32 [tilespmem:s23], [sflag:$0x8], $0x40, s20, s16, $0xb8;
	[tilespmem:$0x1B940] =	vst v63  }
0x3b: {  	_ =	swait.ge [sflag:s29], $0x1F40  }
0x3c: {  	[sflag:s29] =	ssyncset.done $0x0  }
0x3d: {  	s22 =	simm.s32 $0x200;
	[sflag:s29] =	ssyncadd.s32 $0xFFFFE0C0  }
0x3e: {  	[tilespmem:s17], [sflag:$0x1] =	stream.indirect.gather [hbm4b:s5+s16], $0x40, s22, s16, $0xb8;
	[tilespmem:$0x1B940] =	vst v63  }
0x3f: {  	_ =	swait.ge [sflag:s30], $0x1F40  }
0x40: {  	[sflag:s30] =	ssyncset.done $0x0  }
0x41: {  	s20 =	simm.s32 $0x280;
	[sflag:s30] =	ssyncadd.s32 $0xFFFFE0C0  }
0x42: {  	[tilespmem:s19], [sflag:$0x2] =	stream.indirect.gather [hbm4b:s5+s16], $0x40, s20, s16, $0xb8;
	[tilespmem:$0x1B940] =	vst v63  }
0x43: {  	_ =	swait.ge [sflag:s31], $0x1F40  }
0x44: {  	[sflag:s31] =	ssyncset.done $0x0  }
0x45: {  	s22 =	simm.s32 $0x300;
	[sflag:s31] =	ssyncadd.s32 $0xFFFFE0C0  }
0x46: {  	[tilespmem:s21], [sflag:$0x3] =	stream.indirect.gather [hbm4b:s5+s16], $0x40, s22, s16, $0xb8;
	[tilespmem:$0x1B940] =	vst v63  }
0x47: {  	_ =	swait.ge [sflag:s0], $0x1F40  }
0x48: {  	[sflag:s0] =	ssyncset.done $0x0  }
0x49: {  	s18 =	simm.s32 $0x800;
	s20 =	simm.s32 $0x380;
	[sflag:s0] =	ssyncadd.s32 $0xFFFFE0C0  }
.LBB2_2:
0x4a: {  	[tilespmem:s23], [sflag:$0x4] =	stream.indirect.gather [hbm4b:s5+s16], $0x40, s20, s16, $0xb8;
	[tilespmem:$0x1B940] =	vst v63  }
0x4b: {  	s20 =	smov.u32 s18  }
0x4c: {  	p1 =	sne.s32 s18, $0x13000;
	s18 =	sadd.s32 $0x800, s18;
	_ =	swait.ge [sflag:s24], $0x1F40  }
0x4d: {  	s20 =	sshra.s32 s20, $0x2;
	[sflag:s24] =	ssyncset.done $0x0  }
0x4e: {  	s22 =	sadd.s32 $0x5000, s20;
	[sflag:s24] =	ssyncadd.s32 $0xFFFFE0C0  }
0x4f: {  	[spmem:s1] =	stream.indirect.scatter.add.f32 [tilespmem:s17], [sflag:$0x5], $0x40, s22, s16, $0xb8;
	[tilespmem:$0x1B940] =	vst v63  }
0x50: {  	_ =	swait.ge [sflag:s25], $0x1F40  }
0x51: {  	[sflag:s25] =	ssyncset.done $0x0  }
0x52: {  	s22 =	sadd.s32 $0x5080, s20;
	[sflag:s25] =	ssyncadd.s32 $0xFFFFE0C0  }
0x53: {  	[spmem:s1] =	stream.indirect.scatter.add.f32 [tilespmem:s19], [sflag:$0x6], $0x40, s22, s16, $0xb8;
	[tilespmem:$0x1B940] =	vst v63  }
0x54: {  	_ =	swait.ge [sflag:s26], $0x1F40  }
0x55: {  	[sflag:s26] =	ssyncset.done $0x0  }
0x56: {  	s22 =	sadd.s32 $0x5100, s20;
	[sflag:s26] =	ssyncadd.s32 $0xFFFFE0C0  }
0x57: {  	[spmem:s1] =	stream.indirect.scatter.add.f32 [tilespmem:s21], [sflag:$0x7], $0x40, s22, s16, $0xb8;
	[tilespmem:$0x1B940] =	vst v63  }
0x58: {  	_ =	swait.ge [sflag:s28], $0x1F40  }
0x59: {  	[sflag:s28] =	ssyncset.done $0x0  }
0x5a: {  	s22 =	sadd.s32 $0x5180, s20;
	[sflag:s28] =	ssyncadd.s32 $0xFFFFE0C0  }
0x5b: {  	[spmem:s1] =	stream.indirect.scatter.add.f32 [tilespmem:s23], [sflag:$0x8], $0x40, s22, s16, $0xb8;
	[tilespmem:$0x1B940] =	vst v63  }
0x5c: {  	_ =	swait.ge [sflag:s29], $0x1F40  }
0x5d: {  	[sflag:s29] =	ssyncset.done $0x0  }
0x5e: {  	s22 =	sadd.s32 $0x200, s20;
	[sflag:s29] =	ssyncadd.s32 $0xFFFFE0C0  }
0x5f: {  	[tilespmem:s17], [sflag:$0x1] =	stream.indirect.gather [hbm4b:s5+s16], $0x40, s22, s16, $0xb8;
	[tilespmem:$0x1B940] =	vst v63  }
0x60: {  	_ =	swait.ge [sflag:s30], $0x1F40  }
0x61: {  	[sflag:s30] =	ssyncset.done $0x0  }
0x62: {  	s22 =	sadd.s32 $0x280, s20;
	[sflag:s30] =	ssyncadd.s32 $0xFFFFE0C0  }
0x63: {  	[tilespmem:s19], [sflag:$0x2] =	stream.indirect.gather [hbm4b:s5+s16], $0x40, s22, s16, $0xb8;
	[tilespmem:$0x1B940] =	vst v63  }
0x64: {  	_ =	swait.ge [sflag:s31], $0x1F40  }
0x65: {  	[sflag:s31] =	ssyncset.done $0x0  }
.Ltmp0:
0x66: {  	s22 =	sadd.s32 $0x300, s20;
	[sflag:s31] =	ssyncadd.s32 $0xFFFFE0C0;
	(pc) =	sbr.rel @p1 .LBB2_2-.Ltmp0, $4  }
0x67: {  	[tilespmem:s21], [sflag:$0x3] =	stream.indirect.gather [hbm4b:s5+s16], $0x40, s22, s16, $0xb8;
	[tilespmem:$0x1B940] =	vst v63  }
0x68: {  	_ =	swait.ge [sflag:s0], $0x1F40  }
0x69: {  	[sflag:s0] =	ssyncset.done $0x0  }
0x6a: {  	s20 =	sadd.s32 $0x380, s20;
	[sflag:s0] =	ssyncadd.s32 $0xFFFFE0C0  }
0x6b: {  	[tilespmem:s23], [sflag:$0x4] =	stream.indirect.gather [hbm4b:s5+s16], $0x40, s20, s16, $0xb8;
	[tilespmem:$0x1B940] =	vst v63  }
0x6c: {  	_ =	swait.ge [sflag:s24], $0x1F40  }
0x6d: {  	[sflag:s24] =	ssyncset.done $0x0  }
0x6e: {  	s18 =	simm.s32 $0x9E00;
	[sflag:s24] =	ssyncadd.s32 $0xFFFFE0C0  }
0x6f: {  	[spmem:s1] =	stream.indirect.scatter.add.f32 [tilespmem:s17], [sflag:$0x5], $0x40, s18, s16, $0xb8;
	[tilespmem:$0x1B940] =	vst v63  }
0x70: {  	_ =	swait.ge [sflag:s25], $0x1F40  }
0x71: {  	[sflag:s25] =	ssyncset.done $0x0  }
0x72: {  	s22 =	simm.s32 $0x9E80;
	[sflag:s25] =	ssyncadd.s32 $0xFFFFE0C0  }
0x73: {  	[spmem:s1] =	stream.indirect.scatter.add.f32 [tilespmem:s19], [sflag:$0x6], $0x40, s22, s16, $0xb8;
	[tilespmem:$0x1B940] =	vst v63  }
0x74: {  	_ =	swait.ge [sflag:s26], $0x1F40  }
0x75: {  	[sflag:s26] =	ssyncset.done $0x0  }
0x76: {  	s20 =	simm.s32 $0x9F00;
	[sflag:s26] =	ssyncadd.s32 $0xFFFFE0C0  }
0x77: {  	[spmem:s1] =	stream.indirect.scatter.add.f32 [tilespmem:s21], [sflag:$0x7], $0x40, s20, s16, $0xb8;
	[tilespmem:$0x1B940] =	vst v63  }
0x78: {  	_ =	swait.ge [sflag:s28], $0x1F40  }
0x79: {  	[sflag:s28] =	ssyncset.done $0x0  }
0x7a: {  	s22 =	simm.s32 $0x9F80;
	[sflag:s28] =	ssyncadd.s32 $0xFFFFE0C0  }
0x7b: {  	[spmem:s1] =	stream.indirect.scatter.add.f32 [tilespmem:s23], [sflag:$0x8], $0x40, s22, s16, $0xb8;
	[tilespmem:$0x1B940] =	vst v63  }
0x7c: {  	_ =	swait.ge [sflag:s29], $0x1F40  }
0x7d: {  	[sflag:s29] =	ssyncset.done $0x0  }
0x7e: {  	[sflag:s29] =	ssyncadd.s32 $0xFFFFE0C0  }
0x7f: {  	_ =	swait.ge [sflag:s30], $0x1F40  }
0x80: {  	[sflag:s30] =	ssyncset.done $0x0  }
0x81: {  	[sflag:s30] =	ssyncadd.s32 $0xFFFFE0C0  }
0x82: {  	_ =	swait.ge [sflag:s31], $0x1F40  }
0x83: {  	[sflag:s31] =	ssyncset.done $0x0  }
0x84: {  	[sflag:s31] =	ssyncadd.s32 $0xFFFFE0C0  }
0x85: {  	_ =	swait.ge [sflag:s0], $0x1F40  }
0x86: {  	[sflag:s0] =	ssyncset.done $0x0  }
0x87: {  	[sflag:s0] =	ssyncadd.s32 $0xFFFFE0C0  }
0x88: {  	[bflag:$0x0] =	sbarrier.arrive $0xFFFF  }
0x89: {  	[hbm:s6], [sflag:s12] =	dma.local [spmem:s13], $0x1380  }
0x8a: {  	s10 =	sadd.s32 $0x1, s10;
	_ =	swait.ge [sflag:s9], $0x1380  }
0x8b: {  	p1 =	sne.s32 s10, s8;
	[sflag:s9] =	ssyncset.done $0x0  }
.Ltmp1:
0x8c: {  	s18 =	simm.s32 @!p0 $0x9;
	[sflag:s9] =	ssyncadd.s32 $0xFFFFEC80;
	(pc) =	sbr.rel @p1 .LBB2_1-.Ltmp1, $4  }
0x8d: {  	[hbm:s7], [sflag:s12] =	dma.local @!p0 [spmem:s15], $0x80  }
0x8e: {  	_ =	swait.ge @!p0 [sflag:s18], $0x80  }
0x8f: {  	[sflag:s18] =	ssyncset.done @!p0 $0x0  }
0x90: {  	[sflag:s18] =	ssyncadd.s32 @!p0 $0xFFFFFF80  }
0x91: {  	_ =	sfence.sel $0x180000  }
0x92: {  	[bflag:$0x0] =	sbarrier.arrive $0xFFFF  }
0x93: {  	_ =	strace $0x9000004D  }
0x94: {  	[bflag:$0x2] =	sbarrier.arrive $0xFFFF  }
0x95: {  	s0 =	rddreg [dreg:$0x2]  }
0x96: {  	s0 =	sadd.s32 @!p0 $0x100000, s0  }
0x97: {  	[sflag:s0] =	ssyncadd.tile.s32 @!p0 $0x1;
	_ =	shalt  }
.Lfunc_end2:
_tile_overlayer_lowered:
.L_overlay_start_2:
0x98: {  	(tag) =	ssettag $0x2  }
0x99: {  	s0 =	rddreg [dreg:$0x0];
	s2 =	stileid.u32  }
0x9a: {  	s1 =	rddreg [dreg:$0x1];
	p0 =	sne.s32 s2, $0x0  }
0x9b: {  	s3 =	rddreg [dreg:$0x2];
	[bflag:$0x3] =	sbarrier.arrive $0xFFFF;
	s2 =	simm.s32 @!p0 $0x1C09  }
0x9c: {  	[timem:s3], [sflag:s2] =	dma.local @!p0 [hbm:s0], s1  }
0x9d: {  	s0 =	simm.s32 @!p0 $0x9  }
0x9e: {  	_ =	swait.ge @!p0 [sflag:s0], s1  }
0x9f: {  	s1 =	ssub.s32 @!p0 $0x0, s1;
	[sflag:s0] =	ssyncset.done @!p0 $0x0  }
0xa0: {  	[sflag:s0] =	ssyncadd.s32 @!p0 s1  }
0xa1: {  	[bflag:$0x3] =	sbarrier.arrive $0xFFFF  }
0xa2: {  	_ =	shalt  }

// kernel: kernel.8.cloned.1.call-start
scs
__scs_entry_jumppad:
0x0: {  	(pc) =	sbr.rel $0x88, $3  }
0x1: {  	(tag) =	ssettag $0x0;
	lr =	simm.s32 $0x1  }
0x2: {  	[smem:$0x3F86] =	sst lr;
	_ =	strace $0xD0000000  }
0x3: {  	_ = 	snop  }
0x4: {  	_ = 	snop  }
0x5: {  	_ = 	snop  }
0x6: {  	_ = 	snop  }
0x7: {  	_ = 	snop  }
__scs_overlays_trampoline_lowered:
0x8: {  	[smem:$0x3F95] =	sst s0  }
0x9: {  	[smem:$0x3F96] =	sst s1  }
0xa: {  	[smem:$0x3F97] =	sst s2  }
0xb: {  	[smem:$0x3F98] =	sst s3  }
0xc: {  	[smem:$0x3F99] =	sst s4  }
0xd: {  	[smem:$0x3F9A] =	sst s5  }
0xe: {  	[smem:$0x3F9B] =	sst s6  }
0xf: {  	[smem:$0x3F9C] =	sst s7  }
0x10: {  	[smem:$0x3F9D] =	sst s8  }
0x11: {  	[smem:$0x3F9E] =	sst s9;
	s0 =	simm.s32 @!p0 $0x0  }
0x12: {  	s1 =	sld [smem:$0x3F84];
	s0 =	simm.s32 @p0 $0x1  }
0x13: {  	[smem:$0x3F9F] =	sst s0;
	s0 =	simm.s32 @!p1 $0x0  }
0x14: {  	s2 =	sld [smem:$0x3F83];
	s0 =	simm.s32 @p1 $0x1  }
0x15: {  	[smem:$0x3FA0] =	sst s0;
	s0 =	simm.s32 @!p2 $0x0  }
0x16: {  	s3 =	sld [smem:$0x3FDB];
	s0 =	simm.s32 @p2 $0x1  }
0x17: {  	s4 =	simm.s32 $0x1BF5;
	[smem:$0x3FA2] =	sst s0  }
0x18: {  	s0 =	sld [smem:$0x3F85];
	_ =	swait.ge [sflag:s4], $0x0  }
0x19: {  	s7 =	sld [smem:$0x3F86]  }
0x1a: {  	s8 =	sadd.s32 $0xFFFFE003, lr  }
0x1b: {  	s9 =	sadd.s32 $0xFFFFFEF7, lr;
	s5 =	simm.s32 $0xFFFFFFFF;
	p2 =	slt.u32 s8, $0xFFFFF086  }
0x1c: {  	p1 =	slt.u32 s9, $0xF7A;
	s5 =	simm.s32 @!p2 $0x0  }
0x1d: {  	s5 =	simm.s32 @p1 $0x1;
	p0 =	seq.s32 s7, s2  }
0x1e: {  	s7 =	smul.u32 @!p0 $0xF7A, s2;
	p2 =	seq.s32 @!p0 s5, $0x0  }
0x1f: {  	s9 =	smul.u32 $0xF7A, s1;
	s8 =	simm.s32 @!p0 $0x1BF5;
	p2 =	por !p2, p0  }
0x20: {  	[sflag:s8] =	ssyncset.s32 @!p0 $0xFFFFF086;
	s6 =	sadd.s32 @!p0 s3, s7;
	s7 =	simm.s32 @!p0 $0x108  }
0x21: {  	s3 =	sadd.s32 s3, s9;
	s6 =	sadd.s32 @!p0 $0x88, s6;
	s7 =	simm.s32 @p2 $0x1082  }
0x22: {  	[simem:s7], [sflag:s8] =	dma.local @!p0 [hbm:s6], $0xF7A  }
0x23: {  	s9 =	sor.u32 $0xD0000000, s2;
	s6 =	simm.s32 $0x108;
	_ =	swait.ge @!p0 [sflag:s8], $0x0  }
0x24: {  	s3 =	sadd.s32 $0x88, s3;
	s6 =	simm.s32 @!p1 $0x1082;
	[sflag:s4] =	ssyncset.s32 $0xFFFFF086  }
0x25: {  	[simem:s6], [sflag:s4] =	dma.local [hbm:s3], $0xF7A  }
0x26: {  	[smem:$0x3F86] =	sst s1;
	(tag) =	ssettag s2;
	_ =	strace s9  }
0x27: {  	s1 =	sld [smem:$0x3F96]  }
0x28: {  	s2 =	sld [smem:$0x3F97]  }
0x29: {  	s4 =	sld [smem:$0x3F99]  }
0x2a: {  	p0 =	seq.s32 s5, $0x0;
	s5 =	sld [smem:$0x3F9A]  }
0x2b: {  	s6 =	sld [smem:$0x3F9B]  }
0x2c: {  	s7 =	sld [smem:$0x3F9C]  }
0x2d: {  	s3 =	simm.s32 $0x108;
	s8 =	sld [smem:$0x3F9D]  }
0x2e: {  	s3 =	simm.s32 @!p0 $0x1082;
	s9 =	sld [smem:$0x3F9E]  }
0x2f: {  	lr =	sadd.s32 s0, s3;
	s0 =	sld [smem:$0x3F95]  }
0x30: {  	s3 =	sld [smem:$0x3F98]  }
0x31: {  	[smem:$0x3FA1] =	sst s10  }
0x32: {  	s10 =	sld [smem:$0x3F9F];
	_ =	sdelay $0x3  }
0x33: {  	p0 =	seq.s32 s10, $0x1;
	s10 =	sld [smem:$0x3FA1];
	_ =	sdelay $0x3  }
0x34: {  	[smem:$0x3FA1] =	sst s10  }
0x35: {  	s10 =	sld [smem:$0x3FA0];
	_ =	sdelay $0x3  }
0x36: {  	p1 =	seq.s32 s10, $0x1;
	s10 =	sld [smem:$0x3FA1];
	_ =	sdelay $0x3  }
0x37: {  	[smem:$0x3FA1] =	sst s10  }
0x38: {  	s10 =	sld [smem:$0x3FA2]  }
0x39: {  	_ = 	snop;
	(pc) =	sbr.ind lr, $3  }
0x3a: {  	_ = 	snop  }
0x3b: {  	_ = 	snop  }
0x3c: {  	p2 =	seq.s32 s10, $0x1;
	s10 =	sld [smem:$0x3FA1]  }
0x3d: {  	_ =	shalt  }
0x3e: {  	_ =	shalt  }
0x3f: {  	_ =	shalt  }
0x40: {  	_ =	shalt  }
0x41: {  	_ =	shalt  }
0x42: {  	_ =	shalt  }
0x43: {  	_ =	shalt  }
0x44: {  	_ =	shalt  }
0x45: {  	_ =	shalt  }
0x46: {  	_ =	shalt  }
0x47: {  	_ =	shalt  }
0x48: {  	_ =	shalt  }
0x49: {  	_ =	shalt  }
0x4a: {  	_ =	shalt  }
0x4b: {  	_ =	shalt  }
0x4c: {  	_ =	shalt  }
0x4d: {  	_ =	shalt  }
0x4e: {  	_ =	shalt  }
0x4f: {  	_ =	shalt  }
0x50: {  	_ =	shalt  }
0x51: {  	_ =	shalt  }
0x52: {  	_ =	shalt  }
0x53: {  	_ =	shalt  }
0x54: {  	_ =	shalt  }
0x55: {  	_ =	shalt  }
0x56: {  	_ =	shalt  }
0x57: {  	_ =	shalt  }
0x58: {  	_ =	shalt  }
0x59: {  	_ =	shalt  }
0x5a: {  	_ =	shalt  }
0x5b: {  	_ =	shalt  }
0x5c: {  	_ =	shalt  }
0x5d: {  	_ =	shalt  }
0x5e: {  	_ =	shalt  }
0x5f: {  	_ =	shalt  }
0x60: {  	_ =	shalt  }
0x61: {  	_ =	shalt  }
0x62: {  	_ =	shalt  }
0x63: {  	_ =	shalt  }
0x64: {  	_ =	shalt  }
0x65: {  	_ =	shalt  }
0x66: {  	_ =	shalt  }
0x67: {  	_ =	shalt  }
0x68: {  	_ =	shalt  }
0x69: {  	_ =	shalt  }
0x6a: {  	_ =	shalt  }
0x6b: {  	_ =	shalt  }
0x6c: {  	_ =	shalt  }
0x6d: {  	_ =	shalt  }
0x6e: {  	_ =	shalt  }
0x6f: {  	_ =	shalt  }
0x70: {  	_ =	shalt  }
0x71: {  	_ =	shalt  }
0x72: {  	_ =	shalt  }
0x73: {  	_ =	shalt  }
0x74: {  	_ =	shalt  }
0x75: {  	_ =	shalt  }
0x76: {  	_ =	shalt  }
0x77: {  	_ =	shalt  }
0x78: {  	_ =	shalt  }
0x79: {  	_ =	shalt  }
0x7a: {  	_ =	shalt  }
0x7b: {  	_ =	shalt  }
0x7c: {  	_ =	shalt  }
0x7d: {  	_ =	shalt  }
0x7e: {  	_ =	shalt  }
0x7f: {  	_ =	shalt  }
0x80: {  	_ =	shalt  }
0x81: {  	_ =	shalt  }
0x82: {  	_ =	shalt  }
0x83: {  	_ =	shalt  }
0x84: {  	_ =	shalt  }
0x85: {  	_ =	shalt  }
0x86: {  	_ =	shalt  }
0x87: {  	_ =	shalt  }
.Lfunc_end0:
.L_simem_size_0:
called_computation_lowered:
.L_overlay_start_0:
0x88: {  	s2 =	sld [smem:$0x3FD9]  }
0x89: {  	s3 =	sld [smem:$0x3FFE];
	_ =	sdelay $0x1  }
0x8a: {  	s1 =	srdreg.scid  }
0x8b: {  	s0 =	sand.u32 $0x1, s1  }
0x8c: {  	s16 =	sshll.u32 s0, $0xA;
	s2 =	sadd.s32 s3, s2  }
0x8d: {  	s2 =	sadd.s32 s2, s16  }
0x8e: {  	[smem:$0x3FAD] =	sst s2  }
0x8f: {  	_ = 	snop  }
0x90: {  	(tm) =	ssettm $0x1  }
0x91: {  	s17 =	sld [smem:$0x3FFB];
	_ =	sdelay $0x3  }
0x92: {  	_ =	strace s17  }
0x93: {  	s2 =	sld [smem:$0x3FFC];
	_ =	sdelay $0x3  }
0x94: {  	_ =	strace s2  }
0x95: {  	s2 =	sld [smem:$0x3FFD];
	_ =	sdelay $0x3  }
0x96: {  	_ =	strace s2  }
0x97: {  	_ =	strace $0x8FFFFFFF  }
0x98: {  	s18 =	sld [smem:$0x3FDB];
	_ =	sdelay $0x1  }
0x99: {  	s19 =	simm.s32 $_scs_section_size  }
0x9a: {  	s4 =	simm.s32 $_size__tile_overlayer_lowered;
	s5 =	simm.s32 $_tile_overlayer_lowered  }
0x9b: {  	s22 =	simm.s32 $0x1BFF;
	s21 =	sshll.u32 s5, $0x1;
	s2 =	sadd.s32 s19, s18  }
0x9c: {  	s6 =	simm.s32 $0x0;
	s20 =	sshll.u32 s4, $0x1;
	s4 =	sadd.s32 s21, s2  }
0x9d: {  	[timem:s6], [sflag:s22] =	dma.local [hbm:s4], s20  }
0x9e: {  	_ =	swait.ge [sflag:s22], s20  }
0x9f: {  	s3 =	ssub.s32 $0x0, s20;
	[sflag:s22] =	ssyncset.done $0x0  }
0xa0: {  	[sflag:s22] =	ssyncadd.s32 s3;
	_ =	sdelay $0x1  }
0xa1: {  	s23 =	simm.s32 $0x1B8B  }
0xa2: {  	_ =	swait.ge [sflag:s23], $0x1  }
0xa3: {  	[sflag:s23] =	ssyncset.done $0x0  }
0xa4: {  	s25 =	simm.s32 $0x1B8E;
	s24 =	sld [smem:$0x3FFE];
	[sflag:s23] =	ssyncadd.s32 $0xFFFFFFFF  }
0xa5: {  	s26 =	simm.s32 $execute0_lowered;
	[smem:$0x3FD2] =	sst s25  }
0xa6: {  	s4 =	sshll.u32 s26, $0x1;
	_ =	strace $0x80000046;
	[dreg:$0x1] =	wrdreg $0xFFFFFFFF  }
0xa7: {  	s28 =	simm.s32 $_size_execute0_lowered;
	s2 =	sadd.s32 s2, s4;
	[dreg:$0x0] =	wrdreg $0x0  }
0xa8: {  	s4 =	sshll.u32 s28, $0x1;
	[dreg:$0x2] =	wrdreg s2  }
0xa9: {  	[dreg:$0x3] =	wrdreg s4  }
0xaa: {  	[dreg:$0x4] =	wrdreg $0xC0  }
0xab: {  	_ =	task [dreg:s6], $0x5FFFF  }
0xac: {  	[dreg:$0x1] =	wrdreg $0xFFFFFFFF  }
0xad: {  	[dreg:$0x0] =	wrdreg $0x60  }
0xae: {  	[dreg:$0x2] =	wrdreg s24  }
0xaf: {  	[dreg:$0x3] =	wrdreg $0x11D000  }
0xb0: {  	[dreg:$0x4] =	wrdreg $0x9  }
0xb1: {  	_ =	task.clear_ibuf [dreg:s6], $0x5FFFF;
	_ =	strace $0x90000046  }
0xb2: {  	s29 =	simm.s32 $0x9;
	_ =	strace $0x80000048  }
0xb3: {  	_ =	swait.ge [sflag:s29], $0x1  }
0xb4: {  	[sflag:s29] =	ssyncadd.s32 $0xFFFFFFFF  }
0xb5: {  	_ =	strace $0x90000048  }
0xb6: {  	_ =	sfence  }
0xb7: {  	s30 =	sld [smem:$0x0];
	_ =	sdelay $0x2  }
0xb8: {  	s31 =	sshll.u32 s1, $0xD;
	s1 =	sshrl.u32 s1, $0x2  }
0xb9: {  	s3 =	sand.u32 $0x4000, s31;
	s1 =	sadd.s32 s1, s30  }
0xba: {  	s0 =	sor.u32 s3, s0;
	s1 =	sshll.u32 s1, $0x11  }
0xbb: {  	s0 =	sor.u32 s1, s0  }
0xbc: {  	s0 =	sadd.s32 $0x8F2B, s0  }
0xbd: {  	[sflag:s0] =	ssyncadd.remote.s32 $0x1  }
0xbe: {  	_ =	sfence.sel $0xFFFF  }
0xbf: {  	[dreg:$0x0] =	wrdreg $0xFFFFFFFF;
	(pc) =	sbr.abs _section_cstart, $3  }
0xc0: {  	[dreg:$0x1] =	wrdreg $0xFFFFFFFF  }
0xc1: {  	_ =	task.clear_ibuf [dreg:s6], $0x2FFFF;
	_ =	strace $0x9FFFFFFF  }
0xc2: {  	(tm) =	ssettm $0x7FFFFFFF  }
0xc3: {  	_ =	shalt  }
tec
execute0_lowered:
.L_overlay_start_1:
0x0: {  	(tag) =	ssettag $0x1  }
0x1: {  	s0 =	rddreg [dreg:$0x0]  }
0x2: {  	s1 =	rddreg [dreg:$0x1];
	s3 =	srdreg.scid;
	s2 =	simm.s32 $0x0  }
0x3: {  	s10 =	stileid.u32;
	s16 =	simm.s32 $0x7D;
	s17 =	simm.s32 $0xA000  }
0x4: {  	s19 =	simm.s32 $0xBF40;
	s21 =	simm.s32 $0xDE80;
	s23 =	simm.s32 $0xFDC0  }
0x5: {  	s24 =	simm.s32 $0x1;
	s25 =	simm.s32 $0x2;
	s28 =	simm.s32 $0x4  }
0x6: {  	s29 =	simm.s32 $0x5;
	s30 =	simm.s32 $0x6;
	s31 =	simm.s32 $0x7  }
0x7: {  	s3 =	sand.u32 $0x1, s3;
	[smem:$0x7FF] =	sst s2;
	s4 =	smul.u32 $0xA00, s10  }
0x8: {  	s9 =	smul.u32 $0x9C00, s10;
	s15 =	sadd.s32 $0x9C000, s1;
	p0 =	sne.s32 s10, $0x0  }
0x9: {  	s26 =	sshll.u32 s10, $0x6;
	s10 =	simm.s32 $0x0;
	s6 =	smul.u32 $0x9C400, s3  }
0xa: {  	_ =	strace $0x80000047;
	s3 =	ssub.s32 $0x2, s3;
	s12 =	sor.u32 $0x1C09, s26  }
0xb: {  	s15 =	sshrl.u32 @!p0 s15, $0x3;
	s26 =	simm.s32 $0x3;
	s8 =	sshrl.u32 s3, $0x1  }
0xc: {  	s4 =	sadd.s32 s4, s0;
	s13 =	sadd.s32 s9, s1;
	s11 =	sshrl.u32 s9, $0x3  }
0xd: {  	s7 =	sshrl.u32 s6, $0x3;
	s8 =	ssub.s32 s3, s8;
	s3 =	sadd.s32 $0x4800, s4  }
0xe: {  	s4 =	sadd.s32 $0xE800, s4;
	s6 =	sadd.s32 s9, s6;
	s9 =	simm.s32 $0x9  }
0xf: {  	s13 =	sshrl.u32 s13, $0x3;
	s5 =	sadd.s32 s7, s0;
	s0 =	sadd.s32 $0x3FA00, s0  }
0x10: {  	s6 =	sshrl.u32 s6, $0x3;
	s8 =	smax.u32 s8, $0x1;
	s5 =	sadd.s32 $0x18800, s5  }
0x11: {  	s7 =	sadd.s32 s0, s7;
	s6 =	sadd.s32 s0, s6;
	s0 =	simm.s32 $0x8  }
0x12: {  	s7 =	sadd.s32 $0x13800, s7;
	s11 =	sadd.s32 s11, s5;
	s14 =	sadd.s32 @!p0 $0x13800, s5  }
.LBB2_1:
0x13: {  	[tilespmem:s2], [sflag:$0x9] =	stream.linear.gather [hbm4b:s3+s2], $0x5000, $0x38;
	[tilespmem:$0x1B940] =	vst v63  }
0x14: {  	_ =	swait.ge [sflag:s9], $0x5000  }
0x15: {  	[sflag:s9] =	ssyncset.done $0x0  }
0x16: {  	s18 =	simm.s32 $0x5000;
	[sflag:s9] =	ssyncadd.s32 $0xFFFFB000  }
0x17: {  	[tilespmem:s18], [sflag:$0x9] =	stream.linear.gather [hbm4b:s4+s2], $0x5000, $0x38;
	[tilespmem:$0x1B940] =	vst v63  }
0x18: {  	_ =	swait.ge [sflag:s9], $0x5000  }
0x19: {  	[sflag:s9] =	ssyncset.done $0x0  }
0x1a: {  	[sflag:s9] =	ssyncadd.s32 $0xFFFFB000  }
0x1b: {  	[spmem:s13], [sflag:s12] =	dma.local [hbm:s11], $0x1380  }
0x1c: {  	_ =	swait.ge [sflag:s9], $0x1380  }
0x1d: {  	[sflag:s9] =	ssyncset.done $0x0  }
0x1e: {  	s18 =	simm.s32 @!p0 $0x9;
	[sflag:s9] =	ssyncadd.s32 $0xFFFFEC80  }
0x1f: {  	[spmem:s15], [sflag:s12] =	dma.local @!p0 [hbm:s14], $0x80  }
0x20: {  	_ =	swait.ge @!p0 [sflag:s18], $0x80  }
0x21: {  	[sflag:s18] =	ssyncset.done @!p0 $0x0  }
0x22: {  	[sflag:s18] =	ssyncadd.s32 @!p0 $0xFFFFFF80  }
0x23: {  	[bflag:$0x0] =	sbarrier.arrive $0xFFFF  }
0x24: {  	[tilespmem:s17], [sflag:$0x1] =	stream.indirect.gather [hbm4b:s5+s16], $0x40, s2, s16, $0xb8;
	[tilespmem:$0x1B940] =	vst v63  }
0x25: {  	s20 =	simm.s32 $0x80  }
0x26: {  	[tilespmem:s19], [sflag:$0x2] =	stream.indirect.gather [hbm4b:s5+s16], $0x40, s20, s16, $0xb8;
	[tilespmem:$0x1B940] =	vst v63  }
0x27: {  	s22 =	simm.s32 $0x100  }
0x28: {  	[tilespmem:s21], [sflag:$0x3] =	stream.indirect.gather [hbm4b:s5+s16], $0x40, s22, s16, $0xb8;
	[tilespmem:$0x1B940] =	vst v63  }
0x29: {  	s20 =	simm.s32 $0x180  }
0x2a: {  	[tilespmem:s23], [sflag:$0x4] =	stream.indirect.gather [hbm4b:s5+s16], $0x40, s20, s16, $0xb8;
	[tilespmem:$0x1B940] =	vst v63  }
0x2b: {  	_ =	swait.ge [sflag:s24], $0x1F40  }
0x2c: {  	[sflag:s24] =	ssyncset.done $0x0  }
0x2d: {  	s22 =	simm.s32 $0x5000;
	[sflag:s24] =	ssyncadd.s32 $0xFFFFE0C0  }
0x2e: {  	[spmem:s1] =	stream.indirect.scatter.add.f32 [tilespmem:s17], [sflag:$0x5], $0x40, s22, s16, $0xb8;
	[tilespmem:$0x1B940] =	vst v63  }
0x2f: {  	_ =	swait.ge [sflag:s25], $0x1F40  }
0x30: {  	[sflag:s25] =	ssyncset.done $0x0  }
0x31: {  	s20 =	simm.s32 $0x5080;
	[sflag:s25] =	ssyncadd.s32 $0xFFFFE0C0  }
0x32: {  	[spmem:s1] =	stream.indirect.scatter.add.f32 [tilespmem:s19], [sflag:$0x6], $0x40, s20, s16, $0xb8;
	[tilespmem:$0x1B940] =	vst v63  }
0x33: {  	_ =	swait.ge [sflag:s26], $0x1F40  }
0x34: {  	[sflag:s26] =	ssyncset.done $0x0  }
0x35: {  	s22 =	simm.s32 $0x5100;
	[sflag:s26] =	ssyncadd.s32 $0xFFFFE0C0  }
0x36: {  	[spmem:s1] =	stream.indirect.scatter.add.f32 [tilespmem:s21], [sflag:$0x7], $0x40, s22, s16, $0xb8;
	[tilespmem:$0x1B940] =	vst v63  }
0x37: {  	_ =	swait.ge [sflag:s28], $0x1F40  }
0x38: {  	[sflag:s28] =	ssyncset.done $0x0  }
0x39: {  	s20 =	simm.s32 $0x5180;
	[sflag:s28] =	ssyncadd.s32 $0xFFFFE0C0  }
0x3a: {  	[spmem:s1] =	stream.indirect.scatter.add.f32 [tilespmem:s23], [sflag:$0x8], $0x40, s20, s16, $0xb8;
	[tilespmem:$0x1B940] =	vst v63  }
0x3b: {  	_ =	swait.ge [sflag:s29], $0x1F40  }
0x3c: {  	[sflag:s29] =	ssyncset.done $0x0  }
0x3d: {  	s22 =	simm.s32 $0x200;
	[sflag:s29] =	ssyncadd.s32 $0xFFFFE0C0  }
0x3e: {  	[tilespmem:s17], [sflag:$0x1] =	stream.indirect.gather [hbm4b:s5+s16], $0x40, s22, s16, $0xb8;
	[tilespmem:$0x1B940] =	vst v63  }
0x3f: {  	_ =	swait.ge [sflag:s30], $0x1F40  }
0x40: {  	[sflag:s30] =	ssyncset.done $0x0  }
0x41: {  	s20 =	simm.s32 $0x280;
	[sflag:s30] =	ssyncadd.s32 $0xFFFFE0C0  }
0x42: {  	[tilespmem:s19], [sflag:$0x2] =	stream.indirect.gather [hbm4b:s5+s16], $0x40, s20, s16, $0xb8;
	[tilespmem:$0x1B940] =	vst v63  }
0x43: {  	_ =	swait.ge [sflag:s31], $0x1F40  }
0x44: {  	[sflag:s31] =	ssyncset.done $0x0  }
0x45: {  	s22 =	simm.s32 $0x300;
	[sflag:s31] =	ssyncadd.s32 $0xFFFFE0C0  }
0x46: {  	[tilespmem:s21], [sflag:$0x3] =	stream.indirect.gather [hbm4b:s5+s16], $0x40, s22, s16, $0xb8;
	[tilespmem:$0x1B940] =	vst v63  }
0x47: {  	_ =	swait.ge [sflag:s0], $0x1F40  }
0x48: {  	[sflag:s0] =	ssyncset.done $0x0  }
0x49: {  	s18 =	simm.s32 $0x800;
	s20 =	simm.s32 $0x380;
	[sflag:s0] =	ssyncadd.s32 $0xFFFFE0C0  }
.LBB2_2:
0x4a: {  	[tilespmem:s23], [sflag:$0x4] =	stream.indirect.gather [hbm4b:s5+s16], $0x40, s20, s16, $0xb8;
	[tilespmem:$0x1B940] =	vst v63  }
0x4b: {  	s20 =	smov.u32 s18  }
0x4c: {  	p1 =	sne.s32 s18, $0x13000;
	s18 =	sadd.s32 $0x800, s18;
	_ =	swait.ge [sflag:s24], $0x1F40  }
0x4d: {  	s20 =	sshra.s32 s20, $0x2;
	[sflag:s24] =	ssyncset.done $0x0  }
0x4e: {  	s22 =	sadd.s32 $0x5000, s20;
	[sflag:s24] =	ssyncadd.s32 $0xFFFFE0C0  }
0x4f: {  	[spmem:s1] =	stream.indirect.scatter.add.f32 [tilespmem:s17], [sflag:$0x5], $0x40, s22, s16, $0xb8;
	[tilespmem:$0x1B940] =	vst v63  }
0x50: {  	_ =	swait.ge [sflag:s25], $0x1F40  }
0x51: {  	[sflag:s25] =	ssyncset.done $0x0  }
0x52: {  	s22 =	sadd.s32 $0x5080, s20;
	[sflag:s25] =	ssyncadd.s32 $0xFFFFE0C0  }
0x53: {  	[spmem:s1] =	stream.indirect.scatter.add.f32 [tilespmem:s19], [sflag:$0x6], $0x40, s22, s16, $0xb8;
	[tilespmem:$0x1B940] =	vst v63  }
0x54: {  	_ =	swait.ge [sflag:s26], $0x1F40  }
0x55: {  	[sflag:s26] =	ssyncset.done $0x0  }
0x56: {  	s22 =	sadd.s32 $0x5100, s20;
	[sflag:s26] =	ssyncadd.s32 $0xFFFFE0C0  }
0x57: {  	[spmem:s1] =	stream.indirect.scatter.add.f32 [tilespmem:s21], [sflag:$0x7], $0x40, s22, s16, $0xb8;
	[tilespmem:$0x1B940] =	vst v63  }
0x58: {  	_ =	swait.ge [sflag:s28], $0x1F40  }
0x59: {  	[sflag:s28] =	ssyncset.done $0x0  }
0x5a: {  	s22 =	sadd.s32 $0x5180, s20;
	[sflag:s28] =	ssyncadd.s32 $0xFFFFE0C0  }
0x5b: {  	[spmem:s1] =	stream.indirect.scatter.add.f32 [tilespmem:s23], [sflag:$0x8], $0x40, s22, s16, $0xb8;
	[tilespmem:$0x1B940] =	vst v63  }
0x5c: {  	_ =	swait.ge [sflag:s29], $0x1F40  }
0x5d: {  	[sflag:s29] =	ssyncset.done $0x0  }
0x5e: {  	s22 =	sadd.s32 $0x200, s20;
	[sflag:s29] =	ssyncadd.s32 $0xFFFFE0C0  }
0x5f: {  	[tilespmem:s17], [sflag:$0x1] =	stream.indirect.gather [hbm4b:s5+s16], $0x40, s22, s16, $0xb8;
	[tilespmem:$0x1B940] =	vst v63  }
0x60: {  	_ =	swait.ge [sflag:s30], $0x1F40  }
0x61: {  	[sflag:s30] =	ssyncset.done $0x0  }
0x62: {  	s22 =	sadd.s32 $0x280, s20;
	[sflag:s30] =	ssyncadd.s32 $0xFFFFE0C0  }
0x63: {  	[tilespmem:s19], [sflag:$0x2] =	stream.indirect.gather [hbm4b:s5+s16], $0x40, s22, s16, $0xb8;
	[tilespmem:$0x1B940] =	vst v63  }
0x64: {  	_ =	swait.ge [sflag:s31], $0x1F40  }
0x65: {  	[sflag:s31] =	ssyncset.done $0x0  }
.Ltmp0:
0x66: {  	s22 =	sadd.s32 $0x300, s20;
	[sflag:s31] =	ssyncadd.s32 $0xFFFFE0C0;
	(pc) =	sbr.rel @p1 .LBB2_2-.Ltmp0, $4  }
0x67: {  	[tilespmem:s21], [sflag:$0x3] =	stream.indirect.gather [hbm4b:s5+s16], $0x40, s22, s16, $0xb8;
	[tilespmem:$0x1B940] =	vst v63  }
0x68: {  	_ =	swait.ge [sflag:s0], $0x1F40  }
0x69: {  	[sflag:s0] =	ssyncset.done $0x0  }
0x6a: {  	s20 =	sadd.s32 $0x380, s20;
	[sflag:s0] =	ssyncadd.s32 $0xFFFFE0C0  }
0x6b: {  	[tilespmem:s23], [sflag:$0x4] =	stream.indirect.gather [hbm4b:s5+s16], $0x40, s20, s16, $0xb8;
	[tilespmem:$0x1B940] =	vst v63  }
0x6c: {  	_ =	swait.ge [sflag:s24], $0x1F40  }
0x6d: {  	[sflag:s24] =	ssyncset.done $0x0  }
0x6e: {  	s18 =	simm.s32 $0x9E00;
	[sflag:s24] =	ssyncadd.s32 $0xFFFFE0C0  }
0x6f: {  	[spmem:s1] =	stream.indirect.scatter.add.f32 [tilespmem:s17], [sflag:$0x5], $0x40, s18, s16, $0xb8;
	[tilespmem:$0x1B940] =	vst v63  }
0x70: {  	_ =	swait.ge [sflag:s25], $0x1F40  }
0x71: {  	[sflag:s25] =	ssyncset.done $0x0  }
0x72: {  	s22 =	simm.s32 $0x9E80;
	[sflag:s25] =	ssyncadd.s32 $0xFFFFE0C0  }
0x73: {  	[spmem:s1] =	stream.indirect.scatter.add.f32 [tilespmem:s19], [sflag:$0x6], $0x40, s22, s16, $0xb8;
	[tilespmem:$0x1B940] =	vst v63  }
0x74: {  	_ =	swait.ge [sflag:s26], $0x1F40  }
0x75: {  	[sflag:s26] =	ssyncset.done $0x0  }
0x76: {  	s20 =	simm.s32 $0x9F00;
	[sflag:s26] =	ssyncadd.s32 $0xFFFFE0C0  }
0x77: {  	[spmem:s1] =	stream.indirect.scatter.add.f32 [tilespmem:s21], [sflag:$0x7], $0x40, s20, s16, $0xb8;
	[tilespmem:$0x1B940] =	vst v63  }
0x78: {  	_ =	swait.ge [sflag:s28], $0x1F40  }
0x79: {  	[sflag:s28] =	ssyncset.done $0x0  }
0x7a: {  	s22 =	simm.s32 $0x9F80;
	[sflag:s28] =	ssyncadd.s32 $0xFFFFE0C0  }
0x7b: {  	[spmem:s1] =	stream.indirect.scatter.add.f32 [tilespmem:s23], [sflag:$0x8], $0x40, s22, s16, $0xb8;
	[tilespmem:$0x1B940] =	vst v63  }
0x7c: {  	_ =	swait.ge [sflag:s29], $0x1F40  }
0x7d: {  	[sflag:s29] =	ssyncset.done $0x0  }
0x7e: {  	[sflag:s29] =	ssyncadd.s32 $0xFFFFE0C0  }
0x7f: {  	_ =	swait.ge [sflag:s30], $0x1F40  }
0x80: {  	[sflag:s30] =	ssyncset.done $0x0  }
0x81: {  	[sflag:s30] =	ssyncadd.s32 $0xFFFFE0C0  }
0x82: {  	_ =	swait.ge [sflag:s31], $0x1F40  }
0x83: {  	[sflag:s31] =	ssyncset.done $0x0  }
0x84: {  	[sflag:s31] =	ssyncadd.s32 $0xFFFFE0C0  }
0x85: {  	_ =	swait.ge [sflag:s0], $0x1F40  }
0x86: {  	[sflag:s0] =	ssyncset.done $0x0  }
0x87: {  	[sflag:s0] =	ssyncadd.s32 $0xFFFFE0C0  }
0x88: {  	[bflag:$0x0] =	sbarrier.arrive $0xFFFF  }
0x89: {  	[hbm:s6], [sflag:s12] =	dma.local [spmem:s13], $0x1380  }
0x8a: {  	s10 =	sadd.s32 $0x1, s10;
	_ =	swait.ge [sflag:s9], $0x1380  }
0x8b: {  	p1 =	sne.s32 s10, s8;
	[sflag:s9] =	ssyncset.done $0x0  }
.Ltmp1:
0x8c: {  	s18 =	simm.s32 @!p0 $0x9;
	[sflag:s9] =	ssyncadd.s32 $0xFFFFEC80;
	(pc) =	sbr.rel @p1 .LBB2_1-.Ltmp1, $4  }
0x8d: {  	[hbm:s7], [sflag:s12] =	dma.local @!p0 [spmem:s15], $0x80  }
0x8e: {  	_ =	swait.ge @!p0 [sflag:s18], $0x80  }
0x8f: {  	[sflag:s18] =	ssyncset.done @!p0 $0x0  }
0x90: {  	[sflag:s18] =	ssyncadd.s32 @!p0 $0xFFFFFF80  }
0x91: {  	_ =	sfence.sel $0x180000  }
0x92: {  	[bflag:$0x0] =	sbarrier.arrive $0xFFFF  }
0x93: {  	_ =	strace $0x90000047  }
0x94: {  	[bflag:$0x2] =	sbarrier.arrive $0xFFFF  }
0x95: {  	s0 =	rddreg [dreg:$0x2]  }
0x96: {  	s0 =	sadd.s32 @!p0 $0x100000, s0  }
0x97: {  	[sflag:s0] =	ssyncadd.tile.s32 @!p0 $0x1;
	_ =	shalt  }
.Lfunc_end2:
_tile_overlayer_lowered:
.L_overlay_start_2:
0x98: {  	(tag) =	ssettag $0x2  }
0x99: {  	s0 =	rddreg [dreg:$0x0];
	s2 =	stileid.u32  }
0x9a: {  	s1 =	rddreg [dreg:$0x1];
	p0 =	sne.s32 s2, $0x0  }
0x9b: {  	s3 =	rddreg [dreg:$0x2];
	[bflag:$0x3] =	sbarrier.arrive $0xFFFF;
	s2 =	simm.s32 @!p0 $0x1C09  }
0x9c: {  	[timem:s3], [sflag:s2] =	dma.local @!p0 [hbm:s0], s1  }
0x9d: {  	s0 =	simm.s32 @!p0 $0x9  }
0x9e: {  	_ =	swait.ge @!p0 [sflag:s0], s1  }
0x9f: {  	s1 =	ssub.s32 @!p0 $0x0, s1;
	[sflag:s0] =	ssyncset.done @!p0 $0x0  }
0xa0: {  	[sflag:s0] =	ssyncadd.s32 @!p0 s1  }
0xa1: {  	[bflag:$0x3] =	sbarrier.arrive $0xFFFF  }
0xa2: {  	_ =	shalt  }

</sc_bundles>
